<compile_context>
chip_gen: v7x
topology: tpu7x:2x2x1
jax: 0.10.2.dev20260603
libtpu: 0.0.44.dev20260713+nightly
codegen_flags: <defaults>
</compile_context>

<pallas_src>
import functools

import jax
import jax.numpy as jnp
from jax import lax
from jax.experimental import pallas as pl
from jax.experimental.pallas import tpu as pltpu
from jax.experimental.pallas import tpu_sc as plsc

N = 10000
D = 128
E = 320000
K_HOPS = 3

NC = 2
NS = 16
NW = NC * NS

EPW = E // NW
CHUNK = 100
NCHUNK = EPW // CHUNK
IBLK = 10
NIBLK = NCHUNK // IBLK
NBUF = 3

ACC0 = 624
ACC15 = 640

NP = 10240
ZROWS = 80


def _mesh():
  return plsc.VectorSubcoreMesh(
      core_axis_name="c", subcore_axis_name="s", num_cores=NC, num_subcores=NS
  )


def _zero_fill(vref, nwords):
  z = jnp.zeros((16,), jnp.float32)

  def body(i, carry):
    vref[pl.ds(i * 16, 16)] = z
    return carry

  lax.fori_loop(0, nwords // 16, body, 0)


def _zero_fill_2d(vref, nrows):
  z = jnp.zeros((16,), jnp.float32)

  def body(r, carry):
    for c in range(D // 16):
      vref[r, pl.ds(c * 16, 16)] = z
    return carry

  lax.fori_loop(0, nrows, body, 0)


def _deg_body(dst_hbm, degp_hbm, idx_v, ones_v, zbuf_v, deg_sh):
  sid = lax.axis_index("s")
  cid = lax.axis_index("c")
  wid = cid * NS + sid

  zslice = NP // NS
  _zero_fill(zbuf_v, zslice)
  pltpu.sync_copy(zbuf_v, deg_sh.at[pl.ds(sid * zslice, zslice)])

  one = jnp.ones((16,), jnp.float32)
  for i in range(8):
    ones_v[pl.ds(i * 16, 16)] = one

  pltpu.sync_copy(dst_hbm.at[wid], idx_v)
  plsc.subcore_barrier()

  def step(j, carry):
    pltpu.sync_copy(ones_v.at[pl.ds(0, CHUNK)], deg_sh.at[idx_v.at[j]],
                    add=True)
    return carry

  lax.fori_loop(0, NCHUNK, step, 0)
  plsc.subcore_barrier()

  pltpu.sync_copy(
      deg_sh.at[pl.ds(sid * zslice, zslice)],
      degp_hbm.at[pl.ds(cid * NP + sid * zslice, zslice)],
  )


def _k_deg(dst3):
  f = pl.kernel(
      _deg_body,
      out_type=jax.ShapeDtypeStruct((NC * NP,), jnp.float32),
      mesh=_mesh(),
      scratch_types=[
          pltpu.VMEM((NCHUNK, CHUNK), jnp.int32),
          pltpu.VMEM((128,), jnp.float32),
          pltpu.VMEM((NP // NS,), jnp.float32),
          pltpu.VMEM_SHARED((NP,), jnp.float32),
      ],
  )
  return f(dst3)


def _hop_body(g_hbm, src_hbm, dst_hbm, p_hbm,
              src_v, dst_v, rows_v, gsem, ssem, acc_sh):
  sid = lax.axis_index("s")
  cid = lax.axis_index("c")
  wid = cid * NS + sid

  _zero_fill_2d(rows_v.at[0], ZROWS)

  @pl.when(sid < NS - 1)
  def _zero_624():
    for z in range(7):
      pltpu.sync_copy(
          rows_v.at[0, pl.ds(0, ZROWS)],
          acc_sh.at[pl.ds(sid * ACC0 + z * ZROWS, ZROWS)],
      )
    pltpu.sync_copy(
        rows_v.at[0, pl.ds(0, ACC0 - 7 * ZROWS)],
        acc_sh.at[pl.ds(sid * ACC0 + 7 * ZROWS, ACC0 - 7 * ZROWS)],
    )

  @pl.when(sid == NS - 1)
  def _zero_640():
    for z in range(8):
      pltpu.sync_copy(
          rows_v.at[0, pl.ds(0, ZROWS)],
          acc_sh.at[pl.ds((NS - 1) * ACC0 + z * ZROWS, ZROWS)],
      )

  def sref(j):
    return src_v.at[(j // IBLK) % 2, j % IBLK]

  def dref(j):
    return dst_v.at[(j // IBLK) % 2, j % IBLK]

  def load_iblk(b):
    pltpu.sync_copy(src_hbm.at[wid, b], src_v.at[b % 2])
    pltpu.sync_copy(dst_hbm.at[wid, b], dst_v.at[b % 2])

  load_iblk(0)
  plsc.subcore_barrier()

  pltpu.async_copy(g_hbm.at[sref(0)], rows_v.at[0], gsem)
  pltpu.async_copy(g_hbm.at[sref(1)], rows_v.at[1], gsem)

  def step(j, carry):
    buf = j % NBUF

    @pl.when(((j + 2) % IBLK == 0) & (j + 2 < NCHUNK))
    def _load_next_iblk():
      load_iblk((j + 2) // IBLK)

    pltpu.make_async_copy(g_hbm.at[sref(j)], rows_v.at[buf], gsem).wait()
    pltpu.async_copy(rows_v.at[buf], acc_sh.at[dref(j)], ssem, add=True)

    @pl.when(j > 0)
    def _drain_prev_scatter():
      pltpu.make_async_copy(
          rows_v.at[(j - 1) % NBUF], acc_sh.at[dref(j - 1)], ssem
      ).wait()

    @pl.when(j + 2 < NCHUNK)
    def _issue_next_gather():
      pltpu.async_copy(g_hbm.at[sref(j + 2)], rows_v.at[(j + 2) % NBUF], gsem)

    return carry

  lax.fori_loop(0, NCHUNK, step, 0)
  pltpu.make_async_copy(
      rows_v.at[(NCHUNK - 1) % NBUF], acc_sh.at[dref(NCHUNK - 1)], ssem
  ).wait()
  plsc.subcore_barrier()

  @pl.when(sid < NS - 1)
  def _write_624():
    pltpu.sync_copy(
        acc_sh.at[pl.ds(sid * ACC0, ACC0)],
        p_hbm.at[cid, pl.ds(sid * ACC0, ACC0)],
    )

  @pl.when(sid == NS - 1)
  def _write_640():
    pltpu.sync_copy(
        acc_sh.at[pl.ds((NS - 1) * ACC0, ACC15)],
        p_hbm.at[cid, pl.ds((NS - 1) * ACC0, ACC15)],
    )


def _k_hop(g, src3, dst3):
  f = pl.kernel(
      _hop_body,
      out_type=jax.ShapeDtypeStruct((NC, N, D), jnp.float32),
      mesh=_mesh(),
      scratch_types=[
          pltpu.VMEM((2, IBLK, CHUNK), jnp.int32),
          pltpu.VMEM((2, IBLK, CHUNK), jnp.int32),
          pltpu.VMEM((NBUF, CHUNK, D), jnp.float32),
          pltpu.SemaphoreType.DMA,
          pltpu.SemaphoreType.DMA,
          pltpu.VMEM_SHARED((N, D), jnp.float32),
      ],
  )
  return f(g, src3, dst3)


def _merge_body(final, p_ref, g_ref, s_ref, b_ref, out_ref):
  v = (p_ref[0] + p_ref[1] + g_ref[...]) * s_ref[:N][:, None]
  if final:
    v = v + b_ref[...][None, :]
  out_ref[...] = v


def _k_merge(final, p, g, scale, b):
  return pl.pallas_call(
      functools.partial(_merge_body, final),
      out_shape=jax.ShapeDtypeStruct((N, D), jnp.float32),
  )(p, g, scale, b)


def _pre_body(x_ref, w_ref, degp_ref, g0_ref, d_ref, d2_ref):
  deg = degp_ref[0, :] + degp_ref[1, :] + 1.0
  d = lax.rsqrt(deg)
  d_ref[...] = d
  d2_ref[...] = 1.0 / deg
  y = lax.dot_general(
      x_ref[...], w_ref[...], (((1,), (1,)), ((), ())),
      preferred_element_type=jnp.float32,
  )
  g0_ref[...] = y * d[:N, None]


def _k_pre(x, W, degp):
  return pl.pallas_call(
      _pre_body,
      out_shape=(
          jax.ShapeDtypeStruct((N, D), jnp.float32),
          jax.ShapeDtypeStruct((NP,), jnp.float32),
          jax.ShapeDtypeStruct((NP,), jnp.float32),
      ),
  )(x, W, degp.reshape(NC, NP))


def kernel(x, edge_index, W, b):
  src = edge_index[0].astype(jnp.int32).reshape(NW, NIBLK, IBLK, CHUNK)
  dst = edge_index[1].astype(jnp.int32).reshape(NW, NIBLK, IBLK, CHUNK)

  degp = _k_deg(edge_index[1].astype(jnp.int32).reshape(NW, NCHUNK, CHUNK))
  g, d, d2 = _k_pre(x, W, degp)

  for k in range(K_HOPS):
    p = _k_hop(g, src, dst)
    final = k == K_HOPS - 1
    g = _k_merge(final, p, g, d if final else d2, b)

  return g

# --- scband reference (transcript-rebuilt; emitter-appended) ---
"""Pipeline reference for scband-sgcmodule-51213190037917 (READ-ONLY COPY).

The authoritative reference and input builder live on the scoring server;
editing this copy changes nothing except your own understanding.
"""

import jax, jax.numpy as jnp
import numpy as np

N_NODES = 10000
IN_CHANNELS = 128
OUT_CHANNELS = 128
K_HOPS = 3
N_EDGES = 320000


def setup_inputs(seed: int = 0) -> dict:
    key = jax.random.key(seed)
    k1, k2, k3, k4 = jax.random.split(key, 4)
    x = jax.random.normal(k1, (N_NODES, IN_CHANNELS), dtype=jnp.float32)
    edge_index = jax.random.randint(k2, (2, N_EDGES), 0, N_NODES, dtype=jnp.int64)
    # Linear layer params (torch Linear: weight [out, in], bias [out])
    lim = 1.0 / np.sqrt(IN_CHANNELS)
    W = jax.random.uniform(k3, (OUT_CHANNELS, IN_CHANNELS), dtype=jnp.float32, minval=-lim, maxval=lim)
    b = jax.random.uniform(k4, (OUT_CHANNELS,), dtype=jnp.float32, minval=-lim, maxval=lim)
    return {"x": x, "edge_index": edge_index, "W": W, "b": b}


def reference(x, edge_index, W, b):
    # SGConv: x' = (D^-1/2 (A+I) D^-1/2)^K x W^T + b  (gcn_norm with self-loops)
    N = x.shape[0]
    src = edge_index[0]
    dst = edge_index[1]
    loop = jnp.arange(N, dtype=src.dtype)
    src = jnp.concatenate([src, loop])
    dst = jnp.concatenate([dst, loop])
    ew = jnp.ones(src.shape[0], dtype=x.dtype)
    deg = jnp.zeros((N,), dtype=x.dtype).at[dst].add(ew)
    deg_inv_sqrt = jnp.where(deg > 0, deg ** -0.5, 0.0)
    norm = deg_inv_sqrt[src] * ew * deg_inv_sqrt[dst]
    h = x
    for _ in range(K_HOPS):
        msgs = norm[:, None] * jnp.take(h, src, axis=0)
        h = jnp.zeros((N, h.shape[1]), dtype=x.dtype).at[dst].add(msgs)
    return h @ W.T + b

if __name__ == "__main__":
    import jax
    _d = setup_inputs()
    print(jax.jit(kernel)(*tuple(_d.values())))

</pallas_src>

<mosaic_0001>
#map = affine_map<(d0, d1) -> (0, 0)>
#map1 = affine_map<(d0, d1) -> (0, 0, 0, 0)>
#map2 = affine_map<(d0, d1) -> (0, 0, 0)>
module attributes {stable_mosaic.version = 14 : i64} {
  func.func @_hop_body(%arg0: i32, %arg1: i32, %arg2: memref<10000x128xf32, #tpu.memory_space<hbm>>, %arg3: memref<32x10x10x100xi32, #tpu.memory_space<hbm>>, %arg4: memref<32x10x10x100xi32, #tpu.memory_space<hbm>>, %arg5: memref<2x10000x128xf32, #tpu.memory_space<hbm>>, %arg6: memref<2x10x100xi32, #tpu.memory_space<vmem>>, %arg7: memref<2x10x100xi32, #tpu.memory_space<vmem>>, %arg8: memref<3x100x128xf32, #tpu.memory_space<vmem>>, %arg9: memref<!tpu.dma_semaphore, #tpu.memory_space<semaphore_mem>>, %arg10: memref<!tpu.dma_semaphore, #tpu.memory_space<semaphore_mem>>, %arg11: memref<10000x128xf32, #tpu.memory_space<vmem_shared>>) attributes {dimension_semantics = [#tpu.dimension_semantics<core_parallel>, #tpu.dimension_semantics<subcore_parallel>], iteration_bounds = array<i64: 2, 16>, scalar_prefetch = 0 : i64, scratch_operands = 6 : i64, tpu.core_type = #tpu.core_type<sc_vector_subcore>, window_params = [{transform_indices = #map}, {transform_indices = #map1}, {transform_indices = #map1}, {transform_indices = #map2}]} {
    %mul3A = arith.constant 16 : i32
    %mul3A_0 = arith.muli %arg0, %mul3A : i32
    %add3A = arith.addi %mul3A_0, %arg1 : i32
    %broadcast_in_dim3A = arith.constant 0.000000e+00 : f32
    %broadcast_in_dim3A_1 = vector.broadcast %broadcast_in_dim3A : f32 to vector<16xf32>
    %scan3A = arith.constant 0 : i32
    %scan3A_2 = arith.constant 0 : i32
    %scan3A_3 = arith.constant 0 : i32
    %scan3A_4 = arith.constant 80 : i32
    %scan3A_5 = arith.addi %scan3A_3, %scan3A_4 : i32
    %scan3A_6 = arith.constant 1 : i32
    scf.for %scan3A_71 = %scan3A_3 to %scan3A_5 step %scan3A_6  : i32 {
      %swap3A = arith.constant 0 : i32
      %swap3A_72 = arith.constant 0 : i32
      %swap3A_73 = tpu.memref_slice %arg8[%scan3A_2, %swap3A, %swap3A_72] : memref<3x100x128xf32, #tpu.memory_space<vmem>> -> memref<1x100x128xf32, #tpu.memory_space<vmem>>
      %swap3A_74 = tpu.memref_squeeze %swap3A_73 : memref<1x100x128xf32, #tpu.memory_space<vmem>> -> memref<100x128xf32, #tpu.memory_space<vmem>>
      %swap3A_75 = arith.index_cast %scan3A_71 : i32 to index
      %swap3A_76 = arith.constant 0 : index
      %swap3A_77 = tpu.vector_load %swap3A_74[%swap3A_75, %swap3A_76] {strides = array<i32>} : memref<100x128xf32, #tpu.memory_space<vmem>>, vector<1x16xf32>,
      %swap3A_78 = vector.shape_cast %swap3A_77 : vector<1x16xf32> to vector<16xf32>
      %swap3A_79 = vector.shape_cast %broadcast_in_dim3A_1 : vector<16xf32> to vector<1x16xf32>
      tpu.vector_store %swap3A_74[%swap3A_75, %swap3A_76], %swap3A_79 {strides = array<i32>} : memref<100x128xf32, #tpu.memory_space<vmem>>, vector<1x16xf32>,
      %swap3A_80 = arith.constant 0 : i32
      %swap3A_81 = arith.constant 0 : i32
      %swap3A_82 = tpu.memref_slice %arg8[%scan3A_2, %swap3A_80, %swap3A_81] : memref<3x100x128xf32, #tpu.memory_space<vmem>> -> memref<1x100x128xf32, #tpu.memory_space<vmem>>
      %swap3A_83 = tpu.memref_squeeze %swap3A_82 : memref<1x100x128xf32, #tpu.memory_space<vmem>> -> memref<100x128xf32, #tpu.memory_space<vmem>>
      %swap3A_84 = arith.index_cast %scan3A_71 : i32 to index
      %swap3A_85 = arith.constant 16 : index
      %swap3A_86 = tpu.vector_load %swap3A_83[%swap3A_84, %swap3A_85] {strides = array<i32>} : memref<100x128xf32, #tpu.memory_space<vmem>>, vector<1x16xf32>,
      %swap3A_87 = vector.shape_cast %swap3A_86 : vector<1x16xf32> to vector<16xf32>
      %swap3A_88 = vector.shape_cast %broadcast_in_dim3A_1 : vector<16xf32> to vector<1x16xf32>
      tpu.vector_store %swap3A_83[%swap3A_84, %swap3A_85], %swap3A_88 {strides = array<i32>} : memref<100x128xf32, #tpu.memory_space<vmem>>, vector<1x16xf32>,
      %swap3A_89 = arith.constant 0 : i32
      %swap3A_90 = arith.constant 0 : i32
      %swap3A_91 = tpu.memref_slice %arg8[%scan3A_2, %swap3A_89, %swap3A_90] : memref<3x100x128xf32, #tpu.memory_space<vmem>> -> memref<1x100x128xf32, #tpu.memory_space<vmem>>
      %swap3A_92 = tpu.memref_squeeze %swap3A_91 : memref<1x100x128xf32, #tpu.memory_space<vmem>> -> memref<100x128xf32, #tpu.memory_space<vmem>>
      %swap3A_93 = arith.index_cast %scan3A_71 : i32 to index
      %swap3A_94 = arith.constant 32 : index
      %swap3A_95 = tpu.vector_load %swap3A_92[%swap3A_93, %swap3A_94] {strides = array<i32>} : memref<100x128xf32, #tpu.memory_space<vmem>>, vector<1x16xf32>,
      %swap3A_96 = vector.shape_cast %swap3A_95 : vector<1x16xf32> to vector<16xf32>
      %swap3A_97 = vector.shape_cast %broadcast_in_dim3A_1 : vector<16xf32> to vector<1x16xf32>
      tpu.vector_store %swap3A_92[%swap3A_93, %swap3A_94], %swap3A_97 {strides = array<i32>} : memref<100x128xf32, #tpu.memory_space<vmem>>, vector<1x16xf32>,
      %swap3A_98 = arith.constant 0 : i32
      %swap3A_99 = arith.constant 0 : i32
      %swap3A_100 = tpu.memref_slice %arg8[%scan3A_2, %swap3A_98, %swap3A_99] : memref<3x100x128xf32, #tpu.memory_space<vmem>> -> memref<1x100x128xf32, #tpu.memory_space<vmem>>
      %swap3A_101 = tpu.memref_squeeze %swap3A_100 : memref<1x100x128xf32, #tpu.memory_space<vmem>> -> memref<100x128xf32, #tpu.memory_space<vmem>>
      %swap3A_102 = arith.index_cast %scan3A_71 : i32 to index
      %swap3A_103 = arith.constant 48 : index
      %swap3A_104 = tpu.vector_load %swap3A_101[%swap3A_102, %swap3A_103] {strides = array<i32>} : memref<100x128xf32, #tpu.memory_space<vmem>>, vector<1x16xf32>,
      %swap3A_105 = vector.shape_cast %swap3A_104 : vector<1x16xf32> to vector<16xf32>
      %swap3A_106 = vector.shape_cast %broadcast_in_dim3A_1 : vector<16xf32> to vector<1x16xf32>
      tpu.vector_store %swap3A_101[%swap3A_102, %swap3A_103], %swap3A_106 {strides = array<i32>} : memref<100x128xf32, #tpu.memory_space<vmem>>, vector<1x16xf32>,
      %swap3A_107 = arith.constant 0 : i32
      %swap3A_108 = arith.constant 0 : i32
      %swap3A_109 = tpu.memref_slice %arg8[%scan3A_2, %swap3A_107, %swap3A_108] : memref<3x100x128xf32, #tpu.memory_space<vmem>> -> memref<1x100x128xf32, #tpu.memory_space<vmem>>
      %swap3A_110 = tpu.memref_squeeze %swap3A_109 : memref<1x100x128xf32, #tpu.memory_space<vmem>> -> memref<100x128xf32, #tpu.memory_space<vmem>>
      %swap3A_111 = arith.index_cast %scan3A_71 : i32 to index
      %swap3A_112 = arith.constant 64 : index
      %swap3A_113 = tpu.vector_load %swap3A_110[%swap3A_111, %swap3A_112] {strides = array<i32>} : memref<100x128xf32, #tpu.memory_space<vmem>>, vector<1x16xf32>,
      %swap3A_114 = vector.shape_cast %swap3A_113 : vector<1x16xf32> to vector<16xf32>
      %swap3A_115 = vector.shape_cast %broadcast_in_dim3A_1 : vector<16xf32> to vector<1x16xf32>
      tpu.vector_store %swap3A_110[%swap3A_111, %swap3A_112], %swap3A_115 {strides = array<i32>} : memref<100x128xf32, #tpu.memory_space<vmem>>, vector<1x16xf32>,
      %swap3A_116 = arith.constant 0 : i32
      %swap3A_117 = arith.constant 0 : i32
      %swap3A_118 = tpu.memref_slice %arg8[%scan3A_2, %swap3A_116, %swap3A_117] : memref<3x100x128xf32, #tpu.memory_space<vmem>> -> memref<1x100x128xf32, #tpu.memory_space<vmem>>
      %swap3A_119 = tpu.memref_squeeze %swap3A_118 : memref<1x100x128xf32, #tpu.memory_space<vmem>> -> memref<100x128xf32, #tpu.memory_space<vmem>>
      %swap3A_120 = arith.index_cast %scan3A_71 : i32 to index
      %swap3A_121 = arith.constant 80 : index
      %swap3A_122 = tpu.vector_load %swap3A_119[%swap3A_120, %swap3A_121] {strides = array<i32>} : memref<100x128xf32, #tpu.memory_space<vmem>>, vector<1x16xf32>,
      %swap3A_123 = vector.shape_cast %swap3A_122 : vector<1x16xf32> to vector<16xf32>
      %swap3A_124 = vector.shape_cast %broadcast_in_dim3A_1 : vector<16xf32> to vector<1x16xf32>
      tpu.vector_store %swap3A_119[%swap3A_120, %swap3A_121], %swap3A_124 {strides = array<i32>} : memref<100x128xf32, #tpu.memory_space<vmem>>, vector<1x16xf32>,
      %swap3A_125 = arith.constant 0 : i32
      %swap3A_126 = arith.constant 0 : i32
      %swap3A_127 = tpu.memref_slice %arg8[%scan3A_2, %swap3A_125, %swap3A_126] : memref<3x100x128xf32, #tpu.memory_space<vmem>> -> memref<1x100x128xf32, #tpu.memory_space<vmem>>
      %swap3A_128 = tpu.memref_squeeze %swap3A_127 : memref<1x100x128xf32, #tpu.memory_space<vmem>> -> memref<100x128xf32, #tpu.memory_space<vmem>>
      %swap3A_129 = arith.index_cast %scan3A_71 : i32 to index
      %swap3A_130 = arith.constant 96 : index
      %swap3A_131 = tpu.vector_load %swap3A_128[%swap3A_129, %swap3A_130] {strides = array<i32>} : memref<100x128xf32, #tpu.memory_space<vmem>>, vector<1x16xf32>,
      %swap3A_132 = vector.shape_cast %swap3A_131 : vector<1x16xf32> to vector<16xf32>
      %swap3A_133 = vector.shape_cast %broadcast_in_dim3A_1 : vector<16xf32> to vector<1x16xf32>
      tpu.vector_store %swap3A_128[%swap3A_129, %swap3A_130], %swap3A_133 {strides = array<i32>} : memref<100x128xf32, #tpu.memory_space<vmem>>, vector<1x16xf32>,
      %swap3A_134 = arith.constant 0 : i32
      %swap3A_135 = arith.constant 0 : i32
      %swap3A_136 = tpu.memref_slice %arg8[%scan3A_2, %swap3A_134, %swap3A_135] : memref<3x100x128xf32, #tpu.memory_space<vmem>> -> memref<1x100x128xf32, #tpu.memory_space<vmem>>
      %swap3A_137 = tpu.memref_squeeze %swap3A_136 : memref<1x100x128xf32, #tpu.memory_space<vmem>> -> memref<100x128xf32, #tpu.memory_space<vmem>>
      %swap3A_138 = arith.index_cast %scan3A_71 : i32 to index
      %swap3A_139 = arith.constant 112 : index
      %swap3A_140 = tpu.vector_load %swap3A_137[%swap3A_138, %swap3A_139] {strides = array<i32>} : memref<100x128xf32, #tpu.memory_space<vmem>>, vector<1x16xf32>,
      %swap3A_141 = vector.shape_cast %swap3A_140 : vector<1x16xf32> to vector<16xf32>
      %swap3A_142 = vector.shape_cast %broadcast_in_dim3A_1 : vector<16xf32> to vector<1x16xf32>
      tpu.vector_store %swap3A_137[%swap3A_138, %swap3A_139], %swap3A_142 {strides = array<i32>} : memref<100x128xf32, #tpu.memory_space<vmem>>, vector<1x16xf32>,
    }
    %scan3A_7 = arith.constant 80 : i32
    %lt3A = arith.constant 15 : i32
    %lt3A_8 = arith.cmpi slt, %arg1, %lt3A : i32
    %convert_element_type3A = arith.extui %lt3A_8 : i1 to i32
    %cond3A = arith.constant 0 : i32
    %cond3A_9 = arith.cmpi ne, %convert_element_type3A, %cond3A : i32
    scf.if %cond3A_9 {
      %mul3A_71 = arith.constant 624 : i32
      %mul3A_72 = arith.muli %arg1, %mul3A_71 : i32
      %add3A_73 = arith.constant 0 : i32
      %add3A_74 = arith.addi %mul3A_72, %add3A_73 : i32
      %run_scoped3A_75 = arith.constant 0 : i32
      "tpu.region"() ({
        %run_scoped3A_111 = tpu.sem_alloc : memref<!tpu.dma_semaphore, #tpu.memory_space<semaphore_mem>>
        %dma_start3A_112 = arith.constant 0 : i32
        %dma_start3A_113 = arith.constant 0 : i32
        %dma_start3A_114 = tpu.memref_slice %arg8[%run_scoped3A_75, %dma_start3A_112, %dma_start3A_113] : memref<3x100x128xf32, #tpu.memory_space<vmem>> -> memref<1x80x128xf32, #tpu.memory_space<vmem>>
        %dma_start3A_115 = tpu.memref_squeeze %dma_start3A_114 : memref<1x80x128xf32, #tpu.memory_space<vmem>> -> memref<80x128xf32, #tpu.memory_space<vmem>>
        %dma_start3A_116 = arith.constant 0 : i32
        %dma_start3A_117 = tpu.memref_slice %arg11[%add3A_74, %dma_start3A_116] : memref<10000x128xf32, #tpu.memory_space<vmem_shared>> -> memref<80x128xf32, #tpu.memory_space<vmem_shared>>
        %dma_start3A_118 = arith.constant 0 : i32
        %dma_start3A_119 = tpu.memref_slice %arg11[%add3A_74, %dma_start3A_118] : memref<10000x128xf32, #tpu.memory_space<vmem_shared>> -> memref<80x128xf32, #tpu.memory_space<vmem_shared>>
        %dma_start3A_120 = arith.constant 0 : i32
        %dma_start3A_121 = arith.constant 0 : i32
        %dma_start3A_122 = tpu.memref_slice %arg8[%run_scoped3A_75, %dma_start3A_120, %dma_start3A_121] : memref<3x100x128xf32, #tpu.memory_space<vmem>> -> memref<1x80x128xf32, #tpu.memory_space<vmem>>
        %dma_start3A_123 = tpu.memref_squeeze %dma_start3A_122 : memref<1x80x128xf32, #tpu.memory_space<vmem>> -> memref<80x128xf32, #tpu.memory_space<vmem>>
        tpu.enqueue_dma source(%dma_start3A_123 : memref<80x128xf32, #tpu.memory_space<vmem>>) target(%dma_start3A_119 : memref<80x128xf32, #tpu.memory_space<vmem_shared>>) target_semaphore(%run_scoped3A_111 : memref<!tpu.dma_semaphore, #tpu.memory_space<semaphore_mem>>)
        %dma_wait3A_124 = arith.constant 0 : i32
        %dma_wait3A_125 = arith.constant 0 : i32
        %dma_wait3A_126 = tpu.memref_slice %arg8[%run_scoped3A_75, %dma_wait3A_124, %dma_wait3A_125] : memref<3x100x128xf32, #tpu.memory_space<vmem>> -> memref<1x80x128xf32, #tpu.memory_space<vmem>>
        %dma_wait3A_127 = tpu.memref_squeeze %dma_wait3A_126 : memref<1x80x128xf32, #tpu.memory_space<vmem>> -> memref<80x128xf32, #tpu.memory_space<vmem>>
        %dma_wait3A_128 = arith.constant 0 : i32
        %dma_wait3A_129 = tpu.memref_slice %arg11[%add3A_74, %dma_wait3A_128] : memref<10000x128xf32, #tpu.memory_space<vmem_shared>> -> memref<80x128xf32, #tpu.memory_space<vmem_shared>>
        %dma_wait3A_130 = arith.constant 0 : i32
        %dma_wait3A_131 = tpu.memref_slice %arg11[%add3A_74, %dma_wait3A_130] : memref<10000x128xf32, #tpu.memory_space<vmem_shared>> -> memref<80x128xf32, #tpu.memory_space<vmem_shared>>
        %dma_wait3A_132 = arith.constant 0 : i32
        %dma_wait3A_133 = arith.constant 0 : i32
        %dma_wait3A_134 = tpu.memref_slice %arg8[%run_scoped3A_75, %dma_wait3A_132, %dma_wait3A_133] : memref<3x100x128xf32, #tpu.memory_space<vmem>> -> memref<1x80x128xf32, #tpu.memory_space<vmem>>
        %dma_wait3A_135 = tpu.memref_squeeze %dma_wait3A_134 : memref<1x80x128xf32, #tpu.memory_space<vmem>> -> memref<80x128xf32, #tpu.memory_space<vmem>>
        tpu.wait_dma2 semaphore(%run_scoped3A_111 : memref<!tpu.dma_semaphore, #tpu.memory_space<semaphore_mem>>) src(%dma_wait3A_135 : memref<80x128xf32, #tpu.memory_space<vmem>>) dst(%dma_wait3A_131 : memref<80x128xf32, #tpu.memory_space<vmem_shared>>)
        tpu.yield
      }) : () -> ()
      %mul3A_76 = arith.constant 624 : i32
      %mul3A_77 = arith.muli %arg1, %mul3A_76 : i32
      %add3A_78 = arith.constant 80 : i32
      %add3A_79 = arith.addi %mul3A_77, %add3A_78 : i32
      %run_scoped3A_80 = arith.constant 0 : i32
      "tpu.region"() ({
        %run_scoped3A_111 = tpu.sem_alloc : memref<!tpu.dma_semaphore, #tpu.memory_space<semaphore_mem>>
        %dma_start3A_112 = arith.constant 0 : i32
        %dma_start3A_113 = arith.constant 0 : i32
        %dma_start3A_114 = tpu.memref_slice %arg8[%run_scoped3A_80, %dma_start3A_112, %dma_start3A_113] : memref<3x100x128xf32, #tpu.memory_space<vmem>> -> memref<1x80x128xf32, #tpu.memory_space<vmem>>
        %dma_start3A_115 = tpu.memref_squeeze %dma_start3A_114 : memref<1x80x128xf32, #tpu.memory_space<vmem>> -> memref<80x128xf32, #tpu.memory_space<vmem>>
        %dma_start3A_116 = arith.constant 0 : i32
        %dma_start3A_117 = tpu.memref_slice %arg11[%add3A_79, %dma_start3A_116] : memref<10000x128xf32, #tpu.memory_space<vmem_shared>> -> memref<80x128xf32, #tpu.memory_space<vmem_shared>>
        %dma_start3A_118 = arith.constant 0 : i32
        %dma_start3A_119 = tpu.memref_slice %arg11[%add3A_79, %dma_start3A_118] : memref<10000x128xf32, #tpu.memory_space<vmem_shared>> -> memref<80x128xf32, #tpu.memory_space<vmem_shared>>
        %dma_start3A_120 = arith.constant 0 : i32
        %dma_start3A_121 = arith.constant 0 : i32
        %dma_start3A_122 = tpu.memref_slice %arg8[%run_scoped3A_80, %dma_start3A_120, %dma_start3A_121] : memref<3x100x128xf32, #tpu.memory_space<vmem>> -> memref<1x80x128xf32, #tpu.memory_space<vmem>>
        %dma_start3A_123 = tpu.memref_squeeze %dma_start3A_122 : memref<1x80x128xf32, #tpu.memory_space<vmem>> -> memref<80x128xf32, #tpu.memory_space<vmem>>
        tpu.enqueue_dma source(%dma_start3A_123 : memref<80x128xf32, #tpu.memory_space<vmem>>) target(%dma_start3A_119 : memref<80x128xf32, #tpu.memory_space<vmem_shared>>) target_semaphore(%run_scoped3A_111 : memref<!tpu.dma_semaphore, #tpu.memory_space<semaphore_mem>>)
        %dma_wait3A_124 = arith.constant 0 : i32
        %dma_wait3A_125 = arith.constant 0 : i32
        %dma_wait3A_126 = tpu.memref_slice %arg8[%run_scoped3A_80, %dma_wait3A_124, %dma_wait3A_125] : memref<3x100x128xf32, #tpu.memory_space<vmem>> -> memref<1x80x128xf32, #tpu.memory_space<vmem>>
        %dma_wait3A_127 = tpu.memref_squeeze %dma_wait3A_126 : memref<1x80x128xf32, #tpu.memory_space<vmem>> -> memref<80x128xf32, #tpu.memory_space<vmem>>
        %dma_wait3A_128 = arith.constant 0 : i32
        %dma_wait3A_129 = tpu.memref_slice %arg11[%add3A_79, %dma_wait3A_128] : memref<10000x128xf32, #tpu.memory_space<vmem_shared>> -> memref<80x128xf32, #tpu.memory_space<vmem_shared>>
        %dma_wait3A_130 = arith.constant 0 : i32
        %dma_wait3A_131 = tpu.memref_slice %arg11[%add3A_79, %dma_wait3A_130] : memref<10000x128xf32, #tpu.memory_space<vmem_shared>> -> memref<80x128xf32, #tpu.memory_space<vmem_shared>>
        %dma_wait3A_132 = arith.constant 0 : i32
        %dma_wait3A_133 = arith.constant 0 : i32
        %dma_wait3A_134 = tpu.memref_slice %arg8[%run_scoped3A_80, %dma_wait3A_132, %dma_wait3A_133] : memref<3x100x128xf32, #tpu.memory_space<vmem>> -> memref<1x80x128xf32, #tpu.memory_space<vmem>>
        %dma_wait3A_135 = tpu.memref_squeeze %dma_wait3A_134 : memref<1x80x128xf32, #tpu.memory_space<vmem>> -> memref<80x128xf32, #tpu.memory_space<vmem>>
        tpu.wait_dma2 semaphore(%run_scoped3A_111 : memref<!tpu.dma_semaphore, #tpu.memory_space<semaphore_mem>>) src(%dma_wait3A_135 : memref<80x128xf32, #tpu.memory_space<vmem>>) dst(%dma_wait3A_131 : memref<80x128xf32, #tpu.memory_space<vmem_shared>>)
        tpu.yield
      }) : () -> ()
      %mul3A_81 = arith.constant 624 : i32
      %mul3A_82 = arith.muli %arg1, %mul3A_81 : i32
      %add3A_83 = arith.constant 160 : i32
      %add3A_84 = arith.addi %mul3A_82, %add3A_83 : i32
      %run_scoped3A_85 = arith.constant 0 : i32
      "tpu.region"() ({
        %run_scoped3A_111 = tpu.sem_alloc : memref<!tpu.dma_semaphore, #tpu.memory_space<semaphore_mem>>
        %dma_start3A_112 = arith.constant 0 : i32
        %dma_start3A_113 = arith.constant 0 : i32
        %dma_start3A_114 = tpu.memref_slice %arg8[%run_scoped3A_85, %dma_start3A_112, %dma_start3A_113] : memref<3x100x128xf32, #tpu.memory_space<vmem>> -> memref<1x80x128xf32, #tpu.memory_space<vmem>>
        %dma_start3A_115 = tpu.memref_squeeze %dma_start3A_114 : memref<1x80x128xf32, #tpu.memory_space<vmem>> -> memref<80x128xf32, #tpu.memory_space<vmem>>
        %dma_start3A_116 = arith.constant 0 : i32
        %dma_start3A_117 = tpu.memref_slice %arg11[%add3A_84, %dma_start3A_116] : memref<10000x128xf32, #tpu.memory_space<vmem_shared>> -> memref<80x128xf32, #tpu.memory_space<vmem_shared>>
        %dma_start3A_118 = arith.constant 0 : i32
        %dma_start3A_119 = tpu.memref_slice %arg11[%add3A_84, %dma_start3A_118] : memref<10000x128xf32, #tpu.memory_space<vmem_shared>> -> memref<80x128xf32, #tpu.memory_space<vmem_shared>>
        %dma_start3A_120 = arith.constant 0 : i32
        %dma_start3A_121 = arith.constant 0 : i32
        %dma_start3A_122 = tpu.memref_slice %arg8[%run_scoped3A_85, %dma_start3A_120, %dma_start3A_121] : memref<3x100x128xf32, #tpu.memory_space<vmem>> -> memref<1x80x128xf32, #tpu.memory_space<vmem>>
        %dma_start3A_123 = tpu.memref_squeeze %dma_start3A_122 : memref<1x80x128xf32, #tpu.memory_space<vmem>> -> memref<80x128xf32, #tpu.memory_space<vmem>>
        tpu.enqueue_dma source(%dma_start3A_123 : memref<80x128xf32, #tpu.memory_space<vmem>>) target(%dma_start3A_119 : memref<80x128xf32, #tpu.memory_space<vmem_shared>>) target_semaphore(%run_scoped3A_111 : memref<!tpu.dma_semaphore, #tpu.memory_space<semaphore_mem>>)
        %dma_wait3A_124 = arith.constant 0 : i32
        %dma_wait3A_125 = arith.constant 0 : i32
        %dma_wait3A_126 = tpu.memref_slice %arg8[%run_scoped3A_85, %dma_wait3A_124, %dma_wait3A_125] : memref<3x100x128xf32, #tpu.memory_space<vmem>> -> memref<1x80x128xf32, #tpu.memory_space<vmem>>
        %dma_wait3A_127 = tpu.memref_squeeze %dma_wait3A_126 : memref<1x80x128xf32, #tpu.memory_space<vmem>> -> memref<80x128xf32, #tpu.memory_space<vmem>>
        %dma_wait3A_128 = arith.constant 0 : i32
        %dma_wait3A_129 = tpu.memref_slice %arg11[%add3A_84, %dma_wait3A_128] : memref<10000x128xf32, #tpu.memory_space<vmem_shared>> -> memref<80x128xf32, #tpu.memory_space<vmem_shared>>
        %dma_wait3A_130 = arith.constant 0 : i32
        %dma_wait3A_131 = tpu.memref_slice %arg11[%add3A_84, %dma_wait3A_130] : memref<10000x128xf32, #tpu.memory_space<vmem_shared>> -> memref<80x128xf32, #tpu.memory_space<vmem_shared>>
        %dma_wait3A_132 = arith.constant 0 : i32
        %dma_wait3A_133 = arith.constant 0 : i32
        %dma_wait3A_134 = tpu.memref_slice %arg8[%run_scoped3A_85, %dma_wait3A_132, %dma_wait3A_133] : memref<3x100x128xf32, #tpu.memory_space<vmem>> -> memref<1x80x128xf32, #tpu.memory_space<vmem>>
        %dma_wait3A_135 = tpu.memref_squeeze %dma_wait3A_134 : memref<1x80x128xf32, #tpu.memory_space<vmem>> -> memref<80x128xf32, #tpu.memory_space<vmem>>
        tpu.wait_dma2 semaphore(%run_scoped3A_111 : memref<!tpu.dma_semaphore, #tpu.memory_space<semaphore_mem>>) src(%dma_wait3A_135 : memref<80x128xf32, #tpu.memory_space<vmem>>) dst(%dma_wait3A_131 : memref<80x128xf32, #tpu.memory_space<vmem_shared>>)
        tpu.yield
      }) : () -> ()
      %mul3A_86 = arith.constant 624 : i32
      %mul3A_87 = arith.muli %arg1, %mul3A_86 : i32
      %add3A_88 = arith.constant 240 : i32
      %add3A_89 = arith.addi %mul3A_87, %add3A_88 : i32
      %run_scoped3A_90 = arith.constant 0 : i32
      "tpu.region"() ({
        %run_scoped3A_111 = tpu.sem_alloc : memref<!tpu.dma_semaphore, #tpu.memory_space<semaphore_mem>>
        %dma_start3A_112 = arith.constant 0 : i32
        %dma_start3A_113 = arith.constant 0 : i32
        %dma_start3A_114 = tpu.memref_slice %arg8[%run_scoped3A_90, %dma_start3A_112, %dma_start3A_113] : memref<3x100x128xf32, #tpu.memory_space<vmem>> -> memref<1x80x128xf32, #tpu.memory_space<vmem>>
        %dma_start3A_115 = tpu.memref_squeeze %dma_start3A_114 : memref<1x80x128xf32, #tpu.memory_space<vmem>> -> memref<80x128xf32, #tpu.memory_space<vmem>>
        %dma_start3A_116 = arith.constant 0 : i32
        %dma_start3A_117 = tpu.memref_slice %arg11[%add3A_89, %dma_start3A_116] : memref<10000x128xf32, #tpu.memory_space<vmem_shared>> -> memref<80x128xf32, #tpu.memory_space<vmem_shared>>
        %dma_start3A_118 = arith.constant 0 : i32
        %dma_start3A_119 = tpu.memref_slice %arg11[%add3A_89, %dma_start3A_118] : memref<10000x128xf32, #tpu.memory_space<vmem_shared>> -> memref<80x128xf32, #tpu.memory_space<vmem_shared>>
        %dma_start3A_120 = arith.constant 0 : i32
        %dma_start3A_121 = arith.constant 0 : i32
        %dma_start3A_122 = tpu.memref_slice %arg8[%run_scoped3A_90, %dma_start3A_120, %dma_start3A_121] : memref<3x100x128xf32, #tpu.memory_space<vmem>> -> memref<1x80x128xf32, #tpu.memory_space<vmem>>
        %dma_start3A_123 = tpu.memref_squeeze %dma_start3A_122 : memref<1x80x128xf32, #tpu.memory_space<vmem>> -> memref<80x128xf32, #tpu.memory_space<vmem>>
        tpu.enqueue_dma source(%dma_start3A_123 : memref<80x128xf32, #tpu.memory_space<vmem>>) target(%dma_start3A_119 : memref<80x128xf32, #tpu.memory_space<vmem_shared>>) target_semaphore(%run_scoped3A_111 : memref<!tpu.dma_semaphore, #tpu.memory_space<semaphore_mem>>)
        %dma_wait3A_124 = arith.constant 0 : i32
        %dma_wait3A_125 = arith.constant 0 : i32
        %dma_wait3A_126 = tpu.memref_slice %arg8[%run_scoped3A_90, %dma_wait3A_124, %dma_wait3A_125] : memref<3x100x128xf32, #tpu.memory_space<vmem>> -> memref<1x80x128xf32, #tpu.memory_space<vmem>>
        %dma_wait3A_127 = tpu.memref_squeeze %dma_wait3A_126 : memref<1x80x128xf32, #tpu.memory_space<vmem>> -> memref<80x128xf32, #tpu.memory_space<vmem>>
        %dma_wait3A_128 = arith.constant 0 : i32
        %dma_wait3A_129 = tpu.memref_slice %arg11[%add3A_89, %dma_wait3A_128] : memref<10000x128xf32, #tpu.memory_space<vmem_shared>> -> memref<80x128xf32, #tpu.memory_space<vmem_shared>>
        %dma_wait3A_130 = arith.constant 0 : i32
        %dma_wait3A_131 = tpu.memref_slice %arg11[%add3A_89, %dma_wait3A_130] : memref<10000x128xf32, #tpu.memory_space<vmem_shared>> -> memref<80x128xf32, #tpu.memory_space<vmem_shared>>
        %dma_wait3A_132 = arith.constant 0 : i32
        %dma_wait3A_133 = arith.constant 0 : i32
        %dma_wait3A_134 = tpu.memref_slice %arg8[%run_scoped3A_90, %dma_wait3A_132, %dma_wait3A_133] : memref<3x100x128xf32, #tpu.memory_space<vmem>> -> memref<1x80x128xf32, #tpu.memory_space<vmem>>
        %dma_wait3A_135 = tpu.memref_squeeze %dma_wait3A_134 : memref<1x80x128xf32, #tpu.memory_space<vmem>> -> memref<80x128xf32, #tpu.memory_space<vmem>>
        tpu.wait_dma2 semaphore(%run_scoped3A_111 : memref<!tpu.dma_semaphore, #tpu.memory_space<semaphore_mem>>) src(%dma_wait3A_135 : memref<80x128xf32, #tpu.memory_space<vmem>>) dst(%dma_wait3A_131 : memref<80x128xf32, #tpu.memory_space<vmem_shared>>)
        tpu.yield
      }) : () -> ()
      %mul3A_91 = arith.constant 624 : i32
      %mul3A_92 = arith.muli %arg1, %mul3A_91 : i32
      %add3A_93 = arith.constant 320 : i32
      %add3A_94 = arith.addi %mul3A_92, %add3A_93 : i32
      %run_scoped3A_95 = arith.constant 0 : i32
      "tpu.region"() ({
        %run_scoped3A_111 = tpu.sem_alloc : memref<!tpu.dma_semaphore, #tpu.memory_space<semaphore_mem>>
        %dma_start3A_112 = arith.constant 0 : i32
        %dma_start3A_113 = arith.constant 0 : i32
        %dma_start3A_114 = tpu.memref_slice %arg8[%run_scoped3A_95, %dma_start3A_112, %dma_start3A_113] : memref<3x100x128xf32, #tpu.memory_space<vmem>> -> memref<1x80x128xf32, #tpu.memory_space<vmem>>
        %dma_start3A_115 = tpu.memref_squeeze %dma_start3A_114 : memref<1x80x128xf32, #tpu.memory_space<vmem>> -> memref<80x128xf32, #tpu.memory_space<vmem>>
        %dma_start3A_116 = arith.constant 0 : i32
        %dma_start3A_117 = tpu.memref_slice %arg11[%add3A_94, %dma_start3A_116] : memref<10000x128xf32, #tpu.memory_space<vmem_shared>> -> memref<80x128xf32, #tpu.memory_space<vmem_shared>>
        %dma_start3A_118 = arith.constant 0 : i32
        %dma_start3A_119 = tpu.memref_slice %arg11[%add3A_94, %dma_start3A_118] : memref<10000x128xf32, #tpu.memory_space<vmem_shared>> -> memref<80x128xf32, #tpu.memory_space<vmem_shared>>
        %dma_start3A_120 = arith.constant 0 : i32
        %dma_start3A_121 = arith.constant 0 : i32
        %dma_start3A_122 = tpu.memref_slice %arg8[%run_scoped3A_95, %dma_start3A_120, %dma_start3A_121] : memref<3x100x128xf32, #tpu.memory_space<vmem>> -> memref<1x80x128xf32, #tpu.memory_space<vmem>>
        %dma_start3A_123 = tpu.memref_squeeze %dma_start3A_122 : memref<1x80x128xf32, #tpu.memory_space<vmem>> -> memref<80x128xf32, #tpu.memory_space<vmem>>
        tpu.enqueue_dma source(%dma_start3A_123 : memref<80x128xf32, #tpu.memory_space<vmem>>) target(%dma_start3A_119 : memref<80x128xf32, #tpu.memory_space<vmem_shared>>) target_semaphore(%run_scoped3A_111 : memref<!tpu.dma_semaphore, #tpu.memory_space<semaphore_mem>>)
        %dma_wait3A_124 = arith.constant 0 : i32
        %dma_wait3A_125 = arith.constant 0 : i32
        %dma_wait3A_126 = tpu.memref_slice %arg8[%run_scoped3A_95, %dma_wait3A_124, %dma_wait3A_125] : memref<3x100x128xf32, #tpu.memory_space<vmem>> -> memref<1x80x128xf32, #tpu.memory_space<vmem>>
        %dma_wait3A_127 = tpu.memref_squeeze %dma_wait3A_126 : memref<1x80x128xf32, #tpu.memory_space<vmem>> -> memref<80x128xf32, #tpu.memory_space<vmem>>
        %dma_wait3A_128 = arith.constant 0 : i32
        %dma_wait3A_129 = tpu.memref_slice %arg11[%add3A_94, %dma_wait3A_128] : memref<10000x128xf32, #tpu.memory_space<vmem_shared>> -> memref<80x128xf32, #tpu.memory_space<vmem_shared>>
        %dma_wait3A_130 = arith.constant 0 : i32
        %dma_wait3A_131 = tpu.memref_slice %arg11[%add3A_94, %dma_wait3A_130] : memref<10000x128xf32, #tpu.memory_space<vmem_shared>> -> memref<80x128xf32, #tpu.memory_space<vmem_shared>>
        %dma_wait3A_132 = arith.constant 0 : i32
        %dma_wait3A_133 = arith.constant 0 : i32
        %dma_wait3A_134 = tpu.memref_slice %arg8[%run_scoped3A_95, %dma_wait3A_132, %dma_wait3A_133] : memref<3x100x128xf32, #tpu.memory_space<vmem>> -> memref<1x80x128xf32, #tpu.memory_space<vmem>>
        %dma_wait3A_135 = tpu.memref_squeeze %dma_wait3A_134 : memref<1x80x128xf32, #tpu.memory_space<vmem>> -> memref<80x128xf32, #tpu.memory_space<vmem>>
        tpu.wait_dma2 semaphore(%run_scoped3A_111 : memref<!tpu.dma_semaphore, #tpu.memory_space<semaphore_mem>>) src(%dma_wait3A_135 : memref<80x128xf32, #tpu.memory_space<vmem>>) dst(%dma_wait3A_131 : memref<80x128xf32, #tpu.memory_space<vmem_shared>>)
        tpu.yield
      }) : () -> ()
      %mul3A_96 = arith.constant 624 : i32
      %mul3A_97 = arith.muli %arg1, %mul3A_96 : i32
      %add3A_98 = arith.constant 400 : i32
      %add3A_99 = arith.addi %mul3A_97, %add3A_98 : i32
      %run_scoped3A_100 = arith.constant 0 : i32
      "tpu.region"() ({
        %run_scoped3A_111 = tpu.sem_alloc : memref<!tpu.dma_semaphore, #tpu.memory_space<semaphore_mem>>
        %dma_start3A_112 = arith.constant 0 : i32
        %dma_start3A_113 = arith.constant 0 : i32
        %dma_start3A_114 = tpu.memref_slice %arg8[%run_scoped3A_100, %dma_start3A_112, %dma_start3A_113] : memref<3x100x128xf32, #tpu.memory_space<vmem>> -> memref<1x80x128xf32, #tpu.memory_space<vmem>>
        %dma_start3A_115 = tpu.memref_squeeze %dma_start3A_114 : memref<1x80x128xf32, #tpu.memory_space<vmem>> -> memref<80x128xf32, #tpu.memory_space<vmem>>
        %dma_start3A_116 = arith.constant 0 : i32
        %dma_start3A_117 = tpu.memref_slice %arg11[%add3A_99, %dma_start3A_116] : memref<10000x128xf32, #tpu.memory_space<vmem_shared>> -> memref<80x128xf32, #tpu.memory_space<vmem_shared>>
        %dma_start3A_118 = arith.constant 0 : i32
        %dma_start3A_119 = tpu.memref_slice %arg11[%add3A_99, %dma_start3A_118] : memref<10000x128xf32, #tpu.memory_space<vmem_shared>> -> memref<80x128xf32, #tpu.memory_space<vmem_shared>>
        %dma_start3A_120 = arith.constant 0 : i32
        %dma_start3A_121 = arith.constant 0 : i32
        %dma_start3A_122 = tpu.memref_slice %arg8[%run_scoped3A_100, %dma_start3A_120, %dma_start3A_121] : memref<3x100x128xf32, #tpu.memory_space<vmem>> -> memref<1x80x128xf32, #tpu.memory_space<vmem>>
        %dma_start3A_123 = tpu.memref_squeeze %dma_start3A_122 : memref<1x80x128xf32, #tpu.memory_space<vmem>> -> memref<80x128xf32, #tpu.memory_space<vmem>>
        tpu.enqueue_dma source(%dma_start3A_123 : memref<80x128xf32, #tpu.memory_space<vmem>>) target(%dma_start3A_119 : memref<80x128xf32, #tpu.memory_space<vmem_shared>>) target_semaphore(%run_scoped3A_111 : memref<!tpu.dma_semaphore, #tpu.memory_space<semaphore_mem>>)
        %dma_wait3A_124 = arith.constant 0 : i32
        %dma_wait3A_125 = arith.constant 0 : i32
        %dma_wait3A_126 = tpu.memref_slice %arg8[%run_scoped3A_100, %dma_wait3A_124, %dma_wait3A_125] : memref<3x100x128xf32, #tpu.memory_space<vmem>> -> memref<1x80x128xf32, #tpu.memory_space<vmem>>
        %dma_wait3A_127 = tpu.memref_squeeze %dma_wait3A_126 : memref<1x80x128xf32, #tpu.memory_space<vmem>> -> memref<80x128xf32, #tpu.memory_space<vmem>>
        %dma_wait3A_128 = arith.constant 0 : i32
        %dma_wait3A_129 = tpu.memref_slice %arg11[%add3A_99, %dma_wait3A_128] : memref<10000x128xf32, #tpu.memory_space<vmem_shared>> -> memref<80x128xf32, #tpu.memory_space<vmem_shared>>
        %dma_wait3A_130 = arith.constant 0 : i32
        %dma_wait3A_131 = tpu.memref_slice %arg11[%add3A_99, %dma_wait3A_130] : memref<10000x128xf32, #tpu.memory_space<vmem_shared>> -> memref<80x128xf32, #tpu.memory_space<vmem_shared>>
        %dma_wait3A_132 = arith.constant 0 : i32
        %dma_wait3A_133 = arith.constant 0 : i32
        %dma_wait3A_134 = tpu.memref_slice %arg8[%run_scoped3A_100, %dma_wait3A_132, %dma_wait3A_133] : memref<3x100x128xf32, #tpu.memory_space<vmem>> -> memref<1x80x128xf32, #tpu.memory_space<vmem>>
        %dma_wait3A_135 = tpu.memref_squeeze %dma_wait3A_134 : memref<1x80x128xf32, #tpu.memory_space<vmem>> -> memref<80x128xf32, #tpu.memory_space<vmem>>
        tpu.wait_dma2 semaphore(%run_scoped3A_111 : memref<!tpu.dma_semaphore, #tpu.memory_space<semaphore_mem>>) src(%dma_wait3A_135 : memref<80x128xf32, #tpu.memory_space<vmem>>) dst(%dma_wait3A_131 : memref<80x128xf32, #tpu.memory_space<vmem_shared>>)
        tpu.yield
      }) : () -> ()
      %mul3A_101 = arith.constant 624 : i32
      %mul3A_102 = arith.muli %arg1, %mul3A_101 : i32
      %add3A_103 = arith.constant 480 : i32
      %add3A_104 = arith.addi %mul3A_102, %add3A_103 : i32
      %run_scoped3A_105 = arith.constant 0 : i32
      "tpu.region"() ({
        %run_scoped3A_111 = tpu.sem_alloc : memref<!tpu.dma_semaphore, #tpu.memory_space<semaphore_mem>>
        %dma_start3A_112 = arith.constant 0 : i32
        %dma_start3A_113 = arith.constant 0 : i32
        %dma_start3A_114 = tpu.memref_slice %arg8[%run_scoped3A_105, %dma_start3A_112, %dma_start3A_113] : memref<3x100x128xf32, #tpu.memory_space<vmem>> -> memref<1x80x128xf32, #tpu.memory_space<vmem>>
        %dma_start3A_115 = tpu.memref_squeeze %dma_start3A_114 : memref<1x80x128xf32, #tpu.memory_space<vmem>> -> memref<80x128xf32, #tpu.memory_space<vmem>>
        %dma_start3A_116 = arith.constant 0 : i32
        %dma_start3A_117 = tpu.memref_slice %arg11[%add3A_104, %dma_start3A_116] : memref<10000x128xf32, #tpu.memory_space<vmem_shared>> -> memref<80x128xf32, #tpu.memory_space<vmem_shared>>
        %dma_start3A_118 = arith.constant 0 : i32
        %dma_start3A_119 = tpu.memref_slice %arg11[%add3A_104, %dma_start3A_118] : memref<10000x128xf32, #tpu.memory_space<vmem_shared>> -> memref<80x128xf32, #tpu.memory_space<vmem_shared>>
        %dma_start3A_120 = arith.constant 0 : i32
        %dma_start3A_121 = arith.constant 0 : i32
        %dma_start3A_122 = tpu.memref_slice %arg8[%run_scoped3A_105, %dma_start3A_120, %dma_start3A_121] : memref<3x100x128xf32, #tpu.memory_space<vmem>> -> memref<1x80x128xf32, #tpu.memory_space<vmem>>
        %dma_start3A_123 = tpu.memref_squeeze %dma_start3A_122 : memref<1x80x128xf32, #tpu.memory_space<vmem>> -> memref<80x128xf32, #tpu.memory_space<vmem>>
        tpu.enqueue_dma source(%dma_start3A_123 : memref<80x128xf32, #tpu.memory_space<vmem>>) target(%dma_start3A_119 : memref<80x128xf32, #tpu.memory_space<vmem_shared>>) target_semaphore(%run_scoped3A_111 : memref<!tpu.dma_semaphore, #tpu.memory_space<semaphore_mem>>)
        %dma_wait3A_124 = arith.constant 0 : i32
        %dma_wait3A_125 = arith.constant 0 : i32
        %dma_wait3A_126 = tpu.memref_slice %arg8[%run_scoped3A_105, %dma_wait3A_124, %dma_wait3A_125] : memref<3x100x128xf32, #tpu.memory_space<vmem>> -> memref<1x80x128xf32, #tpu.memory_space<vmem>>
        %dma_wait3A_127 = tpu.memref_squeeze %dma_wait3A_126 : memref<1x80x128xf32, #tpu.memory_space<vmem>> -> memref<80x128xf32, #tpu.memory_space<vmem>>
        %dma_wait3A_128 = arith.constant 0 : i32
        %dma_wait3A_129 = tpu.memref_slice %arg11[%add3A_104, %dma_wait3A_128] : memref<10000x128xf32, #tpu.memory_space<vmem_shared>> -> memref<80x128xf32, #tpu.memory_space<vmem_shared>>
        %dma_wait3A_130 = arith.constant 0 : i32
        %dma_wait3A_131 = tpu.memref_slice %arg11[%add3A_104, %dma_wait3A_130] : memref<10000x128xf32, #tpu.memory_space<vmem_shared>> -> memref<80x128xf32, #tpu.memory_space<vmem_shared>>
        %dma_wait3A_132 = arith.constant 0 : i32
        %dma_wait3A_133 = arith.constant 0 : i32
        %dma_wait3A_134 = tpu.memref_slice %arg8[%run_scoped3A_105, %dma_wait3A_132, %dma_wait3A_133] : memref<3x100x128xf32, #tpu.memory_space<vmem>> -> memref<1x80x128xf32, #tpu.memory_space<vmem>>
        %dma_wait3A_135 = tpu.memref_squeeze %dma_wait3A_134 : memref<1x80x128xf32, #tpu.memory_space<vmem>> -> memref<80x128xf32, #tpu.memory_space<vmem>>
        tpu.wait_dma2 semaphore(%run_scoped3A_111 : memref<!tpu.dma_semaphore, #tpu.memory_space<semaphore_mem>>) src(%dma_wait3A_135 : memref<80x128xf32, #tpu.memory_space<vmem>>) dst(%dma_wait3A_131 : memref<80x128xf32, #tpu.memory_space<vmem_shared>>)
        tpu.yield
      }) : () -> ()
      %mul3A_106 = arith.constant 624 : i32
      %mul3A_107 = arith.muli %arg1, %mul3A_106 : i32
      %add3A_108 = arith.constant 560 : i32
      %add3A_109 = arith.addi %mul3A_107, %add3A_108 : i32
      %run_scoped3A_110 = arith.constant 0 : i32
      "tpu.region"() ({
        %run_scoped3A_111 = tpu.sem_alloc : memref<!tpu.dma_semaphore, #tpu.memory_space<semaphore_mem>>
        %dma_start3A_112 = arith.constant 0 : i32
        %dma_start3A_113 = arith.constant 0 : i32
        %dma_start3A_114 = tpu.memref_slice %arg8[%run_scoped3A_110, %dma_start3A_112, %dma_start3A_113] : memref<3x100x128xf32, #tpu.memory_space<vmem>> -> memref<1x64x128xf32, #tpu.memory_space<vmem>>
        %dma_start3A_115 = tpu.memref_squeeze %dma_start3A_114 : memref<1x64x128xf32, #tpu.memory_space<vmem>> -> memref<64x128xf32, #tpu.memory_space<vmem>>
        %dma_start3A_116 = arith.constant 0 : i32
        %dma_start3A_117 = tpu.memref_slice %arg11[%add3A_109, %dma_start3A_116] : memref<10000x128xf32, #tpu.memory_space<vmem_shared>> -> memref<64x128xf32, #tpu.memory_space<vmem_shared>>
        %dma_start3A_118 = arith.constant 0 : i32
        %dma_start3A_119 = tpu.memref_slice %arg11[%add3A_109, %dma_start3A_118] : memref<10000x128xf32, #tpu.memory_space<vmem_shared>> -> memref<64x128xf32, #tpu.memory_space<vmem_shared>>
        %dma_start3A_120 = arith.constant 0 : i32
        %dma_start3A_121 = arith.constant 0 : i32
        %dma_start3A_122 = tpu.memref_slice %arg8[%run_scoped3A_110, %dma_start3A_120, %dma_start3A_121] : memref<3x100x128xf32, #tpu.memory_space<vmem>> -> memref<1x64x128xf32, #tpu.memory_space<vmem>>
        %dma_start3A_123 = tpu.memref_squeeze %dma_start3A_122 : memref<1x64x128xf32, #tpu.memory_space<vmem>> -> memref<64x128xf32, #tpu.memory_space<vmem>>
        tpu.enqueue_dma source(%dma_start3A_123 : memref<64x128xf32, #tpu.memory_space<vmem>>) target(%dma_start3A_119 : memref<64x128xf32, #tpu.memory_space<vmem_shared>>) target_semaphore(%run_scoped3A_111 : memref<!tpu.dma_semaphore, #tpu.memory_space<semaphore_mem>>)
        %dma_wait3A_124 = arith.constant 0 : i32
        %dma_wait3A_125 = arith.constant 0 : i32
        %dma_wait3A_126 = tpu.memref_slice %arg8[%run_scoped3A_110, %dma_wait3A_124, %dma_wait3A_125] : memref<3x100x128xf32, #tpu.memory_space<vmem>> -> memref<1x64x128xf32, #tpu.memory_space<vmem>>
        %dma_wait3A_127 = tpu.memref_squeeze %dma_wait3A_126 : memref<1x64x128xf32, #tpu.memory_space<vmem>> -> memref<64x128xf32, #tpu.memory_space<vmem>>
        %dma_wait3A_128 = arith.constant 0 : i32
        %dma_wait3A_129 = tpu.memref_slice %arg11[%add3A_109, %dma_wait3A_128] : memref<10000x128xf32, #tpu.memory_space<vmem_shared>> -> memref<64x128xf32, #tpu.memory_space<vmem_shared>>
        %dma_wait3A_130 = arith.constant 0 : i32
        %dma_wait3A_131 = tpu.memref_slice %arg11[%add3A_109, %dma_wait3A_130] : memref<10000x128xf32, #tpu.memory_space<vmem_shared>> -> memref<64x128xf32, #tpu.memory_space<vmem_shared>>
        %dma_wait3A_132 = arith.constant 0 : i32
        %dma_wait3A_133 = arith.constant 0 : i32
        %dma_wait3A_134 = tpu.memref_slice %arg8[%run_scoped3A_110, %dma_wait3A_132, %dma_wait3A_133] : memref<3x100x128xf32, #tpu.memory_space<vmem>> -> memref<1x64x128xf32, #tpu.memory_space<vmem>>
        %dma_wait3A_135 = tpu.memref_squeeze %dma_wait3A_134 : memref<1x64x128xf32, #tpu.memory_space<vmem>> -> memref<64x128xf32, #tpu.memory_space<vmem>>
        tpu.wait_dma2 semaphore(%run_scoped3A_111 : memref<!tpu.dma_semaphore, #tpu.memory_space<semaphore_mem>>) src(%dma_wait3A_135 : memref<64x128xf32, #tpu.memory_space<vmem>>) dst(%dma_wait3A_131 : memref<64x128xf32, #tpu.memory_space<vmem_shared>>)
        tpu.yield
      }) : () -> ()
    } else {
    }
    %eq3A = arith.constant 15 : i32
    %eq3A_10 = arith.cmpi eq, %arg1, %eq3A : i32
    %convert_element_type3A_11 = arith.extui %eq3A_10 : i1 to i32
    %cond3A_12 = arith.constant 0 : i32
    %cond3A_13 = arith.cmpi ne, %convert_element_type3A_11, %cond3A_12 : i32
    scf.if %cond3A_13 {
      %run_scoped3A_71 = arith.constant 0 : i32
      "tpu.region"() ({
        %run_scoped3A_79 = tpu.sem_alloc : memref<!tpu.dma_semaphore, #tpu.memory_space<semaphore_mem>>
        %dma_start3A_80 = arith.constant 0 : i32
        %dma_start3A_81 = arith.constant 0 : i32
        %dma_start3A_82 = tpu.memref_slice %arg8[%run_scoped3A_71, %dma_start3A_80, %dma_start3A_81] : memref<3x100x128xf32, #tpu.memory_space<vmem>> -> memref<1x80x128xf32, #tpu.memory_space<vmem>>
        %dma_start3A_83 = tpu.memref_squeeze %dma_start3A_82 : memref<1x80x128xf32, #tpu.memory_space<vmem>> -> memref<80x128xf32, #tpu.memory_space<vmem>>
        %dma_start3A_84 = arith.constant 9360 : i32
        %dma_start3A_85 = arith.constant 0 : i32
        %dma_start3A_86 = tpu.memref_slice %arg11[%dma_start3A_84, %dma_start3A_85] : memref<10000x128xf32, #tpu.memory_space<vmem_shared>> -> memref<80x128xf32, #tpu.memory_space<vmem_shared>>
        %dma_start3A_87 = arith.constant 9360 : i32
        %dma_start3A_88 = arith.constant 0 : i32
        %dma_start3A_89 = tpu.memref_slice %arg11[%dma_start3A_87, %dma_start3A_88] : memref<10000x128xf32, #tpu.memory_space<vmem_shared>> -> memref<80x128xf32, #tpu.memory_space<vmem_shared>>
        %dma_start3A_90 = arith.constant 0 : i32
        %dma_start3A_91 = arith.constant 0 : i32
        %dma_start3A_92 = tpu.memref_slice %arg8[%run_scoped3A_71, %dma_start3A_90, %dma_start3A_91] : memref<3x100x128xf32, #tpu.memory_space<vmem>> -> memref<1x80x128xf32, #tpu.memory_space<vmem>>
        %dma_start3A_93 = tpu.memref_squeeze %dma_start3A_92 : memref<1x80x128xf32, #tpu.memory_space<vmem>> -> memref<80x128xf32, #tpu.memory_space<vmem>>
        tpu.enqueue_dma source(%dma_start3A_93 : memref<80x128xf32, #tpu.memory_space<vmem>>) target(%dma_start3A_89 : memref<80x128xf32, #tpu.memory_space<vmem_shared>>) target_semaphore(%run_scoped3A_79 : memref<!tpu.dma_semaphore, #tpu.memory_space<semaphore_mem>>)
        %dma_wait3A_94 = arith.constant 0 : i32
        %dma_wait3A_95 = arith.constant 0 : i32
        %dma_wait3A_96 = tpu.memref_slice %arg8[%run_scoped3A_71, %dma_wait3A_94, %dma_wait3A_95] : memref<3x100x128xf32, #tpu.memory_space<vmem>> -> memref<1x80x128xf32, #tpu.memory_space<vmem>>
        %dma_wait3A_97 = tpu.memref_squeeze %dma_wait3A_96 : memref<1x80x128xf32, #tpu.memory_space<vmem>> -> memref<80x128xf32, #tpu.memory_space<vmem>>
        %dma_wait3A_98 = arith.constant 9360 : i32
        %dma_wait3A_99 = arith.constant 0 : i32
        %dma_wait3A_100 = tpu.memref_slice %arg11[%dma_wait3A_98, %dma_wait3A_99] : memref<10000x128xf32, #tpu.memory_space<vmem_shared>> -> memref<80x128xf32, #tpu.memory_space<vmem_shared>>
        %dma_wait3A_101 = arith.constant 9360 : i32
        %dma_wait3A_102 = arith.constant 0 : i32
        %dma_wait3A_103 = tpu.memref_slice %arg11[%dma_wait3A_101, %dma_wait3A_102] : memref<10000x128xf32, #tpu.memory_space<vmem_shared>> -> memref<80x128xf32, #tpu.memory_space<vmem_shared>>
        %dma_wait3A_104 = arith.constant 0 : i32
        %dma_wait3A_105 = arith.constant 0 : i32
        %dma_wait3A_106 = tpu.memref_slice %arg8[%run_scoped3A_71, %dma_wait3A_104, %dma_wait3A_105] : memref<3x100x128xf32, #tpu.memory_space<vmem>> -> memref<1x80x128xf32, #tpu.memory_space<vmem>>
        %dma_wait3A_107 = tpu.memref_squeeze %dma_wait3A_106 : memref<1x80x128xf32, #tpu.memory_space<vmem>> -> memref<80x128xf32, #tpu.memory_space<vmem>>
        tpu.wait_dma2 semaphore(%run_scoped3A_79 : memref<!tpu.dma_semaphore, #tpu.memory_space<semaphore_mem>>) src(%dma_wait3A_107 : memref<80x128xf32, #tpu.memory_space<vmem>>) dst(%dma_wait3A_103 : memref<80x128xf32, #tpu.memory_space<vmem_shared>>)
        tpu.yield
      }) : () -> ()
      %run_scoped3A_72 = arith.constant 0 : i32
      "tpu.region"() ({
        %run_scoped3A_79 = tpu.sem_alloc : memref<!tpu.dma_semaphore, #tpu.memory_space<semaphore_mem>>
        %dma_start3A_80 = arith.constant 0 : i32
        %dma_start3A_81 = arith.constant 0 : i32
        %dma_start3A_82 = tpu.memref_slice %arg8[%run_scoped3A_72, %dma_start3A_80, %dma_start3A_81] : memref<3x100x128xf32, #tpu.memory_space<vmem>> -> memref<1x80x128xf32, #tpu.memory_space<vmem>>
        %dma_start3A_83 = tpu.memref_squeeze %dma_start3A_82 : memref<1x80x128xf32, #tpu.memory_space<vmem>> -> memref<80x128xf32, #tpu.memory_space<vmem>>
        %dma_start3A_84 = arith.constant 9440 : i32
        %dma_start3A_85 = arith.constant 0 : i32
        %dma_start3A_86 = tpu.memref_slice %arg11[%dma_start3A_84, %dma_start3A_85] : memref<10000x128xf32, #tpu.memory_space<vmem_shared>> -> memref<80x128xf32, #tpu.memory_space<vmem_shared>>
        %dma_start3A_87 = arith.constant 9440 : i32
        %dma_start3A_88 = arith.constant 0 : i32
        %dma_start3A_89 = tpu.memref_slice %arg11[%dma_start3A_87, %dma_start3A_88] : memref<10000x128xf32, #tpu.memory_space<vmem_shared>> -> memref<80x128xf32, #tpu.memory_space<vmem_shared>>
        %dma_start3A_90 = arith.constant 0 : i32
        %dma_start3A_91 = arith.constant 0 : i32
        %dma_start3A_92 = tpu.memref_slice %arg8[%run_scoped3A_72, %dma_start3A_90, %dma_start3A_91] : memref<3x100x128xf32, #tpu.memory_space<vmem>> -> memref<1x80x128xf32, #tpu.memory_space<vmem>>
        %dma_start3A_93 = tpu.memref_squeeze %dma_start3A_92 : memref<1x80x128xf32, #tpu.memory_space<vmem>> -> memref<80x128xf32, #tpu.memory_space<vmem>>
        tpu.enqueue_dma source(%dma_start3A_93 : memref<80x128xf32, #tpu.memory_space<vmem>>) target(%dma_start3A_89 : memref<80x128xf32, #tpu.memory_space<vmem_shared>>) target_semaphore(%run_scoped3A_79 : memref<!tpu.dma_semaphore, #tpu.memory_space<semaphore_mem>>)
        %dma_wait3A_94 = arith.constant 0 : i32
        %dma_wait3A_95 = arith.constant 0 : i32
        %dma_wait3A_96 = tpu.memref_slice %arg8[%run_scoped3A_72, %dma_wait3A_94, %dma_wait3A_95] : memref<3x100x128xf32, #tpu.memory_space<vmem>> -> memref<1x80x128xf32, #tpu.memory_space<vmem>>
        %dma_wait3A_97 = tpu.memref_squeeze %dma_wait3A_96 : memref<1x80x128xf32, #tpu.memory_space<vmem>> -> memref<80x128xf32, #tpu.memory_space<vmem>>
        %dma_wait3A_98 = arith.constant 9440 : i32
        %dma_wait3A_99 = arith.constant 0 : i32
        %dma_wait3A_100 = tpu.memref_slice %arg11[%dma_wait3A_98, %dma_wait3A_99] : memref<10000x128xf32, #tpu.memory_space<vmem_shared>> -> memref<80x128xf32, #tpu.memory_space<vmem_shared>>
        %dma_wait3A_101 = arith.constant 9440 : i32
        %dma_wait3A_102 = arith.constant 0 : i32
        %dma_wait3A_103 = tpu.memref_slice %arg11[%dma_wait3A_101, %dma_wait3A_102] : memref<10000x128xf32, #tpu.memory_space<vmem_shared>> -> memref<80x128xf32, #tpu.memory_space<vmem_shared>>
        %dma_wait3A_104 = arith.constant 0 : i32
        %dma_wait3A_105 = arith.constant 0 : i32
        %dma_wait3A_106 = tpu.memref_slice %arg8[%run_scoped3A_72, %dma_wait3A_104, %dma_wait3A_105] : memref<3x100x128xf32, #tpu.memory_space<vmem>> -> memref<1x80x128xf32, #tpu.memory_space<vmem>>
        %dma_wait3A_107 = tpu.memref_squeeze %dma_wait3A_106 : memref<1x80x128xf32, #tpu.memory_space<vmem>> -> memref<80x128xf32, #tpu.memory_space<vmem>>
        tpu.wait_dma2 semaphore(%run_scoped3A_79 : memref<!tpu.dma_semaphore, #tpu.memory_space<semaphore_mem>>) src(%dma_wait3A_107 : memref<80x128xf32, #tpu.memory_space<vmem>>) dst(%dma_wait3A_103 : memref<80x128xf32, #tpu.memory_space<vmem_shared>>)
        tpu.yield
      }) : () -> ()
      %run_scoped3A_73 = arith.constant 0 : i32
      "tpu.region"() ({
        %run_scoped3A_79 = tpu.sem_alloc : memref<!tpu.dma_semaphore, #tpu.memory_space<semaphore_mem>>
        %dma_start3A_80 = arith.constant 0 : i32
        %dma_start3A_81 = arith.constant 0 : i32
        %dma_start3A_82 = tpu.memref_slice %arg8[%run_scoped3A_73, %dma_start3A_80, %dma_start3A_81] : memref<3x100x128xf32, #tpu.memory_space<vmem>> -> memref<1x80x128xf32, #tpu.memory_space<vmem>>
        %dma_start3A_83 = tpu.memref_squeeze %dma_start3A_82 : memref<1x80x128xf32, #tpu.memory_space<vmem>> -> memref<80x128xf32, #tpu.memory_space<vmem>>
        %dma_start3A_84 = arith.constant 9520 : i32
        %dma_start3A_85 = arith.constant 0 : i32
        %dma_start3A_86 = tpu.memref_slice %arg11[%dma_start3A_84, %dma_start3A_85] : memref<10000x128xf32, #tpu.memory_space<vmem_shared>> -> memref<80x128xf32, #tpu.memory_space<vmem_shared>>
        %dma_start3A_87 = arith.constant 9520 : i32
        %dma_start3A_88 = arith.constant 0 : i32
        %dma_start3A_89 = tpu.memref_slice %arg11[%dma_start3A_87, %dma_start3A_88] : memref<10000x128xf32, #tpu.memory_space<vmem_shared>> -> memref<80x128xf32, #tpu.memory_space<vmem_shared>>
        %dma_start3A_90 = arith.constant 0 : i32
        %dma_start3A_91 = arith.constant 0 : i32
        %dma_start3A_92 = tpu.memref_slice %arg8[%run_scoped3A_73, %dma_start3A_90, %dma_start3A_91] : memref<3x100x128xf32, #tpu.memory_space<vmem>> -> memref<1x80x128xf32, #tpu.memory_space<vmem>>
        %dma_start3A_93 = tpu.memref_squeeze %dma_start3A_92 : memref<1x80x128xf32, #tpu.memory_space<vmem>> -> memref<80x128xf32, #tpu.memory_space<vmem>>
        tpu.enqueue_dma source(%dma_start3A_93 : memref<80x128xf32, #tpu.memory_space<vmem>>) target(%dma_start3A_89 : memref<80x128xf32, #tpu.memory_space<vmem_shared>>) target_semaphore(%run_scoped3A_79 : memref<!tpu.dma_semaphore, #tpu.memory_space<semaphore_mem>>)
        %dma_wait3A_94 = arith.constant 0 : i32
        %dma_wait3A_95 = arith.constant 0 : i32
        %dma_wait3A_96 = tpu.memref_slice %arg8[%run_scoped3A_73, %dma_wait3A_94, %dma_wait3A_95] : memref<3x100x128xf32, #tpu.memory_space<vmem>> -> memref<1x80x128xf32, #tpu.memory_space<vmem>>
        %dma_wait3A_97 = tpu.memref_squeeze %dma_wait3A_96 : memref<1x80x128xf32, #tpu.memory_space<vmem>> -> memref<80x128xf32, #tpu.memory_space<vmem>>
        %dma_wait3A_98 = arith.constant 9520 : i32
        %dma_wait3A_99 = arith.constant 0 : i32
        %dma_wait3A_100 = tpu.memref_slice %arg11[%dma_wait3A_98, %dma_wait3A_99] : memref<10000x128xf32, #tpu.memory_space<vmem_shared>> -> memref<80x128xf32, #tpu.memory_space<vmem_shared>>
        %dma_wait3A_101 = arith.constant 9520 : i32
        %dma_wait3A_102 = arith.constant 0 : i32
        %dma_wait3A_103 = tpu.memref_slice %arg11[%dma_wait3A_101, %dma_wait3A_102] : memref<10000x128xf32, #tpu.memory_space<vmem_shared>> -> memref<80x128xf32, #tpu.memory_space<vmem_shared>>
        %dma_wait3A_104 = arith.constant 0 : i32
        %dma_wait3A_105 = arith.constant 0 : i32
        %dma_wait3A_106 = tpu.memref_slice %arg8[%run_scoped3A_73, %dma_wait3A_104, %dma_wait3A_105] : memref<3x100x128xf32, #tpu.memory_space<vmem>> -> memref<1x80x128xf32, #tpu.memory_space<vmem>>
        %dma_wait3A_107 = tpu.memref_squeeze %dma_wait3A_106 : memref<1x80x128xf32, #tpu.memory_space<vmem>> -> memref<80x128xf32, #tpu.memory_space<vmem>>
        tpu.wait_dma2 semaphore(%run_scoped3A_79 : memref<!tpu.dma_semaphore, #tpu.memory_space<semaphore_mem>>) src(%dma_wait3A_107 : memref<80x128xf32, #tpu.memory_space<vmem>>) dst(%dma_wait3A_103 : memref<80x128xf32, #tpu.memory_space<vmem_shared>>)
        tpu.yield
      }) : () -> ()
      %run_scoped3A_74 = arith.constant 0 : i32
      "tpu.region"() ({
        %run_scoped3A_79 = tpu.sem_alloc : memref<!tpu.dma_semaphore, #tpu.memory_space<semaphore_mem>>
        %dma_start3A_80 = arith.constant 0 : i32
        %dma_start3A_81 = arith.constant 0 : i32
        %dma_start3A_82 = tpu.memref_slice %arg8[%run_scoped3A_74, %dma_start3A_80, %dma_start3A_81] : memref<3x100x128xf32, #tpu.memory_space<vmem>> -> memref<1x80x128xf32, #tpu.memory_space<vmem>>
        %dma_start3A_83 = tpu.memref_squeeze %dma_start3A_82 : memref<1x80x128xf32, #tpu.memory_space<vmem>> -> memref<80x128xf32, #tpu.memory_space<vmem>>
        %dma_start3A_84 = arith.constant 9600 : i32
        %dma_start3A_85 = arith.constant 0 : i32
        %dma_start3A_86 = tpu.memref_slice %arg11[%dma_start3A_84, %dma_start3A_85] : memref<10000x128xf32, #tpu.memory_space<vmem_shared>> -> memref<80x128xf32, #tpu.memory_space<vmem_shared>>
        %dma_start3A_87 = arith.constant 9600 : i32
        %dma_start3A_88 = arith.constant 0 : i32
        %dma_start3A_89 = tpu.memref_slice %arg11[%dma_start3A_87, %dma_start3A_88] : memref<10000x128xf32, #tpu.memory_space<vmem_shared>> -> memref<80x128xf32, #tpu.memory_space<vmem_shared>>
        %dma_start3A_90 = arith.constant 0 : i32
        %dma_start3A_91 = arith.constant 0 : i32
        %dma_start3A_92 = tpu.memref_slice %arg8[%run_scoped3A_74, %dma_start3A_90, %dma_start3A_91] : memref<3x100x128xf32, #tpu.memory_space<vmem>> -> memref<1x80x128xf32, #tpu.memory_space<vmem>>
        %dma_start3A_93 = tpu.memref_squeeze %dma_start3A_92 : memref<1x80x128xf32, #tpu.memory_space<vmem>> -> memref<80x128xf32, #tpu.memory_space<vmem>>
        tpu.enqueue_dma source(%dma_start3A_93 : memref<80x128xf32, #tpu.memory_space<vmem>>) target(%dma_start3A_89 : memref<80x128xf32, #tpu.memory_space<vmem_shared>>) target_semaphore(%run_scoped3A_79 : memref<!tpu.dma_semaphore, #tpu.memory_space<semaphore_mem>>)
        %dma_wait3A_94 = arith.constant 0 : i32
        %dma_wait3A_95 = arith.constant 0 : i32
        %dma_wait3A_96 = tpu.memref_slice %arg8[%run_scoped3A_74, %dma_wait3A_94, %dma_wait3A_95] : memref<3x100x128xf32, #tpu.memory_space<vmem>> -> memref<1x80x128xf32, #tpu.memory_space<vmem>>
        %dma_wait3A_97 = tpu.memref_squeeze %dma_wait3A_96 : memref<1x80x128xf32, #tpu.memory_space<vmem>> -> memref<80x128xf32, #tpu.memory_space<vmem>>
        %dma_wait3A_98 = arith.constant 9600 : i32
        %dma_wait3A_99 = arith.constant 0 : i32
        %dma_wait3A_100 = tpu.memref_slice %arg11[%dma_wait3A_98, %dma_wait3A_99] : memref<10000x128xf32, #tpu.memory_space<vmem_shared>> -> memref<80x128xf32, #tpu.memory_space<vmem_shared>>
        %dma_wait3A_101 = arith.constant 9600 : i32
        %dma_wait3A_102 = arith.constant 0 : i32
        %dma_wait3A_103 = tpu.memref_slice %arg11[%dma_wait3A_101, %dma_wait3A_102] : memref<10000x128xf32, #tpu.memory_space<vmem_shared>> -> memref<80x128xf32, #tpu.memory_space<vmem_shared>>
        %dma_wait3A_104 = arith.constant 0 : i32
        %dma_wait3A_105 = arith.constant 0 : i32
        %dma_wait3A_106 = tpu.memref_slice %arg8[%run_scoped3A_74, %dma_wait3A_104, %dma_wait3A_105] : memref<3x100x128xf32, #tpu.memory_space<vmem>> -> memref<1x80x128xf32, #tpu.memory_space<vmem>>
        %dma_wait3A_107 = tpu.memref_squeeze %dma_wait3A_106 : memref<1x80x128xf32, #tpu.memory_space<vmem>> -> memref<80x128xf32, #tpu.memory_space<vmem>>
        tpu.wait_dma2 semaphore(%run_scoped3A_79 : memref<!tpu.dma_semaphore, #tpu.memory_space<semaphore_mem>>) src(%dma_wait3A_107 : memref<80x128xf32, #tpu.memory_space<vmem>>) dst(%dma_wait3A_103 : memref<80x128xf32, #tpu.memory_space<vmem_shared>>)
        tpu.yield
      }) : () -> ()
      %run_scoped3A_75 = arith.constant 0 : i32
      "tpu.region"() ({
        %run_scoped3A_79 = tpu.sem_alloc : memref<!tpu.dma_semaphore, #tpu.memory_space<semaphore_mem>>
        %dma_start3A_80 = arith.constant 0 : i32
        %dma_start3A_81 = arith.constant 0 : i32
        %dma_start3A_82 = tpu.memref_slice %arg8[%run_scoped3A_75, %dma_start3A_80, %dma_start3A_81] : memref<3x100x128xf32, #tpu.memory_space<vmem>> -> memref<1x80x128xf32, #tpu.memory_space<vmem>>
        %dma_start3A_83 = tpu.memref_squeeze %dma_start3A_82 : memref<1x80x128xf32, #tpu.memory_space<vmem>> -> memref<80x128xf32, #tpu.memory_space<vmem>>
        %dma_start3A_84 = arith.constant 9680 : i32
        %dma_start3A_85 = arith.constant 0 : i32
        %dma_start3A_86 = tpu.memref_slice %arg11[%dma_start3A_84, %dma_start3A_85] : memref<10000x128xf32, #tpu.memory_space<vmem_shared>> -> memref<80x128xf32, #tpu.memory_space<vmem_shared>>
        %dma_start3A_87 = arith.constant 9680 : i32
        %dma_start3A_88 = arith.constant 0 : i32
        %dma_start3A_89 = tpu.memref_slice %arg11[%dma_start3A_87, %dma_start3A_88] : memref<10000x128xf32, #tpu.memory_space<vmem_shared>> -> memref<80x128xf32, #tpu.memory_space<vmem_shared>>
        %dma_start3A_90 = arith.constant 0 : i32
        %dma_start3A_91 = arith.constant 0 : i32
        %dma_start3A_92 = tpu.memref_slice %arg8[%run_scoped3A_75, %dma_start3A_90, %dma_start3A_91] : memref<3x100x128xf32, #tpu.memory_space<vmem>> -> memref<1x80x128xf32, #tpu.memory_space<vmem>>
        %dma_start3A_93 = tpu.memref_squeeze %dma_start3A_92 : memref<1x80x128xf32, #tpu.memory_space<vmem>> -> memref<80x128xf32, #tpu.memory_space<vmem>>
        tpu.enqueue_dma source(%dma_start3A_93 : memref<80x128xf32, #tpu.memory_space<vmem>>) target(%dma_start3A_89 : memref<80x128xf32, #tpu.memory_space<vmem_shared>>) target_semaphore(%run_scoped3A_79 : memref<!tpu.dma_semaphore, #tpu.memory_space<semaphore_mem>>)
        %dma_wait3A_94 = arith.constant 0 : i32
        %dma_wait3A_95 = arith.constant 0 : i32
        %dma_wait3A_96 = tpu.memref_slice %arg8[%run_scoped3A_75, %dma_wait3A_94, %dma_wait3A_95] : memref<3x100x128xf32, #tpu.memory_space<vmem>> -> memref<1x80x128xf32, #tpu.memory_space<vmem>>
        %dma_wait3A_97 = tpu.memref_squeeze %dma_wait3A_96 : memref<1x80x128xf32, #tpu.memory_space<vmem>> -> memref<80x128xf32, #tpu.memory_space<vmem>>
        %dma_wait3A_98 = arith.constant 9680 : i32
        %dma_wait3A_99 = arith.constant 0 : i32
        %dma_wait3A_100 = tpu.memref_slice %arg11[%dma_wait3A_98, %dma_wait3A_99] : memref<10000x128xf32, #tpu.memory_space<vmem_shared>> -> memref<80x128xf32, #tpu.memory_space<vmem_shared>>
        %dma_wait3A_101 = arith.constant 9680 : i32
        %dma_wait3A_102 = arith.constant 0 : i32
        %dma_wait3A_103 = tpu.memref_slice %arg11[%dma_wait3A_101, %dma_wait3A_102] : memref<10000x128xf32, #tpu.memory_space<vmem_shared>> -> memref<80x128xf32, #tpu.memory_space<vmem_shared>>
        %dma_wait3A_104 = arith.constant 0 : i32
        %dma_wait3A_105 = arith.constant 0 : i32
        %dma_wait3A_106 = tpu.memref_slice %arg8[%run_scoped3A_75, %dma_wait3A_104, %dma_wait3A_105] : memref<3x100x128xf32, #tpu.memory_space<vmem>> -> memref<1x80x128xf32, #tpu.memory_space<vmem>>
        %dma_wait3A_107 = tpu.memref_squeeze %dma_wait3A_106 : memref<1x80x128xf32, #tpu.memory_space<vmem>> -> memref<80x128xf32, #tpu.memory_space<vmem>>
        tpu.wait_dma2 semaphore(%run_scoped3A_79 : memref<!tpu.dma_semaphore, #tpu.memory_space<semaphore_mem>>) src(%dma_wait3A_107 : memref<80x128xf32, #tpu.memory_space<vmem>>) dst(%dma_wait3A_103 : memref<80x128xf32, #tpu.memory_space<vmem_shared>>)
        tpu.yield
      }) : () -> ()
      %run_scoped3A_76 = arith.constant 0 : i32
      "tpu.region"() ({
        %run_scoped3A_79 = tpu.sem_alloc : memref<!tpu.dma_semaphore, #tpu.memory_space<semaphore_mem>>
        %dma_start3A_80 = arith.constant 0 : i32
        %dma_start3A_81 = arith.constant 0 : i32
        %dma_start3A_82 = tpu.memref_slice %arg8[%run_scoped3A_76, %dma_start3A_80, %dma_start3A_81] : memref<3x100x128xf32, #tpu.memory_space<vmem>> -> memref<1x80x128xf32, #tpu.memory_space<vmem>>
        %dma_start3A_83 = tpu.memref_squeeze %dma_start3A_82 : memref<1x80x128xf32, #tpu.memory_space<vmem>> -> memref<80x128xf32, #tpu.memory_space<vmem>>
        %dma_start3A_84 = arith.constant 9760 : i32
        %dma_start3A_85 = arith.constant 0 : i32
        %dma_start3A_86 = tpu.memref_slice %arg11[%dma_start3A_84, %dma_start3A_85] : memref<10000x128xf32, #tpu.memory_space<vmem_shared>> -> memref<80x128xf32, #tpu.memory_space<vmem_shared>>
        %dma_start3A_87 = arith.constant 9760 : i32
        %dma_start3A_88 = arith.constant 0 : i32
        %dma_start3A_89 = tpu.memref_slice %arg11[%dma_start3A_87, %dma_start3A_88] : memref<10000x128xf32, #tpu.memory_space<vmem_shared>> -> memref<80x128xf32, #tpu.memory_space<vmem_shared>>
        %dma_start3A_90 = arith.constant 0 : i32
        %dma_start3A_91 = arith.constant 0 : i32
        %dma_start3A_92 = tpu.memref_slice %arg8[%run_scoped3A_76, %dma_start3A_90, %dma_start3A_91] : memref<3x100x128xf32, #tpu.memory_space<vmem>> -> memref<1x80x128xf32, #tpu.memory_space<vmem>>
        %dma_start3A_93 = tpu.memref_squeeze %dma_start3A_92 : memref<1x80x128xf32, #tpu.memory_space<vmem>> -> memref<80x128xf32, #tpu.memory_space<vmem>>
        tpu.enqueue_dma source(%dma_start3A_93 : memref<80x128xf32, #tpu.memory_space<vmem>>) target(%dma_start3A_89 : memref<80x128xf32, #tpu.memory_space<vmem_shared>>) target_semaphore(%run_scoped3A_79 : memref<!tpu.dma_semaphore, #tpu.memory_space<semaphore_mem>>)
        %dma_wait3A_94 = arith.constant 0 : i32
        %dma_wait3A_95 = arith.constant 0 : i32
        %dma_wait3A_96 = tpu.memref_slice %arg8[%run_scoped3A_76, %dma_wait3A_94, %dma_wait3A_95] : memref<3x100x128xf32, #tpu.memory_space<vmem>> -> memref<1x80x128xf32, #tpu.memory_space<vmem>>
        %dma_wait3A_97 = tpu.memref_squeeze %dma_wait3A_96 : memref<1x80x128xf32, #tpu.memory_space<vmem>> -> memref<80x128xf32, #tpu.memory_space<vmem>>
        %dma_wait3A_98 = arith.constant 9760 : i32
        %dma_wait3A_99 = arith.constant 0 : i32
        %dma_wait3A_100 = tpu.memref_slice %arg11[%dma_wait3A_98, %dma_wait3A_99] : memref<10000x128xf32, #tpu.memory_space<vmem_shared>> -> memref<80x128xf32, #tpu.memory_space<vmem_shared>>
        %dma_wait3A_101 = arith.constant 9760 : i32
        %dma_wait3A_102 = arith.constant 0 : i32
        %dma_wait3A_103 = tpu.memref_slice %arg11[%dma_wait3A_101, %dma_wait3A_102] : memref<10000x128xf32, #tpu.memory_space<vmem_shared>> -> memref<80x128xf32, #tpu.memory_space<vmem_shared>>
        %dma_wait3A_104 = arith.constant 0 : i32
        %dma_wait3A_105 = arith.constant 0 : i32
        %dma_wait3A_106 = tpu.memref_slice %arg8[%run_scoped3A_76, %dma_wait3A_104, %dma_wait3A_105] : memref<3x100x128xf32, #tpu.memory_space<vmem>> -> memref<1x80x128xf32, #tpu.memory_space<vmem>>
        %dma_wait3A_107 = tpu.memref_squeeze %dma_wait3A_106 : memref<1x80x128xf32, #tpu.memory_space<vmem>> -> memref<80x128xf32, #tpu.memory_space<vmem>>
        tpu.wait_dma2 semaphore(%run_scoped3A_79 : memref<!tpu.dma_semaphore, #tpu.memory_space<semaphore_mem>>) src(%dma_wait3A_107 : memref<80x128xf32, #tpu.memory_space<vmem>>) dst(%dma_wait3A_103 : memref<80x128xf32, #tpu.memory_space<vmem_shared>>)
        tpu.yield
      }) : () -> ()
      %run_scoped3A_77 = arith.constant 0 : i32
      "tpu.region"() ({
        %run_scoped3A_79 = tpu.sem_alloc : memref<!tpu.dma_semaphore, #tpu.memory_space<semaphore_mem>>
        %dma_start3A_80 = arith.constant 0 : i32
        %dma_start3A_81 = arith.constant 0 : i32
        %dma_start3A_82 = tpu.memref_slice %arg8[%run_scoped3A_77, %dma_start3A_80, %dma_start3A_81] : memref<3x100x128xf32, #tpu.memory_space<vmem>> -> memref<1x80x128xf32, #tpu.memory_space<vmem>>
        %dma_start3A_83 = tpu.memref_squeeze %dma_start3A_82 : memref<1x80x128xf32, #tpu.memory_space<vmem>> -> memref<80x128xf32, #tpu.memory_space<vmem>>
        %dma_start3A_84 = arith.constant 9840 : i32
        %dma_start3A_85 = arith.constant 0 : i32
        %dma_start3A_86 = tpu.memref_slice %arg11[%dma_start3A_84, %dma_start3A_85] : memref<10000x128xf32, #tpu.memory_space<vmem_shared>> -> memref<80x128xf32, #tpu.memory_space<vmem_shared>>
        %dma_start3A_87 = arith.constant 9840 : i32
        %dma_start3A_88 = arith.constant 0 : i32
        %dma_start3A_89 = tpu.memref_slice %arg11[%dma_start3A_87, %dma_start3A_88] : memref<10000x128xf32, #tpu.memory_space<vmem_shared>> -> memref<80x128xf32, #tpu.memory_space<vmem_shared>>
        %dma_start3A_90 = arith.constant 0 : i32
        %dma_start3A_91 = arith.constant 0 : i32
        %dma_start3A_92 = tpu.memref_slice %arg8[%run_scoped3A_77, %dma_start3A_90, %dma_start3A_91] : memref<3x100x128xf32, #tpu.memory_space<vmem>> -> memref<1x80x128xf32, #tpu.memory_space<vmem>>
        %dma_start3A_93 = tpu.memref_squeeze %dma_start3A_92 : memref<1x80x128xf32, #tpu.memory_space<vmem>> -> memref<80x128xf32, #tpu.memory_space<vmem>>
        tpu.enqueue_dma source(%dma_start3A_93 : memref<80x128xf32, #tpu.memory_space<vmem>>) target(%dma_start3A_89 : memref<80x128xf32, #tpu.memory_space<vmem_shared>>) target_semaphore(%run_scoped3A_79 : memref<!tpu.dma_semaphore, #tpu.memory_space<semaphore_mem>>)
        %dma_wait3A_94 = arith.constant 0 : i32
        %dma_wait3A_95 = arith.constant 0 : i32
        %dma_wait3A_96 = tpu.memref_slice %arg8[%run_scoped3A_77, %dma_wait3A_94, %dma_wait3A_95] : memref<3x100x128xf32, #tpu.memory_space<vmem>> -> memref<1x80x128xf32, #tpu.memory_space<vmem>>
        %dma_wait3A_97 = tpu.memref_squeeze %dma_wait3A_96 : memref<1x80x128xf32, #tpu.memory_space<vmem>> -> memref<80x128xf32, #tpu.memory_space<vmem>>
        %dma_wait3A_98 = arith.constant 9840 : i32
        %dma_wait3A_99 = arith.constant 0 : i32
        %dma_wait3A_100 = tpu.memref_slice %arg11[%dma_wait3A_98, %dma_wait3A_99] : memref<10000x128xf32, #tpu.memory_space<vmem_shared>> -> memref<80x128xf32, #tpu.memory_space<vmem_shared>>
        %dma_wait3A_101 = arith.constant 9840 : i32
        %dma_wait3A_102 = arith.constant 0 : i32
        %dma_wait3A_103 = tpu.memref_slice %arg11[%dma_wait3A_101, %dma_wait3A_102] : memref<10000x128xf32, #tpu.memory_space<vmem_shared>> -> memref<80x128xf32, #tpu.memory_space<vmem_shared>>
        %dma_wait3A_104 = arith.constant 0 : i32
        %dma_wait3A_105 = arith.constant 0 : i32
        %dma_wait3A_106 = tpu.memref_slice %arg8[%run_scoped3A_77, %dma_wait3A_104, %dma_wait3A_105] : memref<3x100x128xf32, #tpu.memory_space<vmem>> -> memref<1x80x128xf32, #tpu.memory_space<vmem>>
        %dma_wait3A_107 = tpu.memref_squeeze %dma_wait3A_106 : memref<1x80x128xf32, #tpu.memory_space<vmem>> -> memref<80x128xf32, #tpu.memory_space<vmem>>
        tpu.wait_dma2 semaphore(%run_scoped3A_79 : memref<!tpu.dma_semaphore, #tpu.memory_space<semaphore_mem>>) src(%dma_wait3A_107 : memref<80x128xf32, #tpu.memory_space<vmem>>) dst(%dma_wait3A_103 : memref<80x128xf32, #tpu.memory_space<vmem_shared>>)
        tpu.yield
      }) : () -> ()
      %run_scoped3A_78 = arith.constant 0 : i32
      "tpu.region"() ({
        %run_scoped3A_79 = tpu.sem_alloc : memref<!tpu.dma_semaphore, #tpu.memory_space<semaphore_mem>>
        %dma_start3A_80 = arith.constant 0 : i32
        %dma_start3A_81 = arith.constant 0 : i32
        %dma_start3A_82 = tpu.memref_slice %arg8[%run_scoped3A_78, %dma_start3A_80, %dma_start3A_81] : memref<3x100x128xf32, #tpu.memory_space<vmem>> -> memref<1x80x128xf32, #tpu.memory_space<vmem>>
        %dma_start3A_83 = tpu.memref_squeeze %dma_start3A_82 : memref<1x80x128xf32, #tpu.memory_space<vmem>> -> memref<80x128xf32, #tpu.memory_space<vmem>>
        %dma_start3A_84 = arith.constant 9920 : i32
        %dma_start3A_85 = arith.constant 0 : i32
        %dma_start3A_86 = tpu.memref_slice %arg11[%dma_start3A_84, %dma_start3A_85] : memref<10000x128xf32, #tpu.memory_space<vmem_shared>> -> memref<80x128xf32, #tpu.memory_space<vmem_shared>>
        %dma_start3A_87 = arith.constant 9920 : i32
        %dma_start3A_88 = arith.constant 0 : i32
        %dma_start3A_89 = tpu.memref_slice %arg11[%dma_start3A_87, %dma_start3A_88] : memref<10000x128xf32, #tpu.memory_space<vmem_shared>> -> memref<80x128xf32, #tpu.memory_space<vmem_shared>>
        %dma_start3A_90 = arith.constant 0 : i32
        %dma_start3A_91 = arith.constant 0 : i32
        %dma_start3A_92 = tpu.memref_slice %arg8[%run_scoped3A_78, %dma_start3A_90, %dma_start3A_91] : memref<3x100x128xf32, #tpu.memory_space<vmem>> -> memref<1x80x128xf32, #tpu.memory_space<vmem>>
        %dma_start3A_93 = tpu.memref_squeeze %dma_start3A_92 : memref<1x80x128xf32, #tpu.memory_space<vmem>> -> memref<80x128xf32, #tpu.memory_space<vmem>>
        tpu.enqueue_dma source(%dma_start3A_93 : memref<80x128xf32, #tpu.memory_space<vmem>>) target(%dma_start3A_89 : memref<80x128xf32, #tpu.memory_space<vmem_shared>>) target_semaphore(%run_scoped3A_79 : memref<!tpu.dma_semaphore, #tpu.memory_space<semaphore_mem>>)
        %dma_wait3A_94 = arith.constant 0 : i32
        %dma_wait3A_95 = arith.constant 0 : i32
        %dma_wait3A_96 = tpu.memref_slice %arg8[%run_scoped3A_78, %dma_wait3A_94, %dma_wait3A_95] : memref<3x100x128xf32, #tpu.memory_space<vmem>> -> memref<1x80x128xf32, #tpu.memory_space<vmem>>
        %dma_wait3A_97 = tpu.memref_squeeze %dma_wait3A_96 : memref<1x80x128xf32, #tpu.memory_space<vmem>> -> memref<80x128xf32, #tpu.memory_space<vmem>>
        %dma_wait3A_98 = arith.constant 9920 : i32
        %dma_wait3A_99 = arith.constant 0 : i32
        %dma_wait3A_100 = tpu.memref_slice %arg11[%dma_wait3A_98, %dma_wait3A_99] : memref<10000x128xf32, #tpu.memory_space<vmem_shared>> -> memref<80x128xf32, #tpu.memory_space<vmem_shared>>
        %dma_wait3A_101 = arith.constant 9920 : i32
        %dma_wait3A_102 = arith.constant 0 : i32
        %dma_wait3A_103 = tpu.memref_slice %arg11[%dma_wait3A_101, %dma_wait3A_102] : memref<10000x128xf32, #tpu.memory_space<vmem_shared>> -> memref<80x128xf32, #tpu.memory_space<vmem_shared>>
        %dma_wait3A_104 = arith.constant 0 : i32
        %dma_wait3A_105 = arith.constant 0 : i32
        %dma_wait3A_106 = tpu.memref_slice %arg8[%run_scoped3A_78, %dma_wait3A_104, %dma_wait3A_105] : memref<3x100x128xf32, #tpu.memory_space<vmem>> -> memref<1x80x128xf32, #tpu.memory_space<vmem>>
        %dma_wait3A_107 = tpu.memref_squeeze %dma_wait3A_106 : memref<1x80x128xf32, #tpu.memory_space<vmem>> -> memref<80x128xf32, #tpu.memory_space<vmem>>
        tpu.wait_dma2 semaphore(%run_scoped3A_79 : memref<!tpu.dma_semaphore, #tpu.memory_space<semaphore_mem>>) src(%dma_wait3A_107 : memref<80x128xf32, #tpu.memory_space<vmem>>) dst(%dma_wait3A_103 : memref<80x128xf32, #tpu.memory_space<vmem_shared>>)
        tpu.yield
      }) : () -> ()
    } else {
    }
    %run_scoped3A = arith.constant 0 : i32
    %run_scoped3A_14 = arith.constant 0 : i32
    "tpu.region"() ({
      %run_scoped3A_71 = tpu.sem_alloc : memref<!tpu.dma_semaphore, #tpu.memory_space<semaphore_mem>>
      %dma_start3A_72 = arith.constant 0 : i32
      %dma_start3A_73 = arith.constant 0 : i32
      %dma_start3A_74 = tpu.memref_slice %arg6[%run_scoped3A_14, %dma_start3A_72, %dma_start3A_73] : memref<2x10x100xi32, #tpu.memory_space<vmem>> -> memref<1x10x100xi32, #tpu.memory_space<vmem>>
      %dma_start3A_75 = tpu.memref_squeeze %dma_start3A_74 : memref<1x10x100xi32, #tpu.memory_space<vmem>> -> memref<10x100xi32, #tpu.memory_space<vmem>>
      %dma_start3A_76 = arith.constant 0 : i32
      %dma_start3A_77 = arith.constant 0 : i32
      %dma_start3A_78 = tpu.memref_slice %arg3[%add3A, %run_scoped3A, %dma_start3A_76, %dma_start3A_77] : memref<32x10x10x100xi32, #tpu.memory_space<hbm>> -> memref<1x1x10x100xi32, #tpu.memory_space<hbm>>
      %dma_start3A_79 = tpu.memref_squeeze %dma_start3A_78 : memref<1x1x10x100xi32, #tpu.memory_space<hbm>> -> memref<10x100xi32, #tpu.memory_space<hbm>>
      %dma_start3A_80 = arith.constant 0 : i32
      %dma_start3A_81 = arith.constant 0 : i32
      %dma_start3A_82 = tpu.memref_slice %arg6[%run_scoped3A_14, %dma_start3A_80, %dma_start3A_81] : memref<2x10x100xi32, #tpu.memory_space<vmem>> -> memref<1x10x100xi32, #tpu.memory_space<vmem>>
      %dma_start3A_83 = tpu.memref_squeeze %dma_start3A_82 : memref<1x10x100xi32, #tpu.memory_space<vmem>> -> memref<10x100xi32, #tpu.memory_space<vmem>>
      %dma_start3A_84 = arith.constant 0 : i32
      %dma_start3A_85 = arith.constant 0 : i32
      %dma_start3A_86 = tpu.memref_slice %arg3[%add3A, %run_scoped3A, %dma_start3A_84, %dma_start3A_85] : memref<32x10x10x100xi32, #tpu.memory_space<hbm>> -> memref<1x1x10x100xi32, #tpu.memory_space<hbm>>
      %dma_start3A_87 = tpu.memref_squeeze %dma_start3A_86 : memref<1x1x10x100xi32, #tpu.memory_space<hbm>> -> memref<10x100xi32, #tpu.memory_space<hbm>>
      tpu.enqueue_dma source(%dma_start3A_87 : memref<10x100xi32, #tpu.memory_space<hbm>>) target(%dma_start3A_83 : memref<10x100xi32, #tpu.memory_space<vmem>>) target_semaphore(%run_scoped3A_71 : memref<!tpu.dma_semaphore, #tpu.memory_space<semaphore_mem>>)
      %dma_wait3A_88 = arith.constant 0 : i32
      %dma_wait3A_89 = arith.constant 0 : i32
      %dma_wait3A_90 = tpu.memref_slice %arg6[%run_scoped3A_14, %dma_wait3A_88, %dma_wait3A_89] : memref<2x10x100xi32, #tpu.memory_space<vmem>> -> memref<1x10x100xi32, #tpu.memory_space<vmem>>
      %dma_wait3A_91 = tpu.memref_squeeze %dma_wait3A_90 : memref<1x10x100xi32, #tpu.memory_space<vmem>> -> memref<10x100xi32, #tpu.memory_space<vmem>>
      %dma_wait3A_92 = arith.constant 0 : i32
      %dma_wait3A_93 = arith.constant 0 : i32
      %dma_wait3A_94 = tpu.memref_slice %arg3[%add3A, %run_scoped3A, %dma_wait3A_92, %dma_wait3A_93] : memref<32x10x10x100xi32, #tpu.memory_space<hbm>> -> memref<1x1x10x100xi32, #tpu.memory_space<hbm>>
      %dma_wait3A_95 = tpu.memref_squeeze %dma_wait3A_94 : memref<1x1x10x100xi32, #tpu.memory_space<hbm>> -> memref<10x100xi32, #tpu.memory_space<hbm>>
      %dma_wait3A_96 = arith.constant 0 : i32
      %dma_wait3A_97 = arith.constant 0 : i32
      %dma_wait3A_98 = tpu.memref_slice %arg6[%run_scoped3A_14, %dma_wait3A_96, %dma_wait3A_97] : memref<2x10x100xi32, #tpu.memory_space<vmem>> -> memref<1x10x100xi32, #tpu.memory_space<vmem>>
      %dma_wait3A_99 = tpu.memref_squeeze %dma_wait3A_98 : memref<1x10x100xi32, #tpu.memory_space<vmem>> -> memref<10x100xi32, #tpu.memory_space<vmem>>
      %dma_wait3A_100 = arith.constant 0 : i32
      %dma_wait3A_101 = arith.constant 0 : i32
      %dma_wait3A_102 = tpu.memref_slice %arg3[%add3A, %run_scoped3A, %dma_wait3A_100, %dma_wait3A_101] : memref<32x10x10x100xi32, #tpu.memory_space<hbm>> -> memref<1x1x10x100xi32, #tpu.memory_space<hbm>>
      %dma_wait3A_103 = tpu.memref_squeeze %dma_wait3A_102 : memref<1x1x10x100xi32, #tpu.memory_space<hbm>> -> memref<10x100xi32, #tpu.memory_space<hbm>>
      tpu.wait_dma2 semaphore(%run_scoped3A_71 : memref<!tpu.dma_semaphore, #tpu.memory_space<semaphore_mem>>) src(%dma_wait3A_103 : memref<10x100xi32, #tpu.memory_space<hbm>>) dst(%dma_wait3A_99 : memref<10x100xi32, #tpu.memory_space<vmem>>)
      tpu.yield
    }) : () -> ()
    %run_scoped3A_15 = arith.constant 0 : i32
    %run_scoped3A_16 = arith.constant 0 : i32
    "tpu.region"() ({
      %run_scoped3A_71 = tpu.sem_alloc : memref<!tpu.dma_semaphore, #tpu.memory_space<semaphore_mem>>
      %dma_start3A_72 = arith.constant 0 : i32
      %dma_start3A_73 = arith.constant 0 : i32
      %dma_start3A_74 = tpu.memref_slice %arg7[%run_scoped3A_16, %dma_start3A_72, %dma_start3A_73] : memref<2x10x100xi32, #tpu.memory_space<vmem>> -> memref<1x10x100xi32, #tpu.memory_space<vmem>>
      %dma_start3A_75 = tpu.memref_squeeze %dma_start3A_74 : memref<1x10x100xi32, #tpu.memory_space<vmem>> -> memref<10x100xi32, #tpu.memory_space<vmem>>
      %dma_start3A_76 = arith.constant 0 : i32
      %dma_start3A_77 = arith.constant 0 : i32
      %dma_start3A_78 = tpu.memref_slice %arg4[%add3A, %run_scoped3A_15, %dma_start3A_76, %dma_start3A_77] : memref<32x10x10x100xi32, #tpu.memory_space<hbm>> -> memref<1x1x10x100xi32, #tpu.memory_space<hbm>>
      %dma_start3A_79 = tpu.memref_squeeze %dma_start3A_78 : memref<1x1x10x100xi32, #tpu.memory_space<hbm>> -> memref<10x100xi32, #tpu.memory_space<hbm>>
      %dma_start3A_80 = arith.constant 0 : i32
      %dma_start3A_81 = arith.constant 0 : i32
      %dma_start3A_82 = tpu.memref_slice %arg7[%run_scoped3A_16, %dma_start3A_80, %dma_start3A_81] : memref<2x10x100xi32, #tpu.memory_space<vmem>> -> memref<1x10x100xi32, #tpu.memory_space<vmem>>
      %dma_start3A_83 = tpu.memref_squeeze %dma_start3A_82 : memref<1x10x100xi32, #tpu.memory_space<vmem>> -> memref<10x100xi32, #tpu.memory_space<vmem>>
      %dma_start3A_84 = arith.constant 0 : i32
      %dma_start3A_85 = arith.constant 0 : i32
      %dma_start3A_86 = tpu.memref_slice %arg4[%add3A, %run_scoped3A_15, %dma_start3A_84, %dma_start3A_85] : memref<32x10x10x100xi32, #tpu.memory_space<hbm>> -> memref<1x1x10x100xi32, #tpu.memory_space<hbm>>
      %dma_start3A_87 = tpu.memref_squeeze %dma_start3A_86 : memref<1x1x10x100xi32, #tpu.memory_space<hbm>> -> memref<10x100xi32, #tpu.memory_space<hbm>>
      tpu.enqueue_dma source(%dma_start3A_87 : memref<10x100xi32, #tpu.memory_space<hbm>>) target(%dma_start3A_83 : memref<10x100xi32, #tpu.memory_space<vmem>>) target_semaphore(%run_scoped3A_71 : memref<!tpu.dma_semaphore, #tpu.memory_space<semaphore_mem>>)
      %dma_wait3A_88 = arith.constant 0 : i32
      %dma_wait3A_89 = arith.constant 0 : i32
      %dma_wait3A_90 = tpu.memref_slice %arg7[%run_scoped3A_16, %dma_wait3A_88, %dma_wait3A_89] : memref<2x10x100xi32, #tpu.memory_space<vmem>> -> memref<1x10x100xi32, #tpu.memory_space<vmem>>
      %dma_wait3A_91 = tpu.memref_squeeze %dma_wait3A_90 : memref<1x10x100xi32, #tpu.memory_space<vmem>> -> memref<10x100xi32, #tpu.memory_space<vmem>>
      %dma_wait3A_92 = arith.constant 0 : i32
      %dma_wait3A_93 = arith.constant 0 : i32
      %dma_wait3A_94 = tpu.memref_slice %arg4[%add3A, %run_scoped3A_15, %dma_wait3A_92, %dma_wait3A_93] : memref<32x10x10x100xi32, #tpu.memory_space<hbm>> -> memref<1x1x10x100xi32, #tpu.memory_space<hbm>>
      %dma_wait3A_95 = tpu.memref_squeeze %dma_wait3A_94 : memref<1x1x10x100xi32, #tpu.memory_space<hbm>> -> memref<10x100xi32, #tpu.memory_space<hbm>>
      %dma_wait3A_96 = arith.constant 0 : i32
      %dma_wait3A_97 = arith.constant 0 : i32
      %dma_wait3A_98 = tpu.memref_slice %arg7[%run_scoped3A_16, %dma_wait3A_96, %dma_wait3A_97] : memref<2x10x100xi32, #tpu.memory_space<vmem>> -> memref<1x10x100xi32, #tpu.memory_space<vmem>>
      %dma_wait3A_99 = tpu.memref_squeeze %dma_wait3A_98 : memref<1x10x100xi32, #tpu.memory_space<vmem>> -> memref<10x100xi32, #tpu.memory_space<vmem>>
      %dma_wait3A_100 = arith.constant 0 : i32
      %dma_wait3A_101 = arith.constant 0 : i32
      %dma_wait3A_102 = tpu.memref_slice %arg4[%add3A, %run_scoped3A_15, %dma_wait3A_100, %dma_wait3A_101] : memref<32x10x10x100xi32, #tpu.memory_space<hbm>> -> memref<1x1x10x100xi32, #tpu.memory_space<hbm>>
      %dma_wait3A_103 = tpu.memref_squeeze %dma_wait3A_102 : memref<1x1x10x100xi32, #tpu.memory_space<hbm>> -> memref<10x100xi32, #tpu.memory_space<hbm>>
      tpu.wait_dma2 semaphore(%run_scoped3A_71 : memref<!tpu.dma_semaphore, #tpu.memory_space<semaphore_mem>>) src(%dma_wait3A_103 : memref<10x100xi32, #tpu.memory_space<hbm>>) dst(%dma_wait3A_99 : memref<10x100xi32, #tpu.memory_space<vmem>>)
      tpu.yield
    }) : () -> ()
    %barrier3A = arith.constant 0 : index
    tpu.barrier barrier_id(%barrier3A)
    %dma_start3A = arith.constant 0 : i32
    %dma_start3A_17 = arith.constant 0 : i32
    %dma_start3A_18 = arith.constant 0 : i32
    %dma_start3A_19 = arith.constant 0 : i32
    %dma_start3A_20 = arith.constant 0 : i32
    %dma_start3A_21 = tpu.memref_slice %arg8[%dma_start3A_18, %dma_start3A_19, %dma_start3A_20] : memref<3x100x128xf32, #tpu.memory_space<vmem>> -> memref<1x100x128xf32, #tpu.memory_space<vmem>>
    %dma_start3A_22 = tpu.memref_squeeze %dma_start3A_21 : memref<1x100x128xf32, #tpu.memory_space<vmem>> -> memref<100x128xf32, #tpu.memory_space<vmem>>
    %dma_start3A_23 = arith.constant 0 : i32
    %dma_start3A_24 = tpu.memref_slice %arg6[%dma_start3A, %dma_start3A_17, %dma_start3A_23] : memref<2x10x100xi32, #tpu.memory_space<vmem>> -> memref<1x1x100xi32, #tpu.memory_space<vmem>>
    %dma_start3A_25 = tpu.memref_squeeze %dma_start3A_24 : memref<1x1x100xi32, #tpu.memory_space<vmem>> -> memref<100xi32, #tpu.memory_space<vmem>>
    %dma_start3A_26 = arith.constant 0 : i32
    %dma_start3A_27 = arith.constant 0 : i32
    %dma_start3A_28 = tpu.memref_slice %arg2[%dma_start3A_26, %dma_start3A_27] : memref<10000x128xf32, #tpu.memory_space<hbm>> -> memref<10000x128xf32, #tpu.memory_space<hbm>>
    tpu.enqueue_indirect_dma source(%dma_start3A_28 : memref<10000x128xf32, #tpu.memory_space<hbm>>) target(%dma_start3A_22 : memref<100x128xf32, #tpu.memory_space<vmem>>) offsets(%dma_start3A_25 : memref<100xi32, #tpu.memory_space<vmem>>) semaphore(%arg9 : memref<!tpu.dma_semaphore, #tpu.memory_space<semaphore_mem>>)
    %dma_start3A_29 = arith.constant 0 : i32
    %dma_start3A_30 = arith.constant 1 : i32
    %dma_start3A_31 = arith.constant 1 : i32
    %dma_start3A_32 = arith.constant 0 : i32
    %dma_start3A_33 = arith.constant 0 : i32
    %dma_start3A_34 = tpu.memref_slice %arg8[%dma_start3A_31, %dma_start3A_32, %dma_start3A_33] : memref<3x100x128xf32, #tpu.memory_space<vmem>> -> memref<1x100x128xf32, #tpu.memory_space<vmem>>
    %dma_start3A_35 = tpu.memref_squeeze %dma_start3A_34 : memref<1x100x128xf32, #tpu.memory_space<vmem>> -> memref<100x128xf32, #tpu.memory_space<vmem>>
    %dma_start3A_36 = arith.constant 0 : i32
    %dma_start3A_37 = tpu.memref_slice %arg6[%dma_start3A_29, %dma_start3A_30, %dma_start3A_36] : memref<2x10x100xi32, #tpu.memory_space<vmem>> -> memref<1x1x100xi32, #tpu.memory_space<vmem>>
    %dma_start3A_38 = tpu.memref_squeeze %dma_start3A_37 : memref<1x1x100xi32, #tpu.memory_space<vmem>> -> memref<100xi32, #tpu.memory_space<vmem>>
    %dma_start3A_39 = arith.constant 0 : i32
    %dma_start3A_40 = arith.constant 0 : i32
    %dma_start3A_41 = tpu.memref_slice %arg2[%dma_start3A_39, %dma_start3A_40] : memref<10000x128xf32, #tpu.memory_space<hbm>> -> memref<10000x128xf32, #tpu.memory_space<hbm>>
    tpu.enqueue_indirect_dma source(%dma_start3A_41 : memref<10000x128xf32, #tpu.memory_space<hbm>>) target(%dma_start3A_35 : memref<100x128xf32, #tpu.memory_space<vmem>>) offsets(%dma_start3A_38 : memref<100xi32, #tpu.memory_space<vmem>>) semaphore(%arg9 : memref<!tpu.dma_semaphore, #tpu.memory_space<semaphore_mem>>)
    %scan3A_42 = arith.constant 0 : i32
    %scan3A_43 = arith.constant 0 : i32
    %scan3A_44 = arith.constant 100 : i32
    %scan3A_45 = arith.addi %scan3A_43, %scan3A_44 : i32
    %scan3A_46 = arith.constant 1 : i32
    scf.for %scan3A_71 = %scan3A_43 to %scan3A_45 step %scan3A_46  : i32 {
      %jit3A = arith.constant 3 : i32
      %eq3A_72 = arith.constant 0 : i32
      %eq3A_73 = arith.cmpi eq, %jit3A, %eq3A_72 : i32
      %jit3A_74 = arith.constant 1 : i32
      %select_n3A = arith.select %eq3A_73, %jit3A_74, %jit3A : i32
      %rem3A = arith.remsi %scan3A_71, %select_n3A : i32
      %ne3A = arith.constant 0 : i32
      %ne3A_75 = arith.cmpi ne, %rem3A, %ne3A : i32
      %lt3A_76 = arith.constant 0 : i32
      %lt3A_77 = arith.cmpi slt, %rem3A, %lt3A_76 : i32
      %lt3A_78 = arith.constant 0 : i32
      %lt3A_79 = arith.cmpi slt, %select_n3A, %lt3A_78 : i32
      %ne3A_80 = arith.xori %lt3A_77, %lt3A_79 : i1
      %and3A = arith.andi %ne3A_80, %ne3A_75 : i1
      %add3A_81 = arith.addi %rem3A, %select_n3A : i32
      %select_n3A_82 = arith.select %and3A, %add3A_81, %rem3A : i32
      %add3A_83 = arith.constant 2 : i32
      %add3A_84 = arith.addi %scan3A_71, %add3A_83 : i32
      %jit3A_85 = arith.constant 10 : i32
      %eq3A_86 = arith.constant 0 : i32
      %eq3A_87 = arith.cmpi eq, %jit3A_85, %eq3A_86 : i32
      %jit3A_88 = arith.constant 1 : i32
      %select_n3A_89 = arith.select %eq3A_87, %jit3A_88, %jit3A_85 : i32
      %rem3A_90 = arith.remsi %add3A_84, %select_n3A_89 : i32
      %ne3A_91 = arith.constant 0 : i32
      %ne3A_92 = arith.cmpi ne, %rem3A_90, %ne3A_91 : i32
      %lt3A_93 = arith.constant 0 : i32
      %lt3A_94 = arith.cmpi slt, %rem3A_90, %lt3A_93 : i32
      %lt3A_95 = arith.constant 0 : i32
      %lt3A_96 = arith.cmpi slt, %select_n3A_89, %lt3A_95 : i32
      %ne3A_97 = arith.xori %lt3A_94, %lt3A_96 : i1
      %and3A_98 = arith.andi %ne3A_97, %ne3A_92 : i1
      %add3A_99 = arith.addi %rem3A_90, %select_n3A_89 : i32
      %select_n3A_100 = arith.select %and3A_98, %add3A_99, %rem3A_90 : i32
      %eq3A_101 = arith.constant 0 : i32
      %eq3A_102 = arith.cmpi eq, %select_n3A_100, %eq3A_101 : i32
      %add3A_103 = arith.constant 2 : i32
      %add3A_104 = arith.addi %scan3A_71, %add3A_103 : i32
      %lt3A_105 = arith.constant 100 : i32
      %lt3A_106 = arith.cmpi slt, %add3A_104, %lt3A_105 : i32
      %and3A_107 = arith.andi %eq3A_102, %lt3A_106 : i1
      %convert_element_type3A_108 = arith.extui %and3A_107 : i1 to i32
      %cond3A_109 = arith.constant 0 : i32
      %cond3A_110 = arith.cmpi ne, %convert_element_type3A_108, %cond3A_109 : i32
      scf.if %cond3A_110 {
        %add3A_251 = arith.constant 2 : i32
        %add3A_252 = arith.addi %scan3A_71, %add3A_251 : i32
        %jit3A_253 = arith.constant 10 : i32
        %div3A_254 = arith.divsi %add3A_252, %jit3A_253 : i32
        %sign3A_255 = arith.constant 0 : i32
        %sign3A_256 = arith.cmpi sgt, %add3A_252, %sign3A_255 : i32
        %sign3A_257 = arith.extui %sign3A_256 : i1 to i32
        %sign3A_258 = arith.constant 0 : i32
        %sign3A_259 = arith.cmpi slt, %add3A_252, %sign3A_258 : i32
        %sign3A_260 = arith.extui %sign3A_259 : i1 to i32
        %sign3A_261 = arith.subi %sign3A_257, %sign3A_260 : i32
        %sign3A_262 = arith.constant 0 : i32
        %sign3A_263 = arith.cmpi sgt, %jit3A_253, %sign3A_262 : i32
        %sign3A_264 = arith.extui %sign3A_263 : i1 to i32
        %sign3A_265 = arith.constant 0 : i32
        %sign3A_266 = arith.cmpi slt, %jit3A_253, %sign3A_265 : i32
        %sign3A_267 = arith.extui %sign3A_266 : i1 to i32
        %sign3A_268 = arith.subi %sign3A_264, %sign3A_267 : i32
        %ne3A_269 = arith.cmpi ne, %sign3A_261, %sign3A_268 : i32
        %rem3A_270 = arith.remsi %add3A_252, %jit3A_253 : i32
        %ne3A_271 = arith.constant 0 : i32
        %ne3A_272 = arith.cmpi ne, %rem3A_270, %ne3A_271 : i32
        %and3A_273 = arith.andi %ne3A_269, %ne3A_272 : i1
        %sub3A_274 = arith.constant 1 : i32
        %sub3A_275 = arith.subi %div3A_254, %sub3A_274 : i32
        %select_n3A_276 = arith.select %and3A_273, %sub3A_275, %div3A_254 : i32
        %jit3A_277 = arith.constant 2 : i32
        %eq3A_278 = arith.constant 0 : i32
        %eq3A_279 = arith.cmpi eq, %jit3A_277, %eq3A_278 : i32
        %jit3A_280 = arith.constant 1 : i32
        %select_n3A_281 = arith.select %eq3A_279, %jit3A_280, %jit3A_277 : i32
        %rem3A_282 = arith.remsi %select_n3A_276, %select_n3A_281 : i32
        %ne3A_283 = arith.constant 0 : i32
        %ne3A_284 = arith.cmpi ne, %rem3A_282, %ne3A_283 : i32
        %lt3A_285 = arith.constant 0 : i32
        %lt3A_286 = arith.cmpi slt, %rem3A_282, %lt3A_285 : i32
        %lt3A_287 = arith.constant 0 : i32
        %lt3A_288 = arith.cmpi slt, %select_n3A_281, %lt3A_287 : i32
        %ne3A_289 = arith.xori %lt3A_286, %lt3A_288 : i1
        %and3A_290 = arith.andi %ne3A_289, %ne3A_284 : i1
        %add3A_291 = arith.addi %rem3A_282, %select_n3A_281 : i32
        %select_n3A_292 = arith.select %and3A_290, %add3A_291, %rem3A_282 : i32
        "tpu.region"() ({
          %run_scoped3A_309 = tpu.sem_alloc : memref<!tpu.dma_semaphore, #tpu.memory_space<semaphore_mem>>
          %dma_start3A_310 = arith.constant 0 : i32
          %dma_start3A_311 = arith.constant 0 : i32
          %dma_start3A_312 = tpu.memref_slice %arg6[%select_n3A_292, %dma_start3A_310, %dma_start3A_311] : memref<2x10x100xi32, #tpu.memory_space<vmem>> -> memref<1x10x100xi32, #tpu.memory_space<vmem>>
          %dma_start3A_313 = tpu.memref_squeeze %dma_start3A_312 : memref<1x10x100xi32, #tpu.memory_space<vmem>> -> memref<10x100xi32, #tpu.memory_space<vmem>>
          %dma_start3A_314 = arith.constant 0 : i32
          %dma_start3A_315 = arith.constant 0 : i32
          %dma_start3A_316 = tpu.memref_slice %arg3[%add3A, %select_n3A_276, %dma_start3A_314, %dma_start3A_315] : memref<32x10x10x100xi32, #tpu.memory_space<hbm>> -> memref<1x1x10x100xi32, #tpu.memory_space<hbm>>
          %dma_start3A_317 = tpu.memref_squeeze %dma_start3A_316 : memref<1x1x10x100xi32, #tpu.memory_space<hbm>> -> memref<10x100xi32, #tpu.memory_space<hbm>>
          %dma_start3A_318 = arith.constant 0 : i32
          %dma_start3A_319 = arith.constant 0 : i32
          %dma_start3A_320 = tpu.memref_slice %arg6[%select_n3A_292, %dma_start3A_318, %dma_start3A_319] : memref<2x10x100xi32, #tpu.memory_space<vmem>> -> memref<1x10x100xi32, #tpu.memory_space<vmem>>
          %dma_start3A_321 = tpu.memref_squeeze %dma_start3A_320 : memref<1x10x100xi32, #tpu.memory_space<vmem>> -> memref<10x100xi32, #tpu.memory_space<vmem>>
          %dma_start3A_322 = arith.constant 0 : i32
          %dma_start3A_323 = arith.constant 0 : i32
          %dma_start3A_324 = tpu.memref_slice %arg3[%add3A, %select_n3A_276, %dma_start3A_322, %dma_start3A_323] : memref<32x10x10x100xi32, #tpu.memory_space<hbm>> -> memref<1x1x10x100xi32, #tpu.memory_space<hbm>>
          %dma_start3A_325 = tpu.memref_squeeze %dma_start3A_324 : memref<1x1x10x100xi32, #tpu.memory_space<hbm>> -> memref<10x100xi32, #tpu.memory_space<hbm>>
          tpu.enqueue_dma source(%dma_start3A_325 : memref<10x100xi32, #tpu.memory_space<hbm>>) target(%dma_start3A_321 : memref<10x100xi32, #tpu.memory_space<vmem>>) target_semaphore(%run_scoped3A_309 : memref<!tpu.dma_semaphore, #tpu.memory_space<semaphore_mem>>)
          %dma_wait3A_326 = arith.constant 0 : i32
          %dma_wait3A_327 = arith.constant 0 : i32
          %dma_wait3A_328 = tpu.memref_slice %arg6[%select_n3A_292, %dma_wait3A_326, %dma_wait3A_327] : memref<2x10x100xi32, #tpu.memory_space<vmem>> -> memref<1x10x100xi32, #tpu.memory_space<vmem>>
          %dma_wait3A_329 = tpu.memref_squeeze %dma_wait3A_328 : memref<1x10x100xi32, #tpu.memory_space<vmem>> -> memref<10x100xi32, #tpu.memory_space<vmem>>
          %dma_wait3A_330 = arith.constant 0 : i32
          %dma_wait3A_331 = arith.constant 0 : i32
          %dma_wait3A_332 = tpu.memref_slice %arg3[%add3A, %select_n3A_276, %dma_wait3A_330, %dma_wait3A_331] : memref<32x10x10x100xi32, #tpu.memory_space<hbm>> -> memref<1x1x10x100xi32, #tpu.memory_space<hbm>>
          %dma_wait3A_333 = tpu.memref_squeeze %dma_wait3A_332 : memref<1x1x10x100xi32, #tpu.memory_space<hbm>> -> memref<10x100xi32, #tpu.memory_space<hbm>>
          %dma_wait3A_334 = arith.constant 0 : i32
          %dma_wait3A_335 = arith.constant 0 : i32
          %dma_wait3A_336 = tpu.memref_slice %arg6[%select_n3A_292, %dma_wait3A_334, %dma_wait3A_335] : memref<2x10x100xi32, #tpu.memory_space<vmem>> -> memref<1x10x100xi32, #tpu.memory_space<vmem>>
          %dma_wait3A_337 = tpu.memref_squeeze %dma_wait3A_336 : memref<1x10x100xi32, #tpu.memory_space<vmem>> -> memref<10x100xi32, #tpu.memory_space<vmem>>
          %dma_wait3A_338 = arith.constant 0 : i32
          %dma_wait3A_339 = arith.constant 0 : i32
          %dma_wait3A_340 = tpu.memref_slice %arg3[%add3A, %select_n3A_276, %dma_wait3A_338, %dma_wait3A_339] : memref<32x10x10x100xi32, #tpu.memory_space<hbm>> -> memref<1x1x10x100xi32, #tpu.memory_space<hbm>>
          %dma_wait3A_341 = tpu.memref_squeeze %dma_wait3A_340 : memref<1x1x10x100xi32, #tpu.memory_space<hbm>> -> memref<10x100xi32, #tpu.memory_space<hbm>>
          tpu.wait_dma2 semaphore(%run_scoped3A_309 : memref<!tpu.dma_semaphore, #tpu.memory_space<semaphore_mem>>) src(%dma_wait3A_341 : memref<10x100xi32, #tpu.memory_space<hbm>>) dst(%dma_wait3A_337 : memref<10x100xi32, #tpu.memory_space<vmem>>)
          tpu.yield
        }) : () -> ()
        %jit3A_293 = arith.constant 2 : i32
        %eq3A_294 = arith.constant 0 : i32
        %eq3A_295 = arith.cmpi eq, %jit3A_293, %eq3A_294 : i32
        %jit3A_296 = arith.constant 1 : i32
        %select_n3A_297 = arith.select %eq3A_295, %jit3A_296, %jit3A_293 : i32
        %rem3A_298 = arith.remsi %select_n3A_276, %select_n3A_297 : i32
        %ne3A_299 = arith.constant 0 : i32
        %ne3A_300 = arith.cmpi ne, %rem3A_298, %ne3A_299 : i32
        %lt3A_301 = arith.constant 0 : i32
        %lt3A_302 = arith.cmpi slt, %rem3A_298, %lt3A_301 : i32
        %lt3A_303 = arith.constant 0 : i32
        %lt3A_304 = arith.cmpi slt, %select_n3A_297, %lt3A_303 : i32
        %ne3A_305 = arith.xori %lt3A_302, %lt3A_304 : i1
        %and3A_306 = arith.andi %ne3A_305, %ne3A_300 : i1
        %add3A_307 = arith.addi %rem3A_298, %select_n3A_297 : i32
        %select_n3A_308 = arith.select %and3A_306, %add3A_307, %rem3A_298 : i32
        "tpu.region"() ({
          %run_scoped3A_309 = tpu.sem_alloc : memref<!tpu.dma_semaphore, #tpu.memory_space<semaphore_mem>>
          %dma_start3A_310 = arith.constant 0 : i32
          %dma_start3A_311 = arith.constant 0 : i32
          %dma_start3A_312 = tpu.memref_slice %arg7[%select_n3A_308, %dma_start3A_310, %dma_start3A_311] : memref<2x10x100xi32, #tpu.memory_space<vmem>> -> memref<1x10x100xi32, #tpu.memory_space<vmem>>
          %dma_start3A_313 = tpu.memref_squeeze %dma_start3A_312 : memref<1x10x100xi32, #tpu.memory_space<vmem>> -> memref<10x100xi32, #tpu.memory_space<vmem>>
          %dma_start3A_314 = arith.constant 0 : i32
          %dma_start3A_315 = arith.constant 0 : i32
          %dma_start3A_316 = tpu.memref_slice %arg4[%add3A, %select_n3A_276, %dma_start3A_314, %dma_start3A_315] : memref<32x10x10x100xi32, #tpu.memory_space<hbm>> -> memref<1x1x10x100xi32, #tpu.memory_space<hbm>>
          %dma_start3A_317 = tpu.memref_squeeze %dma_start3A_316 : memref<1x1x10x100xi32, #tpu.memory_space<hbm>> -> memref<10x100xi32, #tpu.memory_space<hbm>>
          %dma_start3A_318 = arith.constant 0 : i32
          %dma_start3A_319 = arith.constant 0 : i32
          %dma_start3A_320 = tpu.memref_slice %arg7[%select_n3A_308, %dma_start3A_318, %dma_start3A_319] : memref<2x10x100xi32, #tpu.memory_space<vmem>> -> memref<1x10x100xi32, #tpu.memory_space<vmem>>
          %dma_start3A_321 = tpu.memref_squeeze %dma_start3A_320 : memref<1x10x100xi32, #tpu.memory_space<vmem>> -> memref<10x100xi32, #tpu.memory_space<vmem>>
          %dma_start3A_322 = arith.constant 0 : i32
          %dma_start3A_323 = arith.constant 0 : i32
          %dma_start3A_324 = tpu.memref_slice %arg4[%add3A, %select_n3A_276, %dma_start3A_322, %dma_start3A_323] : memref<32x10x10x100xi32, #tpu.memory_space<hbm>> -> memref<1x1x10x100xi32, #tpu.memory_space<hbm>>
          %dma_start3A_325 = tpu.memref_squeeze %dma_start3A_324 : memref<1x1x10x100xi32, #tpu.memory_space<hbm>> -> memref<10x100xi32, #tpu.memory_space<hbm>>
          tpu.enqueue_dma source(%dma_start3A_325 : memref<10x100xi32, #tpu.memory_space<hbm>>) target(%dma_start3A_321 : memref<10x100xi32, #tpu.memory_space<vmem>>) target_semaphore(%run_scoped3A_309 : memref<!tpu.dma_semaphore, #tpu.memory_space<semaphore_mem>>)
          %dma_wait3A_326 = arith.constant 0 : i32
          %dma_wait3A_327 = arith.constant 0 : i32
          %dma_wait3A_328 = tpu.memref_slice %arg7[%select_n3A_308, %dma_wait3A_326, %dma_wait3A_327] : memref<2x10x100xi32, #tpu.memory_space<vmem>> -> memref<1x10x100xi32, #tpu.memory_space<vmem>>
          %dma_wait3A_329 = tpu.memref_squeeze %dma_wait3A_328 : memref<1x10x100xi32, #tpu.memory_space<vmem>> -> memref<10x100xi32, #tpu.memory_space<vmem>>
          %dma_wait3A_330 = arith.constant 0 : i32
          %dma_wait3A_331 = arith.constant 0 : i32
          %dma_wait3A_332 = tpu.memref_slice %arg4[%add3A, %select_n3A_276, %dma_wait3A_330, %dma_wait3A_331] : memref<32x10x10x100xi32, #tpu.memory_space<hbm>> -> memref<1x1x10x100xi32, #tpu.memory_space<hbm>>
          %dma_wait3A_333 = tpu.memref_squeeze %dma_wait3A_332 : memref<1x1x10x100xi32, #tpu.memory_space<hbm>> -> memref<10x100xi32, #tpu.memory_space<hbm>>
          %dma_wait3A_334 = arith.constant 0 : i32
          %dma_wait3A_335 = arith.constant 0 : i32
          %dma_wait3A_336 = tpu.memref_slice %arg7[%select_n3A_308, %dma_wait3A_334, %dma_wait3A_335] : memref<2x10x100xi32, #tpu.memory_space<vmem>> -> memref<1x10x100xi32, #tpu.memory_space<vmem>>
          %dma_wait3A_337 = tpu.memref_squeeze %dma_wait3A_336 : memref<1x10x100xi32, #tpu.memory_space<vmem>> -> memref<10x100xi32, #tpu.memory_space<vmem>>
          %dma_wait3A_338 = arith.constant 0 : i32
          %dma_wait3A_339 = arith.constant 0 : i32
          %dma_wait3A_340 = tpu.memref_slice %arg4[%add3A, %select_n3A_276, %dma_wait3A_338, %dma_wait3A_339] : memref<32x10x10x100xi32, #tpu.memory_space<hbm>> -> memref<1x1x10x100xi32, #tpu.memory_space<hbm>>
          %dma_wait3A_341 = tpu.memref_squeeze %dma_wait3A_340 : memref<1x1x10x100xi32, #tpu.memory_space<hbm>> -> memref<10x100xi32, #tpu.memory_space<hbm>>
          tpu.wait_dma2 semaphore(%run_scoped3A_309 : memref<!tpu.dma_semaphore, #tpu.memory_space<semaphore_mem>>) src(%dma_wait3A_341 : memref<10x100xi32, #tpu.memory_space<hbm>>) dst(%dma_wait3A_337 : memref<10x100xi32, #tpu.memory_space<vmem>>)
          tpu.yield
        }) : () -> ()
      } else {
      }
      %jit3A_111 = arith.constant 10 : i32
      %div3A = arith.divsi %scan3A_71, %jit3A_111 : i32
      %sign3A = arith.constant 0 : i32
      %sign3A_112 = arith.cmpi sgt, %scan3A_71, %sign3A : i32
      %sign3A_113 = arith.extui %sign3A_112 : i1 to i32
      %sign3A_114 = arith.constant 0 : i32
      %sign3A_115 = arith.cmpi slt, %scan3A_71, %sign3A_114 : i32
      %sign3A_116 = arith.extui %sign3A_115 : i1 to i32
      %sign3A_117 = arith.subi %sign3A_113, %sign3A_116 : i32
      %sign3A_118 = arith.constant 0 : i32
      %sign3A_119 = arith.cmpi sgt, %jit3A_111, %sign3A_118 : i32
      %sign3A_120 = arith.extui %sign3A_119 : i1 to i32
      %sign3A_121 = arith.constant 0 : i32
      %sign3A_122 = arith.cmpi slt, %jit3A_111, %sign3A_121 : i32
      %sign3A_123 = arith.extui %sign3A_122 : i1 to i32
      %sign3A_124 = arith.subi %sign3A_120, %sign3A_123 : i32
      %ne3A_125 = arith.cmpi ne, %sign3A_117, %sign3A_124 : i32
      %rem3A_126 = arith.remsi %scan3A_71, %jit3A_111 : i32
      %ne3A_127 = arith.constant 0 : i32
      %ne3A_128 = arith.cmpi ne, %rem3A_126, %ne3A_127 : i32
      %and3A_129 = arith.andi %ne3A_125, %ne3A_128 : i1
      %sub3A = arith.constant 1 : i32
      %sub3A_130 = arith.subi %div3A, %sub3A : i32
      %select_n3A_131 = arith.select %and3A_129, %sub3A_130, %div3A : i32
      %jit3A_132 = arith.constant 2 : i32
      %eq3A_133 = arith.constant 0 : i32
      %eq3A_134 = arith.cmpi eq, %jit3A_132, %eq3A_133 : i32
      %jit3A_135 = arith.constant 1 : i32
      %select_n3A_136 = arith.select %eq3A_134, %jit3A_135, %jit3A_132 : i32
      %rem3A_137 = arith.remsi %select_n3A_131, %select_n3A_136 : i32
      %ne3A_138 = arith.constant 0 : i32
      %ne3A_139 = arith.cmpi ne, %rem3A_137, %ne3A_138 : i32
      %lt3A_140 = arith.constant 0 : i32
      %lt3A_141 = arith.cmpi slt, %rem3A_137, %lt3A_140 : i32
      %lt3A_142 = arith.constant 0 : i32
      %lt3A_143 = arith.cmpi slt, %select_n3A_136, %lt3A_142 : i32
      %ne3A_144 = arith.xori %lt3A_141, %lt3A_143 : i1
      %and3A_145 = arith.andi %ne3A_144, %ne3A_139 : i1
      %add3A_146 = arith.addi %rem3A_137, %select_n3A_136 : i32
      %select_n3A_147 = arith.select %and3A_145, %add3A_146, %rem3A_137 : i32
      %jit3A_148 = arith.constant 10 : i32
      %eq3A_149 = arith.constant 0 : i32
      %eq3A_150 = arith.cmpi eq, %jit3A_148, %eq3A_149 : i32
      %jit3A_151 = arith.constant 1 : i32
      %select_n3A_152 = arith.select %eq3A_150, %jit3A_151, %jit3A_148 : i32
      %rem3A_153 = arith.remsi %scan3A_71, %select_n3A_152 : i32
      %ne3A_154 = arith.constant 0 : i32
      %ne3A_155 = arith.cmpi ne, %rem3A_153, %ne3A_154 : i32
      %lt3A_156 = arith.constant 0 : i32
      %lt3A_157 = arith.cmpi slt, %rem3A_153, %lt3A_156 : i32
      %lt3A_158 = arith.constant 0 : i32
      %lt3A_159 = arith.cmpi slt, %select_n3A_152, %lt3A_158 : i32
      %ne3A_160 = arith.xori %lt3A_157, %lt3A_159 : i1
      %and3A_161 = arith.andi %ne3A_160, %ne3A_155 : i1
      %add3A_162 = arith.addi %rem3A_153, %select_n3A_152 : i32
      %select_n3A_163 = arith.select %and3A_161, %add3A_162, %rem3A_153 : i32
      %dma_wait3A_164 = arith.constant 0 : i32
      %dma_wait3A_165 = arith.constant 0 : i32
      %dma_wait3A_166 = tpu.memref_slice %arg8[%select_n3A_82, %dma_wait3A_164, %dma_wait3A_165] : memref<3x100x128xf32, #tpu.memory_space<vmem>> -> memref<1x100x128xf32, #tpu.memory_space<vmem>>
      %dma_wait3A_167 = tpu.memref_squeeze %dma_wait3A_166 : memref<1x100x128xf32, #tpu.memory_space<vmem>> -> memref<100x128xf32, #tpu.memory_space<vmem>>
      %dma_wait3A_168 = arith.constant 0 : i32
      %dma_wait3A_169 = tpu.memref_slice %arg6[%select_n3A_147, %select_n3A_163, %dma_wait3A_168] : memref<2x10x100xi32, #tpu.memory_space<vmem>> -> memref<1x1x100xi32, #tpu.memory_space<vmem>>
      %dma_wait3A_170 = tpu.memref_squeeze %dma_wait3A_169 : memref<1x1x100xi32, #tpu.memory_space<vmem>> -> memref<100xi32, #tpu.memory_space<vmem>>
      %dma_wait3A_171 = arith.constant 0 : i32
      %dma_wait3A_172 = arith.constant 0 : i32
      %dma_wait3A_173 = tpu.memref_slice %arg2[%dma_wait3A_171, %dma_wait3A_172] : memref<10000x128xf32, #tpu.memory_space<hbm>> -> memref<10000x128xf32, #tpu.memory_space<hbm>>
      tpu.wait_indirect_dma semaphore(%arg9 : memref<!tpu.dma_semaphore, #tpu.memory_space<semaphore_mem>>) src(%dma_wait3A_173 : memref<10000x128xf32, #tpu.memory_space<hbm>>) dst(%dma_wait3A_167 : memref<100x128xf32, #tpu.memory_space<vmem>>)
      %jit3A_174 = arith.constant 10 : i32
      %div3A_175 = arith.divsi %scan3A_71, %jit3A_174 : i32
      %sign3A_176 = arith.constant 0 : i32
      %sign3A_177 = arith.cmpi sgt, %scan3A_71, %sign3A_176 : i32
      %sign3A_178 = arith.extui %sign3A_177 : i1 to i32
      %sign3A_179 = arith.constant 0 : i32
      %sign3A_180 = arith.cmpi slt, %scan3A_71, %sign3A_179 : i32
      %sign3A_181 = arith.extui %sign3A_180 : i1 to i32
      %sign3A_182 = arith.subi %sign3A_178, %sign3A_181 : i32
      %sign3A_183 = arith.constant 0 : i32
      %sign3A_184 = arith.cmpi sgt, %jit3A_174, %sign3A_183 : i32
      %sign3A_185 = arith.extui %sign3A_184 : i1 to i32
      %sign3A_186 = arith.constant 0 : i32
      %sign3A_187 = arith.cmpi slt, %jit3A_174, %sign3A_186 : i32
      %sign3A_188 = arith.extui %sign3A_187 : i1 to i32
      %sign3A_189 = arith.subi %sign3A_185, %sign3A_188 : i32
      %ne3A_190 = arith.cmpi ne, %sign3A_182, %sign3A_189 : i32
      %rem3A_191 = arith.remsi %scan3A_71, %jit3A_174 : i32
      %ne3A_192 = arith.constant 0 : i32
      %ne3A_193 = arith.cmpi ne, %rem3A_191, %ne3A_192 : i32
      %and3A_194 = arith.andi %ne3A_190, %ne3A_193 : i1
      %sub3A_195 = arith.constant 1 : i32
      %sub3A_196 = arith.subi %div3A_175, %sub3A_195 : i32
      %select_n3A_197 = arith.select %and3A_194, %sub3A_196, %div3A_175 : i32
      %jit3A_198 = arith.constant 2 : i32
      %eq3A_199 = arith.constant 0 : i32
      %eq3A_200 = arith.cmpi eq, %jit3A_198, %eq3A_199 : i32
      %jit3A_201 = arith.constant 1 : i32
      %select_n3A_202 = arith.select %eq3A_200, %jit3A_201, %jit3A_198 : i32
      %rem3A_203 = arith.remsi %select_n3A_197, %select_n3A_202 : i32
      %ne3A_204 = arith.constant 0 : i32
      %ne3A_205 = arith.cmpi ne, %rem3A_203, %ne3A_204 : i32
      %lt3A_206 = arith.constant 0 : i32
      %lt3A_207 = arith.cmpi slt, %rem3A_203, %lt3A_206 : i32
      %lt3A_208 = arith.constant 0 : i32
      %lt3A_209 = arith.cmpi slt, %select_n3A_202, %lt3A_208 : i32
      %ne3A_210 = arith.xori %lt3A_207, %lt3A_209 : i1
      %and3A_211 = arith.andi %ne3A_210, %ne3A_205 : i1
      %add3A_212 = arith.addi %rem3A_203, %select_n3A_202 : i32
      %select_n3A_213 = arith.select %and3A_211, %add3A_212, %rem3A_203 : i32
      %jit3A_214 = arith.constant 10 : i32
      %eq3A_215 = arith.constant 0 : i32
      %eq3A_216 = arith.cmpi eq, %jit3A_214, %eq3A_215 : i32
      %jit3A_217 = arith.constant 1 : i32
      %select_n3A_218 = arith.select %eq3A_216, %jit3A_217, %jit3A_214 : i32
      %rem3A_219 = arith.remsi %scan3A_71, %select_n3A_218 : i32
      %ne3A_220 = arith.constant 0 : i32
      %ne3A_221 = arith.cmpi ne, %rem3A_219, %ne3A_220 : i32
      %lt3A_222 = arith.constant 0 : i32
      %lt3A_223 = arith.cmpi slt, %rem3A_219, %lt3A_222 : i32
      %lt3A_224 = arith.constant 0 : i32
      %lt3A_225 = arith.cmpi slt, %select_n3A_218, %lt3A_224 : i32
      %ne3A_226 = arith.xori %lt3A_223, %lt3A_225 : i1
      %and3A_227 = arith.andi %ne3A_226, %ne3A_221 : i1
      %add3A_228 = arith.addi %rem3A_219, %select_n3A_218 : i32
      %select_n3A_229 = arith.select %and3A_227, %add3A_228, %rem3A_219 : i32
      %dma_start3A_230 = arith.constant 0 : i32
      %dma_start3A_231 = arith.constant 0 : i32
      %dma_start3A_232 = tpu.memref_slice %arg8[%select_n3A_82, %dma_start3A_230, %dma_start3A_231] : memref<3x100x128xf32, #tpu.memory_space<vmem>> -> memref<1x100x128xf32, #tpu.memory_space<vmem>>
      %dma_start3A_233 = tpu.memref_squeeze %dma_start3A_232 : memref<1x100x128xf32, #tpu.memory_space<vmem>> -> memref<100x128xf32, #tpu.memory_space<vmem>>
      %dma_start3A_234 = arith.constant 0 : i32
      %dma_start3A_235 = tpu.memref_slice %arg7[%select_n3A_213, %select_n3A_229, %dma_start3A_234] : memref<2x10x100xi32, #tpu.memory_space<vmem>> -> memref<1x1x100xi32, #tpu.memory_space<vmem>>
      %dma_start3A_236 = tpu.memref_squeeze %dma_start3A_235 : memref<1x1x100xi32, #tpu.memory_space<vmem>> -> memref<100xi32, #tpu.memory_space<vmem>>
      %dma_start3A_237 = arith.constant 0 : i32
      %dma_start3A_238 = arith.constant 0 : i32
      %dma_start3A_239 = tpu.memref_slice %arg11[%dma_start3A_237, %dma_start3A_238] : memref<10000x128xf32, #tpu.memory_space<vmem_shared>> -> memref<10000x128xf32, #tpu.memory_space<vmem_shared>>
      tpu.enqueue_indirect_dma source(%dma_start3A_233 : memref<100x128xf32, #tpu.memory_space<vmem>>) target(%dma_start3A_239 : memref<10000x128xf32, #tpu.memory_space<vmem_shared>>) offsets(%dma_start3A_236 : memref<100xi32, #tpu.memory_space<vmem>>) semaphore(%arg10 : memref<!tpu.dma_semaphore, #tpu.memory_space<semaphore_mem>>) {add = true}
      %gt3A = arith.constant 0 : i32
      %gt3A_240 = arith.cmpi sgt, %scan3A_71, %gt3A : i32
      %convert_element_type3A_241 = arith.extui %gt3A_240 : i1 to i32
      %cond3A_242 = arith.constant 0 : i32
      %cond3A_243 = arith.cmpi ne, %convert_element_type3A_241, %cond3A_242 : i32
      scf.if %cond3A_243 {
        %sub3A_251 = arith.constant 1 : i32
        %sub3A_252 = arith.subi %scan3A_71, %sub3A_251 : i32
        %jit3A_253 = arith.constant 3 : i32
        %eq3A_254 = arith.constant 0 : i32
        %eq3A_255 = arith.cmpi eq, %jit3A_253, %eq3A_254 : i32
        %jit3A_256 = arith.constant 1 : i32
        %select_n3A_257 = arith.select %eq3A_255, %jit3A_256, %jit3A_253 : i32
        %rem3A_258 = arith.remsi %sub3A_252, %select_n3A_257 : i32
        %ne3A_259 = arith.constant 0 : i32
        %ne3A_260 = arith.cmpi ne, %rem3A_258, %ne3A_259 : i32
        %lt3A_261 = arith.constant 0 : i32
        %lt3A_262 = arith.cmpi slt, %rem3A_258, %lt3A_261 : i32
        %lt3A_263 = arith.constant 0 : i32
        %lt3A_264 = arith.cmpi slt, %select_n3A_257, %lt3A_263 : i32
        %ne3A_265 = arith.xori %lt3A_262, %lt3A_264 : i1
        %and3A_266 = arith.andi %ne3A_265, %ne3A_260 : i1
        %add3A_267 = arith.addi %rem3A_258, %select_n3A_257 : i32
        %select_n3A_268 = arith.select %and3A_266, %add3A_267, %rem3A_258 : i32
        %sub3A_269 = arith.constant 1 : i32
        %sub3A_270 = arith.subi %scan3A_71, %sub3A_269 : i32
        %jit3A_271 = arith.constant 10 : i32
        %div3A_272 = arith.divsi %sub3A_270, %jit3A_271 : i32
        %sign3A_273 = arith.constant 0 : i32
        %sign3A_274 = arith.cmpi sgt, %sub3A_270, %sign3A_273 : i32
        %sign3A_275 = arith.extui %sign3A_274 : i1 to i32
        %sign3A_276 = arith.constant 0 : i32
        %sign3A_277 = arith.cmpi slt, %sub3A_270, %sign3A_276 : i32
        %sign3A_278 = arith.extui %sign3A_277 : i1 to i32
        %sign3A_279 = arith.subi %sign3A_275, %sign3A_278 : i32
        %sign3A_280 = arith.constant 0 : i32
        %sign3A_281 = arith.cmpi sgt, %jit3A_271, %sign3A_280 : i32
        %sign3A_282 = arith.extui %sign3A_281 : i1 to i32
        %sign3A_283 = arith.constant 0 : i32
        %sign3A_284 = arith.cmpi slt, %jit3A_271, %sign3A_283 : i32
        %sign3A_285 = arith.extui %sign3A_284 : i1 to i32
        %sign3A_286 = arith.subi %sign3A_282, %sign3A_285 : i32
        %ne3A_287 = arith.cmpi ne, %sign3A_279, %sign3A_286 : i32
        %rem3A_288 = arith.remsi %sub3A_270, %jit3A_271 : i32
        %ne3A_289 = arith.constant 0 : i32
        %ne3A_290 = arith.cmpi ne, %rem3A_288, %ne3A_289 : i32
        %and3A_291 = arith.andi %ne3A_287, %ne3A_290 : i1
        %sub3A_292 = arith.constant 1 : i32
        %sub3A_293 = arith.subi %div3A_272, %sub3A_292 : i32
        %select_n3A_294 = arith.select %and3A_291, %sub3A_293, %div3A_272 : i32
        %jit3A_295 = arith.constant 2 : i32
        %eq3A_296 = arith.constant 0 : i32
        %eq3A_297 = arith.cmpi eq, %jit3A_295, %eq3A_296 : i32
        %jit3A_298 = arith.constant 1 : i32
        %select_n3A_299 = arith.select %eq3A_297, %jit3A_298, %jit3A_295 : i32
        %rem3A_300 = arith.remsi %select_n3A_294, %select_n3A_299 : i32
        %ne3A_301 = arith.constant 0 : i32
        %ne3A_302 = arith.cmpi ne, %rem3A_300, %ne3A_301 : i32
        %lt3A_303 = arith.constant 0 : i32
        %lt3A_304 = arith.cmpi slt, %rem3A_300, %lt3A_303 : i32
        %lt3A_305 = arith.constant 0 : i32
        %lt3A_306 = arith.cmpi slt, %select_n3A_299, %lt3A_305 : i32
        %ne3A_307 = arith.xori %lt3A_304, %lt3A_306 : i1
        %and3A_308 = arith.andi %ne3A_307, %ne3A_302 : i1
        %add3A_309 = arith.addi %rem3A_300, %select_n3A_299 : i32
        %select_n3A_310 = arith.select %and3A_308, %add3A_309, %rem3A_300 : i32
        %jit3A_311 = arith.constant 10 : i32
        %eq3A_312 = arith.constant 0 : i32
        %eq3A_313 = arith.cmpi eq, %jit3A_311, %eq3A_312 : i32
        %jit3A_314 = arith.constant 1 : i32
        %select_n3A_315 = arith.select %eq3A_313, %jit3A_314, %jit3A_311 : i32
        %rem3A_316 = arith.remsi %sub3A_270, %select_n3A_315 : i32
        %ne3A_317 = arith.constant 0 : i32
        %ne3A_318 = arith.cmpi ne, %rem3A_316, %ne3A_317 : i32
        %lt3A_319 = arith.constant 0 : i32
        %lt3A_320 = arith.cmpi slt, %rem3A_316, %lt3A_319 : i32
        %lt3A_321 = arith.constant 0 : i32
        %lt3A_322 = arith.cmpi slt, %select_n3A_315, %lt3A_321 : i32
        %ne3A_323 = arith.xori %lt3A_320, %lt3A_322 : i1
        %and3A_324 = arith.andi %ne3A_323, %ne3A_318 : i1
        %add3A_325 = arith.addi %rem3A_316, %select_n3A_315 : i32
        %select_n3A_326 = arith.select %and3A_324, %add3A_325, %rem3A_316 : i32
        %dma_wait3A_327 = arith.constant 0 : i32
        %dma_wait3A_328 = arith.constant 0 : i32
        %dma_wait3A_329 = tpu.memref_slice %arg8[%select_n3A_268, %dma_wait3A_327, %dma_wait3A_328] : memref<3x100x128xf32, #tpu.memory_space<vmem>> -> memref<1x100x128xf32, #tpu.memory_space<vmem>>
        %dma_wait3A_330 = tpu.memref_squeeze %dma_wait3A_329 : memref<1x100x128xf32, #tpu.memory_space<vmem>> -> memref<100x128xf32, #tpu.memory_space<vmem>>
        %dma_wait3A_331 = arith.constant 0 : i32
        %dma_wait3A_332 = tpu.memref_slice %arg7[%select_n3A_310, %select_n3A_326, %dma_wait3A_331] : memref<2x10x100xi32, #tpu.memory_space<vmem>> -> memref<1x1x100xi32, #tpu.memory_space<vmem>>
        %dma_wait3A_333 = tpu.memref_squeeze %dma_wait3A_332 : memref<1x1x100xi32, #tpu.memory_space<vmem>> -> memref<100xi32, #tpu.memory_space<vmem>>
        %dma_wait3A_334 = arith.constant 0 : i32
        %dma_wait3A_335 = arith.constant 0 : i32
        %dma_wait3A_336 = tpu.memref_slice %arg11[%dma_wait3A_334, %dma_wait3A_335] : memref<10000x128xf32, #tpu.memory_space<vmem_shared>> -> memref<10000x128xf32, #tpu.memory_space<vmem_shared>>
        tpu.wait_indirect_dma semaphore(%arg10 : memref<!tpu.dma_semaphore, #tpu.memory_space<semaphore_mem>>) src(%dma_wait3A_330 : memref<100x128xf32, #tpu.memory_space<vmem>>) dst(%dma_wait3A_336 : memref<10000x128xf32, #tpu.memory_space<vmem_shared>>)
      } else {
      }
      %add3A_244 = arith.constant 2 : i32
      %add3A_245 = arith.addi %scan3A_71, %add3A_244 : i32
      %lt3A_246 = arith.constant 100 : i32
      %lt3A_247 = arith.cmpi slt, %add3A_245, %lt3A_246 : i32
      %convert_element_type3A_248 = arith.extui %lt3A_247 : i1 to i32
      %cond3A_249 = arith.constant 0 : i32
      %cond3A_250 = arith.cmpi ne, %convert_element_type3A_248, %cond3A_249 : i32
      scf.if %cond3A_250 {
        %add3A_251 = arith.constant 2 : i32
        %add3A_252 = arith.addi %scan3A_71, %add3A_251 : i32
        %jit3A_253 = arith.constant 10 : i32
        %div3A_254 = arith.divsi %add3A_252, %jit3A_253 : i32
        %sign3A_255 = arith.constant 0 : i32
        %sign3A_256 = arith.cmpi sgt, %add3A_252, %sign3A_255 : i32
        %sign3A_257 = arith.extui %sign3A_256 : i1 to i32
        %sign3A_258 = arith.constant 0 : i32
        %sign3A_259 = arith.cmpi slt, %add3A_252, %sign3A_258 : i32
        %sign3A_260 = arith.extui %sign3A_259 : i1 to i32
        %sign3A_261 = arith.subi %sign3A_257, %sign3A_260 : i32
        %sign3A_262 = arith.constant 0 : i32
        %sign3A_263 = arith.cmpi sgt, %jit3A_253, %sign3A_262 : i32
        %sign3A_264 = arith.extui %sign3A_263 : i1 to i32
        %sign3A_265 = arith.constant 0 : i32
        %sign3A_266 = arith.cmpi slt, %jit3A_253, %sign3A_265 : i32
        %sign3A_267 = arith.extui %sign3A_266 : i1 to i32
        %sign3A_268 = arith.subi %sign3A_264, %sign3A_267 : i32
        %ne3A_269 = arith.cmpi ne, %sign3A_261, %sign3A_268 : i32
        %rem3A_270 = arith.remsi %add3A_252, %jit3A_253 : i32
        %ne3A_271 = arith.constant 0 : i32
        %ne3A_272 = arith.cmpi ne, %rem3A_270, %ne3A_271 : i32
        %and3A_273 = arith.andi %ne3A_269, %ne3A_272 : i1
        %sub3A_274 = arith.constant 1 : i32
        %sub3A_275 = arith.subi %div3A_254, %sub3A_274 : i32
        %select_n3A_276 = arith.select %and3A_273, %sub3A_275, %div3A_254 : i32
        %jit3A_277 = arith.constant 2 : i32
        %eq3A_278 = arith.constant 0 : i32
        %eq3A_279 = arith.cmpi eq, %jit3A_277, %eq3A_278 : i32
        %jit3A_280 = arith.constant 1 : i32
        %select_n3A_281 = arith.select %eq3A_279, %jit3A_280, %jit3A_277 : i32
        %rem3A_282 = arith.remsi %select_n3A_276, %select_n3A_281 : i32
        %ne3A_283 = arith.constant 0 : i32
        %ne3A_284 = arith.cmpi ne, %rem3A_282, %ne3A_283 : i32
        %lt3A_285 = arith.constant 0 : i32
        %lt3A_286 = arith.cmpi slt, %rem3A_282, %lt3A_285 : i32
        %lt3A_287 = arith.constant 0 : i32
        %lt3A_288 = arith.cmpi slt, %select_n3A_281, %lt3A_287 : i32
        %ne3A_289 = arith.xori %lt3A_286, %lt3A_288 : i1
        %and3A_290 = arith.andi %ne3A_289, %ne3A_284 : i1
        %add3A_291 = arith.addi %rem3A_282, %select_n3A_281 : i32
        %select_n3A_292 = arith.select %and3A_290, %add3A_291, %rem3A_282 : i32
        %jit3A_293 = arith.constant 10 : i32
        %eq3A_294 = arith.constant 0 : i32
        %eq3A_295 = arith.cmpi eq, %jit3A_293, %eq3A_294 : i32
        %jit3A_296 = arith.constant 1 : i32
        %select_n3A_297 = arith.select %eq3A_295, %jit3A_296, %jit3A_293 : i32
        %rem3A_298 = arith.remsi %add3A_252, %select_n3A_297 : i32
        %ne3A_299 = arith.constant 0 : i32
        %ne3A_300 = arith.cmpi ne, %rem3A_298, %ne3A_299 : i32
        %lt3A_301 = arith.constant 0 : i32
        %lt3A_302 = arith.cmpi slt, %rem3A_298, %lt3A_301 : i32
        %lt3A_303 = arith.constant 0 : i32
        %lt3A_304 = arith.cmpi slt, %select_n3A_297, %lt3A_303 : i32
        %ne3A_305 = arith.xori %lt3A_302, %lt3A_304 : i1
        %and3A_306 = arith.andi %ne3A_305, %ne3A_300 : i1
        %add3A_307 = arith.addi %rem3A_298, %select_n3A_297 : i32
        %select_n3A_308 = arith.select %and3A_306, %add3A_307, %rem3A_298 : i32
        %add3A_309 = arith.constant 2 : i32
        %add3A_310 = arith.addi %scan3A_71, %add3A_309 : i32
        %jit3A_311 = arith.constant 3 : i32
        %eq3A_312 = arith.constant 0 : i32
        %eq3A_313 = arith.cmpi eq, %jit3A_311, %eq3A_312 : i32
        %jit3A_314 = arith.constant 1 : i32
        %select_n3A_315 = arith.select %eq3A_313, %jit3A_314, %jit3A_311 : i32
        %rem3A_316 = arith.remsi %add3A_310, %select_n3A_315 : i32
        %ne3A_317 = arith.constant 0 : i32
        %ne3A_318 = arith.cmpi ne, %rem3A_316, %ne3A_317 : i32
        %lt3A_319 = arith.constant 0 : i32
        %lt3A_320 = arith.cmpi slt, %rem3A_316, %lt3A_319 : i32
        %lt3A_321 = arith.constant 0 : i32
        %lt3A_322 = arith.cmpi slt, %select_n3A_315, %lt3A_321 : i32
        %ne3A_323 = arith.xori %lt3A_320, %lt3A_322 : i1
        %and3A_324 = arith.andi %ne3A_323, %ne3A_318 : i1
        %add3A_325 = arith.addi %rem3A_316, %select_n3A_315 : i32
        %select_n3A_326 = arith.select %and3A_324, %add3A_325, %rem3A_316 : i32
        %dma_start3A_327 = arith.constant 0 : i32
        %dma_start3A_328 = arith.constant 0 : i32
        %dma_start3A_329 = tpu.memref_slice %arg8[%select_n3A_326, %dma_start3A_327, %dma_start3A_328] : memref<3x100x128xf32, #tpu.memory_space<vmem>> -> memref<1x100x128xf32, #tpu.memory_space<vmem>>
        %dma_start3A_330 = tpu.memref_squeeze %dma_start3A_329 : memref<1x100x128xf32, #tpu.memory_space<vmem>> -> memref<100x128xf32, #tpu.memory_space<vmem>>
        %dma_start3A_331 = arith.constant 0 : i32
        %dma_start3A_332 = tpu.memref_slice %arg6[%select_n3A_292, %select_n3A_308, %dma_start3A_331] : memref<2x10x100xi32, #tpu.memory_space<vmem>> -> memref<1x1x100xi32, #tpu.memory_space<vmem>>
        %dma_start3A_333 = tpu.memref_squeeze %dma_start3A_332 : memref<1x1x100xi32, #tpu.memory_space<vmem>> -> memref<100xi32, #tpu.memory_space<vmem>>
        %dma_start3A_334 = arith.constant 0 : i32
        %dma_start3A_335 = arith.constant 0 : i32
        %dma_start3A_336 = tpu.memref_slice %arg2[%dma_start3A_334, %dma_start3A_335] : memref<10000x128xf32, #tpu.memory_space<hbm>> -> memref<10000x128xf32, #tpu.memory_space<hbm>>
        tpu.enqueue_indirect_dma source(%dma_start3A_336 : memref<10000x128xf32, #tpu.memory_space<hbm>>) target(%dma_start3A_330 : memref<100x128xf32, #tpu.memory_space<vmem>>) offsets(%dma_start3A_333 : memref<100xi32, #tpu.memory_space<vmem>>) semaphore(%arg9 : memref<!tpu.dma_semaphore, #tpu.memory_space<semaphore_mem>>)
      } else {
      }
    }
    %scan3A_47 = arith.constant 100 : i32
    %dma_wait3A = arith.constant 0 : i32
    %dma_wait3A_48 = arith.constant 1 : i32
    %dma_wait3A_49 = arith.constant 9 : i32
    %dma_wait3A_50 = arith.constant 0 : i32
    %dma_wait3A_51 = arith.constant 0 : i32
    %dma_wait3A_52 = tpu.memref_slice %arg8[%dma_wait3A, %dma_wait3A_50, %dma_wait3A_51] : memref<3x100x128xf32, #tpu.memory_space<vmem>> -> memref<1x100x128xf32, #tpu.memory_space<vmem>>
    %dma_wait3A_53 = tpu.memref_squeeze %dma_wait3A_52 : memref<1x100x128xf32, #tpu.memory_space<vmem>> -> memref<100x128xf32, #tpu.memory_space<vmem>>
    %dma_wait3A_54 = arith.constant 0 : i32
    %dma_wait3A_55 = tpu.memref_slice %arg7[%dma_wait3A_48, %dma_wait3A_49, %dma_wait3A_54] : memref<2x10x100xi32, #tpu.memory_space<vmem>> -> memref<1x1x100xi32, #tpu.memory_space<vmem>>
    %dma_wait3A_56 = tpu.memref_squeeze %dma_wait3A_55 : memref<1x1x100xi32, #tpu.memory_space<vmem>> -> memref<100xi32, #tpu.memory_space<vmem>>
    %dma_wait3A_57 = arith.constant 0 : i32
    %dma_wait3A_58 = arith.constant 0 : i32
    %dma_wait3A_59 = tpu.memref_slice %arg11[%dma_wait3A_57, %dma_wait3A_58] : memref<10000x128xf32, #tpu.memory_space<vmem_shared>> -> memref<10000x128xf32, #tpu.memory_space<vmem_shared>>
    tpu.wait_indirect_dma semaphore(%arg10 : memref<!tpu.dma_semaphore, #tpu.memory_space<semaphore_mem>>) src(%dma_wait3A_53 : memref<100x128xf32, #tpu.memory_space<vmem>>) dst(%dma_wait3A_59 : memref<10000x128xf32, #tpu.memory_space<vmem_shared>>)
    %barrier3A_60 = arith.constant 0 : index
    tpu.barrier barrier_id(%barrier3A_60)
    %lt3A_61 = arith.constant 15 : i32
    %lt3A_62 = arith.cmpi slt, %arg1, %lt3A_61 : i32
    %convert_element_type3A_63 = arith.extui %lt3A_62 : i1 to i32
    %cond3A_64 = arith.constant 0 : i32
    %cond3A_65 = arith.cmpi ne, %convert_element_type3A_63, %cond3A_64 : i32
    scf.if %cond3A_65 {
      %mul3A_71 = arith.constant 624 : i32
      %mul3A_72 = arith.muli %arg1, %mul3A_71 : i32
      %mul3A_73 = arith.constant 624 : i32
      %mul3A_74 = arith.muli %arg1, %mul3A_73 : i32
      "tpu.region"() ({
        %run_scoped3A_75 = tpu.sem_alloc : memref<!tpu.dma_semaphore, #tpu.memory_space<semaphore_mem>>
        %dma_start3A_76 = arith.constant 0 : i32
        %dma_start3A_77 = tpu.memref_slice %arg5[%arg0, %mul3A_74, %dma_start3A_76] : memref<2x10000x128xf32, #tpu.memory_space<hbm>> -> memref<1x624x128xf32, #tpu.memory_space<hbm>>
        %dma_start3A_78 = tpu.memref_squeeze %dma_start3A_77 : memref<1x624x128xf32, #tpu.memory_space<hbm>> -> memref<624x128xf32, #tpu.memory_space<hbm>>
        %dma_start3A_79 = arith.constant 0 : i32
        %dma_start3A_80 = tpu.memref_slice %arg11[%mul3A_72, %dma_start3A_79] : memref<10000x128xf32, #tpu.memory_space<vmem_shared>> -> memref<624x128xf32, #tpu.memory_space<vmem_shared>>
        tpu.enqueue_dma source(%dma_start3A_80 : memref<624x128xf32, #tpu.memory_space<vmem_shared>>) target(%dma_start3A_78 : memref<624x128xf32, #tpu.memory_space<hbm>>) target_semaphore(%run_scoped3A_75 : memref<!tpu.dma_semaphore, #tpu.memory_space<semaphore_mem>>)
        %dma_wait3A_81 = arith.constant 0 : i32
        %dma_wait3A_82 = tpu.memref_slice %arg5[%arg0, %mul3A_74, %dma_wait3A_81] : memref<2x10000x128xf32, #tpu.memory_space<hbm>> -> memref<1x624x128xf32, #tpu.memory_space<hbm>>
        %dma_wait3A_83 = tpu.memref_squeeze %dma_wait3A_82 : memref<1x624x128xf32, #tpu.memory_space<hbm>> -> memref<624x128xf32, #tpu.memory_space<hbm>>
        %dma_wait3A_84 = arith.constant 0 : i32
        %dma_wait3A_85 = tpu.memref_slice %arg11[%mul3A_72, %dma_wait3A_84] : memref<10000x128xf32, #tpu.memory_space<vmem_shared>> -> memref<624x128xf32, #tpu.memory_space<vmem_shared>>
        tpu.wait_dma2 semaphore(%run_scoped3A_75 : memref<!tpu.dma_semaphore, #tpu.memory_space<semaphore_mem>>) src(%dma_wait3A_85 : memref<624x128xf32, #tpu.memory_space<vmem_shared>>) dst(%dma_wait3A_83 : memref<624x128xf32, #tpu.memory_space<hbm>>)
        tpu.yield
      }) : () -> ()
    } else {
    }
    %eq3A_66 = arith.constant 15 : i32
    %eq3A_67 = arith.cmpi eq, %arg1, %eq3A_66 : i32
    %convert_element_type3A_68 = arith.extui %eq3A_67 : i1 to i32
    %cond3A_69 = arith.constant 0 : i32
    %cond3A_70 = arith.cmpi ne, %convert_element_type3A_68, %cond3A_69 : i32
    scf.if %cond3A_70 {
      "tpu.region"() ({
        %run_scoped3A_71 = tpu.sem_alloc : memref<!tpu.dma_semaphore, #tpu.memory_space<semaphore_mem>>
        %dma_start3A_72 = arith.constant 9360 : i32
        %dma_start3A_73 = arith.constant 0 : i32
        %dma_start3A_74 = tpu.memref_slice %arg5[%arg0, %dma_start3A_72, %dma_start3A_73] : memref<2x10000x128xf32, #tpu.memory_space<hbm>> -> memref<1x640x128xf32, #tpu.memory_space<hbm>>
        %dma_start3A_75 = tpu.memref_squeeze %dma_start3A_74 : memref<1x640x128xf32, #tpu.memory_space<hbm>> -> memref<640x128xf32, #tpu.memory_space<hbm>>
        %dma_start3A_76 = arith.constant 9360 : i32
        %dma_start3A_77 = arith.constant 0 : i32
        %dma_start3A_78 = tpu.memref_slice %arg11[%dma_start3A_76, %dma_start3A_77] : memref<10000x128xf32, #tpu.memory_space<vmem_shared>> -> memref<640x128xf32, #tpu.memory_space<vmem_shared>>
        tpu.enqueue_dma source(%dma_start3A_78 : memref<640x128xf32, #tpu.memory_space<vmem_shared>>) target(%dma_start3A_75 : memref<640x128xf32, #tpu.memory_space<hbm>>) target_semaphore(%run_scoped3A_71 : memref<!tpu.dma_semaphore, #tpu.memory_space<semaphore_mem>>)
        %dma_wait3A_79 = arith.constant 9360 : i32
        %dma_wait3A_80 = arith.constant 0 : i32
        %dma_wait3A_81 = tpu.memref_slice %arg5[%arg0, %dma_wait3A_79, %dma_wait3A_80] : memref<2x10000x128xf32, #tpu.memory_space<hbm>> -> memref<1x640x128xf32, #tpu.memory_space<hbm>>
        %dma_wait3A_82 = tpu.memref_squeeze %dma_wait3A_81 : memref<1x640x128xf32, #tpu.memory_space<hbm>> -> memref<640x128xf32, #tpu.memory_space<hbm>>
        %dma_wait3A_83 = arith.constant 9360 : i32
        %dma_wait3A_84 = arith.constant 0 : i32
        %dma_wait3A_85 = tpu.memref_slice %arg11[%dma_wait3A_83, %dma_wait3A_84] : memref<10000x128xf32, #tpu.memory_space<vmem_shared>> -> memref<640x128xf32, #tpu.memory_space<vmem_shared>>
        tpu.wait_dma2 semaphore(%run_scoped3A_71 : memref<!tpu.dma_semaphore, #tpu.memory_space<semaphore_mem>>) src(%dma_wait3A_85 : memref<640x128xf32, #tpu.memory_space<vmem_shared>>) dst(%dma_wait3A_82 : memref<640x128xf32, #tpu.memory_space<hbm>>)
        tpu.yield
      }) : () -> ()
    } else {
    }
    return
  }
}

#map = affine_map<(d0, d1) -> (0, 0, 0)>
#map1 = affine_map<(d0, d1) -> (0)>
module attributes {stable_mosaic.version = 14 : i64} {
  func.func @_deg_body(%arg0: i32, %arg1: i32, %arg2: memref<32x100x100xi32, #tpu.memory_space<hbm>>, %arg3: memref<20480xf32, #tpu.memory_space<hbm>>, %arg4: memref<100x100xi32, #tpu.memory_space<vmem>>, %arg5: memref<128xf32, #tpu.memory_space<vmem>>, %arg6: memref<640xf32, #tpu.memory_space<vmem>>, %arg7: memref<10240xf32, #tpu.memory_space<vmem_shared>>) attributes {dimension_semantics = [#tpu.dimension_semantics<core_parallel>, #tpu.dimension_semantics<subcore_parallel>], iteration_bounds = array<i64: 2, 16>, scalar_prefetch = 0 : i64, scratch_operands = 4 : i64, tpu.core_type = #tpu.core_type<sc_vector_subcore>, window_params = [{transform_indices = #map}, {transform_indices = #map1}]} {
    %mul3A = arith.constant 16 : i32
    %mul3A_0 = arith.muli %arg0, %mul3A : i32
    %add3A = arith.addi %mul3A_0, %arg1 : i32
    %broadcast_in_dim3A = arith.constant 0.000000e+00 : f32
    %broadcast_in_dim3A_1 = vector.broadcast %broadcast_in_dim3A : f32 to vector<16xf32>
    %scan3A = arith.constant 0 : i32
    %scan3A_2 = arith.constant 0 : i32
    %scan3A_3 = arith.constant 40 : i32
    %scan3A_4 = arith.addi %scan3A_2, %scan3A_3 : i32
    %scan3A_5 = arith.constant 1 : i32
    scf.for %scan3A_56 = %scan3A_2 to %scan3A_4 step %scan3A_5  : i32 {
      %mul3A_57 = arith.constant 16 : i32
      %mul3A_58 = arith.muli %scan3A_56, %mul3A_57 : i32
      %swap3A_59 = arith.index_cast %mul3A_58 : i32 to index
      %swap3A_60 = tpu.vector_load %arg6[%swap3A_59] {strides = array<i32>} : memref<640xf32, #tpu.memory_space<vmem>>, vector<16xf32>,
      %swap3A_61 = vector.shape_cast %swap3A_60 : vector<16xf32> to vector<16xf32>
      %swap3A_62 = vector.shape_cast %broadcast_in_dim3A_1 : vector<16xf32> to vector<16xf32>
      tpu.vector_store %arg6[%swap3A_59], %swap3A_62 {strides = array<i32>} : memref<640xf32, #tpu.memory_space<vmem>>, vector<16xf32>,
    }
    %scan3A_6 = arith.constant 40 : i32
    %mul3A_7 = arith.constant 640 : i32
    %mul3A_8 = arith.muli %arg1, %mul3A_7 : i32
    "tpu.region"() ({
      %run_scoped3A = tpu.sem_alloc : memref<!tpu.dma_semaphore, #tpu.memory_space<semaphore_mem>>
      %dma_start3A = tpu.memref_slice %arg7[%mul3A_8] : memref<10240xf32, #tpu.memory_space<vmem_shared>> -> memref<640xf32, #tpu.memory_space<vmem_shared>>
      %dma_start3A_56 = tpu.memref_slice %arg7[%mul3A_8] : memref<10240xf32, #tpu.memory_space<vmem_shared>> -> memref<640xf32, #tpu.memory_space<vmem_shared>>
      tpu.enqueue_dma source(%arg6 : memref<640xf32, #tpu.memory_space<vmem>>) target(%dma_start3A_56 : memref<640xf32, #tpu.memory_space<vmem_shared>>) target_semaphore(%run_scoped3A : memref<!tpu.dma_semaphore, #tpu.memory_space<semaphore_mem>>)
      %dma_wait3A = tpu.memref_slice %arg7[%mul3A_8] : memref<10240xf32, #tpu.memory_space<vmem_shared>> -> memref<640xf32, #tpu.memory_space<vmem_shared>>
      %dma_wait3A_57 = tpu.memref_slice %arg7[%mul3A_8] : memref<10240xf32, #tpu.memory_space<vmem_shared>> -> memref<640xf32, #tpu.memory_space<vmem_shared>>
      tpu.wait_dma2 semaphore(%run_scoped3A : memref<!tpu.dma_semaphore, #tpu.memory_space<semaphore_mem>>) src(%arg6 : memref<640xf32, #tpu.memory_space<vmem>>) dst(%dma_wait3A_57 : memref<640xf32, #tpu.memory_space<vmem_shared>>)
      tpu.yield
    }) : () -> ()
    %broadcast_in_dim3A_9 = arith.constant 1.000000e+00 : f32
    %broadcast_in_dim3A_10 = vector.broadcast %broadcast_in_dim3A_9 : f32 to vector<16xf32>
    %swap3A = arith.constant 0 : index
    %swap3A_11 = tpu.vector_load %arg5[%swap3A] {strides = array<i32>} : memref<128xf32, #tpu.memory_space<vmem>>, vector<16xf32>,
    %swap3A_12 = vector.shape_cast %swap3A_11 : vector<16xf32> to vector<16xf32>
    %swap3A_13 = vector.shape_cast %broadcast_in_dim3A_10 : vector<16xf32> to vector<16xf32>
    tpu.vector_store %arg5[%swap3A], %swap3A_13 {strides = array<i32>} : memref<128xf32, #tpu.memory_space<vmem>>, vector<16xf32>,
    %swap3A_14 = arith.constant 16 : index
    %swap3A_15 = tpu.vector_load %arg5[%swap3A_14] {strides = array<i32>} : memref<128xf32, #tpu.memory_space<vmem>>, vector<16xf32>,
    %swap3A_16 = vector.shape_cast %swap3A_15 : vector<16xf32> to vector<16xf32>
    %swap3A_17 = vector.shape_cast %broadcast_in_dim3A_10 : vector<16xf32> to vector<16xf32>
    tpu.vector_store %arg5[%swap3A_14], %swap3A_17 {strides = array<i32>} : memref<128xf32, #tpu.memory_space<vmem>>, vector<16xf32>,
    %swap3A_18 = arith.constant 32 : index
    %swap3A_19 = tpu.vector_load %arg5[%swap3A_18] {strides = array<i32>} : memref<128xf32, #tpu.memory_space<vmem>>, vector<16xf32>,
    %swap3A_20 = vector.shape_cast %swap3A_19 : vector<16xf32> to vector<16xf32>
    %swap3A_21 = vector.shape_cast %broadcast_in_dim3A_10 : vector<16xf32> to vector<16xf32>
    tpu.vector_store %arg5[%swap3A_18], %swap3A_21 {strides = array<i32>} : memref<128xf32, #tpu.memory_space<vmem>>, vector<16xf32>,
    %swap3A_22 = arith.constant 48 : index
    %swap3A_23 = tpu.vector_load %arg5[%swap3A_22] {strides = array<i32>} : memref<128xf32, #tpu.memory_space<vmem>>, vector<16xf32>,
    %swap3A_24 = vector.shape_cast %swap3A_23 : vector<16xf32> to vector<16xf32>
    %swap3A_25 = vector.shape_cast %broadcast_in_dim3A_10 : vector<16xf32> to vector<16xf32>
    tpu.vector_store %arg5[%swap3A_22], %swap3A_25 {strides = array<i32>} : memref<128xf32, #tpu.memory_space<vmem>>, vector<16xf32>,
    %swap3A_26 = arith.constant 64 : index
    %swap3A_27 = tpu.vector_load %arg5[%swap3A_26] {strides = array<i32>} : memref<128xf32, #tpu.memory_space<vmem>>, vector<16xf32>,
    %swap3A_28 = vector.shape_cast %swap3A_27 : vector<16xf32> to vector<16xf32>
    %swap3A_29 = vector.shape_cast %broadcast_in_dim3A_10 : vector<16xf32> to vector<16xf32>
    tpu.vector_store %arg5[%swap3A_26], %swap3A_29 {strides = array<i32>} : memref<128xf32, #tpu.memory_space<vmem>>, vector<16xf32>,
    %swap3A_30 = arith.constant 80 : index
    %swap3A_31 = tpu.vector_load %arg5[%swap3A_30] {strides = array<i32>} : memref<128xf32, #tpu.memory_space<vmem>>, vector<16xf32>,
    %swap3A_32 = vector.shape_cast %swap3A_31 : vector<16xf32> to vector<16xf32>
    %swap3A_33 = vector.shape_cast %broadcast_in_dim3A_10 : vector<16xf32> to vector<16xf32>
    tpu.vector_store %arg5[%swap3A_30], %swap3A_33 {strides = array<i32>} : memref<128xf32, #tpu.memory_space<vmem>>, vector<16xf32>,
    %swap3A_34 = arith.constant 96 : index
    %swap3A_35 = tpu.vector_load %arg5[%swap3A_34] {strides = array<i32>} : memref<128xf32, #tpu.memory_space<vmem>>, vector<16xf32>,
    %swap3A_36 = vector.shape_cast %swap3A_35 : vector<16xf32> to vector<16xf32>
    %swap3A_37 = vector.shape_cast %broadcast_in_dim3A_10 : vector<16xf32> to vector<16xf32>
    tpu.vector_store %arg5[%swap3A_34], %swap3A_37 {strides = array<i32>} : memref<128xf32, #tpu.memory_space<vmem>>, vector<16xf32>,
    %swap3A_38 = arith.constant 112 : index
    %swap3A_39 = tpu.vector_load %arg5[%swap3A_38] {strides = array<i32>} : memref<128xf32, #tpu.memory_space<vmem>>, vector<16xf32>,
    %swap3A_40 = vector.shape_cast %swap3A_39 : vector<16xf32> to vector<16xf32>
    %swap3A_41 = vector.shape_cast %broadcast_in_dim3A_10 : vector<16xf32> to vector<16xf32>
    tpu.vector_store %arg5[%swap3A_38], %swap3A_41 {strides = array<i32>} : memref<128xf32, #tpu.memory_space<vmem>>, vector<16xf32>,
    "tpu.region"() ({
      %run_scoped3A = tpu.sem_alloc : memref<!tpu.dma_semaphore, #tpu.memory_space<semaphore_mem>>
      %dma_start3A = arith.constant 0 : i32
      %dma_start3A_56 = arith.constant 0 : i32
      %dma_start3A_57 = tpu.memref_slice %arg2[%add3A, %dma_start3A, %dma_start3A_56] : memref<32x100x100xi32, #tpu.memory_space<hbm>> -> memref<1x100x100xi32, #tpu.memory_space<hbm>>
      %dma_start3A_58 = tpu.memref_squeeze %dma_start3A_57 : memref<1x100x100xi32, #tpu.memory_space<hbm>> -> memref<100x100xi32, #tpu.memory_space<hbm>>
      %dma_start3A_59 = arith.constant 0 : i32
      %dma_start3A_60 = arith.constant 0 : i32
      %dma_start3A_61 = tpu.memref_slice %arg2[%add3A, %dma_start3A_59, %dma_start3A_60] : memref<32x100x100xi32, #tpu.memory_space<hbm>> -> memref<1x100x100xi32, #tpu.memory_space<hbm>>
      %dma_start3A_62 = tpu.memref_squeeze %dma_start3A_61 : memref<1x100x100xi32, #tpu.memory_space<hbm>> -> memref<100x100xi32, #tpu.memory_space<hbm>>
      tpu.enqueue_dma source(%dma_start3A_62 : memref<100x100xi32, #tpu.memory_space<hbm>>) target(%arg4 : memref<100x100xi32, #tpu.memory_space<vmem>>) target_semaphore(%run_scoped3A : memref<!tpu.dma_semaphore, #tpu.memory_space<semaphore_mem>>)
      %dma_wait3A = arith.constant 0 : i32
      %dma_wait3A_63 = arith.constant 0 : i32
      %dma_wait3A_64 = tpu.memref_slice %arg2[%add3A, %dma_wait3A, %dma_wait3A_63] : memref<32x100x100xi32, #tpu.memory_space<hbm>> -> memref<1x100x100xi32, #tpu.memory_space<hbm>>
      %dma_wait3A_65 = tpu.memref_squeeze %dma_wait3A_64 : memref<1x100x100xi32, #tpu.memory_space<hbm>> -> memref<100x100xi32, #tpu.memory_space<hbm>>
      %dma_wait3A_66 = arith.constant 0 : i32
      %dma_wait3A_67 = arith.constant 0 : i32
      %dma_wait3A_68 = tpu.memref_slice %arg2[%add3A, %dma_wait3A_66, %dma_wait3A_67] : memref<32x100x100xi32, #tpu.memory_space<hbm>> -> memref<1x100x100xi32, #tpu.memory_space<hbm>>
      %dma_wait3A_69 = tpu.memref_squeeze %dma_wait3A_68 : memref<1x100x100xi32, #tpu.memory_space<hbm>> -> memref<100x100xi32, #tpu.memory_space<hbm>>
      tpu.wait_dma2 semaphore(%run_scoped3A : memref<!tpu.dma_semaphore, #tpu.memory_space<semaphore_mem>>) src(%dma_wait3A_69 : memref<100x100xi32, #tpu.memory_space<hbm>>) dst(%arg4 : memref<100x100xi32, #tpu.memory_space<vmem>>)
      tpu.yield
    }) : () -> ()
    %barrier3A = arith.constant 0 : index
    tpu.barrier barrier_id(%barrier3A)
    %scan3A_42 = arith.constant 0 : i32
    %scan3A_43 = arith.constant 0 : i32
    %scan3A_44 = arith.constant 100 : i32
    %scan3A_45 = arith.addi %scan3A_43, %scan3A_44 : i32
    %scan3A_46 = arith.constant 1 : i32
    scf.for %scan3A_56 = %scan3A_43 to %scan3A_45 step %scan3A_46  : i32 {
      "tpu.region"() ({
        %run_scoped3A = tpu.sem_alloc : memref<!tpu.dma_semaphore, #tpu.memory_space<semaphore_mem>>
        %dma_start3A = arith.constant 0 : i32
        %dma_start3A_57 = tpu.memref_slice %arg5[%dma_start3A] : memref<128xf32, #tpu.memory_space<vmem>> -> memref<100xf32, #tpu.memory_space<vmem>>
        %dma_start3A_58 = arith.constant 0 : i32
        %dma_start3A_59 = tpu.memref_slice %arg4[%scan3A_56, %dma_start3A_58] : memref<100x100xi32, #tpu.memory_space<vmem>> -> memref<1x100xi32, #tpu.memory_space<vmem>>
        %dma_start3A_60 = tpu.memref_squeeze %dma_start3A_59 : memref<1x100xi32, #tpu.memory_space<vmem>> -> memref<100xi32, #tpu.memory_space<vmem>>
        %dma_start3A_61 = arith.constant 0 : i32
        %dma_start3A_62 = tpu.memref_slice %arg7[%dma_start3A_61] : memref<10240xf32, #tpu.memory_space<vmem_shared>> -> memref<10240xf32, #tpu.memory_space<vmem_shared>>
        tpu.enqueue_indirect_dma source(%dma_start3A_57 : memref<100xf32, #tpu.memory_space<vmem>>) target(%dma_start3A_62 : memref<10240xf32, #tpu.memory_space<vmem_shared>>) offsets(%dma_start3A_60 : memref<100xi32, #tpu.memory_space<vmem>>) semaphore(%run_scoped3A : memref<!tpu.dma_semaphore, #tpu.memory_space<semaphore_mem>>) {add = true}
        %dma_wait3A = arith.constant 0 : i32
        %dma_wait3A_63 = tpu.memref_slice %arg5[%dma_wait3A] : memref<128xf32, #tpu.memory_space<vmem>> -> memref<100xf32, #tpu.memory_space<vmem>>
        %dma_wait3A_64 = arith.constant 0 : i32
        %dma_wait3A_65 = tpu.memref_slice %arg4[%scan3A_56, %dma_wait3A_64] : memref<100x100xi32, #tpu.memory_space<vmem>> -> memref<1x100xi32, #tpu.memory_space<vmem>>
        %dma_wait3A_66 = tpu.memref_squeeze %dma_wait3A_65 : memref<1x100xi32, #tpu.memory_space<vmem>> -> memref<100xi32, #tpu.memory_space<vmem>>
        %dma_wait3A_67 = arith.constant 0 : i32
        %dma_wait3A_68 = tpu.memref_slice %arg7[%dma_wait3A_67] : memref<10240xf32, #tpu.memory_space<vmem_shared>> -> memref<10240xf32, #tpu.memory_space<vmem_shared>>
        tpu.wait_indirect_dma semaphore(%run_scoped3A : memref<!tpu.dma_semaphore, #tpu.memory_space<semaphore_mem>>) src(%dma_wait3A_63 : memref<100xf32, #tpu.memory_space<vmem>>) dst(%dma_wait3A_68 : memref<10240xf32, #tpu.memory_space<vmem_shared>>)
        tpu.yield
      }) : () -> ()
    }
    %scan3A_47 = arith.constant 100 : i32
    %barrier3A_48 = arith.constant 0 : index
    tpu.barrier barrier_id(%barrier3A_48)
    %mul3A_49 = arith.constant 640 : i32
    %mul3A_50 = arith.muli %arg1, %mul3A_49 : i32
    %mul3A_51 = arith.constant 10240 : i32
    %mul3A_52 = arith.muli %arg0, %mul3A_51 : i32
    %mul3A_53 = arith.constant 640 : i32
    %mul3A_54 = arith.muli %arg1, %mul3A_53 : i32
    %add3A_55 = arith.addi %mul3A_52, %mul3A_54 : i32
    "tpu.region"() ({
      %run_scoped3A = tpu.sem_alloc : memref<!tpu.dma_semaphore, #tpu.memory_space<semaphore_mem>>
      %dma_start3A = tpu.memref_slice %arg3[%add3A_55] : memref<20480xf32, #tpu.memory_space<hbm>> -> memref<640xf32, #tpu.memory_space<hbm>>
      %dma_start3A_56 = tpu.memref_slice %arg7[%mul3A_50] : memref<10240xf32, #tpu.memory_space<vmem_shared>> -> memref<640xf32, #tpu.memory_space<vmem_shared>>
      tpu.enqueue_dma source(%dma_start3A_56 : memref<640xf32, #tpu.memory_space<vmem_shared>>) target(%dma_start3A : memref<640xf32, #tpu.memory_space<hbm>>) target_semaphore(%run_scoped3A : memref<!tpu.dma_semaphore, #tpu.memory_space<semaphore_mem>>)
      %dma_wait3A = tpu.memref_slice %arg3[%add3A_55] : memref<20480xf32, #tpu.memory_space<hbm>> -> memref<640xf32, #tpu.memory_space<hbm>>
      %dma_wait3A_57 = tpu.memref_slice %arg7[%mul3A_50] : memref<10240xf32, #tpu.memory_space<vmem_shared>> -> memref<640xf32, #tpu.memory_space<vmem_shared>>
      tpu.wait_dma2 semaphore(%run_scoped3A : memref<!tpu.dma_semaphore, #tpu.memory_space<semaphore_mem>>) src(%dma_wait3A_57 : memref<640xf32, #tpu.memory_space<vmem_shared>>) dst(%dma_wait3A : memref<640xf32, #tpu.memory_space<hbm>>)
      tpu.yield
    }) : () -> ()
    return
  }
}

#map = affine_map<(d0, d1) -> (0, 0)>
#map1 = affine_map<(d0, d1) -> (0, 0, 0, 0)>
#map2 = affine_map<(d0, d1) -> (0, 0, 0)>
module attributes {stable_mosaic.version = 14 : i64} {
  func.func @_hop_body(%arg0: i32, %arg1: i32, %arg2: memref<10000x128xf32, #tpu.memory_space<hbm>>, %arg3: memref<32x10x10x100xi32, #tpu.memory_space<hbm>>, %arg4: memref<32x10x10x100xi32, #tpu.memory_space<hbm>>, %arg5: memref<2x10000x128xf32, #tpu.memory_space<hbm>>, %arg6: memref<2x10x100xi32, #tpu.memory_space<vmem>>, %arg7: memref<2x10x100xi32, #tpu.memory_space<vmem>>, %arg8: memref<3x100x128xf32, #tpu.memory_space<vmem>>, %arg9: memref<!tpu.dma_semaphore, #tpu.memory_space<semaphore_mem>>, %arg10: memref<!tpu.dma_semaphore, #tpu.memory_space<semaphore_mem>>, %arg11: memref<10000x128xf32, #tpu.memory_space<vmem_shared>>) attributes {dimension_semantics = [#tpu.dimension_semantics<core_parallel>, #tpu.dimension_semantics<subcore_parallel>], iteration_bounds = array<i64: 2, 16>, scalar_prefetch = 0 : i64, scratch_operands = 6 : i64, tpu.core_type = #tpu.core_type<sc_vector_subcore>, window_params = [{transform_indices = #map}, {transform_indices = #map1}, {transform_indices = #map1}, {transform_indices = #map2}]} {
    %mul3A = arith.constant 16 : i32
    %mul3A_0 = arith.muli %arg0, %mul3A : i32
    %add3A = arith.addi %mul3A_0, %arg1 : i32
    %broadcast_in_dim3A = arith.constant 0.000000e+00 : f32
    %broadcast_in_dim3A_1 = vector.broadcast %broadcast_in_dim3A : f32 to vector<16xf32>
    %scan3A = arith.constant 0 : i32
    %scan3A_2 = arith.constant 0 : i32
    %scan3A_3 = arith.constant 0 : i32
    %scan3A_4 = arith.constant 80 : i32
    %scan3A_5 = arith.addi %scan3A_3, %scan3A_4 : i32
    %scan3A_6 = arith.constant 1 : i32
    scf.for %scan3A_71 = %scan3A_3 to %scan3A_5 step %scan3A_6  : i32 {
      %swap3A = arith.constant 0 : i32
      %swap3A_72 = arith.constant 0 : i32
      %swap3A_73 = tpu.memref_slice %arg8[%scan3A_2, %swap3A, %swap3A_72] : memref<3x100x128xf32, #tpu.memory_space<vmem>> -> memref<1x100x128xf32, #tpu.memory_space<vmem>>
      %swap3A_74 = tpu.memref_squeeze %swap3A_73 : memref<1x100x128xf32, #tpu.memory_space<vmem>> -> memref<100x128xf32, #tpu.memory_space<vmem>>
      %swap3A_75 = arith.index_cast %scan3A_71 : i32 to index
      %swap3A_76 = arith.constant 0 : index
      %swap3A_77 = tpu.vector_load %swap3A_74[%swap3A_75, %swap3A_76] {strides = array<i32>} : memref<100x128xf32, #tpu.memory_space<vmem>>, vector<1x16xf32>,
      %swap3A_78 = vector.shape_cast %swap3A_77 : vector<1x16xf32> to vector<16xf32>
      %swap3A_79 = vector.shape_cast %broadcast_in_dim3A_1 : vector<16xf32> to vector<1x16xf32>
      tpu.vector_store %swap3A_74[%swap3A_75, %swap3A_76], %swap3A_79 {strides = array<i32>} : memref<100x128xf32, #tpu.memory_space<vmem>>, vector<1x16xf32>,
      %swap3A_80 = arith.constant 0 : i32
      %swap3A_81 = arith.constant 0 : i32
      %swap3A_82 = tpu.memref_slice %arg8[%scan3A_2, %swap3A_80, %swap3A_81] : memref<3x100x128xf32, #tpu.memory_space<vmem>> -> memref<1x100x128xf32, #tpu.memory_space<vmem>>
      %swap3A_83 = tpu.memref_squeeze %swap3A_82 : memref<1x100x128xf32, #tpu.memory_space<vmem>> -> memref<100x128xf32, #tpu.memory_space<vmem>>
      %swap3A_84 = arith.index_cast %scan3A_71 : i32 to index
      %swap3A_85 = arith.constant 16 : index
      %swap3A_86 = tpu.vector_load %swap3A_83[%swap3A_84, %swap3A_85] {strides = array<i32>} : memref<100x128xf32, #tpu.memory_space<vmem>>, vector<1x16xf32>,
      %swap3A_87 = vector.shape_cast %swap3A_86 : vector<1x16xf32> to vector<16xf32>
      %swap3A_88 = vector.shape_cast %broadcast_in_dim3A_1 : vector<16xf32> to vector<1x16xf32>
      tpu.vector_store %swap3A_83[%swap3A_84, %swap3A_85], %swap3A_88 {strides = array<i32>} : memref<100x128xf32, #tpu.memory_space<vmem>>, vector<1x16xf32>,
      %swap3A_89 = arith.constant 0 : i32
      %swap3A_90 = arith.constant 0 : i32
      %swap3A_91 = tpu.memref_slice %arg8[%scan3A_2, %swap3A_89, %swap3A_90] : memref<3x100x128xf32, #tpu.memory_space<vmem>> -> memref<1x100x128xf32, #tpu.memory_space<vmem>>
      %swap3A_92 = tpu.memref_squeeze %swap3A_91 : memref<1x100x128xf32, #tpu.memory_space<vmem>> -> memref<100x128xf32, #tpu.memory_space<vmem>>
      %swap3A_93 = arith.index_cast %scan3A_71 : i32 to index
      %swap3A_94 = arith.constant 32 : index
      %swap3A_95 = tpu.vector_load %swap3A_92[%swap3A_93, %swap3A_94] {strides = array<i32>} : memref<100x128xf32, #tpu.memory_space<vmem>>, vector<1x16xf32>,
      %swap3A_96 = vector.shape_cast %swap3A_95 : vector<1x16xf32> to vector<16xf32>
      %swap3A_97 = vector.shape_cast %broadcast_in_dim3A_1 : vector<16xf32> to vector<1x16xf32>
      tpu.vector_store %swap3A_92[%swap3A_93, %swap3A_94], %swap3A_97 {strides = array<i32>} : memref<100x128xf32, #tpu.memory_space<vmem>>, vector<1x16xf32>,
      %swap3A_98 = arith.constant 0 : i32
      %swap3A_99 = arith.constant 0 : i32
      %swap3A_100 = tpu.memref_slice %arg8[%scan3A_2, %swap3A_98, %swap3A_99] : memref<3x100x128xf32, #tpu.memory_space<vmem>> -> memref<1x100x128xf32, #tpu.memory_space<vmem>>
      %swap3A_101 = tpu.memref_squeeze %swap3A_100 : memref<1x100x128xf32, #tpu.memory_space<vmem>> -> memref<100x128xf32, #tpu.memory_space<vmem>>
      %swap3A_102 = arith.index_cast %scan3A_71 : i32 to index
      %swap3A_103 = arith.constant 48 : index
      %swap3A_104 = tpu.vector_load %swap3A_101[%swap3A_102, %swap3A_103] {strides = array<i32>} : memref<100x128xf32, #tpu.memory_space<vmem>>, vector<1x16xf32>,
      %swap3A_105 = vector.shape_cast %swap3A_104 : vector<1x16xf32> to vector<16xf32>
      %swap3A_106 = vector.shape_cast %broadcast_in_dim3A_1 : vector<16xf32> to vector<1x16xf32>
      tpu.vector_store %swap3A_101[%swap3A_102, %swap3A_103], %swap3A_106 {strides = array<i32>} : memref<100x128xf32, #tpu.memory_space<vmem>>, vector<1x16xf32>,
      %swap3A_107 = arith.constant 0 : i32
      %swap3A_108 = arith.constant 0 : i32
      %swap3A_109 = tpu.memref_slice %arg8[%scan3A_2, %swap3A_107, %swap3A_108] : memref<3x100x128xf32, #tpu.memory_space<vmem>> -> memref<1x100x128xf32, #tpu.memory_space<vmem>>
      %swap3A_110 = tpu.memref_squeeze %swap3A_109 : memref<1x100x128xf32, #tpu.memory_space<vmem>> -> memref<100x128xf32, #tpu.memory_space<vmem>>
      %swap3A_111 = arith.index_cast %scan3A_71 : i32 to index
      %swap3A_112 = arith.constant 64 : index
      %swap3A_113 = tpu.vector_load %swap3A_110[%swap3A_111, %swap3A_112] {strides = array<i32>} : memref<100x128xf32, #tpu.memory_space<vmem>>, vector<1x16xf32>,
      %swap3A_114 = vector.shape_cast %swap3A_113 : vector<1x16xf32> to vector<16xf32>
      %swap3A_115 = vector.shape_cast %broadcast_in_dim3A_1 : vector<16xf32> to vector<1x16xf32>
      tpu.vector_store %swap3A_110[%swap3A_111, %swap3A_112], %swap3A_115 {strides = array<i32>} : memref<100x128xf32, #tpu.memory_space<vmem>>, vector<1x16xf32>,
      %swap3A_116 = arith.constant 0 : i32
      %swap3A_117 = arith.constant 0 : i32
      %swap3A_118 = tpu.memref_slice %arg8[%scan3A_2, %swap3A_116, %swap3A_117] : memref<3x100x128xf32, #tpu.memory_space<vmem>> -> memref<1x100x128xf32, #tpu.memory_space<vmem>>
      %swap3A_119 = tpu.memref_squeeze %swap3A_118 : memref<1x100x128xf32, #tpu.memory_space<vmem>> -> memref<100x128xf32, #tpu.memory_space<vmem>>
      %swap3A_120 = arith.index_cast %scan3A_71 : i32 to index
      %swap3A_121 = arith.constant 80 : index
      %swap3A_122 = tpu.vector_load %swap3A_119[%swap3A_120, %swap3A_121] {strides = array<i32>} : memref<100x128xf32, #tpu.memory_space<vmem>>, vector<1x16xf32>,
      %swap3A_123 = vector.shape_cast %swap3A_122 : vector<1x16xf32> to vector<16xf32>
      %swap3A_124 = vector.shape_cast %broadcast_in_dim3A_1 : vector<16xf32> to vector<1x16xf32>
      tpu.vector_store %swap3A_119[%swap3A_120, %swap3A_121], %swap3A_124 {strides = array<i32>} : memref<100x128xf32, #tpu.memory_space<vmem>>, vector<1x16xf32>,
      %swap3A_125 = arith.constant 0 : i32
      %swap3A_126 = arith.constant 0 : i32
      %swap3A_127 = tpu.memref_slice %arg8[%scan3A_2, %swap3A_125, %swap3A_126] : memref<3x100x128xf32, #tpu.memory_space<vmem>> -> memref<1x100x128xf32, #tpu.memory_space<vmem>>
      %swap3A_128 = tpu.memref_squeeze %swap3A_127 : memref<1x100x128xf32, #tpu.memory_space<vmem>> -> memref<100x128xf32, #tpu.memory_space<vmem>>
      %swap3A_129 = arith.index_cast %scan3A_71 : i32 to index
      %swap3A_130 = arith.constant 96 : index
      %swap3A_131 = tpu.vector_load %swap3A_128[%swap3A_129, %swap3A_130] {strides = array<i32>} : memref<100x128xf32, #tpu.memory_space<vmem>>, vector<1x16xf32>,
      %swap3A_132 = vector.shape_cast %swap3A_131 : vector<1x16xf32> to vector<16xf32>
      %swap3A_133 = vector.shape_cast %broadcast_in_dim3A_1 : vector<16xf32> to vector<1x16xf32>
      tpu.vector_store %swap3A_128[%swap3A_129, %swap3A_130], %swap3A_133 {strides = array<i32>} : memref<100x128xf32, #tpu.memory_space<vmem>>, vector<1x16xf32>,
      %swap3A_134 = arith.constant 0 : i32
      %swap3A_135 = arith.constant 0 : i32
      %swap3A_136 = tpu.memref_slice %arg8[%scan3A_2, %swap3A_134, %swap3A_135] : memref<3x100x128xf32, #tpu.memory_space<vmem>> -> memref<1x100x128xf32, #tpu.memory_space<vmem>>
      %swap3A_137 = tpu.memref_squeeze %swap3A_136 : memref<1x100x128xf32, #tpu.memory_space<vmem>> -> memref<100x128xf32, #tpu.memory_space<vmem>>
      %swap3A_138 = arith.index_cast %scan3A_71 : i32 to index
      %swap3A_139 = arith.constant 112 : index
      %swap3A_140 = tpu.vector_load %swap3A_137[%swap3A_138, %swap3A_139] {strides = array<i32>} : memref<100x128xf32, #tpu.memory_space<vmem>>, vector<1x16xf32>,
      %swap3A_141 = vector.shape_cast %swap3A_140 : vector<1x16xf32> to vector<16xf32>
      %swap3A_142 = vector.shape_cast %broadcast_in_dim3A_1 : vector<16xf32> to vector<1x16xf32>
      tpu.vector_store %swap3A_137[%swap3A_138, %swap3A_139], %swap3A_142 {strides = array<i32>} : memref<100x128xf32, #tpu.memory_space<vmem>>, vector<1x16xf32>,
    }
    %scan3A_7 = arith.constant 80 : i32
    %lt3A = arith.constant 15 : i32
    %lt3A_8 = arith.cmpi slt, %arg1, %lt3A : i32
    %convert_element_type3A = arith.extui %lt3A_8 : i1 to i32
    %cond3A = arith.constant 0 : i32
    %cond3A_9 = arith.cmpi ne, %convert_element_type3A, %cond3A : i32
    scf.if %cond3A_9 {
      %mul3A_71 = arith.constant 624 : i32
      %mul3A_72 = arith.muli %arg1, %mul3A_71 : i32
      %add3A_73 = arith.constant 0 : i32
      %add3A_74 = arith.addi %mul3A_72, %add3A_73 : i32
      %run_scoped3A_75 = arith.constant 0 : i32
      "tpu.region"() ({
        %run_scoped3A_111 = tpu.sem_alloc : memref<!tpu.dma_semaphore, #tpu.memory_space<semaphore_mem>>
        %dma_start3A_112 = arith.constant 0 : i32
        %dma_start3A_113 = arith.constant 0 : i32
        %dma_start3A_114 = tpu.memref_slice %arg8[%run_scoped3A_75, %dma_start3A_112, %dma_start3A_113] : memref<3x100x128xf32, #tpu.memory_space<vmem>> -> memref<1x80x128xf32, #tpu.memory_space<vmem>>
        %dma_start3A_115 = tpu.memref_squeeze %dma_start3A_114 : memref<1x80x128xf32, #tpu.memory_space<vmem>> -> memref<80x128xf32, #tpu.memory_space<vmem>>
        %dma_start3A_116 = arith.constant 0 : i32
        %dma_start3A_117 = tpu.memref_slice %arg11[%add3A_74, %dma_start3A_116] : memref<10000x128xf32, #tpu.memory_space<vmem_shared>> -> memref<80x128xf32, #tpu.memory_space<vmem_shared>>
        %dma_start3A_118 = arith.constant 0 : i32
        %dma_start3A_119 = tpu.memref_slice %arg11[%add3A_74, %dma_start3A_118] : memref<10000x128xf32, #tpu.memory_space<vmem_shared>> -> memref<80x128xf32, #tpu.memory_space<vmem_shared>>
        %dma_start3A_120 = arith.constant 0 : i32
        %dma_start3A_121 = arith.constant 0 : i32
        %dma_start3A_122 = tpu.memref_slice %arg8[%run_scoped3A_75, %dma_start3A_120, %dma_start3A_121] : memref<3x100x128xf32, #tpu.memory_space<vmem>> -> memref<1x80x128xf32, #tpu.memory_space<vmem>>
        %dma_start3A_123 = tpu.memref_squeeze %dma_start3A_122 : memref<1x80x128xf32, #tpu.memory_space<vmem>> -> memref<80x128xf32, #tpu.memory_space<vmem>>
        tpu.enqueue_dma source(%dma_start3A_123 : memref<80x128xf32, #tpu.memory_space<vmem>>) target(%dma_start3A_119 : memref<80x128xf32, #tpu.memory_space<vmem_shared>>) target_semaphore(%run_scoped3A_111 : memref<!tpu.dma_semaphore, #tpu.memory_space<semaphore_mem>>)
        %dma_wait3A_124 = arith.constant 0 : i32
        %dma_wait3A_125 = arith.constant 0 : i32
        %dma_wait3A_126 = tpu.memref_slice %arg8[%run_scoped3A_75, %dma_wait3A_124, %dma_wait3A_125] : memref<3x100x128xf32, #tpu.memory_space<vmem>> -> memref<1x80x128xf32, #tpu.memory_space<vmem>>
        %dma_wait3A_127 = tpu.memref_squeeze %dma_wait3A_126 : memref<1x80x128xf32, #tpu.memory_space<vmem>> -> memref<80x128xf32, #tpu.memory_space<vmem>>
        %dma_wait3A_128 = arith.constant 0 : i32
        %dma_wait3A_129 = tpu.memref_slice %arg11[%add3A_74, %dma_wait3A_128] : memref<10000x128xf32, #tpu.memory_space<vmem_shared>> -> memref<80x128xf32, #tpu.memory_space<vmem_shared>>
        %dma_wait3A_130 = arith.constant 0 : i32
        %dma_wait3A_131 = tpu.memref_slice %arg11[%add3A_74, %dma_wait3A_130] : memref<10000x128xf32, #tpu.memory_space<vmem_shared>> -> memref<80x128xf32, #tpu.memory_space<vmem_shared>>
        %dma_wait3A_132 = arith.constant 0 : i32
        %dma_wait3A_133 = arith.constant 0 : i32
        %dma_wait3A_134 = tpu.memref_slice %arg8[%run_scoped3A_75, %dma_wait3A_132, %dma_wait3A_133] : memref<3x100x128xf32, #tpu.memory_space<vmem>> -> memref<1x80x128xf32, #tpu.memory_space<vmem>>
        %dma_wait3A_135 = tpu.memref_squeeze %dma_wait3A_134 : memref<1x80x128xf32, #tpu.memory_space<vmem>> -> memref<80x128xf32, #tpu.memory_space<vmem>>
        tpu.wait_dma2 semaphore(%run_scoped3A_111 : memref<!tpu.dma_semaphore, #tpu.memory_space<semaphore_mem>>) src(%dma_wait3A_135 : memref<80x128xf32, #tpu.memory_space<vmem>>) dst(%dma_wait3A_131 : memref<80x128xf32, #tpu.memory_space<vmem_shared>>)
        tpu.yield
      }) : () -> ()
      %mul3A_76 = arith.constant 624 : i32
      %mul3A_77 = arith.muli %arg1, %mul3A_76 : i32
      %add3A_78 = arith.constant 80 : i32
      %add3A_79 = arith.addi %mul3A_77, %add3A_78 : i32
      %run_scoped3A_80 = arith.constant 0 : i32
      "tpu.region"() ({
        %run_scoped3A_111 = tpu.sem_alloc : memref<!tpu.dma_semaphore, #tpu.memory_space<semaphore_mem>>
        %dma_start3A_112 = arith.constant 0 : i32
        %dma_start3A_113 = arith.constant 0 : i32
        %dma_start3A_114 = tpu.memref_slice %arg8[%run_scoped3A_80, %dma_start3A_112, %dma_start3A_113] : memref<3x100x128xf32, #tpu.memory_space<vmem>> -> memref<1x80x128xf32, #tpu.memory_space<vmem>>
        %dma_start3A_115 = tpu.memref_squeeze %dma_start3A_114 : memref<1x80x128xf32, #tpu.memory_space<vmem>> -> memref<80x128xf32, #tpu.memory_space<vmem>>
        %dma_start3A_116 = arith.constant 0 : i32
        %dma_start3A_117 = tpu.memref_slice %arg11[%add3A_79, %dma_start3A_116] : memref<10000x128xf32, #tpu.memory_space<vmem_shared>> -> memref<80x128xf32, #tpu.memory_space<vmem_shared>>
        %dma_start3A_118 = arith.constant 0 : i32
        %dma_start3A_119 = tpu.memref_slice %arg11[%add3A_79, %dma_start3A_118] : memref<10000x128xf32, #tpu.memory_space<vmem_shared>> -> memref<80x128xf32, #tpu.memory_space<vmem_shared>>
        %dma_start3A_120 = arith.constant 0 : i32
        %dma_start3A_121 = arith.constant 0 : i32
        %dma_start3A_122 = tpu.memref_slice %arg8[%run_scoped3A_80, %dma_start3A_120, %dma_start3A_121] : memref<3x100x128xf32, #tpu.memory_space<vmem>> -> memref<1x80x128xf32, #tpu.memory_space<vmem>>
        %dma_start3A_123 = tpu.memref_squeeze %dma_start3A_122 : memref<1x80x128xf32, #tpu.memory_space<vmem>> -> memref<80x128xf32, #tpu.memory_space<vmem>>
        tpu.enqueue_dma source(%dma_start3A_123 : memref<80x128xf32, #tpu.memory_space<vmem>>) target(%dma_start3A_119 : memref<80x128xf32, #tpu.memory_space<vmem_shared>>) target_semaphore(%run_scoped3A_111 : memref<!tpu.dma_semaphore, #tpu.memory_space<semaphore_mem>>)
        %dma_wait3A_124 = arith.constant 0 : i32
        %dma_wait3A_125 = arith.constant 0 : i32
        %dma_wait3A_126 = tpu.memref_slice %arg8[%run_scoped3A_80, %dma_wait3A_124, %dma_wait3A_125] : memref<3x100x128xf32, #tpu.memory_space<vmem>> -> memref<1x80x128xf32, #tpu.memory_space<vmem>>
        %dma_wait3A_127 = tpu.memref_squeeze %dma_wait3A_126 : memref<1x80x128xf32, #tpu.memory_space<vmem>> -> memref<80x128xf32, #tpu.memory_space<vmem>>
        %dma_wait3A_128 = arith.constant 0 : i32
        %dma_wait3A_129 = tpu.memref_slice %arg11[%add3A_79, %dma_wait3A_128] : memref<10000x128xf32, #tpu.memory_space<vmem_shared>> -> memref<80x128xf32, #tpu.memory_space<vmem_shared>>
        %dma_wait3A_130 = arith.constant 0 : i32
        %dma_wait3A_131 = tpu.memref_slice %arg11[%add3A_79, %dma_wait3A_130] : memref<10000x128xf32, #tpu.memory_space<vmem_shared>> -> memref<80x128xf32, #tpu.memory_space<vmem_shared>>
        %dma_wait3A_132 = arith.constant 0 : i32
        %dma_wait3A_133 = arith.constant 0 : i32
        %dma_wait3A_134 = tpu.memref_slice %arg8[%run_scoped3A_80, %dma_wait3A_132, %dma_wait3A_133] : memref<3x100x128xf32, #tpu.memory_space<vmem>> -> memref<1x80x128xf32, #tpu.memory_space<vmem>>
        %dma_wait3A_135 = tpu.memref_squeeze %dma_wait3A_134 : memref<1x80x128xf32, #tpu.memory_space<vmem>> -> memref<80x128xf32, #tpu.memory_space<vmem>>
        tpu.wait_dma2 semaphore(%run_scoped3A_111 : memref<!tpu.dma_semaphore, #tpu.memory_space<semaphore_mem>>) src(%dma_wait3A_135 : memref<80x128xf32, #tpu.memory_space<vmem>>) dst(%dma_wait3A_131 : memref<80x128xf32, #tpu.memory_space<vmem_shared>>)
        tpu.yield
      }) : () -> ()
      %mul3A_81 = arith.constant 624 : i32
      %mul3A_82 = arith.muli %arg1, %mul3A_81 : i32
      %add3A_83 = arith.constant 160 : i32
      %add3A_84 = arith.addi %mul3A_82, %add3A_83 : i32
      %run_scoped3A_85 = arith.constant 0 : i32
      "tpu.region"() ({
        %run_scoped3A_111 = tpu.sem_alloc : memref<!tpu.dma_semaphore, #tpu.memory_space<semaphore_mem>>
        %dma_start3A_112 = arith.constant 0 : i32
        %dma_start3A_113 = arith.constant 0 : i32
        %dma_start3A_114 = tpu.memref_slice %arg8[%run_scoped3A_85, %dma_start3A_112, %dma_start3A_113] : memref<3x100x128xf32, #tpu.memory_space<vmem>> -> memref<1x80x128xf32, #tpu.memory_space<vmem>>
        %dma_start3A_115 = tpu.memref_squeeze %dma_start3A_114 : memref<1x80x128xf32, #tpu.memory_space<vmem>> -> memref<80x128xf32, #tpu.memory_space<vmem>>
        %dma_start3A_116 = arith.constant 0 : i32
        %dma_start3A_117 = tpu.memref_slice %arg11[%add3A_84, %dma_start3A_116] : memref<10000x128xf32, #tpu.memory_space<vmem_shared>> -> memref<80x128xf32, #tpu.memory_space<vmem_shared>>
        %dma_start3A_118 = arith.constant 0 : i32
        %dma_start3A_119 = tpu.memref_slice %arg11[%add3A_84, %dma_start3A_118] : memref<10000x128xf32, #tpu.memory_space<vmem_shared>> -> memref<80x128xf32, #tpu.memory_space<vmem_shared>>
        %dma_start3A_120 = arith.constant 0 : i32
        %dma_start3A_121 = arith.constant 0 : i32
        %dma_start3A_122 = tpu.memref_slice %arg8[%run_scoped3A_85, %dma_start3A_120, %dma_start3A_121] : memref<3x100x128xf32, #tpu.memory_space<vmem>> -> memref<1x80x128xf32, #tpu.memory_space<vmem>>
        %dma_start3A_123 = tpu.memref_squeeze %dma_start3A_122 : memref<1x80x128xf32, #tpu.memory_space<vmem>> -> memref<80x128xf32, #tpu.memory_space<vmem>>
        tpu.enqueue_dma source(%dma_start3A_123 : memref<80x128xf32, #tpu.memory_space<vmem>>) target(%dma_start3A_119 : memref<80x128xf32, #tpu.memory_space<vmem_shared>>) target_semaphore(%run_scoped3A_111 : memref<!tpu.dma_semaphore, #tpu.memory_space<semaphore_mem>>)
        %dma_wait3A_124 = arith.constant 0 : i32
        %dma_wait3A_125 = arith.constant 0 : i32
        %dma_wait3A_126 = tpu.memref_slice %arg8[%run_scoped3A_85, %dma_wait3A_124, %dma_wait3A_125] : memref<3x100x128xf32, #tpu.memory_space<vmem>> -> memref<1x80x128xf32, #tpu.memory_space<vmem>>
        %dma_wait3A_127 = tpu.memref_squeeze %dma_wait3A_126 : memref<1x80x128xf32, #tpu.memory_space<vmem>> -> memref<80x128xf32, #tpu.memory_space<vmem>>
        %dma_wait3A_128 = arith.constant 0 : i32
        %dma_wait3A_129 = tpu.memref_slice %arg11[%add3A_84, %dma_wait3A_128] : memref<10000x128xf32, #tpu.memory_space<vmem_shared>> -> memref<80x128xf32, #tpu.memory_space<vmem_shared>>
        %dma_wait3A_130 = arith.constant 0 : i32
        %dma_wait3A_131 = tpu.memref_slice %arg11[%add3A_84, %dma_wait3A_130] : memref<10000x128xf32, #tpu.memory_space<vmem_shared>> -> memref<80x128xf32, #tpu.memory_space<vmem_shared>>
        %dma_wait3A_132 = arith.constant 0 : i32
        %dma_wait3A_133 = arith.constant 0 : i32
        %dma_wait3A_134 = tpu.memref_slice %arg8[%run_scoped3A_85, %dma_wait3A_132, %dma_wait3A_133] : memref<3x100x128xf32, #tpu.memory_space<vmem>> -> memref<1x80x128xf32, #tpu.memory_space<vmem>>
        %dma_wait3A_135 = tpu.memref_squeeze %dma_wait3A_134 : memref<1x80x128xf32, #tpu.memory_space<vmem>> -> memref<80x128xf32, #tpu.memory_space<vmem>>
        tpu.wait_dma2 semaphore(%run_scoped3A_111 : memref<!tpu.dma_semaphore, #tpu.memory_space<semaphore_mem>>) src(%dma_wait3A_135 : memref<80x128xf32, #tpu.memory_space<vmem>>) dst(%dma_wait3A_131 : memref<80x128xf32, #tpu.memory_space<vmem_shared>>)
        tpu.yield
      }) : () -> ()
      %mul3A_86 = arith.constant 624 : i32
      %mul3A_87 = arith.muli %arg1, %mul3A_86 : i32
      %add3A_88 = arith.constant 240 : i32
      %add3A_89 = arith.addi %mul3A_87, %add3A_88 : i32
      %run_scoped3A_90 = arith.constant 0 : i32
      "tpu.region"() ({
        %run_scoped3A_111 = tpu.sem_alloc : memref<!tpu.dma_semaphore, #tpu.memory_space<semaphore_mem>>
        %dma_start3A_112 = arith.constant 0 : i32
        %dma_start3A_113 = arith.constant 0 : i32
        %dma_start3A_114 = tpu.memref_slice %arg8[%run_scoped3A_90, %dma_start3A_112, %dma_start3A_113] : memref<3x100x128xf32, #tpu.memory_space<vmem>> -> memref<1x80x128xf32, #tpu.memory_space<vmem>>
        %dma_start3A_115 = tpu.memref_squeeze %dma_start3A_114 : memref<1x80x128xf32, #tpu.memory_space<vmem>> -> memref<80x128xf32, #tpu.memory_space<vmem>>
        %dma_start3A_116 = arith.constant 0 : i32
        %dma_start3A_117 = tpu.memref_slice %arg11[%add3A_89, %dma_start3A_116] : memref<10000x128xf32, #tpu.memory_space<vmem_shared>> -> memref<80x128xf32, #tpu.memory_space<vmem_shared>>
        %dma_start3A_118 = arith.constant 0 : i32
        %dma_start3A_119 = tpu.memref_slice %arg11[%add3A_89, %dma_start3A_118] : memref<10000x128xf32, #tpu.memory_space<vmem_shared>> -> memref<80x128xf32, #tpu.memory_space<vmem_shared>>
        %dma_start3A_120 = arith.constant 0 : i32
        %dma_start3A_121 = arith.constant 0 : i32
        %dma_start3A_122 = tpu.memref_slice %arg8[%run_scoped3A_90, %dma_start3A_120, %dma_start3A_121] : memref<3x100x128xf32, #tpu.memory_space<vmem>> -> memref<1x80x128xf32, #tpu.memory_space<vmem>>
        %dma_start3A_123 = tpu.memref_squeeze %dma_start3A_122 : memref<1x80x128xf32, #tpu.memory_space<vmem>> -> memref<80x128xf32, #tpu.memory_space<vmem>>
        tpu.enqueue_dma source(%dma_start3A_123 : memref<80x128xf32, #tpu.memory_space<vmem>>) target(%dma_start3A_119 : memref<80x128xf32, #tpu.memory_space<vmem_shared>>) target_semaphore(%run_scoped3A_111 : memref<!tpu.dma_semaphore, #tpu.memory_space<semaphore_mem>>)
        %dma_wait3A_124 = arith.constant 0 : i32
        %dma_wait3A_125 = arith.constant 0 : i32
        %dma_wait3A_126 = tpu.memref_slice %arg8[%run_scoped3A_90, %dma_wait3A_124, %dma_wait3A_125] : memref<3x100x128xf32, #tpu.memory_space<vmem>> -> memref<1x80x128xf32, #tpu.memory_space<vmem>>
        %dma_wait3A_127 = tpu.memref_squeeze %dma_wait3A_126 : memref<1x80x128xf32, #tpu.memory_space<vmem>> -> memref<80x128xf32, #tpu.memory_space<vmem>>
        %dma_wait3A_128 = arith.constant 0 : i32
        %dma_wait3A_129 = tpu.memref_slice %arg11[%add3A_89, %dma_wait3A_128] : memref<10000x128xf32, #tpu.memory_space<vmem_shared>> -> memref<80x128xf32, #tpu.memory_space<vmem_shared>>
        %dma_wait3A_130 = arith.constant 0 : i32
        %dma_wait3A_131 = tpu.memref_slice %arg11[%add3A_89, %dma_wait3A_130] : memref<10000x128xf32, #tpu.memory_space<vmem_shared>> -> memref<80x128xf32, #tpu.memory_space<vmem_shared>>
        %dma_wait3A_132 = arith.constant 0 : i32
        %dma_wait3A_133 = arith.constant 0 : i32
        %dma_wait3A_134 = tpu.memref_slice %arg8[%run_scoped3A_90, %dma_wait3A_132, %dma_wait3A_133] : memref<3x100x128xf32, #tpu.memory_space<vmem>> -> memref<1x80x128xf32, #tpu.memory_space<vmem>>
        %dma_wait3A_135 = tpu.memref_squeeze %dma_wait3A_134 : memref<1x80x128xf32, #tpu.memory_space<vmem>> -> memref<80x128xf32, #tpu.memory_space<vmem>>
        tpu.wait_dma2 semaphore(%run_scoped3A_111 : memref<!tpu.dma_semaphore, #tpu.memory_space<semaphore_mem>>) src(%dma_wait3A_135 : memref<80x128xf32, #tpu.memory_space<vmem>>) dst(%dma_wait3A_131 : memref<80x128xf32, #tpu.memory_space<vmem_shared>>)
        tpu.yield
      }) : () -> ()
      %mul3A_91 = arith.constant 624 : i32
      %mul3A_92 = arith.muli %arg1, %mul3A_91 : i32
      %add3A_93 = arith.constant 320 : i32
      %add3A_94 = arith.addi %mul3A_92, %add3A_93 : i32
      %run_scoped3A_95 = arith.constant 0 : i32
      "tpu.region"() ({
        %run_scoped3A_111 = tpu.sem_alloc : memref<!tpu.dma_semaphore, #tpu.memory_space<semaphore_mem>>
        %dma_start3A_112 = arith.constant 0 : i32
        %dma_start3A_113 = arith.constant 0 : i32
        %dma_start3A_114 = tpu.memref_slice %arg8[%run_scoped3A_95, %dma_start3A_112, %dma_start3A_113] : memref<3x100x128xf32, #tpu.memory_space<vmem>> -> memref<1x80x128xf32, #tpu.memory_space<vmem>>
        %dma_start3A_115 = tpu.memref_squeeze %dma_start3A_114 : memref<1x80x128xf32, #tpu.memory_space<vmem>> -> memref<80x128xf32, #tpu.memory_space<vmem>>
        %dma_start3A_116 = arith.constant 0 : i32
        %dma_start3A_117 = tpu.memref_slice %arg11[%add3A_94, %dma_start3A_116] : memref<10000x128xf32, #tpu.memory_space<vmem_shared>> -> memref<80x128xf32, #tpu.memory_space<vmem_shared>>
        %dma_start3A_118 = arith.constant 0 : i32
        %dma_start3A_119 = tpu.memref_slice %arg11[%add3A_94, %dma_start3A_118] : memref<10000x128xf32, #tpu.memory_space<vmem_shared>> -> memref<80x128xf32, #tpu.memory_space<vmem_shared>>
        %dma_start3A_120 = arith.constant 0 : i32
        %dma_start3A_121 = arith.constant 0 : i32
        %dma_start3A_122 = tpu.memref_slice %arg8[%run_scoped3A_95, %dma_start3A_120, %dma_start3A_121] : memref<3x100x128xf32, #tpu.memory_space<vmem>> -> memref<1x80x128xf32, #tpu.memory_space<vmem>>
        %dma_start3A_123 = tpu.memref_squeeze %dma_start3A_122 : memref<1x80x128xf32, #tpu.memory_space<vmem>> -> memref<80x128xf32, #tpu.memory_space<vmem>>
        tpu.enqueue_dma source(%dma_start3A_123 : memref<80x128xf32, #tpu.memory_space<vmem>>) target(%dma_start3A_119 : memref<80x128xf32, #tpu.memory_space<vmem_shared>>) target_semaphore(%run_scoped3A_111 : memref<!tpu.dma_semaphore, #tpu.memory_space<semaphore_mem>>)
        %dma_wait3A_124 = arith.constant 0 : i32
        %dma_wait3A_125 = arith.constant 0 : i32
        %dma_wait3A_126 = tpu.memref_slice %arg8[%run_scoped3A_95, %dma_wait3A_124, %dma_wait3A_125] : memref<3x100x128xf32, #tpu.memory_space<vmem>> -> memref<1x80x128xf32, #tpu.memory_space<vmem>>
        %dma_wait3A_127 = tpu.memref_squeeze %dma_wait3A_126 : memref<1x80x128xf32, #tpu.memory_space<vmem>> -> memref<80x128xf32, #tpu.memory_space<vmem>>
        %dma_wait3A_128 = arith.constant 0 : i32
        %dma_wait3A_129 = tpu.memref_slice %arg11[%add3A_94, %dma_wait3A_128] : memref<10000x128xf32, #tpu.memory_space<vmem_shared>> -> memref<80x128xf32, #tpu.memory_space<vmem_shared>>
        %dma_wait3A_130 = arith.constant 0 : i32
        %dma_wait3A_131 = tpu.memref_slice %arg11[%add3A_94, %dma_wait3A_130] : memref<10000x128xf32, #tpu.memory_space<vmem_shared>> -> memref<80x128xf32, #tpu.memory_space<vmem_shared>>
        %dma_wait3A_132 = arith.constant 0 : i32
        %dma_wait3A_133 = arith.constant 0 : i32
        %dma_wait3A_134 = tpu.memref_slice %arg8[%run_scoped3A_95, %dma_wait3A_132, %dma_wait3A_133] : memref<3x100x128xf32, #tpu.memory_space<vmem>> -> memref<1x80x128xf32, #tpu.memory_space<vmem>>
        %dma_wait3A_135 = tpu.memref_squeeze %dma_wait3A_134 : memref<1x80x128xf32, #tpu.memory_space<vmem>> -> memref<80x128xf32, #tpu.memory_space<vmem>>
        tpu.wait_dma2 semaphore(%run_scoped3A_111 : memref<!tpu.dma_semaphore, #tpu.memory_space<semaphore_mem>>) src(%dma_wait3A_135 : memref<80x128xf32, #tpu.memory_space<vmem>>) dst(%dma_wait3A_131 : memref<80x128xf32, #tpu.memory_space<vmem_shared>>)
        tpu.yield
      }) : () -> ()
      %mul3A_96 = arith.constant 624 : i32
      %mul3A_97 = arith.muli %arg1, %mul3A_96 : i32
      %add3A_98 = arith.constant 400 : i32
      %add3A_99 = arith.addi %mul3A_97, %add3A_98 : i32
      %run_scoped3A_100 = arith.constant 0 : i32
      "tpu.region"() ({
        %run_scoped3A_111 = tpu.sem_alloc : memref<!tpu.dma_semaphore, #tpu.memory_space<semaphore_mem>>
        %dma_start3A_112 = arith.constant 0 : i32
        %dma_start3A_113 = arith.constant 0 : i32
        %dma_start3A_114 = tpu.memref_slice %arg8[%run_scoped3A_100, %dma_start3A_112, %dma_start3A_113] : memref<3x100x128xf32, #tpu.memory_space<vmem>> -> memref<1x80x128xf32, #tpu.memory_space<vmem>>
        %dma_start3A_115 = tpu.memref_squeeze %dma_start3A_114 : memref<1x80x128xf32, #tpu.memory_space<vmem>> -> memref<80x128xf32, #tpu.memory_space<vmem>>
        %dma_start3A_116 = arith.constant 0 : i32
        %dma_start3A_117 = tpu.memref_slice %arg11[%add3A_99, %dma_start3A_116] : memref<10000x128xf32, #tpu.memory_space<vmem_shared>> -> memref<80x128xf32, #tpu.memory_space<vmem_shared>>
        %dma_start3A_118 = arith.constant 0 : i32
        %dma_start3A_119 = tpu.memref_slice %arg11[%add3A_99, %dma_start3A_118] : memref<10000x128xf32, #tpu.memory_space<vmem_shared>> -> memref<80x128xf32, #tpu.memory_space<vmem_shared>>
        %dma_start3A_120 = arith.constant 0 : i32
        %dma_start3A_121 = arith.constant 0 : i32
        %dma_start3A_122 = tpu.memref_slice %arg8[%run_scoped3A_100, %dma_start3A_120, %dma_start3A_121] : memref<3x100x128xf32, #tpu.memory_space<vmem>> -> memref<1x80x128xf32, #tpu.memory_space<vmem>>
        %dma_start3A_123 = tpu.memref_squeeze %dma_start3A_122 : memref<1x80x128xf32, #tpu.memory_space<vmem>> -> memref<80x128xf32, #tpu.memory_space<vmem>>
        tpu.enqueue_dma source(%dma_start3A_123 : memref<80x128xf32, #tpu.memory_space<vmem>>) target(%dma_start3A_119 : memref<80x128xf32, #tpu.memory_space<vmem_shared>>) target_semaphore(%run_scoped3A_111 : memref<!tpu.dma_semaphore, #tpu.memory_space<semaphore_mem>>)
        %dma_wait3A_124 = arith.constant 0 : i32
        %dma_wait3A_125 = arith.constant 0 : i32
        %dma_wait3A_126 = tpu.memref_slice %arg8[%run_scoped3A_100, %dma_wait3A_124, %dma_wait3A_125] : memref<3x100x128xf32, #tpu.memory_space<vmem>> -> memref<1x80x128xf32, #tpu.memory_space<vmem>>
        %dma_wait3A_127 = tpu.memref_squeeze %dma_wait3A_126 : memref<1x80x128xf32, #tpu.memory_space<vmem>> -> memref<80x128xf32, #tpu.memory_space<vmem>>
        %dma_wait3A_128 = arith.constant 0 : i32
        %dma_wait3A_129 = tpu.memref_slice %arg11[%add3A_99, %dma_wait3A_128] : memref<10000x128xf32, #tpu.memory_space<vmem_shared>> -> memref<80x128xf32, #tpu.memory_space<vmem_shared>>
        %dma_wait3A_130 = arith.constant 0 : i32
        %dma_wait3A_131 = tpu.memref_slice %arg11[%add3A_99, %dma_wait3A_130] : memref<10000x128xf32, #tpu.memory_space<vmem_shared>> -> memref<80x128xf32, #tpu.memory_space<vmem_shared>>
        %dma_wait3A_132 = arith.constant 0 : i32
        %dma_wait3A_133 = arith.constant 0 : i32
        %dma_wait3A_134 = tpu.memref_slice %arg8[%run_scoped3A_100, %dma_wait3A_132, %dma_wait3A_133] : memref<3x100x128xf32, #tpu.memory_space<vmem>> -> memref<1x80x128xf32, #tpu.memory_space<vmem>>
        %dma_wait3A_135 = tpu.memref_squeeze %dma_wait3A_134 : memref<1x80x128xf32, #tpu.memory_space<vmem>> -> memref<80x128xf32, #tpu.memory_space<vmem>>
        tpu.wait_dma2 semaphore(%run_scoped3A_111 : memref<!tpu.dma_semaphore, #tpu.memory_space<semaphore_mem>>) src(%dma_wait3A_135 : memref<80x128xf32, #tpu.memory_space<vmem>>) dst(%dma_wait3A_131 : memref<80x128xf32, #tpu.memory_space<vmem_shared>>)
        tpu.yield
      }) : () -> ()
      %mul3A_101 = arith.constant 624 : i32
      %mul3A_102 = arith.muli %arg1, %mul3A_101 : i32
      %add3A_103 = arith.constant 480 : i32
      %add3A_104 = arith.addi %mul3A_102, %add3A_103 : i32
      %run_scoped3A_105 = arith.constant 0 : i32
      "tpu.region"() ({
        %run_scoped3A_111 = tpu.sem_alloc : memref<!tpu.dma_semaphore, #tpu.memory_space<semaphore_mem>>
        %dma_start3A_112 = arith.constant 0 : i32
        %dma_start3A_113 = arith.constant 0 : i32
        %dma_start3A_114 = tpu.memref_slice %arg8[%run_scoped3A_105, %dma_start3A_112, %dma_start3A_113] : memref<3x100x128xf32, #tpu.memory_space<vmem>> -> memref<1x80x128xf32, #tpu.memory_space<vmem>>
        %dma_start3A_115 = tpu.memref_squeeze %dma_start3A_114 : memref<1x80x128xf32, #tpu.memory_space<vmem>> -> memref<80x128xf32, #tpu.memory_space<vmem>>
        %dma_start3A_116 = arith.constant 0 : i32
        %dma_start3A_117 = tpu.memref_slice %arg11[%add3A_104, %dma_start3A_116] : memref<10000x128xf32, #tpu.memory_space<vmem_shared>> -> memref<80x128xf32, #tpu.memory_space<vmem_shared>>
        %dma_start3A_118 = arith.constant 0 : i32
        %dma_start3A_119 = tpu.memref_slice %arg11[%add3A_104, %dma_start3A_118] : memref<10000x128xf32, #tpu.memory_space<vmem_shared>> -> memref<80x128xf32, #tpu.memory_space<vmem_shared>>
        %dma_start3A_120 = arith.constant 0 : i32
        %dma_start3A_121 = arith.constant 0 : i32
        %dma_start3A_122 = tpu.memref_slice %arg8[%run_scoped3A_105, %dma_start3A_120, %dma_start3A_121] : memref<3x100x128xf32, #tpu.memory_space<vmem>> -> memref<1x80x128xf32, #tpu.memory_space<vmem>>
        %dma_start3A_123 = tpu.memref_squeeze %dma_start3A_122 : memref<1x80x128xf32, #tpu.memory_space<vmem>> -> memref<80x128xf32, #tpu.memory_space<vmem>>
        tpu.enqueue_dma source(%dma_start3A_123 : memref<80x128xf32, #tpu.memory_space<vmem>>) target(%dma_start3A_119 : memref<80x128xf32, #tpu.memory_space<vmem_shared>>) target_semaphore(%run_scoped3A_111 : memref<!tpu.dma_semaphore, #tpu.memory_space<semaphore_mem>>)
        %dma_wait3A_124 = arith.constant 0 : i32
        %dma_wait3A_125 = arith.constant 0 : i32
        %dma_wait3A_126 = tpu.memref_slice %arg8[%run_scoped3A_105, %dma_wait3A_124, %dma_wait3A_125] : memref<3x100x128xf32, #tpu.memory_space<vmem>> -> memref<1x80x128xf32, #tpu.memory_space<vmem>>
        %dma_wait3A_127 = tpu.memref_squeeze %dma_wait3A_126 : memref<1x80x128xf32, #tpu.memory_space<vmem>> -> memref<80x128xf32, #tpu.memory_space<vmem>>
        %dma_wait3A_128 = arith.constant 0 : i32
        %dma_wait3A_129 = tpu.memref_slice %arg11[%add3A_104, %dma_wait3A_128] : memref<10000x128xf32, #tpu.memory_space<vmem_shared>> -> memref<80x128xf32, #tpu.memory_space<vmem_shared>>
        %dma_wait3A_130 = arith.constant 0 : i32
        %dma_wait3A_131 = tpu.memref_slice %arg11[%add3A_104, %dma_wait3A_130] : memref<10000x128xf32, #tpu.memory_space<vmem_shared>> -> memref<80x128xf32, #tpu.memory_space<vmem_shared>>
        %dma_wait3A_132 = arith.constant 0 : i32
        %dma_wait3A_133 = arith.constant 0 : i32
        %dma_wait3A_134 = tpu.memref_slice %arg8[%run_scoped3A_105, %dma_wait3A_132, %dma_wait3A_133] : memref<3x100x128xf32, #tpu.memory_space<vmem>> -> memref<1x80x128xf32, #tpu.memory_space<vmem>>
        %dma_wait3A_135 = tpu.memref_squeeze %dma_wait3A_134 : memref<1x80x128xf32, #tpu.memory_space<vmem>> -> memref<80x128xf32, #tpu.memory_space<vmem>>
        tpu.wait_dma2 semaphore(%run_scoped3A_111 : memref<!tpu.dma_semaphore, #tpu.memory_space<semaphore_mem>>) src(%dma_wait3A_135 : memref<80x128xf32, #tpu.memory_space<vmem>>) dst(%dma_wait3A_131 : memref<80x128xf32, #tpu.memory_space<vmem_shared>>)
        tpu.yield
      }) : () -> ()
      %mul3A_106 = arith.constant 624 : i32
      %mul3A_107 = arith.muli %arg1, %mul3A_106 : i32
      %add3A_108 = arith.constant 560 : i32
      %add3A_109 = arith.addi %mul3A_107, %add3A_108 : i32
      %run_scoped3A_110 = arith.constant 0 : i32
      "tpu.region"() ({
        %run_scoped3A_111 = tpu.sem_alloc : memref<!tpu.dma_semaphore, #tpu.memory_space<semaphore_mem>>
        %dma_start3A_112 = arith.constant 0 : i32
        %dma_start3A_113 = arith.constant 0 : i32
        %dma_start3A_114 = tpu.memref_slice %arg8[%run_scoped3A_110, %dma_start3A_112, %dma_start3A_113] : memref<3x100x128xf32, #tpu.memory_space<vmem>> -> memref<1x64x128xf32, #tpu.memory_space<vmem>>
        %dma_start3A_115 = tpu.memref_squeeze %dma_start3A_114 : memref<1x64x128xf32, #tpu.memory_space<vmem>> -> memref<64x128xf32, #tpu.memory_space<vmem>>
        %dma_start3A_116 = arith.constant 0 : i32
        %dma_start3A_117 = tpu.memref_slice %arg11[%add3A_109, %dma_start3A_116] : memref<10000x128xf32, #tpu.memory_space<vmem_shared>> -> memref<64x128xf32, #tpu.memory_space<vmem_shared>>
        %dma_start3A_118 = arith.constant 0 : i32
        %dma_start3A_119 = tpu.memref_slice %arg11[%add3A_109, %dma_start3A_118] : memref<10000x128xf32, #tpu.memory_space<vmem_shared>> -> memref<64x128xf32, #tpu.memory_space<vmem_shared>>
        %dma_start3A_120 = arith.constant 0 : i32
        %dma_start3A_121 = arith.constant 0 : i32
        %dma_start3A_122 = tpu.memref_slice %arg8[%run_scoped3A_110, %dma_start3A_120, %dma_start3A_121] : memref<3x100x128xf32, #tpu.memory_space<vmem>> -> memref<1x64x128xf32, #tpu.memory_space<vmem>>
        %dma_start3A_123 = tpu.memref_squeeze %dma_start3A_122 : memref<1x64x128xf32, #tpu.memory_space<vmem>> -> memref<64x128xf32, #tpu.memory_space<vmem>>
        tpu.enqueue_dma source(%dma_start3A_123 : memref<64x128xf32, #tpu.memory_space<vmem>>) target(%dma_start3A_119 : memref<64x128xf32, #tpu.memory_space<vmem_shared>>) target_semaphore(%run_scoped3A_111 : memref<!tpu.dma_semaphore, #tpu.memory_space<semaphore_mem>>)
        %dma_wait3A_124 = arith.constant 0 : i32
        %dma_wait3A_125 = arith.constant 0 : i32
        %dma_wait3A_126 = tpu.memref_slice %arg8[%run_scoped3A_110, %dma_wait3A_124, %dma_wait3A_125] : memref<3x100x128xf32, #tpu.memory_space<vmem>> -> memref<1x64x128xf32, #tpu.memory_space<vmem>>
        %dma_wait3A_127 = tpu.memref_squeeze %dma_wait3A_126 : memref<1x64x128xf32, #tpu.memory_space<vmem>> -> memref<64x128xf32, #tpu.memory_space<vmem>>
        %dma_wait3A_128 = arith.constant 0 : i32
        %dma_wait3A_129 = tpu.memref_slice %arg11[%add3A_109, %dma_wait3A_128] : memref<10000x128xf32, #tpu.memory_space<vmem_shared>> -> memref<64x128xf32, #tpu.memory_space<vmem_shared>>
        %dma_wait3A_130 = arith.constant 0 : i32
        %dma_wait3A_131 = tpu.memref_slice %arg11[%add3A_109, %dma_wait3A_130] : memref<10000x128xf32, #tpu.memory_space<vmem_shared>> -> memref<64x128xf32, #tpu.memory_space<vmem_shared>>
        %dma_wait3A_132 = arith.constant 0 : i32
        %dma_wait3A_133 = arith.constant 0 : i32
        %dma_wait3A_134 = tpu.memref_slice %arg8[%run_scoped3A_110, %dma_wait3A_132, %dma_wait3A_133] : memref<3x100x128xf32, #tpu.memory_space<vmem>> -> memref<1x64x128xf32, #tpu.memory_space<vmem>>
        %dma_wait3A_135 = tpu.memref_squeeze %dma_wait3A_134 : memref<1x64x128xf32, #tpu.memory_space<vmem>> -> memref<64x128xf32, #tpu.memory_space<vmem>>
        tpu.wait_dma2 semaphore(%run_scoped3A_111 : memref<!tpu.dma_semaphore, #tpu.memory_space<semaphore_mem>>) src(%dma_wait3A_135 : memref<64x128xf32, #tpu.memory_space<vmem>>) dst(%dma_wait3A_131 : memref<64x128xf32, #tpu.memory_space<vmem_shared>>)
        tpu.yield
      }) : () -> ()
    } else {
    }
    %eq3A = arith.constant 15 : i32
    %eq3A_10 = arith.cmpi eq, %arg1, %eq3A : i32
    %convert_element_type3A_11 = arith.extui %eq3A_10 : i1 to i32
    %cond3A_12 = arith.constant 0 : i32
    %cond3A_13 = arith.cmpi ne, %convert_element_type3A_11, %cond3A_12 : i32
    scf.if %cond3A_13 {
      %run_scoped3A_71 = arith.constant 0 : i32
      "tpu.region"() ({
        %run_scoped3A_79 = tpu.sem_alloc : memref<!tpu.dma_semaphore, #tpu.memory_space<semaphore_mem>>
        %dma_start3A_80 = arith.constant 0 : i32
        %dma_start3A_81 = arith.constant 0 : i32
        %dma_start3A_82 = tpu.memref_slice %arg8[%run_scoped3A_71, %dma_start3A_80, %dma_start3A_81] : memref<3x100x128xf32, #tpu.memory_space<vmem>> -> memref<1x80x128xf32, #tpu.memory_space<vmem>>
        %dma_start3A_83 = tpu.memref_squeeze %dma_start3A_82 : memref<1x80x128xf32, #tpu.memory_space<vmem>> -> memref<80x128xf32, #tpu.memory_space<vmem>>
        %dma_start3A_84 = arith.constant 9360 : i32
        %dma_start3A_85 = arith.constant 0 : i32
        %dma_start3A_86 = tpu.memref_slice %arg11[%dma_start3A_84, %dma_start3A_85] : memref<10000x128xf32, #tpu.memory_space<vmem_shared>> -> memref<80x128xf32, #tpu.memory_space<vmem_shared>>
        %dma_start3A_87 = arith.constant 9360 : i32
        %dma_start3A_88 = arith.constant 0 : i32
        %dma_start3A_89 = tpu.memref_slice %arg11[%dma_start3A_87, %dma_start3A_88] : memref<10000x128xf32, #tpu.memory_space<vmem_shared>> -> memref<80x128xf32, #tpu.memory_space<vmem_shared>>
        %dma_start3A_90 = arith.constant 0 : i32
        %dma_start3A_91 = arith.constant 0 : i32
        %dma_start3A_92 = tpu.memref_slice %arg8[%run_scoped3A_71, %dma_start3A_90, %dma_start3A_91] : memref<3x100x128xf32, #tpu.memory_space<vmem>> -> memref<1x80x128xf32, #tpu.memory_space<vmem>>
        %dma_start3A_93 = tpu.memref_squeeze %dma_start3A_92 : memref<1x80x128xf32, #tpu.memory_space<vmem>> -> memref<80x128xf32, #tpu.memory_space<vmem>>
        tpu.enqueue_dma source(%dma_start3A_93 : memref<80x128xf32, #tpu.memory_space<vmem>>) target(%dma_start3A_89 : memref<80x128xf32, #tpu.memory_space<vmem_shared>>) target_semaphore(%run_scoped3A_79 : memref<!tpu.dma_semaphore, #tpu.memory_space<semaphore_mem>>)
        %dma_wait3A_94 = arith.constant 0 : i32
        %dma_wait3A_95 = arith.constant 0 : i32
        %dma_wait3A_96 = tpu.memref_slice %arg8[%run_scoped3A_71, %dma_wait3A_94, %dma_wait3A_95] : memref<3x100x128xf32, #tpu.memory_space<vmem>> -> memref<1x80x128xf32, #tpu.memory_space<vmem>>
        %dma_wait3A_97 = tpu.memref_squeeze %dma_wait3A_96 : memref<1x80x128xf32, #tpu.memory_space<vmem>> -> memref<80x128xf32, #tpu.memory_space<vmem>>
        %dma_wait3A_98 = arith.constant 9360 : i32
        %dma_wait3A_99 = arith.constant 0 : i32
        %dma_wait3A_100 = tpu.memref_slice %arg11[%dma_wait3A_98, %dma_wait3A_99] : memref<10000x128xf32, #tpu.memory_space<vmem_shared>> -> memref<80x128xf32, #tpu.memory_space<vmem_shared>>
        %dma_wait3A_101 = arith.constant 9360 : i32
        %dma_wait3A_102 = arith.constant 0 : i32
        %dma_wait3A_103 = tpu.memref_slice %arg11[%dma_wait3A_101, %dma_wait3A_102] : memref<10000x128xf32, #tpu.memory_space<vmem_shared>> -> memref<80x128xf32, #tpu.memory_space<vmem_shared>>
        %dma_wait3A_104 = arith.constant 0 : i32
        %dma_wait3A_105 = arith.constant 0 : i32
        %dma_wait3A_106 = tpu.memref_slice %arg8[%run_scoped3A_71, %dma_wait3A_104, %dma_wait3A_105] : memref<3x100x128xf32, #tpu.memory_space<vmem>> -> memref<1x80x128xf32, #tpu.memory_space<vmem>>
        %dma_wait3A_107 = tpu.memref_squeeze %dma_wait3A_106 : memref<1x80x128xf32, #tpu.memory_space<vmem>> -> memref<80x128xf32, #tpu.memory_space<vmem>>
        tpu.wait_dma2 semaphore(%run_scoped3A_79 : memref<!tpu.dma_semaphore, #tpu.memory_space<semaphore_mem>>) src(%dma_wait3A_107 : memref<80x128xf32, #tpu.memory_space<vmem>>) dst(%dma_wait3A_103 : memref<80x128xf32, #tpu.memory_space<vmem_shared>>)
        tpu.yield
      }) : () -> ()
      %run_scoped3A_72 = arith.constant 0 : i32
      "tpu.region"() ({
        %run_scoped3A_79 = tpu.sem_alloc : memref<!tpu.dma_semaphore, #tpu.memory_space<semaphore_mem>>
        %dma_start3A_80 = arith.constant 0 : i32
        %dma_start3A_81 = arith.constant 0 : i32
        %dma_start3A_82 = tpu.memref_slice %arg8[%run_scoped3A_72, %dma_start3A_80, %dma_start3A_81] : memref<3x100x128xf32, #tpu.memory_space<vmem>> -> memref<1x80x128xf32, #tpu.memory_space<vmem>>
        %dma_start3A_83 = tpu.memref_squeeze %dma_start3A_82 : memref<1x80x128xf32, #tpu.memory_space<vmem>> -> memref<80x128xf32, #tpu.memory_space<vmem>>
        %dma_start3A_84 = arith.constant 9440 : i32
        %dma_start3A_85 = arith.constant 0 : i32
        %dma_start3A_86 = tpu.memref_slice %arg11[%dma_start3A_84, %dma_start3A_85] : memref<10000x128xf32, #tpu.memory_space<vmem_shared>> -> memref<80x128xf32, #tpu.memory_space<vmem_shared>>
        %dma_start3A_87 = arith.constant 9440 : i32
        %dma_start3A_88 = arith.constant 0 : i32
        %dma_start3A_89 = tpu.memref_slice %arg11[%dma_start3A_87, %dma_start3A_88] : memref<10000x128xf32, #tpu.memory_space<vmem_shared>> -> memref<80x128xf32, #tpu.memory_space<vmem_shared>>
        %dma_start3A_90 = arith.constant 0 : i32
        %dma_start3A_91 = arith.constant 0 : i32
        %dma_start3A_92 = tpu.memref_slice %arg8[%run_scoped3A_72, %dma_start3A_90, %dma_start3A_91] : memref<3x100x128xf32, #tpu.memory_space<vmem>> -> memref<1x80x128xf32, #tpu.memory_space<vmem>>
        %dma_start3A_93 = tpu.memref_squeeze %dma_start3A_92 : memref<1x80x128xf32, #tpu.memory_space<vmem>> -> memref<80x128xf32, #tpu.memory_space<vmem>>
        tpu.enqueue_dma source(%dma_start3A_93 : memref<80x128xf32, #tpu.memory_space<vmem>>) target(%dma_start3A_89 : memref<80x128xf32, #tpu.memory_space<vmem_shared>>) target_semaphore(%run_scoped3A_79 : memref<!tpu.dma_semaphore, #tpu.memory_space<semaphore_mem>>)
        %dma_wait3A_94 = arith.constant 0 : i32
        %dma_wait3A_95 = arith.constant 0 : i32
        %dma_wait3A_96 = tpu.memref_slice %arg8[%run_scoped3A_72, %dma_wait3A_94, %dma_wait3A_95] : memref<3x100x128xf32, #tpu.memory_space<vmem>> -> memref<1x80x128xf32, #tpu.memory_space<vmem>>
        %dma_wait3A_97 = tpu.memref_squeeze %dma_wait3A_96 : memref<1x80x128xf32, #tpu.memory_space<vmem>> -> memref<80x128xf32, #tpu.memory_space<vmem>>
        %dma_wait3A_98 = arith.constant 9440 : i32
        %dma_wait3A_99 = arith.constant 0 : i32
        %dma_wait3A_100 = tpu.memref_slice %arg11[%dma_wait3A_98, %dma_wait3A_99] : memref<10000x128xf32, #tpu.memory_space<vmem_shared>> -> memref<80x128xf32, #tpu.memory_space<vmem_shared>>
        %dma_wait3A_101 = arith.constant 9440 : i32
        %dma_wait3A_102 = arith.constant 0 : i32
        %dma_wait3A_103 = tpu.memref_slice %arg11[%dma_wait3A_101, %dma_wait3A_102] : memref<10000x128xf32, #tpu.memory_space<vmem_shared>> -> memref<80x128xf32, #tpu.memory_space<vmem_shared>>
        %dma_wait3A_104 = arith.constant 0 : i32
        %dma_wait3A_105 = arith.constant 0 : i32
        %dma_wait3A_106 = tpu.memref_slice %arg8[%run_scoped3A_72, %dma_wait3A_104, %dma_wait3A_105] : memref<3x100x128xf32, #tpu.memory_space<vmem>> -> memref<1x80x128xf32, #tpu.memory_space<vmem>>
        %dma_wait3A_107 = tpu.memref_squeeze %dma_wait3A_106 : memref<1x80x128xf32, #tpu.memory_space<vmem>> -> memref<80x128xf32, #tpu.memory_space<vmem>>
        tpu.wait_dma2 semaphore(%run_scoped3A_79 : memref<!tpu.dma_semaphore, #tpu.memory_space<semaphore_mem>>) src(%dma_wait3A_107 : memref<80x128xf32, #tpu.memory_space<vmem>>) dst(%dma_wait3A_103 : memref<80x128xf32, #tpu.memory_space<vmem_shared>>)
        tpu.yield
      }) : () -> ()
      %run_scoped3A_73 = arith.constant 0 : i32
      "tpu.region"() ({
        %run_scoped3A_79 = tpu.sem_alloc : memref<!tpu.dma_semaphore, #tpu.memory_space<semaphore_mem>>
        %dma_start3A_80 = arith.constant 0 : i32
        %dma_start3A_81 = arith.constant 0 : i32
        %dma_start3A_82 = tpu.memref_slice %arg8[%run_scoped3A_73, %dma_start3A_80, %dma_start3A_81] : memref<3x100x128xf32, #tpu.memory_space<vmem>> -> memref<1x80x128xf32, #tpu.memory_space<vmem>>
        %dma_start3A_83 = tpu.memref_squeeze %dma_start3A_82 : memref<1x80x128xf32, #tpu.memory_space<vmem>> -> memref<80x128xf32, #tpu.memory_space<vmem>>
        %dma_start3A_84 = arith.constant 9520 : i32
        %dma_start3A_85 = arith.constant 0 : i32
        %dma_start3A_86 = tpu.memref_slice %arg11[%dma_start3A_84, %dma_start3A_85] : memref<10000x128xf32, #tpu.memory_space<vmem_shared>> -> memref<80x128xf32, #tpu.memory_space<vmem_shared>>
        %dma_start3A_87 = arith.constant 9520 : i32
        %dma_start3A_88 = arith.constant 0 : i32
        %dma_start3A_89 = tpu.memref_slice %arg11[%dma_start3A_87, %dma_start3A_88] : memref<10000x128xf32, #tpu.memory_space<vmem_shared>> -> memref<80x128xf32, #tpu.memory_space<vmem_shared>>
        %dma_start3A_90 = arith.constant 0 : i32
        %dma_start3A_91 = arith.constant 0 : i32
        %dma_start3A_92 = tpu.memref_slice %arg8[%run_scoped3A_73, %dma_start3A_90, %dma_start3A_91] : memref<3x100x128xf32, #tpu.memory_space<vmem>> -> memref<1x80x128xf32, #tpu.memory_space<vmem>>
        %dma_start3A_93 = tpu.memref_squeeze %dma_start3A_92 : memref<1x80x128xf32, #tpu.memory_space<vmem>> -> memref<80x128xf32, #tpu.memory_space<vmem>>
        tpu.enqueue_dma source(%dma_start3A_93 : memref<80x128xf32, #tpu.memory_space<vmem>>) target(%dma_start3A_89 : memref<80x128xf32, #tpu.memory_space<vmem_shared>>) target_semaphore(%run_scoped3A_79 : memref<!tpu.dma_semaphore, #tpu.memory_space<semaphore_mem>>)
        %dma_wait3A_94 = arith.constant 0 : i32
        %dma_wait3A_95 = arith.constant 0 : i32
        %dma_wait3A_96 = tpu.memref_slice %arg8[%run_scoped3A_73, %dma_wait3A_94, %dma_wait3A_95] : memref<3x100x128xf32, #tpu.memory_space<vmem>> -> memref<1x80x128xf32, #tpu.memory_space<vmem>>
        %dma_wait3A_97 = tpu.memref_squeeze %dma_wait3A_96 : memref<1x80x128xf32, #tpu.memory_space<vmem>> -> memref<80x128xf32, #tpu.memory_space<vmem>>
        %dma_wait3A_98 = arith.constant 9520 : i32
        %dma_wait3A_99 = arith.constant 0 : i32
        %dma_wait3A_100 = tpu.memref_slice %arg11[%dma_wait3A_98, %dma_wait3A_99] : memref<10000x128xf32, #tpu.memory_space<vmem_shared>> -> memref<80x128xf32, #tpu.memory_space<vmem_shared>>
        %dma_wait3A_101 = arith.constant 9520 : i32
        %dma_wait3A_102 = arith.constant 0 : i32
        %dma_wait3A_103 = tpu.memref_slice %arg11[%dma_wait3A_101, %dma_wait3A_102] : memref<10000x128xf32, #tpu.memory_space<vmem_shared>> -> memref<80x128xf32, #tpu.memory_space<vmem_shared>>
        %dma_wait3A_104 = arith.constant 0 : i32
        %dma_wait3A_105 = arith.constant 0 : i32
        %dma_wait3A_106 = tpu.memref_slice %arg8[%run_scoped3A_73, %dma_wait3A_104, %dma_wait3A_105] : memref<3x100x128xf32, #tpu.memory_space<vmem>> -> memref<1x80x128xf32, #tpu.memory_space<vmem>>
        %dma_wait3A_107 = tpu.memref_squeeze %dma_wait3A_106 : memref<1x80x128xf32, #tpu.memory_space<vmem>> -> memref<80x128xf32, #tpu.memory_space<vmem>>
        tpu.wait_dma2 semaphore(%run_scoped3A_79 : memref<!tpu.dma_semaphore, #tpu.memory_space<semaphore_mem>>) src(%dma_wait3A_107 : memref<80x128xf32, #tpu.memory_space<vmem>>) dst(%dma_wait3A_103 : memref<80x128xf32, #tpu.memory_space<vmem_shared>>)
        tpu.yield
      }) : () -> ()
      %run_scoped3A_74 = arith.constant 0 : i32
      "tpu.region"() ({
        %run_scoped3A_79 = tpu.sem_alloc : memref<!tpu.dma_semaphore, #tpu.memory_space<semaphore_mem>>
        %dma_start3A_80 = arith.constant 0 : i32
        %dma_start3A_81 = arith.constant 0 : i32
        %dma_start3A_82 = tpu.memref_slice %arg8[%run_scoped3A_74, %dma_start3A_80, %dma_start3A_81] : memref<3x100x128xf32, #tpu.memory_space<vmem>> -> memref<1x80x128xf32, #tpu.memory_space<vmem>>
        %dma_start3A_83 = tpu.memref_squeeze %dma_start3A_82 : memref<1x80x128xf32, #tpu.memory_space<vmem>> -> memref<80x128xf32, #tpu.memory_space<vmem>>
        %dma_start3A_84 = arith.constant 9600 : i32
        %dma_start3A_85 = arith.constant 0 : i32
        %dma_start3A_86 = tpu.memref_slice %arg11[%dma_start3A_84, %dma_start3A_85] : memref<10000x128xf32, #tpu.memory_space<vmem_shared>> -> memref<80x128xf32, #tpu.memory_space<vmem_shared>>
        %dma_start3A_87 = arith.constant 9600 : i32
        %dma_start3A_88 = arith.constant 0 : i32
        %dma_start3A_89 = tpu.memref_slice %arg11[%dma_start3A_87, %dma_start3A_88] : memref<10000x128xf32, #tpu.memory_space<vmem_shared>> -> memref<80x128xf32, #tpu.memory_space<vmem_shared>>
        %dma_start3A_90 = arith.constant 0 : i32
        %dma_start3A_91 = arith.constant 0 : i32
        %dma_start3A_92 = tpu.memref_slice %arg8[%run_scoped3A_74, %dma_start3A_90, %dma_start3A_91] : memref<3x100x128xf32, #tpu.memory_space<vmem>> -> memref<1x80x128xf32, #tpu.memory_space<vmem>>
        %dma_start3A_93 = tpu.memref_squeeze %dma_start3A_92 : memref<1x80x128xf32, #tpu.memory_space<vmem>> -> memref<80x128xf32, #tpu.memory_space<vmem>>
        tpu.enqueue_dma source(%dma_start3A_93 : memref<80x128xf32, #tpu.memory_space<vmem>>) target(%dma_start3A_89 : memref<80x128xf32, #tpu.memory_space<vmem_shared>>) target_semaphore(%run_scoped3A_79 : memref<!tpu.dma_semaphore, #tpu.memory_space<semaphore_mem>>)
        %dma_wait3A_94 = arith.constant 0 : i32
        %dma_wait3A_95 = arith.constant 0 : i32
        %dma_wait3A_96 = tpu.memref_slice %arg8[%run_scoped3A_74, %dma_wait3A_94, %dma_wait3A_95] : memref<3x100x128xf32, #tpu.memory_space<vmem>> -> memref<1x80x128xf32, #tpu.memory_space<vmem>>
        %dma_wait3A_97 = tpu.memref_squeeze %dma_wait3A_96 : memref<1x80x128xf32, #tpu.memory_space<vmem>> -> memref<80x128xf32, #tpu.memory_space<vmem>>
        %dma_wait3A_98 = arith.constant 9600 : i32
        %dma_wait3A_99 = arith.constant 0 : i32
        %dma_wait3A_100 = tpu.memref_slice %arg11[%dma_wait3A_98, %dma_wait3A_99] : memref<10000x128xf32, #tpu.memory_space<vmem_shared>> -> memref<80x128xf32, #tpu.memory_space<vmem_shared>>
        %dma_wait3A_101 = arith.constant 9600 : i32
        %dma_wait3A_102 = arith.constant 0 : i32
        %dma_wait3A_103 = tpu.memref_slice %arg11[%dma_wait3A_101, %dma_wait3A_102] : memref<10000x128xf32, #tpu.memory_space<vmem_shared>> -> memref<80x128xf32, #tpu.memory_space<vmem_shared>>
        %dma_wait3A_104 = arith.constant 0 : i32
        %dma_wait3A_105 = arith.constant 0 : i32
        %dma_wait3A_106 = tpu.memref_slice %arg8[%run_scoped3A_74, %dma_wait3A_104, %dma_wait3A_105] : memref<3x100x128xf32, #tpu.memory_space<vmem>> -> memref<1x80x128xf32, #tpu.memory_space<vmem>>
        %dma_wait3A_107 = tpu.memref_squeeze %dma_wait3A_106 : memref<1x80x128xf32, #tpu.memory_space<vmem>> -> memref<80x128xf32, #tpu.memory_space<vmem>>
        tpu.wait_dma2 semaphore(%run_scoped3A_79 : memref<!tpu.dma_semaphore, #tpu.memory_space<semaphore_mem>>) src(%dma_wait3A_107 : memref<80x128xf32, #tpu.memory_space<vmem>>) dst(%dma_wait3A_103 : memref<80x128xf32, #tpu.memory_space<vmem_shared>>)
        tpu.yield
      }) : () -> ()
      %run_scoped3A_75 = arith.constant 0 : i32
      "tpu.region"() ({
        %run_scoped3A_79 = tpu.sem_alloc : memref<!tpu.dma_semaphore, #tpu.memory_space<semaphore_mem>>
        %dma_start3A_80 = arith.constant 0 : i32
        %dma_start3A_81 = arith.constant 0 : i32
        %dma_start3A_82 = tpu.memref_slice %arg8[%run_scoped3A_75, %dma_start3A_80, %dma_start3A_81] : memref<3x100x128xf32, #tpu.memory_space<vmem>> -> memref<1x80x128xf32, #tpu.memory_space<vmem>>
        %dma_start3A_83 = tpu.memref_squeeze %dma_start3A_82 : memref<1x80x128xf32, #tpu.memory_space<vmem>> -> memref<80x128xf32, #tpu.memory_space<vmem>>
        %dma_start3A_84 = arith.constant 9680 : i32
        %dma_start3A_85 = arith.constant 0 : i32
        %dma_start3A_86 = tpu.memref_slice %arg11[%dma_start3A_84, %dma_start3A_85] : memref<10000x128xf32, #tpu.memory_space<vmem_shared>> -> memref<80x128xf32, #tpu.memory_space<vmem_shared>>
        %dma_start3A_87 = arith.constant 9680 : i32
        %dma_start3A_88 = arith.constant 0 : i32
        %dma_start3A_89 = tpu.memref_slice %arg11[%dma_start3A_87, %dma_start3A_88] : memref<10000x128xf32, #tpu.memory_space<vmem_shared>> -> memref<80x128xf32, #tpu.memory_space<vmem_shared>>
        %dma_start3A_90 = arith.constant 0 : i32
        %dma_start3A_91 = arith.constant 0 : i32
        %dma_start3A_92 = tpu.memref_slice %arg8[%run_scoped3A_75, %dma_start3A_90, %dma_start3A_91] : memref<3x100x128xf32, #tpu.memory_space<vmem>> -> memref<1x80x128xf32, #tpu.memory_space<vmem>>
        %dma_start3A_93 = tpu.memref_squeeze %dma_start3A_92 : memref<1x80x128xf32, #tpu.memory_space<vmem>> -> memref<80x128xf32, #tpu.memory_space<vmem>>
        tpu.enqueue_dma source(%dma_start3A_93 : memref<80x128xf32, #tpu.memory_space<vmem>>) target(%dma_start3A_89 : memref<80x128xf32, #tpu.memory_space<vmem_shared>>) target_semaphore(%run_scoped3A_79 : memref<!tpu.dma_semaphore, #tpu.memory_space<semaphore_mem>>)
        %dma_wait3A_94 = arith.constant 0 : i32
        %dma_wait3A_95 = arith.constant 0 : i32
        %dma_wait3A_96 = tpu.memref_slice %arg8[%run_scoped3A_75, %dma_wait3A_94, %dma_wait3A_95] : memref<3x100x128xf32, #tpu.memory_space<vmem>> -> memref<1x80x128xf32, #tpu.memory_space<vmem>>
        %dma_wait3A_97 = tpu.memref_squeeze %dma_wait3A_96 : memref<1x80x128xf32, #tpu.memory_space<vmem>> -> memref<80x128xf32, #tpu.memory_space<vmem>>
        %dma_wait3A_98 = arith.constant 9680 : i32
        %dma_wait3A_99 = arith.constant 0 : i32
        %dma_wait3A_100 = tpu.memref_slice %arg11[%dma_wait3A_98, %dma_wait3A_99] : memref<10000x128xf32, #tpu.memory_space<vmem_shared>> -> memref<80x128xf32, #tpu.memory_space<vmem_shared>>
        %dma_wait3A_101 = arith.constant 9680 : i32
        %dma_wait3A_102 = arith.constant 0 : i32
        %dma_wait3A_103 = tpu.memref_slice %arg11[%dma_wait3A_101, %dma_wait3A_102] : memref<10000x128xf32, #tpu.memory_space<vmem_shared>> -> memref<80x128xf32, #tpu.memory_space<vmem_shared>>
        %dma_wait3A_104 = arith.constant 0 : i32
        %dma_wait3A_105 = arith.constant 0 : i32
        %dma_wait3A_106 = tpu.memref_slice %arg8[%run_scoped3A_75, %dma_wait3A_104, %dma_wait3A_105] : memref<3x100x128xf32, #tpu.memory_space<vmem>> -> memref<1x80x128xf32, #tpu.memory_space<vmem>>
        %dma_wait3A_107 = tpu.memref_squeeze %dma_wait3A_106 : memref<1x80x128xf32, #tpu.memory_space<vmem>> -> memref<80x128xf32, #tpu.memory_space<vmem>>
        tpu.wait_dma2 semaphore(%run_scoped3A_79 : memref<!tpu.dma_semaphore, #tpu.memory_space<semaphore_mem>>) src(%dma_wait3A_107 : memref<80x128xf32, #tpu.memory_space<vmem>>) dst(%dma_wait3A_103 : memref<80x128xf32, #tpu.memory_space<vmem_shared>>)
        tpu.yield
      }) : () -> ()
      %run_scoped3A_76 = arith.constant 0 : i32
      "tpu.region"() ({
        %run_scoped3A_79 = tpu.sem_alloc : memref<!tpu.dma_semaphore, #tpu.memory_space<semaphore_mem>>
        %dma_start3A_80 = arith.constant 0 : i32
        %dma_start3A_81 = arith.constant 0 : i32
        %dma_start3A_82 = tpu.memref_slice %arg8[%run_scoped3A_76, %dma_start3A_80, %dma_start3A_81] : memref<3x100x128xf32, #tpu.memory_space<vmem>> -> memref<1x80x128xf32, #tpu.memory_space<vmem>>
        %dma_start3A_83 = tpu.memref_squeeze %dma_start3A_82 : memref<1x80x128xf32, #tpu.memory_space<vmem>> -> memref<80x128xf32, #tpu.memory_space<vmem>>
        %dma_start3A_84 = arith.constant 9760 : i32
        %dma_start3A_85 = arith.constant 0 : i32
        %dma_start3A_86 = tpu.memref_slice %arg11[%dma_start3A_84, %dma_start3A_85] : memref<10000x128xf32, #tpu.memory_space<vmem_shared>> -> memref<80x128xf32, #tpu.memory_space<vmem_shared>>
        %dma_start3A_87 = arith.constant 9760 : i32
        %dma_start3A_88 = arith.constant 0 : i32
        %dma_start3A_89 = tpu.memref_slice %arg11[%dma_start3A_87, %dma_start3A_88] : memref<10000x128xf32, #tpu.memory_space<vmem_shared>> -> memref<80x128xf32, #tpu.memory_space<vmem_shared>>
        %dma_start3A_90 = arith.constant 0 : i32
        %dma_start3A_91 = arith.constant 0 : i32
        %dma_start3A_92 = tpu.memref_slice %arg8[%run_scoped3A_76, %dma_start3A_90, %dma_start3A_91] : memref<3x100x128xf32, #tpu.memory_space<vmem>> -> memref<1x80x128xf32, #tpu.memory_space<vmem>>
        %dma_start3A_93 = tpu.memref_squeeze %dma_start3A_92 : memref<1x80x128xf32, #tpu.memory_space<vmem>> -> memref<80x128xf32, #tpu.memory_space<vmem>>
        tpu.enqueue_dma source(%dma_start3A_93 : memref<80x128xf32, #tpu.memory_space<vmem>>) target(%dma_start3A_89 : memref<80x128xf32, #tpu.memory_space<vmem_shared>>) target_semaphore(%run_scoped3A_79 : memref<!tpu.dma_semaphore, #tpu.memory_space<semaphore_mem>>)
        %dma_wait3A_94 = arith.constant 0 : i32
        %dma_wait3A_95 = arith.constant 0 : i32
        %dma_wait3A_96 = tpu.memref_slice %arg8[%run_scoped3A_76, %dma_wait3A_94, %dma_wait3A_95] : memref<3x100x128xf32, #tpu.memory_space<vmem>> -> memref<1x80x128xf32, #tpu.memory_space<vmem>>
        %dma_wait3A_97 = tpu.memref_squeeze %dma_wait3A_96 : memref<1x80x128xf32, #tpu.memory_space<vmem>> -> memref<80x128xf32, #tpu.memory_space<vmem>>
        %dma_wait3A_98 = arith.constant 9760 : i32
        %dma_wait3A_99 = arith.constant 0 : i32
        %dma_wait3A_100 = tpu.memref_slice %arg11[%dma_wait3A_98, %dma_wait3A_99] : memref<10000x128xf32, #tpu.memory_space<vmem_shared>> -> memref<80x128xf32, #tpu.memory_space<vmem_shared>>
        %dma_wait3A_101 = arith.constant 9760 : i32
        %dma_wait3A_102 = arith.constant 0 : i32
        %dma_wait3A_103 = tpu.memref_slice %arg11[%dma_wait3A_101, %dma_wait3A_102] : memref<10000x128xf32, #tpu.memory_space<vmem_shared>> -> memref<80x128xf32, #tpu.memory_space<vmem_shared>>
        %dma_wait3A_104 = arith.constant 0 : i32
        %dma_wait3A_105 = arith.constant 0 : i32
        %dma_wait3A_106 = tpu.memref_slice %arg8[%run_scoped3A_76, %dma_wait3A_104, %dma_wait3A_105] : memref<3x100x128xf32, #tpu.memory_space<vmem>> -> memref<1x80x128xf32, #tpu.memory_space<vmem>>
        %dma_wait3A_107 = tpu.memref_squeeze %dma_wait3A_106 : memref<1x80x128xf32, #tpu.memory_space<vmem>> -> memref<80x128xf32, #tpu.memory_space<vmem>>
        tpu.wait_dma2 semaphore(%run_scoped3A_79 : memref<!tpu.dma_semaphore, #tpu.memory_space<semaphore_mem>>) src(%dma_wait3A_107 : memref<80x128xf32, #tpu.memory_space<vmem>>) dst(%dma_wait3A_103 : memref<80x128xf32, #tpu.memory_space<vmem_shared>>)
        tpu.yield
      }) : () -> ()
      %run_scoped3A_77 = arith.constant 0 : i32
      "tpu.region"() ({
        %run_scoped3A_79 = tpu.sem_alloc : memref<!tpu.dma_semaphore, #tpu.memory_space<semaphore_mem>>
        %dma_start3A_80 = arith.constant 0 : i32
        %dma_start3A_81 = arith.constant 0 : i32
        %dma_start3A_82 = tpu.memref_slice %arg8[%run_scoped3A_77, %dma_start3A_80, %dma_start3A_81] : memref<3x100x128xf32, #tpu.memory_space<vmem>> -> memref<1x80x128xf32, #tpu.memory_space<vmem>>
        %dma_start3A_83 = tpu.memref_squeeze %dma_start3A_82 : memref<1x80x128xf32, #tpu.memory_space<vmem>> -> memref<80x128xf32, #tpu.memory_space<vmem>>
        %dma_start3A_84 = arith.constant 9840 : i32
        %dma_start3A_85 = arith.constant 0 : i32
        %dma_start3A_86 = tpu.memref_slice %arg11[%dma_start3A_84, %dma_start3A_85] : memref<10000x128xf32, #tpu.memory_space<vmem_shared>> -> memref<80x128xf32, #tpu.memory_space<vmem_shared>>
        %dma_start3A_87 = arith.constant 9840 : i32
        %dma_start3A_88 = arith.constant 0 : i32
        %dma_start3A_89 = tpu.memref_slice %arg11[%dma_start3A_87, %dma_start3A_88] : memref<10000x128xf32, #tpu.memory_space<vmem_shared>> -> memref<80x128xf32, #tpu.memory_space<vmem_shared>>
        %dma_start3A_90 = arith.constant 0 : i32
        %dma_start3A_91 = arith.constant 0 : i32
        %dma_start3A_92 = tpu.memref_slice %arg8[%run_scoped3A_77, %dma_start3A_90, %dma_start3A_91] : memref<3x100x128xf32, #tpu.memory_space<vmem>> -> memref<1x80x128xf32, #tpu.memory_space<vmem>>
        %dma_start3A_93 = tpu.memref_squeeze %dma_start3A_92 : memref<1x80x128xf32, #tpu.memory_space<vmem>> -> memref<80x128xf32, #tpu.memory_space<vmem>>
        tpu.enqueue_dma source(%dma_start3A_93 : memref<80x128xf32, #tpu.memory_space<vmem>>) target(%dma_start3A_89 : memref<80x128xf32, #tpu.memory_space<vmem_shared>>) target_semaphore(%run_scoped3A_79 : memref<!tpu.dma_semaphore, #tpu.memory_space<semaphore_mem>>)
        %dma_wait3A_94 = arith.constant 0 : i32
        %dma_wait3A_95 = arith.constant 0 : i32
        %dma_wait3A_96 = tpu.memref_slice %arg8[%run_scoped3A_77, %dma_wait3A_94, %dma_wait3A_95] : memref<3x100x128xf32, #tpu.memory_space<vmem>> -> memref<1x80x128xf32, #tpu.memory_space<vmem>>
        %dma_wait3A_97 = tpu.memref_squeeze %dma_wait3A_96 : memref<1x80x128xf32, #tpu.memory_space<vmem>> -> memref<80x128xf32, #tpu.memory_space<vmem>>
        %dma_wait3A_98 = arith.constant 9840 : i32
        %dma_wait3A_99 = arith.constant 0 : i32
        %dma_wait3A_100 = tpu.memref_slice %arg11[%dma_wait3A_98, %dma_wait3A_99] : memref<10000x128xf32, #tpu.memory_space<vmem_shared>> -> memref<80x128xf32, #tpu.memory_space<vmem_shared>>
        %dma_wait3A_101 = arith.constant 9840 : i32
        %dma_wait3A_102 = arith.constant 0 : i32
        %dma_wait3A_103 = tpu.memref_slice %arg11[%dma_wait3A_101, %dma_wait3A_102] : memref<10000x128xf32, #tpu.memory_space<vmem_shared>> -> memref<80x128xf32, #tpu.memory_space<vmem_shared>>
        %dma_wait3A_104 = arith.constant 0 : i32
        %dma_wait3A_105 = arith.constant 0 : i32
        %dma_wait3A_106 = tpu.memref_slice %arg8[%run_scoped3A_77, %dma_wait3A_104, %dma_wait3A_105] : memref<3x100x128xf32, #tpu.memory_space<vmem>> -> memref<1x80x128xf32, #tpu.memory_space<vmem>>
        %dma_wait3A_107 = tpu.memref_squeeze %dma_wait3A_106 : memref<1x80x128xf32, #tpu.memory_space<vmem>> -> memref<80x128xf32, #tpu.memory_space<vmem>>
        tpu.wait_dma2 semaphore(%run_scoped3A_79 : memref<!tpu.dma_semaphore, #tpu.memory_space<semaphore_mem>>) src(%dma_wait3A_107 : memref<80x128xf32, #tpu.memory_space<vmem>>) dst(%dma_wait3A_103 : memref<80x128xf32, #tpu.memory_space<vmem_shared>>)
        tpu.yield
      }) : () -> ()
      %run_scoped3A_78 = arith.constant 0 : i32
      "tpu.region"() ({
        %run_scoped3A_79 = tpu.sem_alloc : memref<!tpu.dma_semaphore, #tpu.memory_space<semaphore_mem>>
        %dma_start3A_80 = arith.constant 0 : i32
        %dma_start3A_81 = arith.constant 0 : i32
        %dma_start3A_82 = tpu.memref_slice %arg8[%run_scoped3A_78, %dma_start3A_80, %dma_start3A_81] : memref<3x100x128xf32, #tpu.memory_space<vmem>> -> memref<1x80x128xf32, #tpu.memory_space<vmem>>
        %dma_start3A_83 = tpu.memref_squeeze %dma_start3A_82 : memref<1x80x128xf32, #tpu.memory_space<vmem>> -> memref<80x128xf32, #tpu.memory_space<vmem>>
        %dma_start3A_84 = arith.constant 9920 : i32
        %dma_start3A_85 = arith.constant 0 : i32
        %dma_start3A_86 = tpu.memref_slice %arg11[%dma_start3A_84, %dma_start3A_85] : memref<10000x128xf32, #tpu.memory_space<vmem_shared>> -> memref<80x128xf32, #tpu.memory_space<vmem_shared>>
        %dma_start3A_87 = arith.constant 9920 : i32
        %dma_start3A_88 = arith.constant 0 : i32
        %dma_start3A_89 = tpu.memref_slice %arg11[%dma_start3A_87, %dma_start3A_88] : memref<10000x128xf32, #tpu.memory_space<vmem_shared>> -> memref<80x128xf32, #tpu.memory_space<vmem_shared>>
        %dma_start3A_90 = arith.constant 0 : i32
        %dma_start3A_91 = arith.constant 0 : i32
        %dma_start3A_92 = tpu.memref_slice %arg8[%run_scoped3A_78, %dma_start3A_90, %dma_start3A_91] : memref<3x100x128xf32, #tpu.memory_space<vmem>> -> memref<1x80x128xf32, #tpu.memory_space<vmem>>
        %dma_start3A_93 = tpu.memref_squeeze %dma_start3A_92 : memref<1x80x128xf32, #tpu.memory_space<vmem>> -> memref<80x128xf32, #tpu.memory_space<vmem>>
        tpu.enqueue_dma source(%dma_start3A_93 : memref<80x128xf32, #tpu.memory_space<vmem>>) target(%dma_start3A_89 : memref<80x128xf32, #tpu.memory_space<vmem_shared>>) target_semaphore(%run_scoped3A_79 : memref<!tpu.dma_semaphore, #tpu.memory_space<semaphore_mem>>)
        %dma_wait3A_94 = arith.constant 0 : i32
        %dma_wait3A_95 = arith.constant 0 : i32
        %dma_wait3A_96 = tpu.memref_slice %arg8[%run_scoped3A_78, %dma_wait3A_94, %dma_wait3A_95] : memref<3x100x128xf32, #tpu.memory_space<vmem>> -> memref<1x80x128xf32, #tpu.memory_space<vmem>>
        %dma_wait3A_97 = tpu.memref_squeeze %dma_wait3A_96 : memref<1x80x128xf32, #tpu.memory_space<vmem>> -> memref<80x128xf32, #tpu.memory_space<vmem>>
        %dma_wait3A_98 = arith.constant 9920 : i32
        %dma_wait3A_99 = arith.constant 0 : i32
        %dma_wait3A_100 = tpu.memref_slice %arg11[%dma_wait3A_98, %dma_wait3A_99] : memref<10000x128xf32, #tpu.memory_space<vmem_shared>> -> memref<80x128xf32, #tpu.memory_space<vmem_shared>>
        %dma_wait3A_101 = arith.constant 9920 : i32
        %dma_wait3A_102 = arith.constant 0 : i32
        %dma_wait3A_103 = tpu.memref_slice %arg11[%dma_wait3A_101, %dma_wait3A_102] : memref<10000x128xf32, #tpu.memory_space<vmem_shared>> -> memref<80x128xf32, #tpu.memory_space<vmem_shared>>
        %dma_wait3A_104 = arith.constant 0 : i32
        %dma_wait3A_105 = arith.constant 0 : i32
        %dma_wait3A_106 = tpu.memref_slice %arg8[%run_scoped3A_78, %dma_wait3A_104, %dma_wait3A_105] : memref<3x100x128xf32, #tpu.memory_space<vmem>> -> memref<1x80x128xf32, #tpu.memory_space<vmem>>
        %dma_wait3A_107 = tpu.memref_squeeze %dma_wait3A_106 : memref<1x80x128xf32, #tpu.memory_space<vmem>> -> memref<80x128xf32, #tpu.memory_space<vmem>>
        tpu.wait_dma2 semaphore(%run_scoped3A_79 : memref<!tpu.dma_semaphore, #tpu.memory_space<semaphore_mem>>) src(%dma_wait3A_107 : memref<80x128xf32, #tpu.memory_space<vmem>>) dst(%dma_wait3A_103 : memref<80x128xf32, #tpu.memory_space<vmem_shared>>)
        tpu.yield
      }) : () -> ()
    } else {
    }
    %run_scoped3A = arith.constant 0 : i32
    %run_scoped3A_14 = arith.constant 0 : i32
    "tpu.region"() ({
      %run_scoped3A_71 = tpu.sem_alloc : memref<!tpu.dma_semaphore, #tpu.memory_space<semaphore_mem>>
      %dma_start3A_72 = arith.constant 0 : i32
      %dma_start3A_73 = arith.constant 0 : i32
      %dma_start3A_74 = tpu.memref_slice %arg6[%run_scoped3A_14, %dma_start3A_72, %dma_start3A_73] : memref<2x10x100xi32, #tpu.memory_space<vmem>> -> memref<1x10x100xi32, #tpu.memory_space<vmem>>
      %dma_start3A_75 = tpu.memref_squeeze %dma_start3A_74 : memref<1x10x100xi32, #tpu.memory_space<vmem>> -> memref<10x100xi32, #tpu.memory_space<vmem>>
      %dma_start3A_76 = arith.constant 0 : i32
      %dma_start3A_77 = arith.constant 0 : i32
      %dma_start3A_78 = tpu.memref_slice %arg3[%add3A, %run_scoped3A, %dma_start3A_76, %dma_start3A_77] : memref<32x10x10x100xi32, #tpu.memory_space<hbm>> -> memref<1x1x10x100xi32, #tpu.memory_space<hbm>>
      %dma_start3A_79 = tpu.memref_squeeze %dma_start3A_78 : memref<1x1x10x100xi32, #tpu.memory_space<hbm>> -> memref<10x100xi32, #tpu.memory_space<hbm>>
      %dma_start3A_80 = arith.constant 0 : i32
      %dma_start3A_81 = arith.constant 0 : i32
      %dma_start3A_82 = tpu.memref_slice %arg6[%run_scoped3A_14, %dma_start3A_80, %dma_start3A_81] : memref<2x10x100xi32, #tpu.memory_space<vmem>> -> memref<1x10x100xi32, #tpu.memory_space<vmem>>
      %dma_start3A_83 = tpu.memref_squeeze %dma_start3A_82 : memref<1x10x100xi32, #tpu.memory_space<vmem>> -> memref<10x100xi32, #tpu.memory_space<vmem>>
      %dma_start3A_84 = arith.constant 0 : i32
      %dma_start3A_85 = arith.constant 0 : i32
      %dma_start3A_86 = tpu.memref_slice %arg3[%add3A, %run_scoped3A, %dma_start3A_84, %dma_start3A_85] : memref<32x10x10x100xi32, #tpu.memory_space<hbm>> -> memref<1x1x10x100xi32, #tpu.memory_space<hbm>>
      %dma_start3A_87 = tpu.memref_squeeze %dma_start3A_86 : memref<1x1x10x100xi32, #tpu.memory_space<hbm>> -> memref<10x100xi32, #tpu.memory_space<hbm>>
      tpu.enqueue_dma source(%dma_start3A_87 : memref<10x100xi32, #tpu.memory_space<hbm>>) target(%dma_start3A_83 : memref<10x100xi32, #tpu.memory_space<vmem>>) target_semaphore(%run_scoped3A_71 : memref<!tpu.dma_semaphore, #tpu.memory_space<semaphore_mem>>)
      %dma_wait3A_88 = arith.constant 0 : i32
      %dma_wait3A_89 = arith.constant 0 : i32
      %dma_wait3A_90 = tpu.memref_slice %arg6[%run_scoped3A_14, %dma_wait3A_88, %dma_wait3A_89] : memref<2x10x100xi32, #tpu.memory_space<vmem>> -> memref<1x10x100xi32, #tpu.memory_space<vmem>>
      %dma_wait3A_91 = tpu.memref_squeeze %dma_wait3A_90 : memref<1x10x100xi32, #tpu.memory_space<vmem>> -> memref<10x100xi32, #tpu.memory_space<vmem>>
      %dma_wait3A_92 = arith.constant 0 : i32
      %dma_wait3A_93 = arith.constant 0 : i32
      %dma_wait3A_94 = tpu.memref_slice %arg3[%add3A, %run_scoped3A, %dma_wait3A_92, %dma_wait3A_93] : memref<32x10x10x100xi32, #tpu.memory_space<hbm>> -> memref<1x1x10x100xi32, #tpu.memory_space<hbm>>
      %dma_wait3A_95 = tpu.memref_squeeze %dma_wait3A_94 : memref<1x1x10x100xi32, #tpu.memory_space<hbm>> -> memref<10x100xi32, #tpu.memory_space<hbm>>
      %dma_wait3A_96 = arith.constant 0 : i32
      %dma_wait3A_97 = arith.constant 0 : i32
      %dma_wait3A_98 = tpu.memref_slice %arg6[%run_scoped3A_14, %dma_wait3A_96, %dma_wait3A_97] : memref<2x10x100xi32, #tpu.memory_space<vmem>> -> memref<1x10x100xi32, #tpu.memory_space<vmem>>
      %dma_wait3A_99 = tpu.memref_squeeze %dma_wait3A_98 : memref<1x10x100xi32, #tpu.memory_space<vmem>> -> memref<10x100xi32, #tpu.memory_space<vmem>>
      %dma_wait3A_100 = arith.constant 0 : i32
      %dma_wait3A_101 = arith.constant 0 : i32
      %dma_wait3A_102 = tpu.memref_slice %arg3[%add3A, %run_scoped3A, %dma_wait3A_100, %dma_wait3A_101] : memref<32x10x10x100xi32, #tpu.memory_space<hbm>> -> memref<1x1x10x100xi32, #tpu.memory_space<hbm>>
      %dma_wait3A_103 = tpu.memref_squeeze %dma_wait3A_102 : memref<1x1x10x100xi32, #tpu.memory_space<hbm>> -> memref<10x100xi32, #tpu.memory_space<hbm>>
      tpu.wait_dma2 semaphore(%run_scoped3A_71 : memref<!tpu.dma_semaphore, #tpu.memory_space<semaphore_mem>>) src(%dma_wait3A_103 : memref<10x100xi32, #tpu.memory_space<hbm>>) dst(%dma_wait3A_99 : memref<10x100xi32, #tpu.memory_space<vmem>>)
      tpu.yield
    }) : () -> ()
    %run_scoped3A_15 = arith.constant 0 : i32
    %run_scoped3A_16 = arith.constant 0 : i32
    "tpu.region"() ({
      %run_scoped3A_71 = tpu.sem_alloc : memref<!tpu.dma_semaphore, #tpu.memory_space<semaphore_mem>>
      %dma_start3A_72 = arith.constant 0 : i32
      %dma_start3A_73 = arith.constant 0 : i32
      %dma_start3A_74 = tpu.memref_slice %arg7[%run_scoped3A_16, %dma_start3A_72, %dma_start3A_73] : memref<2x10x100xi32, #tpu.memory_space<vmem>> -> memref<1x10x100xi32, #tpu.memory_space<vmem>>
      %dma_start3A_75 = tpu.memref_squeeze %dma_start3A_74 : memref<1x10x100xi32, #tpu.memory_space<vmem>> -> memref<10x100xi32, #tpu.memory_space<vmem>>
      %dma_start3A_76 = arith.constant 0 : i32
      %dma_start3A_77 = arith.constant 0 : i32
      %dma_start3A_78 = tpu.memref_slice %arg4[%add3A, %run_scoped3A_15, %dma_start3A_76, %dma_start3A_77] : memref<32x10x10x100xi32, #tpu.memory_space<hbm>> -> memref<1x1x10x100xi32, #tpu.memory_space<hbm>>
      %dma_start3A_79 = tpu.memref_squeeze %dma_start3A_78 : memref<1x1x10x100xi32, #tpu.memory_space<hbm>> -> memref<10x100xi32, #tpu.memory_space<hbm>>
      %dma_start3A_80 = arith.constant 0 : i32
      %dma_start3A_81 = arith.constant 0 : i32
      %dma_start3A_82 = tpu.memref_slice %arg7[%run_scoped3A_16, %dma_start3A_80, %dma_start3A_81] : memref<2x10x100xi32, #tpu.memory_space<vmem>> -> memref<1x10x100xi32, #tpu.memory_space<vmem>>
      %dma_start3A_83 = tpu.memref_squeeze %dma_start3A_82 : memref<1x10x100xi32, #tpu.memory_space<vmem>> -> memref<10x100xi32, #tpu.memory_space<vmem>>
      %dma_start3A_84 = arith.constant 0 : i32
      %dma_start3A_85 = arith.constant 0 : i32
      %dma_start3A_86 = tpu.memref_slice %arg4[%add3A, %run_scoped3A_15, %dma_start3A_84, %dma_start3A_85] : memref<32x10x10x100xi32, #tpu.memory_space<hbm>> -> memref<1x1x10x100xi32, #tpu.memory_space<hbm>>
      %dma_start3A_87 = tpu.memref_squeeze %dma_start3A_86 : memref<1x1x10x100xi32, #tpu.memory_space<hbm>> -> memref<10x100xi32, #tpu.memory_space<hbm>>
      tpu.enqueue_dma source(%dma_start3A_87 : memref<10x100xi32, #tpu.memory_space<hbm>>) target(%dma_start3A_83 : memref<10x100xi32, #tpu.memory_space<vmem>>) target_semaphore(%run_scoped3A_71 : memref<!tpu.dma_semaphore, #tpu.memory_space<semaphore_mem>>)
      %dma_wait3A_88 = arith.constant 0 : i32
      %dma_wait3A_89 = arith.constant 0 : i32
      %dma_wait3A_90 = tpu.memref_slice %arg7[%run_scoped3A_16, %dma_wait3A_88, %dma_wait3A_89] : memref<2x10x100xi32, #tpu.memory_space<vmem>> -> memref<1x10x100xi32, #tpu.memory_space<vmem>>
      %dma_wait3A_91 = tpu.memref_squeeze %dma_wait3A_90 : memref<1x10x100xi32, #tpu.memory_space<vmem>> -> memref<10x100xi32, #tpu.memory_space<vmem>>
      %dma_wait3A_92 = arith.constant 0 : i32
      %dma_wait3A_93 = arith.constant 0 : i32
      %dma_wait3A_94 = tpu.memref_slice %arg4[%add3A, %run_scoped3A_15, %dma_wait3A_92, %dma_wait3A_93] : memref<32x10x10x100xi32, #tpu.memory_space<hbm>> -> memref<1x1x10x100xi32, #tpu.memory_space<hbm>>
      %dma_wait3A_95 = tpu.memref_squeeze %dma_wait3A_94 : memref<1x1x10x100xi32, #tpu.memory_space<hbm>> -> memref<10x100xi32, #tpu.memory_space<hbm>>
      %dma_wait3A_96 = arith.constant 0 : i32
      %dma_wait3A_97 = arith.constant 0 : i32
      %dma_wait3A_98 = tpu.memref_slice %arg7[%run_scoped3A_16, %dma_wait3A_96, %dma_wait3A_97] : memref<2x10x100xi32, #tpu.memory_space<vmem>> -> memref<1x10x100xi32, #tpu.memory_space<vmem>>
      %dma_wait3A_99 = tpu.memref_squeeze %dma_wait3A_98 : memref<1x10x100xi32, #tpu.memory_space<vmem>> -> memref<10x100xi32, #tpu.memory_space<vmem>>
      %dma_wait3A_100 = arith.constant 0 : i32
      %dma_wait3A_101 = arith.constant 0 : i32
      %dma_wait3A_102 = tpu.memref_slice %arg4[%add3A, %run_scoped3A_15, %dma_wait3A_100, %dma_wait3A_101] : memref<32x10x10x100xi32, #tpu.memory_space<hbm>> -> memref<1x1x10x100xi32, #tpu.memory_space<hbm>>
      %dma_wait3A_103 = tpu.memref_squeeze %dma_wait3A_102 : memref<1x1x10x100xi32, #tpu.memory_space<hbm>> -> memref<10x100xi32, #tpu.memory_space<hbm>>
      tpu.wait_dma2 semaphore(%run_scoped3A_71 : memref<!tpu.dma_semaphore, #tpu.memory_space<semaphore_mem>>) src(%dma_wait3A_103 : memref<10x100xi32, #tpu.memory_space<hbm>>) dst(%dma_wait3A_99 : memref<10x100xi32, #tpu.memory_space<vmem>>)
      tpu.yield
    }) : () -> ()
    %barrier3A = arith.constant 0 : index
    tpu.barrier barrier_id(%barrier3A)
    %dma_start3A = arith.constant 0 : i32
    %dma_start3A_17 = arith.constant 0 : i32
    %dma_start3A_18 = arith.constant 0 : i32
    %dma_start3A_19 = arith.constant 0 : i32
    %dma_start3A_20 = arith.constant 0 : i32
    %dma_start3A_21 = tpu.memref_slice %arg8[%dma_start3A_18, %dma_start3A_19, %dma_start3A_20] : memref<3x100x128xf32, #tpu.memory_space<vmem>> -> memref<1x100x128xf32, #tpu.memory_space<vmem>>
    %dma_start3A_22 = tpu.memref_squeeze %dma_start3A_21 : memref<1x100x128xf32, #tpu.memory_space<vmem>> -> memref<100x128xf32, #tpu.memory_space<vmem>>
    %dma_start3A_23 = arith.constant 0 : i32
    %dma_start3A_24 = tpu.memref_slice %arg6[%dma_start3A, %dma_start3A_17, %dma_start3A_23] : memref<2x10x100xi32, #tpu.memory_space<vmem>> -> memref<1x1x100xi32, #tpu.memory_space<vmem>>
    %dma_start3A_25 = tpu.memref_squeeze %dma_start3A_24 : memref<1x1x100xi32, #tpu.memory_space<vmem>> -> memref<100xi32, #tpu.memory_space<vmem>>
    %dma_start3A_26 = arith.constant 0 : i32
    %dma_start3A_27 = arith.constant 0 : i32
    %dma_start3A_28 = tpu.memref_slice %arg2[%dma_start3A_26, %dma_start3A_27] : memref<10000x128xf32, #tpu.memory_space<hbm>> -> memref<10000x128xf32, #tpu.memory_space<hbm>>
    tpu.enqueue_indirect_dma source(%dma_start3A_28 : memref<10000x128xf32, #tpu.memory_space<hbm>>) target(%dma_start3A_22 : memref<100x128xf32, #tpu.memory_space<vmem>>) offsets(%dma_start3A_25 : memref<100xi32, #tpu.memory_space<vmem>>) semaphore(%arg9 : memref<!tpu.dma_semaphore, #tpu.memory_space<semaphore_mem>>)
    %dma_start3A_29 = arith.constant 0 : i32
    %dma_start3A_30 = arith.constant 1 : i32
    %dma_start3A_31 = arith.constant 1 : i32
    %dma_start3A_32 = arith.constant 0 : i32
    %dma_start3A_33 = arith.constant 0 : i32
    %dma_start3A_34 = tpu.memref_slice %arg8[%dma_start3A_31, %dma_start3A_32, %dma_start3A_33] : memref<3x100x128xf32, #tpu.memory_space<vmem>> -> memref<1x100x128xf32, #tpu.memory_space<vmem>>
    %dma_start3A_35 = tpu.memref_squeeze %dma_start3A_34 : memref<1x100x128xf32, #tpu.memory_space<vmem>> -> memref<100x128xf32, #tpu.memory_space<vmem>>
    %dma_start3A_36 = arith.constant 0 : i32
    %dma_start3A_37 = tpu.memref_slice %arg6[%dma_start3A_29, %dma_start3A_30, %dma_start3A_36] : memref<2x10x100xi32, #tpu.memory_space<vmem>> -> memref<1x1x100xi32, #tpu.memory_space<vmem>>
    %dma_start3A_38 = tpu.memref_squeeze %dma_start3A_37 : memref<1x1x100xi32, #tpu.memory_space<vmem>> -> memref<100xi32, #tpu.memory_space<vmem>>
    %dma_start3A_39 = arith.constant 0 : i32
    %dma_start3A_40 = arith.constant 0 : i32
    %dma_start3A_41 = tpu.memref_slice %arg2[%dma_start3A_39, %dma_start3A_40] : memref<10000x128xf32, #tpu.memory_space<hbm>> -> memref<10000x128xf32, #tpu.memory_space<hbm>>
    tpu.enqueue_indirect_dma source(%dma_start3A_41 : memref<10000x128xf32, #tpu.memory_space<hbm>>) target(%dma_start3A_35 : memref<100x128xf32, #tpu.memory_space<vmem>>) offsets(%dma_start3A_38 : memref<100xi32, #tpu.memory_space<vmem>>) semaphore(%arg9 : memref<!tpu.dma_semaphore, #tpu.memory_space<semaphore_mem>>)
    %scan3A_42 = arith.constant 0 : i32
    %scan3A_43 = arith.constant 0 : i32
    %scan3A_44 = arith.constant 100 : i32
    %scan3A_45 = arith.addi %scan3A_43, %scan3A_44 : i32
    %scan3A_46 = arith.constant 1 : i32
    scf.for %scan3A_71 = %scan3A_43 to %scan3A_45 step %scan3A_46  : i32 {
      %jit3A = arith.constant 3 : i32
      %eq3A_72 = arith.constant 0 : i32
      %eq3A_73 = arith.cmpi eq, %jit3A, %eq3A_72 : i32
      %jit3A_74 = arith.constant 1 : i32
      %select_n3A = arith.select %eq3A_73, %jit3A_74, %jit3A : i32
      %rem3A = arith.remsi %scan3A_71, %select_n3A : i32
      %ne3A = arith.constant 0 : i32
      %ne3A_75 = arith.cmpi ne, %rem3A, %ne3A : i32
      %lt3A_76 = arith.constant 0 : i32
      %lt3A_77 = arith.cmpi slt, %rem3A, %lt3A_76 : i32
      %lt3A_78 = arith.constant 0 : i32
      %lt3A_79 = arith.cmpi slt, %select_n3A, %lt3A_78 : i32
      %ne3A_80 = arith.xori %lt3A_77, %lt3A_79 : i1
      %and3A = arith.andi %ne3A_80, %ne3A_75 : i1
      %add3A_81 = arith.addi %rem3A, %select_n3A : i32
      %select_n3A_82 = arith.select %and3A, %add3A_81, %rem3A : i32
      %add3A_83 = arith.constant 2 : i32
      %add3A_84 = arith.addi %scan3A_71, %add3A_83 : i32
      %jit3A_85 = arith.constant 10 : i32
      %eq3A_86 = arith.constant 0 : i32
      %eq3A_87 = arith.cmpi eq, %jit3A_85, %eq3A_86 : i32
      %jit3A_88 = arith.constant 1 : i32
      %select_n3A_89 = arith.select %eq3A_87, %jit3A_88, %jit3A_85 : i32
      %rem3A_90 = arith.remsi %add3A_84, %select_n3A_89 : i32
      %ne3A_91 = arith.constant 0 : i32
      %ne3A_92 = arith.cmpi ne, %rem3A_90, %ne3A_91 : i32
      %lt3A_93 = arith.constant 0 : i32
      %lt3A_94 = arith.cmpi slt, %rem3A_90, %lt3A_93 : i32
      %lt3A_95 = arith.constant 0 : i32
      %lt3A_96 = arith.cmpi slt, %select_n3A_89, %lt3A_95 : i32
      %ne3A_97 = arith.xori %lt3A_94, %lt3A_96 : i1
      %and3A_98 = arith.andi %ne3A_97, %ne3A_92 : i1
      %add3A_99 = arith.addi %rem3A_90, %select_n3A_89 : i32
      %select_n3A_100 = arith.select %and3A_98, %add3A_99, %rem3A_90 : i32
      %eq3A_101 = arith.constant 0 : i32
      %eq3A_102 = arith.cmpi eq, %select_n3A_100, %eq3A_101 : i32
      %add3A_103 = arith.constant 2 : i32
      %add3A_104 = arith.addi %scan3A_71, %add3A_103 : i32
      %lt3A_105 = arith.constant 100 : i32
      %lt3A_106 = arith.cmpi slt, %add3A_104, %lt3A_105 : i32
      %and3A_107 = arith.andi %eq3A_102, %lt3A_106 : i1
      %convert_element_type3A_108 = arith.extui %and3A_107 : i1 to i32
      %cond3A_109 = arith.constant 0 : i32
      %cond3A_110 = arith.cmpi ne, %convert_element_type3A_108, %cond3A_109 : i32
      scf.if %cond3A_110 {
        %add3A_251 = arith.constant 2 : i32
        %add3A_252 = arith.addi %scan3A_71, %add3A_251 : i32
        %jit3A_253 = arith.constant 10 : i32
        %div3A_254 = arith.divsi %add3A_252, %jit3A_253 : i32
        %sign3A_255 = arith.constant 0 : i32
        %sign3A_256 = arith.cmpi sgt, %add3A_252, %sign3A_255 : i32
        %sign3A_257 = arith.extui %sign3A_256 : i1 to i32
        %sign3A_258 = arith.constant 0 : i32
        %sign3A_259 = arith.cmpi slt, %add3A_252, %sign3A_258 : i32
        %sign3A_260 = arith.extui %sign3A_259 : i1 to i32
        %sign3A_261 = arith.subi %sign3A_257, %sign3A_260 : i32
        %sign3A_262 = arith.constant 0 : i32
        %sign3A_263 = arith.cmpi sgt, %jit3A_253, %sign3A_262 : i32
        %sign3A_264 = arith.extui %sign3A_263 : i1 to i32
        %sign3A_265 = arith.constant 0 : i32
        %sign3A_266 = arith.cmpi slt, %jit3A_253, %sign3A_265 : i32
        %sign3A_267 = arith.extui %sign3A_266 : i1 to i32
        %sign3A_268 = arith.subi %sign3A_264, %sign3A_267 : i32
        %ne3A_269 = arith.cmpi ne, %sign3A_261, %sign3A_268 : i32
        %rem3A_270 = arith.remsi %add3A_252, %jit3A_253 : i32
        %ne3A_271 = arith.constant 0 : i32
        %ne3A_272 = arith.cmpi ne, %rem3A_270, %ne3A_271 : i32
        %and3A_273 = arith.andi %ne3A_269, %ne3A_272 : i1
        %sub3A_274 = arith.constant 1 : i32
        %sub3A_275 = arith.subi %div3A_254, %sub3A_274 : i32
        %select_n3A_276 = arith.select %and3A_273, %sub3A_275, %div3A_254 : i32
        %jit3A_277 = arith.constant 2 : i32
        %eq3A_278 = arith.constant 0 : i32
        %eq3A_279 = arith.cmpi eq, %jit3A_277, %eq3A_278 : i32
        %jit3A_280 = arith.constant 1 : i32
        %select_n3A_281 = arith.select %eq3A_279, %jit3A_280, %jit3A_277 : i32
        %rem3A_282 = arith.remsi %select_n3A_276, %select_n3A_281 : i32
        %ne3A_283 = arith.constant 0 : i32
        %ne3A_284 = arith.cmpi ne, %rem3A_282, %ne3A_283 : i32
        %lt3A_285 = arith.constant 0 : i32
        %lt3A_286 = arith.cmpi slt, %rem3A_282, %lt3A_285 : i32
        %lt3A_287 = arith.constant 0 : i32
        %lt3A_288 = arith.cmpi slt, %select_n3A_281, %lt3A_287 : i32
        %ne3A_289 = arith.xori %lt3A_286, %lt3A_288 : i1
        %and3A_290 = arith.andi %ne3A_289, %ne3A_284 : i1
        %add3A_291 = arith.addi %rem3A_282, %select_n3A_281 : i32
        %select_n3A_292 = arith.select %and3A_290, %add3A_291, %rem3A_282 : i32
        "tpu.region"() ({
          %run_scoped3A_309 = tpu.sem_alloc : memref<!tpu.dma_semaphore, #tpu.memory_space<semaphore_mem>>
          %dma_start3A_310 = arith.constant 0 : i32
          %dma_start3A_311 = arith.constant 0 : i32
          %dma_start3A_312 = tpu.memref_slice %arg6[%select_n3A_292, %dma_start3A_310, %dma_start3A_311] : memref<2x10x100xi32, #tpu.memory_space<vmem>> -> memref<1x10x100xi32, #tpu.memory_space<vmem>>
          %dma_start3A_313 = tpu.memref_squeeze %dma_start3A_312 : memref<1x10x100xi32, #tpu.memory_space<vmem>> -> memref<10x100xi32, #tpu.memory_space<vmem>>
          %dma_start3A_314 = arith.constant 0 : i32
          %dma_start3A_315 = arith.constant 0 : i32
          %dma_start3A_316 = tpu.memref_slice %arg3[%add3A, %select_n3A_276, %dma_start3A_314, %dma_start3A_315] : memref<32x10x10x100xi32, #tpu.memory_space<hbm>> -> memref<1x1x10x100xi32, #tpu.memory_space<hbm>>
          %dma_start3A_317 = tpu.memref_squeeze %dma_start3A_316 : memref<1x1x10x100xi32, #tpu.memory_space<hbm>> -> memref<10x100xi32, #tpu.memory_space<hbm>>
          %dma_start3A_318 = arith.constant 0 : i32
          %dma_start3A_319 = arith.constant 0 : i32
          %dma_start3A_320 = tpu.memref_slice %arg6[%select_n3A_292, %dma_start3A_318, %dma_start3A_319] : memref<2x10x100xi32, #tpu.memory_space<vmem>> -> memref<1x10x100xi32, #tpu.memory_space<vmem>>
          %dma_start3A_321 = tpu.memref_squeeze %dma_start3A_320 : memref<1x10x100xi32, #tpu.memory_space<vmem>> -> memref<10x100xi32, #tpu.memory_space<vmem>>
          %dma_start3A_322 = arith.constant 0 : i32
          %dma_start3A_323 = arith.constant 0 : i32
          %dma_start3A_324 = tpu.memref_slice %arg3[%add3A, %select_n3A_276, %dma_start3A_322, %dma_start3A_323] : memref<32x10x10x100xi32, #tpu.memory_space<hbm>> -> memref<1x1x10x100xi32, #tpu.memory_space<hbm>>
          %dma_start3A_325 = tpu.memref_squeeze %dma_start3A_324 : memref<1x1x10x100xi32, #tpu.memory_space<hbm>> -> memref<10x100xi32, #tpu.memory_space<hbm>>
          tpu.enqueue_dma source(%dma_start3A_325 : memref<10x100xi32, #tpu.memory_space<hbm>>) target(%dma_start3A_321 : memref<10x100xi32, #tpu.memory_space<vmem>>) target_semaphore(%run_scoped3A_309 : memref<!tpu.dma_semaphore, #tpu.memory_space<semaphore_mem>>)
          %dma_wait3A_326 = arith.constant 0 : i32
          %dma_wait3A_327 = arith.constant 0 : i32
          %dma_wait3A_328 = tpu.memref_slice %arg6[%select_n3A_292, %dma_wait3A_326, %dma_wait3A_327] : memref<2x10x100xi32, #tpu.memory_space<vmem>> -> memref<1x10x100xi32, #tpu.memory_space<vmem>>
          %dma_wait3A_329 = tpu.memref_squeeze %dma_wait3A_328 : memref<1x10x100xi32, #tpu.memory_space<vmem>> -> memref<10x100xi32, #tpu.memory_space<vmem>>
          %dma_wait3A_330 = arith.constant 0 : i32
          %dma_wait3A_331 = arith.constant 0 : i32
          %dma_wait3A_332 = tpu.memref_slice %arg3[%add3A, %select_n3A_276, %dma_wait3A_330, %dma_wait3A_331] : memref<32x10x10x100xi32, #tpu.memory_space<hbm>> -> memref<1x1x10x100xi32, #tpu.memory_space<hbm>>
          %dma_wait3A_333 = tpu.memref_squeeze %dma_wait3A_332 : memref<1x1x10x100xi32, #tpu.memory_space<hbm>> -> memref<10x100xi32, #tpu.memory_space<hbm>>
          %dma_wait3A_334 = arith.constant 0 : i32
          %dma_wait3A_335 = arith.constant 0 : i32
          %dma_wait3A_336 = tpu.memref_slice %arg6[%select_n3A_292, %dma_wait3A_334, %dma_wait3A_335] : memref<2x10x100xi32, #tpu.memory_space<vmem>> -> memref<1x10x100xi32, #tpu.memory_space<vmem>>
          %dma_wait3A_337 = tpu.memref_squeeze %dma_wait3A_336 : memref<1x10x100xi32, #tpu.memory_space<vmem>> -> memref<10x100xi32, #tpu.memory_space<vmem>>
          %dma_wait3A_338 = arith.constant 0 : i32
          %dma_wait3A_339 = arith.constant 0 : i32
          %dma_wait3A_340 = tpu.memref_slice %arg3[%add3A, %select_n3A_276, %dma_wait3A_338, %dma_wait3A_339] : memref<32x10x10x100xi32, #tpu.memory_space<hbm>> -> memref<1x1x10x100xi32, #tpu.memory_space<hbm>>
          %dma_wait3A_341 = tpu.memref_squeeze %dma_wait3A_340 : memref<1x1x10x100xi32, #tpu.memory_space<hbm>> -> memref<10x100xi32, #tpu.memory_space<hbm>>
          tpu.wait_dma2 semaphore(%run_scoped3A_309 : memref<!tpu.dma_semaphore, #tpu.memory_space<semaphore_mem>>) src(%dma_wait3A_341 : memref<10x100xi32, #tpu.memory_space<hbm>>) dst(%dma_wait3A_337 : memref<10x100xi32, #tpu.memory_space<vmem>>)
          tpu.yield
        }) : () -> ()
        %jit3A_293 = arith.constant 2 : i32
        %eq3A_294 = arith.constant 0 : i32
        %eq3A_295 = arith.cmpi eq, %jit3A_293, %eq3A_294 : i32
        %jit3A_296 = arith.constant 1 : i32
        %select_n3A_297 = arith.select %eq3A_295, %jit3A_296, %jit3A_293 : i32
        %rem3A_298 = arith.remsi %select_n3A_276, %select_n3A_297 : i32
        %ne3A_299 = arith.constant 0 : i32
        %ne3A_300 = arith.cmpi ne, %rem3A_298, %ne3A_299 : i32
        %lt3A_301 = arith.constant 0 : i32
        %lt3A_302 = arith.cmpi slt, %rem3A_298, %lt3A_301 : i32
        %lt3A_303 = arith.constant 0 : i32
        %lt3A_304 = arith.cmpi slt, %select_n3A_297, %lt3A_303 : i32
        %ne3A_305 = arith.xori %lt3A_302, %lt3A_304 : i1
        %and3A_306 = arith.andi %ne3A_305, %ne3A_300 : i1
        %add3A_307 = arith.addi %rem3A_298, %select_n3A_297 : i32
        %select_n3A_308 = arith.select %and3A_306, %add3A_307, %rem3A_298 : i32
        "tpu.region"() ({
          %run_scoped3A_309 = tpu.sem_alloc : memref<!tpu.dma_semaphore, #tpu.memory_space<semaphore_mem>>
          %dma_start3A_310 = arith.constant 0 : i32
          %dma_start3A_311 = arith.constant 0 : i32
          %dma_start3A_312 = tpu.memref_slice %arg7[%select_n3A_308, %dma_start3A_310, %dma_start3A_311] : memref<2x10x100xi32, #tpu.memory_space<vmem>> -> memref<1x10x100xi32, #tpu.memory_space<vmem>>
          %dma_start3A_313 = tpu.memref_squeeze %dma_start3A_312 : memref<1x10x100xi32, #tpu.memory_space<vmem>> -> memref<10x100xi32, #tpu.memory_space<vmem>>
          %dma_start3A_314 = arith.constant 0 : i32
          %dma_start3A_315 = arith.constant 0 : i32
          %dma_start3A_316 = tpu.memref_slice %arg4[%add3A, %select_n3A_276, %dma_start3A_314, %dma_start3A_315] : memref<32x10x10x100xi32, #tpu.memory_space<hbm>> -> memref<1x1x10x100xi32, #tpu.memory_space<hbm>>
          %dma_start3A_317 = tpu.memref_squeeze %dma_start3A_316 : memref<1x1x10x100xi32, #tpu.memory_space<hbm>> -> memref<10x100xi32, #tpu.memory_space<hbm>>
          %dma_start3A_318 = arith.constant 0 : i32
          %dma_start3A_319 = arith.constant 0 : i32
          %dma_start3A_320 = tpu.memref_slice %arg7[%select_n3A_308, %dma_start3A_318, %dma_start3A_319] : memref<2x10x100xi32, #tpu.memory_space<vmem>> -> memref<1x10x100xi32, #tpu.memory_space<vmem>>
          %dma_start3A_321 = tpu.memref_squeeze %dma_start3A_320 : memref<1x10x100xi32, #tpu.memory_space<vmem>> -> memref<10x100xi32, #tpu.memory_space<vmem>>
          %dma_start3A_322 = arith.constant 0 : i32
          %dma_start3A_323 = arith.constant 0 : i32
          %dma_start3A_324 = tpu.memref_slice %arg4[%add3A, %select_n3A_276, %dma_start3A_322, %dma_start3A_323] : memref<32x10x10x100xi32, #tpu.memory_space<hbm>> -> memref<1x1x10x100xi32, #tpu.memory_space<hbm>>
          %dma_start3A_325 = tpu.memref_squeeze %dma_start3A_324 : memref<1x1x10x100xi32, #tpu.memory_space<hbm>> -> memref<10x100xi32, #tpu.memory_space<hbm>>
          tpu.enqueue_dma source(%dma_start3A_325 : memref<10x100xi32, #tpu.memory_space<hbm>>) target(%dma_start3A_321 : memref<10x100xi32, #tpu.memory_space<vmem>>) target_semaphore(%run_scoped3A_309 : memref<!tpu.dma_semaphore, #tpu.memory_space<semaphore_mem>>)
          %dma_wait3A_326 = arith.constant 0 : i32
          %dma_wait3A_327 = arith.constant 0 : i32
          %dma_wait3A_328 = tpu.memref_slice %arg7[%select_n3A_308, %dma_wait3A_326, %dma_wait3A_327] : memref<2x10x100xi32, #tpu.memory_space<vmem>> -> memref<1x10x100xi32, #tpu.memory_space<vmem>>
          %dma_wait3A_329 = tpu.memref_squeeze %dma_wait3A_328 : memref<1x10x100xi32, #tpu.memory_space<vmem>> -> memref<10x100xi32, #tpu.memory_space<vmem>>
          %dma_wait3A_330 = arith.constant 0 : i32
          %dma_wait3A_331 = arith.constant 0 : i32
          %dma_wait3A_332 = tpu.memref_slice %arg4[%add3A, %select_n3A_276, %dma_wait3A_330, %dma_wait3A_331] : memref<32x10x10x100xi32, #tpu.memory_space<hbm>> -> memref<1x1x10x100xi32, #tpu.memory_space<hbm>>
          %dma_wait3A_333 = tpu.memref_squeeze %dma_wait3A_332 : memref<1x1x10x100xi32, #tpu.memory_space<hbm>> -> memref<10x100xi32, #tpu.memory_space<hbm>>
          %dma_wait3A_334 = arith.constant 0 : i32
          %dma_wait3A_335 = arith.constant 0 : i32
          %dma_wait3A_336 = tpu.memref_slice %arg7[%select_n3A_308, %dma_wait3A_334, %dma_wait3A_335] : memref<2x10x100xi32, #tpu.memory_space<vmem>> -> memref<1x10x100xi32, #tpu.memory_space<vmem>>
          %dma_wait3A_337 = tpu.memref_squeeze %dma_wait3A_336 : memref<1x10x100xi32, #tpu.memory_space<vmem>> -> memref<10x100xi32, #tpu.memory_space<vmem>>
          %dma_wait3A_338 = arith.constant 0 : i32
          %dma_wait3A_339 = arith.constant 0 : i32
          %dma_wait3A_340 = tpu.memref_slice %arg4[%add3A, %select_n3A_276, %dma_wait3A_338, %dma_wait3A_339] : memref<32x10x10x100xi32, #tpu.memory_space<hbm>> -> memref<1x1x10x100xi32, #tpu.memory_space<hbm>>
          %dma_wait3A_341 = tpu.memref_squeeze %dma_wait3A_340 : memref<1x1x10x100xi32, #tpu.memory_space<hbm>> -> memref<10x100xi32, #tpu.memory_space<hbm>>
          tpu.wait_dma2 semaphore(%run_scoped3A_309 : memref<!tpu.dma_semaphore, #tpu.memory_space<semaphore_mem>>) src(%dma_wait3A_341 : memref<10x100xi32, #tpu.memory_space<hbm>>) dst(%dma_wait3A_337 : memref<10x100xi32, #tpu.memory_space<vmem>>)
          tpu.yield
        }) : () -> ()
      } else {
      }
      %jit3A_111 = arith.constant 10 : i32
      %div3A = arith.divsi %scan3A_71, %jit3A_111 : i32
      %sign3A = arith.constant 0 : i32
      %sign3A_112 = arith.cmpi sgt, %scan3A_71, %sign3A : i32
      %sign3A_113 = arith.extui %sign3A_112 : i1 to i32
      %sign3A_114 = arith.constant 0 : i32
      %sign3A_115 = arith.cmpi slt, %scan3A_71, %sign3A_114 : i32
      %sign3A_116 = arith.extui %sign3A_115 : i1 to i32
      %sign3A_117 = arith.subi %sign3A_113, %sign3A_116 : i32
      %sign3A_118 = arith.constant 0 : i32
      %sign3A_119 = arith.cmpi sgt, %jit3A_111, %sign3A_118 : i32
      %sign3A_120 = arith.extui %sign3A_119 : i1 to i32
      %sign3A_121 = arith.constant 0 : i32
      %sign3A_122 = arith.cmpi slt, %jit3A_111, %sign3A_121 : i32
      %sign3A_123 = arith.extui %sign3A_122 : i1 to i32
      %sign3A_124 = arith.subi %sign3A_120, %sign3A_123 : i32
      %ne3A_125 = arith.cmpi ne, %sign3A_117, %sign3A_124 : i32
      %rem3A_126 = arith.remsi %scan3A_71, %jit3A_111 : i32
      %ne3A_127 = arith.constant 0 : i32
      %ne3A_128 = arith.cmpi ne, %rem3A_126, %ne3A_127 : i32
      %and3A_129 = arith.andi %ne3A_125, %ne3A_128 : i1
      %sub3A = arith.constant 1 : i32
      %sub3A_130 = arith.subi %div3A, %sub3A : i32
      %select_n3A_131 = arith.select %and3A_129, %sub3A_130, %div3A : i32
      %jit3A_132 = arith.constant 2 : i32
      %eq3A_133 = arith.constant 0 : i32
      %eq3A_134 = arith.cmpi eq, %jit3A_132, %eq3A_133 : i32
      %jit3A_135 = arith.constant 1 : i32
      %select_n3A_136 = arith.select %eq3A_134, %jit3A_135, %jit3A_132 : i32
      %rem3A_137 = arith.remsi %select_n3A_131, %select_n3A_136 : i32
      %ne3A_138 = arith.constant 0 : i32
      %ne3A_139 = arith.cmpi ne, %rem3A_137, %ne3A_138 : i32
      %lt3A_140 = arith.constant 0 : i32
      %lt3A_141 = arith.cmpi slt, %rem3A_137, %lt3A_140 : i32
      %lt3A_142 = arith.constant 0 : i32
      %lt3A_143 = arith.cmpi slt, %select_n3A_136, %lt3A_142 : i32
      %ne3A_144 = arith.xori %lt3A_141, %lt3A_143 : i1
      %and3A_145 = arith.andi %ne3A_144, %ne3A_139 : i1
      %add3A_146 = arith.addi %rem3A_137, %select_n3A_136 : i32
      %select_n3A_147 = arith.select %and3A_145, %add3A_146, %rem3A_137 : i32
      %jit3A_148 = arith.constant 10 : i32
      %eq3A_149 = arith.constant 0 : i32
      %eq3A_150 = arith.cmpi eq, %jit3A_148, %eq3A_149 : i32
      %jit3A_151 = arith.constant 1 : i32
      %select_n3A_152 = arith.select %eq3A_150, %jit3A_151, %jit3A_148 : i32
      %rem3A_153 = arith.remsi %scan3A_71, %select_n3A_152 : i32
      %ne3A_154 = arith.constant 0 : i32
      %ne3A_155 = arith.cmpi ne, %rem3A_153, %ne3A_154 : i32
      %lt3A_156 = arith.constant 0 : i32
      %lt3A_157 = arith.cmpi slt, %rem3A_153, %lt3A_156 : i32
      %lt3A_158 = arith.constant 0 : i32
      %lt3A_159 = arith.cmpi slt, %select_n3A_152, %lt3A_158 : i32
      %ne3A_160 = arith.xori %lt3A_157, %lt3A_159 : i1
      %and3A_161 = arith.andi %ne3A_160, %ne3A_155 : i1
      %add3A_162 = arith.addi %rem3A_153, %select_n3A_152 : i32
      %select_n3A_163 = arith.select %and3A_161, %add3A_162, %rem3A_153 : i32
      %dma_wait3A_164 = arith.constant 0 : i32
      %dma_wait3A_165 = arith.constant 0 : i32
      %dma_wait3A_166 = tpu.memref_slice %arg8[%select_n3A_82, %dma_wait3A_164, %dma_wait3A_165] : memref<3x100x128xf32, #tpu.memory_space<vmem>> -> memref<1x100x128xf32, #tpu.memory_space<vmem>>
      %dma_wait3A_167 = tpu.memref_squeeze %dma_wait3A_166 : memref<1x100x128xf32, #tpu.memory_space<vmem>> -> memref<100x128xf32, #tpu.memory_space<vmem>>
      %dma_wait3A_168 = arith.constant 0 : i32
      %dma_wait3A_169 = tpu.memref_slice %arg6[%select_n3A_147, %select_n3A_163, %dma_wait3A_168] : memref<2x10x100xi32, #tpu.memory_space<vmem>> -> memref<1x1x100xi32, #tpu.memory_space<vmem>>
      %dma_wait3A_170 = tpu.memref_squeeze %dma_wait3A_169 : memref<1x1x100xi32, #tpu.memory_space<vmem>> -> memref<100xi32, #tpu.memory_space<vmem>>
      %dma_wait3A_171 = arith.constant 0 : i32
      %dma_wait3A_172 = arith.constant 0 : i32
      %dma_wait3A_173 = tpu.memref_slice %arg2[%dma_wait3A_171, %dma_wait3A_172] : memref<10000x128xf32, #tpu.memory_space<hbm>> -> memref<10000x128xf32, #tpu.memory_space<hbm>>
      tpu.wait_indirect_dma semaphore(%arg9 : memref<!tpu.dma_semaphore, #tpu.memory_space<semaphore_mem>>) src(%dma_wait3A_173 : memref<10000x128xf32, #tpu.memory_space<hbm>>) dst(%dma_wait3A_167 : memref<100x128xf32, #tpu.memory_space<vmem>>)
      %jit3A_174 = arith.constant 10 : i32
      %div3A_175 = arith.divsi %scan3A_71, %jit3A_174 : i32
      %sign3A_176 = arith.constant 0 : i32
      %sign3A_177 = arith.cmpi sgt, %scan3A_71, %sign3A_176 : i32
      %sign3A_178 = arith.extui %sign3A_177 : i1 to i32
      %sign3A_179 = arith.constant 0 : i32
      %sign3A_180 = arith.cmpi slt, %scan3A_71, %sign3A_179 : i32
      %sign3A_181 = arith.extui %sign3A_180 : i1 to i32
      %sign3A_182 = arith.subi %sign3A_178, %sign3A_181 : i32
      %sign3A_183 = arith.constant 0 : i32
      %sign3A_184 = arith.cmpi sgt, %jit3A_174, %sign3A_183 : i32
      %sign3A_185 = arith.extui %sign3A_184 : i1 to i32
      %sign3A_186 = arith.constant 0 : i32
      %sign3A_187 = arith.cmpi slt, %jit3A_174, %sign3A_186 : i32
      %sign3A_188 = arith.extui %sign3A_187 : i1 to i32
      %sign3A_189 = arith.subi %sign3A_185, %sign3A_188 : i32
      %ne3A_190 = arith.cmpi ne, %sign3A_182, %sign3A_189 : i32
      %rem3A_191 = arith.remsi %scan3A_71, %jit3A_174 : i32
      %ne3A_192 = arith.constant 0 : i32
      %ne3A_193 = arith.cmpi ne, %rem3A_191, %ne3A_192 : i32
      %and3A_194 = arith.andi %ne3A_190, %ne3A_193 : i1
      %sub3A_195 = arith.constant 1 : i32
      %sub3A_196 = arith.subi %div3A_175, %sub3A_195 : i32
      %select_n3A_197 = arith.select %and3A_194, %sub3A_196, %div3A_175 : i32
      %jit3A_198 = arith.constant 2 : i32
      %eq3A_199 = arith.constant 0 : i32
      %eq3A_200 = arith.cmpi eq, %jit3A_198, %eq3A_199 : i32
      %jit3A_201 = arith.constant 1 : i32
      %select_n3A_202 = arith.select %eq3A_200, %jit3A_201, %jit3A_198 : i32
      %rem3A_203 = arith.remsi %select_n3A_197, %select_n3A_202 : i32
      %ne3A_204 = arith.constant 0 : i32
      %ne3A_205 = arith.cmpi ne, %rem3A_203, %ne3A_204 : i32
      %lt3A_206 = arith.constant 0 : i32
      %lt3A_207 = arith.cmpi slt, %rem3A_203, %lt3A_206 : i32
      %lt3A_208 = arith.constant 0 : i32
      %lt3A_209 = arith.cmpi slt, %select_n3A_202, %lt3A_208 : i32
      %ne3A_210 = arith.xori %lt3A_207, %lt3A_209 : i1
      %and3A_211 = arith.andi %ne3A_210, %ne3A_205 : i1
      %add3A_212 = arith.addi %rem3A_203, %select_n3A_202 : i32
      %select_n3A_213 = arith.select %and3A_211, %add3A_212, %rem3A_203 : i32
      %jit3A_214 = arith.constant 10 : i32
      %eq3A_215 = arith.constant 0 : i32
      %eq3A_216 = arith.cmpi eq, %jit3A_214, %eq3A_215 : i32
      %jit3A_217 = arith.constant 1 : i32
      %select_n3A_218 = arith.select %eq3A_216, %jit3A_217, %jit3A_214 : i32
      %rem3A_219 = arith.remsi %scan3A_71, %select_n3A_218 : i32
      %ne3A_220 = arith.constant 0 : i32
      %ne3A_221 = arith.cmpi ne, %rem3A_219, %ne3A_220 : i32
      %lt3A_222 = arith.constant 0 : i32
      %lt3A_223 = arith.cmpi slt, %rem3A_219, %lt3A_222 : i32
      %lt3A_224 = arith.constant 0 : i32
      %lt3A_225 = arith.cmpi slt, %select_n3A_218, %lt3A_224 : i32
      %ne3A_226 = arith.xori %lt3A_223, %lt3A_225 : i1
      %and3A_227 = arith.andi %ne3A_226, %ne3A_221 : i1
      %add3A_228 = arith.addi %rem3A_219, %select_n3A_218 : i32
      %select_n3A_229 = arith.select %and3A_227, %add3A_228, %rem3A_219 : i32
      %dma_start3A_230 = arith.constant 0 : i32
      %dma_start3A_231 = arith.constant 0 : i32
      %dma_start3A_232 = tpu.memref_slice %arg8[%select_n3A_82, %dma_start3A_230, %dma_start3A_231] : memref<3x100x128xf32, #tpu.memory_space<vmem>> -> memref<1x100x128xf32, #tpu.memory_space<vmem>>
      %dma_start3A_233 = tpu.memref_squeeze %dma_start3A_232 : memref<1x100x128xf32, #tpu.memory_space<vmem>> -> memref<100x128xf32, #tpu.memory_space<vmem>>
      %dma_start3A_234 = arith.constant 0 : i32
      %dma_start3A_235 = tpu.memref_slice %arg7[%select_n3A_213, %select_n3A_229, %dma_start3A_234] : memref<2x10x100xi32, #tpu.memory_space<vmem>> -> memref<1x1x100xi32, #tpu.memory_space<vmem>>
      %dma_start3A_236 = tpu.memref_squeeze %dma_start3A_235 : memref<1x1x100xi32, #tpu.memory_space<vmem>> -> memref<100xi32, #tpu.memory_space<vmem>>
      %dma_start3A_237 = arith.constant 0 : i32
      %dma_start3A_238 = arith.constant 0 : i32
      %dma_start3A_239 = tpu.memref_slice %arg11[%dma_start3A_237, %dma_start3A_238] : memref<10000x128xf32, #tpu.memory_space<vmem_shared>> -> memref<10000x128xf32, #tpu.memory_space<vmem_shared>>
      tpu.enqueue_indirect_dma source(%dma_start3A_233 : memref<100x128xf32, #tpu.memory_space<vmem>>) target(%dma_start3A_239 : memref<10000x128xf32, #tpu.memory_space<vmem_shared>>) offsets(%dma_start3A_236 : memref<100xi32, #tpu.memory_space<vmem>>) semaphore(%arg10 : memref<!tpu.dma_semaphore, #tpu.memory_space<semaphore_mem>>) {add = true}
      %gt3A = arith.constant 0 : i32
      %gt3A_240 = arith.cmpi sgt, %scan3A_71, %gt3A : i32
      %convert_element_type3A_241 = arith.extui %gt3A_240 : i1 to i32
      %cond3A_242 = arith.constant 0 : i32
      %cond3A_243 = arith.cmpi ne, %convert_element_type3A_241, %cond3A_242 : i32
      scf.if %cond3A_243 {
        %sub3A_251 = arith.constant 1 : i32
        %sub3A_252 = arith.subi %scan3A_71, %sub3A_251 : i32
        %jit3A_253 = arith.constant 3 : i32
        %eq3A_254 = arith.constant 0 : i32
        %eq3A_255 = arith.cmpi eq, %jit3A_253, %eq3A_254 : i32
        %jit3A_256 = arith.constant 1 : i32
        %select_n3A_257 = arith.select %eq3A_255, %jit3A_256, %jit3A_253 : i32
        %rem3A_258 = arith.remsi %sub3A_252, %select_n3A_257 : i32
        %ne3A_259 = arith.constant 0 : i32
        %ne3A_260 = arith.cmpi ne, %rem3A_258, %ne3A_259 : i32
        %lt3A_261 = arith.constant 0 : i32
        %lt3A_262 = arith.cmpi slt, %rem3A_258, %lt3A_261 : i32
        %lt3A_263 = arith.constant 0 : i32
        %lt3A_264 = arith.cmpi slt, %select_n3A_257, %lt3A_263 : i32
        %ne3A_265 = arith.xori %lt3A_262, %lt3A_264 : i1
        %and3A_266 = arith.andi %ne3A_265, %ne3A_260 : i1
        %add3A_267 = arith.addi %rem3A_258, %select_n3A_257 : i32
        %select_n3A_268 = arith.select %and3A_266, %add3A_267, %rem3A_258 : i32
        %sub3A_269 = arith.constant 1 : i32
        %sub3A_270 = arith.subi %scan3A_71, %sub3A_269 : i32
        %jit3A_271 = arith.constant 10 : i32
        %div3A_272 = arith.divsi %sub3A_270, %jit3A_271 : i32
        %sign3A_273 = arith.constant 0 : i32
        %sign3A_274 = arith.cmpi sgt, %sub3A_270, %sign3A_273 : i32
        %sign3A_275 = arith.extui %sign3A_274 : i1 to i32
        %sign3A_276 = arith.constant 0 : i32
        %sign3A_277 = arith.cmpi slt, %sub3A_270, %sign3A_276 : i32
        %sign3A_278 = arith.extui %sign3A_277 : i1 to i32
        %sign3A_279 = arith.subi %sign3A_275, %sign3A_278 : i32
        %sign3A_280 = arith.constant 0 : i32
        %sign3A_281 = arith.cmpi sgt, %jit3A_271, %sign3A_280 : i32
        %sign3A_282 = arith.extui %sign3A_281 : i1 to i32
        %sign3A_283 = arith.constant 0 : i32
        %sign3A_284 = arith.cmpi slt, %jit3A_271, %sign3A_283 : i32
        %sign3A_285 = arith.extui %sign3A_284 : i1 to i32
        %sign3A_286 = arith.subi %sign3A_282, %sign3A_285 : i32
        %ne3A_287 = arith.cmpi ne, %sign3A_279, %sign3A_286 : i32
        %rem3A_288 = arith.remsi %sub3A_270, %jit3A_271 : i32
        %ne3A_289 = arith.constant 0 : i32
        %ne3A_290 = arith.cmpi ne, %rem3A_288, %ne3A_289 : i32
        %and3A_291 = arith.andi %ne3A_287, %ne3A_290 : i1
        %sub3A_292 = arith.constant 1 : i32
        %sub3A_293 = arith.subi %div3A_272, %sub3A_292 : i32
        %select_n3A_294 = arith.select %and3A_291, %sub3A_293, %div3A_272 : i32
        %jit3A_295 = arith.constant 2 : i32
        %eq3A_296 = arith.constant 0 : i32
        %eq3A_297 = arith.cmpi eq, %jit3A_295, %eq3A_296 : i32
        %jit3A_298 = arith.constant 1 : i32
        %select_n3A_299 = arith.select %eq3A_297, %jit3A_298, %jit3A_295 : i32
        %rem3A_300 = arith.remsi %select_n3A_294, %select_n3A_299 : i32
        %ne3A_301 = arith.constant 0 : i32
        %ne3A_302 = arith.cmpi ne, %rem3A_300, %ne3A_301 : i32
        %lt3A_303 = arith.constant 0 : i32
        %lt3A_304 = arith.cmpi slt, %rem3A_300, %lt3A_303 : i32
        %lt3A_305 = arith.constant 0 : i32
        %lt3A_306 = arith.cmpi slt, %select_n3A_299, %lt3A_305 : i32
        %ne3A_307 = arith.xori %lt3A_304, %lt3A_306 : i1
        %and3A_308 = arith.andi %ne3A_307, %ne3A_302 : i1
        %add3A_309 = arith.addi %rem3A_300, %select_n3A_299 : i32
        %select_n3A_310 = arith.select %and3A_308, %add3A_309, %rem3A_300 : i32
        %jit3A_311 = arith.constant 10 : i32
        %eq3A_312 = arith.constant 0 : i32
        %eq3A_313 = arith.cmpi eq, %jit3A_311, %eq3A_312 : i32
        %jit3A_314 = arith.constant 1 : i32
        %select_n3A_315 = arith.select %eq3A_313, %jit3A_314, %jit3A_311 : i32
        %rem3A_316 = arith.remsi %sub3A_270, %select_n3A_315 : i32
        %ne3A_317 = arith.constant 0 : i32
        %ne3A_318 = arith.cmpi ne, %rem3A_316, %ne3A_317 : i32
        %lt3A_319 = arith.constant 0 : i32
        %lt3A_320 = arith.cmpi slt, %rem3A_316, %lt3A_319 : i32
        %lt3A_321 = arith.constant 0 : i32
        %lt3A_322 = arith.cmpi slt, %select_n3A_315, %lt3A_321 : i32
        %ne3A_323 = arith.xori %lt3A_320, %lt3A_322 : i1
        %and3A_324 = arith.andi %ne3A_323, %ne3A_318 : i1
        %add3A_325 = arith.addi %rem3A_316, %select_n3A_315 : i32
        %select_n3A_326 = arith.select %and3A_324, %add3A_325, %rem3A_316 : i32
        %dma_wait3A_327 = arith.constant 0 : i32
        %dma_wait3A_328 = arith.constant 0 : i32
        %dma_wait3A_329 = tpu.memref_slice %arg8[%select_n3A_268, %dma_wait3A_327, %dma_wait3A_328] : memref<3x100x128xf32, #tpu.memory_space<vmem>> -> memref<1x100x128xf32, #tpu.memory_space<vmem>>
        %dma_wait3A_330 = tpu.memref_squeeze %dma_wait3A_329 : memref<1x100x128xf32, #tpu.memory_space<vmem>> -> memref<100x128xf32, #tpu.memory_space<vmem>>
        %dma_wait3A_331 = arith.constant 0 : i32
        %dma_wait3A_332 = tpu.memref_slice %arg7[%select_n3A_310, %select_n3A_326, %dma_wait3A_331] : memref<2x10x100xi32, #tpu.memory_space<vmem>> -> memref<1x1x100xi32, #tpu.memory_space<vmem>>
        %dma_wait3A_333 = tpu.memref_squeeze %dma_wait3A_332 : memref<1x1x100xi32, #tpu.memory_space<vmem>> -> memref<100xi32, #tpu.memory_space<vmem>>
        %dma_wait3A_334 = arith.constant 0 : i32
        %dma_wait3A_335 = arith.constant 0 : i32
        %dma_wait3A_336 = tpu.memref_slice %arg11[%dma_wait3A_334, %dma_wait3A_335] : memref<10000x128xf32, #tpu.memory_space<vmem_shared>> -> memref<10000x128xf32, #tpu.memory_space<vmem_shared>>
        tpu.wait_indirect_dma semaphore(%arg10 : memref<!tpu.dma_semaphore, #tpu.memory_space<semaphore_mem>>) src(%dma_wait3A_330 : memref<100x128xf32, #tpu.memory_space<vmem>>) dst(%dma_wait3A_336 : memref<10000x128xf32, #tpu.memory_space<vmem_shared>>)
      } else {
      }
      %add3A_244 = arith.constant 2 : i32
      %add3A_245 = arith.addi %scan3A_71, %add3A_244 : i32
      %lt3A_246 = arith.constant 100 : i32
      %lt3A_247 = arith.cmpi slt, %add3A_245, %lt3A_246 : i32
      %convert_element_type3A_248 = arith.extui %lt3A_247 : i1 to i32
      %cond3A_249 = arith.constant 0 : i32
      %cond3A_250 = arith.cmpi ne, %convert_element_type3A_248, %cond3A_249 : i32
      scf.if %cond3A_250 {
        %add3A_251 = arith.constant 2 : i32
        %add3A_252 = arith.addi %scan3A_71, %add3A_251 : i32
        %jit3A_253 = arith.constant 10 : i32
        %div3A_254 = arith.divsi %add3A_252, %jit3A_253 : i32
        %sign3A_255 = arith.constant 0 : i32
        %sign3A_256 = arith.cmpi sgt, %add3A_252, %sign3A_255 : i32
        %sign3A_257 = arith.extui %sign3A_256 : i1 to i32
        %sign3A_258 = arith.constant 0 : i32
        %sign3A_259 = arith.cmpi slt, %add3A_252, %sign3A_258 : i32
        %sign3A_260 = arith.extui %sign3A_259 : i1 to i32
        %sign3A_261 = arith.subi %sign3A_257, %sign3A_260 : i32
        %sign3A_262 = arith.constant 0 : i32
        %sign3A_263 = arith.cmpi sgt, %jit3A_253, %sign3A_262 : i32
        %sign3A_264 = arith.extui %sign3A_263 : i1 to i32
        %sign3A_265 = arith.constant 0 : i32
        %sign3A_266 = arith.cmpi slt, %jit3A_253, %sign3A_265 : i32
        %sign3A_267 = arith.extui %sign3A_266 : i1 to i32
        %sign3A_268 = arith.subi %sign3A_264, %sign3A_267 : i32
        %ne3A_269 = arith.cmpi ne, %sign3A_261, %sign3A_268 : i32
        %rem3A_270 = arith.remsi %add3A_252, %jit3A_253 : i32
        %ne3A_271 = arith.constant 0 : i32
        %ne3A_272 = arith.cmpi ne, %rem3A_270, %ne3A_271 : i32
        %and3A_273 = arith.andi %ne3A_269, %ne3A_272 : i1
        %sub3A_274 = arith.constant 1 : i32
        %sub3A_275 = arith.subi %div3A_254, %sub3A_274 : i32
        %select_n3A_276 = arith.select %and3A_273, %sub3A_275, %div3A_254 : i32
        %jit3A_277 = arith.constant 2 : i32
        %eq3A_278 = arith.constant 0 : i32
        %eq3A_279 = arith.cmpi eq, %jit3A_277, %eq3A_278 : i32
        %jit3A_280 = arith.constant 1 : i32
        %select_n3A_281 = arith.select %eq3A_279, %jit3A_280, %jit3A_277 : i32
        %rem3A_282 = arith.remsi %select_n3A_276, %select_n3A_281 : i32
        %ne3A_283 = arith.constant 0 : i32
        %ne3A_284 = arith.cmpi ne, %rem3A_282, %ne3A_283 : i32
        %lt3A_285 = arith.constant 0 : i32
        %lt3A_286 = arith.cmpi slt, %rem3A_282, %lt3A_285 : i32
        %lt3A_287 = arith.constant 0 : i32
        %lt3A_288 = arith.cmpi slt, %select_n3A_281, %lt3A_287 : i32
        %ne3A_289 = arith.xori %lt3A_286, %lt3A_288 : i1
        %and3A_290 = arith.andi %ne3A_289, %ne3A_284 : i1
        %add3A_291 = arith.addi %rem3A_282, %select_n3A_281 : i32
        %select_n3A_292 = arith.select %and3A_290, %add3A_291, %rem3A_282 : i32
        %jit3A_293 = arith.constant 10 : i32
        %eq3A_294 = arith.constant 0 : i32
        %eq3A_295 = arith.cmpi eq, %jit3A_293, %eq3A_294 : i32
        %jit3A_296 = arith.constant 1 : i32
        %select_n3A_297 = arith.select %eq3A_295, %jit3A_296, %jit3A_293 : i32
        %rem3A_298 = arith.remsi %add3A_252, %select_n3A_297 : i32
        %ne3A_299 = arith.constant 0 : i32
        %ne3A_300 = arith.cmpi ne, %rem3A_298, %ne3A_299 : i32
        %lt3A_301 = arith.constant 0 : i32
        %lt3A_302 = arith.cmpi slt, %rem3A_298, %lt3A_301 : i32
        %lt3A_303 = arith.constant 0 : i32
        %lt3A_304 = arith.cmpi slt, %select_n3A_297, %lt3A_303 : i32
        %ne3A_305 = arith.xori %lt3A_302, %lt3A_304 : i1
        %and3A_306 = arith.andi %ne3A_305, %ne3A_300 : i1
        %add3A_307 = arith.addi %rem3A_298, %select_n3A_297 : i32
        %select_n3A_308 = arith.select %and3A_306, %add3A_307, %rem3A_298 : i32
        %add3A_309 = arith.constant 2 : i32
        %add3A_310 = arith.addi %scan3A_71, %add3A_309 : i32
        %jit3A_311 = arith.constant 3 : i32
        %eq3A_312 = arith.constant 0 : i32
        %eq3A_313 = arith.cmpi eq, %jit3A_311, %eq3A_312 : i32
        %jit3A_314 = arith.constant 1 : i32
        %select_n3A_315 = arith.select %eq3A_313, %jit3A_314, %jit3A_311 : i32
        %rem3A_316 = arith.remsi %add3A_310, %select_n3A_315 : i32
        %ne3A_317 = arith.constant 0 : i32
        %ne3A_318 = arith.cmpi ne, %rem3A_316, %ne3A_317 : i32
        %lt3A_319 = arith.constant 0 : i32
        %lt3A_320 = arith.cmpi slt, %rem3A_316, %lt3A_319 : i32
        %lt3A_321 = arith.constant 0 : i32
        %lt3A_322 = arith.cmpi slt, %select_n3A_315, %lt3A_321 : i32
        %ne3A_323 = arith.xori %lt3A_320, %lt3A_322 : i1
        %and3A_324 = arith.andi %ne3A_323, %ne3A_318 : i1
        %add3A_325 = arith.addi %rem3A_316, %select_n3A_315 : i32
        %select_n3A_326 = arith.select %and3A_324, %add3A_325, %rem3A_316 : i32
        %dma_start3A_327 = arith.constant 0 : i32
        %dma_start3A_328 = arith.constant 0 : i32
        %dma_start3A_329 = tpu.memref_slice %arg8[%select_n3A_326, %dma_start3A_327, %dma_start3A_328] : memref<3x100x128xf32, #tpu.memory_space<vmem>> -> memref<1x100x128xf32, #tpu.memory_space<vmem>>
        %dma_start3A_330 = tpu.memref_squeeze %dma_start3A_329 : memref<1x100x128xf32, #tpu.memory_space<vmem>> -> memref<100x128xf32, #tpu.memory_space<vmem>>
        %dma_start3A_331 = arith.constant 0 : i32
        %dma_start3A_332 = tpu.memref_slice %arg6[%select_n3A_292, %select_n3A_308, %dma_start3A_331] : memref<2x10x100xi32, #tpu.memory_space<vmem>> -> memref<1x1x100xi32, #tpu.memory_space<vmem>>
        %dma_start3A_333 = tpu.memref_squeeze %dma_start3A_332 : memref<1x1x100xi32, #tpu.memory_space<vmem>> -> memref<100xi32, #tpu.memory_space<vmem>>
        %dma_start3A_334 = arith.constant 0 : i32
        %dma_start3A_335 = arith.constant 0 : i32
        %dma_start3A_336 = tpu.memref_slice %arg2[%dma_start3A_334, %dma_start3A_335] : memref<10000x128xf32, #tpu.memory_space<hbm>> -> memref<10000x128xf32, #tpu.memory_space<hbm>>
        tpu.enqueue_indirect_dma source(%dma_start3A_336 : memref<10000x128xf32, #tpu.memory_space<hbm>>) target(%dma_start3A_330 : memref<100x128xf32, #tpu.memory_space<vmem>>) offsets(%dma_start3A_333 : memref<100xi32, #tpu.memory_space<vmem>>) semaphore(%arg9 : memref<!tpu.dma_semaphore, #tpu.memory_space<semaphore_mem>>)
      } else {
      }
    }
    %scan3A_47 = arith.constant 100 : i32
    %dma_wait3A = arith.constant 0 : i32
    %dma_wait3A_48 = arith.constant 1 : i32
    %dma_wait3A_49 = arith.constant 9 : i32
    %dma_wait3A_50 = arith.constant 0 : i32
    %dma_wait3A_51 = arith.constant 0 : i32
    %dma_wait3A_52 = tpu.memref_slice %arg8[%dma_wait3A, %dma_wait3A_50, %dma_wait3A_51] : memref<3x100x128xf32, #tpu.memory_space<vmem>> -> memref<1x100x128xf32, #tpu.memory_space<vmem>>
    %dma_wait3A_53 = tpu.memref_squeeze %dma_wait3A_52 : memref<1x100x128xf32, #tpu.memory_space<vmem>> -> memref<100x128xf32, #tpu.memory_space<vmem>>
    %dma_wait3A_54 = arith.constant 0 : i32
    %dma_wait3A_55 = tpu.memref_slice %arg7[%dma_wait3A_48, %dma_wait3A_49, %dma_wait3A_54] : memref<2x10x100xi32, #tpu.memory_space<vmem>> -> memref<1x1x100xi32, #tpu.memory_space<vmem>>
    %dma_wait3A_56 = tpu.memref_squeeze %dma_wait3A_55 : memref<1x1x100xi32, #tpu.memory_space<vmem>> -> memref<100xi32, #tpu.memory_space<vmem>>
    %dma_wait3A_57 = arith.constant 0 : i32
    %dma_wait3A_58 = arith.constant 0 : i32
    %dma_wait3A_59 = tpu.memref_slice %arg11[%dma_wait3A_57, %dma_wait3A_58] : memref<10000x128xf32, #tpu.memory_space<vmem_shared>> -> memref<10000x128xf32, #tpu.memory_space<vmem_shared>>
    tpu.wait_indirect_dma semaphore(%arg10 : memref<!tpu.dma_semaphore, #tpu.memory_space<semaphore_mem>>) src(%dma_wait3A_53 : memref<100x128xf32, #tpu.memory_space<vmem>>) dst(%dma_wait3A_59 : memref<10000x128xf32, #tpu.memory_space<vmem_shared>>)
    %barrier3A_60 = arith.constant 0 : index
    tpu.barrier barrier_id(%barrier3A_60)
    %lt3A_61 = arith.constant 15 : i32
    %lt3A_62 = arith.cmpi slt, %arg1, %lt3A_61 : i32
    %convert_element_type3A_63 = arith.extui %lt3A_62 : i1 to i32
    %cond3A_64 = arith.constant 0 : i32
    %cond3A_65 = arith.cmpi ne, %convert_element_type3A_63, %cond3A_64 : i32
    scf.if %cond3A_65 {
      %mul3A_71 = arith.constant 624 : i32
      %mul3A_72 = arith.muli %arg1, %mul3A_71 : i32
      %mul3A_73 = arith.constant 624 : i32
      %mul3A_74 = arith.muli %arg1, %mul3A_73 : i32
      "tpu.region"() ({
        %run_scoped3A_75 = tpu.sem_alloc : memref<!tpu.dma_semaphore, #tpu.memory_space<semaphore_mem>>
        %dma_start3A_76 = arith.constant 0 : i32
        %dma_start3A_77 = tpu.memref_slice %arg5[%arg0, %mul3A_74, %dma_start3A_76] : memref<2x10000x128xf32, #tpu.memory_space<hbm>> -> memref<1x624x128xf32, #tpu.memory_space<hbm>>
        %dma_start3A_78 = tpu.memref_squeeze %dma_start3A_77 : memref<1x624x128xf32, #tpu.memory_space<hbm>> -> memref<624x128xf32, #tpu.memory_space<hbm>>
        %dma_start3A_79 = arith.constant 0 : i32
        %dma_start3A_80 = tpu.memref_slice %arg11[%mul3A_72, %dma_start3A_79] : memref<10000x128xf32, #tpu.memory_space<vmem_shared>> -> memref<624x128xf32, #tpu.memory_space<vmem_shared>>
        tpu.enqueue_dma source(%dma_start3A_80 : memref<624x128xf32, #tpu.memory_space<vmem_shared>>) target(%dma_start3A_78 : memref<624x128xf32, #tpu.memory_space<hbm>>) target_semaphore(%run_scoped3A_75 : memref<!tpu.dma_semaphore, #tpu.memory_space<semaphore_mem>>)
        %dma_wait3A_81 = arith.constant 0 : i32
        %dma_wait3A_82 = tpu.memref_slice %arg5[%arg0, %mul3A_74, %dma_wait3A_81] : memref<2x10000x128xf32, #tpu.memory_space<hbm>> -> memref<1x624x128xf32, #tpu.memory_space<hbm>>
        %dma_wait3A_83 = tpu.memref_squeeze %dma_wait3A_82 : memref<1x624x128xf32, #tpu.memory_space<hbm>> -> memref<624x128xf32, #tpu.memory_space<hbm>>
        %dma_wait3A_84 = arith.constant 0 : i32
        %dma_wait3A_85 = tpu.memref_slice %arg11[%mul3A_72, %dma_wait3A_84] : memref<10000x128xf32, #tpu.memory_space<vmem_shared>> -> memref<624x128xf32, #tpu.memory_space<vmem_shared>>
        tpu.wait_dma2 semaphore(%run_scoped3A_75 : memref<!tpu.dma_semaphore, #tpu.memory_space<semaphore_mem>>) src(%dma_wait3A_85 : memref<624x128xf32, #tpu.memory_space<vmem_shared>>) dst(%dma_wait3A_83 : memref<624x128xf32, #tpu.memory_space<hbm>>)
        tpu.yield
      }) : () -> ()
    } else {
    }
    %eq3A_66 = arith.constant 15 : i32
    %eq3A_67 = arith.cmpi eq, %arg1, %eq3A_66 : i32
    %convert_element_type3A_68 = arith.extui %eq3A_67 : i1 to i32
    %cond3A_69 = arith.constant 0 : i32
    %cond3A_70 = arith.cmpi ne, %convert_element_type3A_68, %cond3A_69 : i32
    scf.if %cond3A_70 {
      "tpu.region"() ({
        %run_scoped3A_71 = tpu.sem_alloc : memref<!tpu.dma_semaphore, #tpu.memory_space<semaphore_mem>>
        %dma_start3A_72 = arith.constant 9360 : i32
        %dma_start3A_73 = arith.constant 0 : i32
        %dma_start3A_74 = tpu.memref_slice %arg5[%arg0, %dma_start3A_72, %dma_start3A_73] : memref<2x10000x128xf32, #tpu.memory_space<hbm>> -> memref<1x640x128xf32, #tpu.memory_space<hbm>>
        %dma_start3A_75 = tpu.memref_squeeze %dma_start3A_74 : memref<1x640x128xf32, #tpu.memory_space<hbm>> -> memref<640x128xf32, #tpu.memory_space<hbm>>
        %dma_start3A_76 = arith.constant 9360 : i32
        %dma_start3A_77 = arith.constant 0 : i32
        %dma_start3A_78 = tpu.memref_slice %arg11[%dma_start3A_76, %dma_start3A_77] : memref<10000x128xf32, #tpu.memory_space<vmem_shared>> -> memref<640x128xf32, #tpu.memory_space<vmem_shared>>
        tpu.enqueue_dma source(%dma_start3A_78 : memref<640x128xf32, #tpu.memory_space<vmem_shared>>) target(%dma_start3A_75 : memref<640x128xf32, #tpu.memory_space<hbm>>) target_semaphore(%run_scoped3A_71 : memref<!tpu.dma_semaphore, #tpu.memory_space<semaphore_mem>>)
        %dma_wait3A_79 = arith.constant 9360 : i32
        %dma_wait3A_80 = arith.constant 0 : i32
        %dma_wait3A_81 = tpu.memref_slice %arg5[%arg0, %dma_wait3A_79, %dma_wait3A_80] : memref<2x10000x128xf32, #tpu.memory_space<hbm>> -> memref<1x640x128xf32, #tpu.memory_space<hbm>>
        %dma_wait3A_82 = tpu.memref_squeeze %dma_wait3A_81 : memref<1x640x128xf32, #tpu.memory_space<hbm>> -> memref<640x128xf32, #tpu.memory_space<hbm>>
        %dma_wait3A_83 = arith.constant 9360 : i32
        %dma_wait3A_84 = arith.constant 0 : i32
        %dma_wait3A_85 = tpu.memref_slice %arg11[%dma_wait3A_83, %dma_wait3A_84] : memref<10000x128xf32, #tpu.memory_space<vmem_shared>> -> memref<640x128xf32, #tpu.memory_space<vmem_shared>>
        tpu.wait_dma2 semaphore(%run_scoped3A_71 : memref<!tpu.dma_semaphore, #tpu.memory_space<semaphore_mem>>) src(%dma_wait3A_85 : memref<640x128xf32, #tpu.memory_space<vmem_shared>>) dst(%dma_wait3A_82 : memref<640x128xf32, #tpu.memory_space<hbm>>)
        tpu.yield
      }) : () -> ()
    } else {
    }
    return
  }
}

#map = affine_map<(d0, d1) -> (0, 0)>
#map1 = affine_map<(d0, d1) -> (0, 0, 0, 0)>
#map2 = affine_map<(d0, d1) -> (0, 0, 0)>
module attributes {stable_mosaic.version = 14 : i64} {
  func.func @_hop_body(%arg0: i32, %arg1: i32, %arg2: memref<10000x128xf32, #tpu.memory_space<hbm>>, %arg3: memref<32x10x10x100xi32, #tpu.memory_space<hbm>>, %arg4: memref<32x10x10x100xi32, #tpu.memory_space<hbm>>, %arg5: memref<2x10000x128xf32, #tpu.memory_space<hbm>>, %arg6: memref<2x10x100xi32, #tpu.memory_space<vmem>>, %arg7: memref<2x10x100xi32, #tpu.memory_space<vmem>>, %arg8: memref<3x100x128xf32, #tpu.memory_space<vmem>>, %arg9: memref<!tpu.dma_semaphore, #tpu.memory_space<semaphore_mem>>, %arg10: memref<!tpu.dma_semaphore, #tpu.memory_space<semaphore_mem>>, %arg11: memref<10000x128xf32, #tpu.memory_space<vmem_shared>>) attributes {dimension_semantics = [#tpu.dimension_semantics<core_parallel>, #tpu.dimension_semantics<subcore_parallel>], iteration_bounds = array<i64: 2, 16>, scalar_prefetch = 0 : i64, scratch_operands = 6 : i64, tpu.core_type = #tpu.core_type<sc_vector_subcore>, window_params = [{transform_indices = #map}, {transform_indices = #map1}, {transform_indices = #map1}, {transform_indices = #map2}]} {
    %mul3A = arith.constant 16 : i32
    %mul3A_0 = arith.muli %arg0, %mul3A : i32
    %add3A = arith.addi %mul3A_0, %arg1 : i32
    %broadcast_in_dim3A = arith.constant 0.000000e+00 : f32
    %broadcast_in_dim3A_1 = vector.broadcast %broadcast_in_dim3A : f32 to vector<16xf32>
    %scan3A = arith.constant 0 : i32
    %scan3A_2 = arith.constant 0 : i32
    %scan3A_3 = arith.constant 0 : i32
    %scan3A_4 = arith.constant 80 : i32
    %scan3A_5 = arith.addi %scan3A_3, %scan3A_4 : i32
    %scan3A_6 = arith.constant 1 : i32
    scf.for %scan3A_71 = %scan3A_3 to %scan3A_5 step %scan3A_6  : i32 {
      %swap3A = arith.constant 0 : i32
      %swap3A_72 = arith.constant 0 : i32
      %swap3A_73 = tpu.memref_slice %arg8[%scan3A_2, %swap3A, %swap3A_72] : memref<3x100x128xf32, #tpu.memory_space<vmem>> -> memref<1x100x128xf32, #tpu.memory_space<vmem>>
      %swap3A_74 = tpu.memref_squeeze %swap3A_73 : memref<1x100x128xf32, #tpu.memory_space<vmem>> -> memref<100x128xf32, #tpu.memory_space<vmem>>
      %swap3A_75 = arith.index_cast %scan3A_71 : i32 to index
      %swap3A_76 = arith.constant 0 : index
      %swap3A_77 = tpu.vector_load %swap3A_74[%swap3A_75, %swap3A_76] {strides = array<i32>} : memref<100x128xf32, #tpu.memory_space<vmem>>, vector<1x16xf32>,
      %swap3A_78 = vector.shape_cast %swap3A_77 : vector<1x16xf32> to vector<16xf32>
      %swap3A_79 = vector.shape_cast %broadcast_in_dim3A_1 : vector<16xf32> to vector<1x16xf32>
      tpu.vector_store %swap3A_74[%swap3A_75, %swap3A_76], %swap3A_79 {strides = array<i32>} : memref<100x128xf32, #tpu.memory_space<vmem>>, vector<1x16xf32>,
      %swap3A_80 = arith.constant 0 : i32
      %swap3A_81 = arith.constant 0 : i32
      %swap3A_82 = tpu.memref_slice %arg8[%scan3A_2, %swap3A_80, %swap3A_81] : memref<3x100x128xf32, #tpu.memory_space<vmem>> -> memref<1x100x128xf32, #tpu.memory_space<vmem>>
      %swap3A_83 = tpu.memref_squeeze %swap3A_82 : memref<1x100x128xf32, #tpu.memory_space<vmem>> -> memref<100x128xf32, #tpu.memory_space<vmem>>
      %swap3A_84 = arith.index_cast %scan3A_71 : i32 to index
      %swap3A_85 = arith.constant 16 : index
      %swap3A_86 = tpu.vector_load %swap3A_83[%swap3A_84, %swap3A_85] {strides = array<i32>} : memref<100x128xf32, #tpu.memory_space<vmem>>, vector<1x16xf32>,
      %swap3A_87 = vector.shape_cast %swap3A_86 : vector<1x16xf32> to vector<16xf32>
      %swap3A_88 = vector.shape_cast %broadcast_in_dim3A_1 : vector<16xf32> to vector<1x16xf32>
      tpu.vector_store %swap3A_83[%swap3A_84, %swap3A_85], %swap3A_88 {strides = array<i32>} : memref<100x128xf32, #tpu.memory_space<vmem>>, vector<1x16xf32>,
      %swap3A_89 = arith.constant 0 : i32
      %swap3A_90 = arith.constant 0 : i32
      %swap3A_91 = tpu.memref_slice %arg8[%scan3A_2, %swap3A_89, %swap3A_90] : memref<3x100x128xf32, #tpu.memory_space<vmem>> -> memref<1x100x128xf32, #tpu.memory_space<vmem>>
      %swap3A_92 = tpu.memref_squeeze %swap3A_91 : memref<1x100x128xf32, #tpu.memory_space<vmem>> -> memref<100x128xf32, #tpu.memory_space<vmem>>
      %swap3A_93 = arith.index_cast %scan3A_71 : i32 to index
      %swap3A_94 = arith.constant 32 : index
      %swap3A_95 = tpu.vector_load %swap3A_92[%swap3A_93, %swap3A_94] {strides = array<i32>} : memref<100x128xf32, #tpu.memory_space<vmem>>, vector<1x16xf32>,
      %swap3A_96 = vector.shape_cast %swap3A_95 : vector<1x16xf32> to vector<16xf32>
      %swap3A_97 = vector.shape_cast %broadcast_in_dim3A_1 : vector<16xf32> to vector<1x16xf32>
      tpu.vector_store %swap3A_92[%swap3A_93, %swap3A_94], %swap3A_97 {strides = array<i32>} : memref<100x128xf32, #tpu.memory_space<vmem>>, vector<1x16xf32>,
      %swap3A_98 = arith.constant 0 : i32
      %swap3A_99 = arith.constant 0 : i32
      %swap3A_100 = tpu.memref_slice %arg8[%scan3A_2, %swap3A_98, %swap3A_99] : memref<3x100x128xf32, #tpu.memory_space<vmem>> -> memref<1x100x128xf32, #tpu.memory_space<vmem>>
      %swap3A_101 = tpu.memref_squeeze %swap3A_100 : memref<1x100x128xf32, #tpu.memory_space<vmem>> -> memref<100x128xf32, #tpu.memory_space<vmem>>
      %swap3A_102 = arith.index_cast %scan3A_71 : i32 to index
      %swap3A_103 = arith.constant 48 : index
      %swap3A_104 = tpu.vector_load %swap3A_101[%swap3A_102, %swap3A_103] {strides = array<i32>} : memref<100x128xf32, #tpu.memory_space<vmem>>, vector<1x16xf32>,
      %swap3A_105 = vector.shape_cast %swap3A_104 : vector<1x16xf32> to vector<16xf32>
      %swap3A_106 = vector.shape_cast %broadcast_in_dim3A_1 : vector<16xf32> to vector<1x16xf32>
      tpu.vector_store %swap3A_101[%swap3A_102, %swap3A_103], %swap3A_106 {strides = array<i32>} : memref<100x128xf32, #tpu.memory_space<vmem>>, vector<1x16xf32>,
      %swap3A_107 = arith.constant 0 : i32
      %swap3A_108 = arith.constant 0 : i32
      %swap3A_109 = tpu.memref_slice %arg8[%scan3A_2, %swap3A_107, %swap3A_108] : memref<3x100x128xf32, #tpu.memory_space<vmem>> -> memref<1x100x128xf32, #tpu.memory_space<vmem>>
      %swap3A_110 = tpu.memref_squeeze %swap3A_109 : memref<1x100x128xf32, #tpu.memory_space<vmem>> -> memref<100x128xf32, #tpu.memory_space<vmem>>
      %swap3A_111 = arith.index_cast %scan3A_71 : i32 to index
      %swap3A_112 = arith.constant 64 : index
      %swap3A_113 = tpu.vector_load %swap3A_110[%swap3A_111, %swap3A_112] {strides = array<i32>} : memref<100x128xf32, #tpu.memory_space<vmem>>, vector<1x16xf32>,
      %swap3A_114 = vector.shape_cast %swap3A_113 : vector<1x16xf32> to vector<16xf32>
      %swap3A_115 = vector.shape_cast %broadcast_in_dim3A_1 : vector<16xf32> to vector<1x16xf32>
      tpu.vector_store %swap3A_110[%swap3A_111, %swap3A_112], %swap3A_115 {strides = array<i32>} : memref<100x128xf32, #tpu.memory_space<vmem>>, vector<1x16xf32>,
      %swap3A_116 = arith.constant 0 : i32
      %swap3A_117 = arith.constant 0 : i32
      %swap3A_118 = tpu.memref_slice %arg8[%scan3A_2, %swap3A_116, %swap3A_117] : memref<3x100x128xf32, #tpu.memory_space<vmem>> -> memref<1x100x128xf32, #tpu.memory_space<vmem>>
      %swap3A_119 = tpu.memref_squeeze %swap3A_118 : memref<1x100x128xf32, #tpu.memory_space<vmem>> -> memref<100x128xf32, #tpu.memory_space<vmem>>
      %swap3A_120 = arith.index_cast %scan3A_71 : i32 to index
      %swap3A_121 = arith.constant 80 : index
      %swap3A_122 = tpu.vector_load %swap3A_119[%swap3A_120, %swap3A_121] {strides = array<i32>} : memref<100x128xf32, #tpu.memory_space<vmem>>, vector<1x16xf32>,
      %swap3A_123 = vector.shape_cast %swap3A_122 : vector<1x16xf32> to vector<16xf32>
      %swap3A_124 = vector.shape_cast %broadcast_in_dim3A_1 : vector<16xf32> to vector<1x16xf32>
      tpu.vector_store %swap3A_119[%swap3A_120, %swap3A_121], %swap3A_124 {strides = array<i32>} : memref<100x128xf32, #tpu.memory_space<vmem>>, vector<1x16xf32>,
      %swap3A_125 = arith.constant 0 : i32
      %swap3A_126 = arith.constant 0 : i32
      %swap3A_127 = tpu.memref_slice %arg8[%scan3A_2, %swap3A_125, %swap3A_126] : memref<3x100x128xf32, #tpu.memory_space<vmem>> -> memref<1x100x128xf32, #tpu.memory_space<vmem>>
      %swap3A_128 = tpu.memref_squeeze %swap3A_127 : memref<1x100x128xf32, #tpu.memory_space<vmem>> -> memref<100x128xf32, #tpu.memory_space<vmem>>
      %swap3A_129 = arith.index_cast %scan3A_71 : i32 to index
      %swap3A_130 = arith.constant 96 : index
      %swap3A_131 = tpu.vector_load %swap3A_128[%swap3A_129, %swap3A_130] {strides = array<i32>} : memref<100x128xf32, #tpu.memory_space<vmem>>, vector<1x16xf32>,
      %swap3A_132 = vector.shape_cast %swap3A_131 : vector<1x16xf32> to vector<16xf32>
      %swap3A_133 = vector.shape_cast %broadcast_in_dim3A_1 : vector<16xf32> to vector<1x16xf32>
      tpu.vector_store %swap3A_128[%swap3A_129, %swap3A_130], %swap3A_133 {strides = array<i32>} : memref<100x128xf32, #tpu.memory_space<vmem>>, vector<1x16xf32>,
      %swap3A_134 = arith.constant 0 : i32
      %swap3A_135 = arith.constant 0 : i32
      %swap3A_136 = tpu.memref_slice %arg8[%scan3A_2, %swap3A_134, %swap3A_135] : memref<3x100x128xf32, #tpu.memory_space<vmem>> -> memref<1x100x128xf32, #tpu.memory_space<vmem>>
      %swap3A_137 = tpu.memref_squeeze %swap3A_136 : memref<1x100x128xf32, #tpu.memory_space<vmem>> -> memref<100x128xf32, #tpu.memory_space<vmem>>
      %swap3A_138 = arith.index_cast %scan3A_71 : i32 to index
      %swap3A_139 = arith.constant 112 : index
      %swap3A_140 = tpu.vector_load %swap3A_137[%swap3A_138, %swap3A_139] {strides = array<i32>} : memref<100x128xf32, #tpu.memory_space<vmem>>, vector<1x16xf32>,
      %swap3A_141 = vector.shape_cast %swap3A_140 : vector<1x16xf32> to vector<16xf32>
      %swap3A_142 = vector.shape_cast %broadcast_in_dim3A_1 : vector<16xf32> to vector<1x16xf32>
      tpu.vector_store %swap3A_137[%swap3A_138, %swap3A_139], %swap3A_142 {strides = array<i32>} : memref<100x128xf32, #tpu.memory_space<vmem>>, vector<1x16xf32>,
    }
    %scan3A_7 = arith.constant 80 : i32
    %lt3A = arith.constant 15 : i32
    %lt3A_8 = arith.cmpi slt, %arg1, %lt3A : i32
    %convert_element_type3A = arith.extui %lt3A_8 : i1 to i32
    %cond3A = arith.constant 0 : i32
    %cond3A_9 = arith.cmpi ne, %convert_element_type3A, %cond3A : i32
    scf.if %cond3A_9 {
      %mul3A_71 = arith.constant 624 : i32
      %mul3A_72 = arith.muli %arg1, %mul3A_71 : i32
      %add3A_73 = arith.constant 0 : i32
      %add3A_74 = arith.addi %mul3A_72, %add3A_73 : i32
      %run_scoped3A_75 = arith.constant 0 : i32
      "tpu.region"() ({
        %run_scoped3A_111 = tpu.sem_alloc : memref<!tpu.dma_semaphore, #tpu.memory_space<semaphore_mem>>
        %dma_start3A_112 = arith.constant 0 : i32
        %dma_start3A_113 = arith.constant 0 : i32
        %dma_start3A_114 = tpu.memref_slice %arg8[%run_scoped3A_75, %dma_start3A_112, %dma_start3A_113] : memref<3x100x128xf32, #tpu.memory_space<vmem>> -> memref<1x80x128xf32, #tpu.memory_space<vmem>>
        %dma_start3A_115 = tpu.memref_squeeze %dma_start3A_114 : memref<1x80x128xf32, #tpu.memory_space<vmem>> -> memref<80x128xf32, #tpu.memory_space<vmem>>
        %dma_start3A_116 = arith.constant 0 : i32
        %dma_start3A_117 = tpu.memref_slice %arg11[%add3A_74, %dma_start3A_116] : memref<10000x128xf32, #tpu.memory_space<vmem_shared>> -> memref<80x128xf32, #tpu.memory_space<vmem_shared>>
        %dma_start3A_118 = arith.constant 0 : i32
        %dma_start3A_119 = tpu.memref_slice %arg11[%add3A_74, %dma_start3A_118] : memref<10000x128xf32, #tpu.memory_space<vmem_shared>> -> memref<80x128xf32, #tpu.memory_space<vmem_shared>>
        %dma_start3A_120 = arith.constant 0 : i32
        %dma_start3A_121 = arith.constant 0 : i32
        %dma_start3A_122 = tpu.memref_slice %arg8[%run_scoped3A_75, %dma_start3A_120, %dma_start3A_121] : memref<3x100x128xf32, #tpu.memory_space<vmem>> -> memref<1x80x128xf32, #tpu.memory_space<vmem>>
        %dma_start3A_123 = tpu.memref_squeeze %dma_start3A_122 : memref<1x80x128xf32, #tpu.memory_space<vmem>> -> memref<80x128xf32, #tpu.memory_space<vmem>>
        tpu.enqueue_dma source(%dma_start3A_123 : memref<80x128xf32, #tpu.memory_space<vmem>>) target(%dma_start3A_119 : memref<80x128xf32, #tpu.memory_space<vmem_shared>>) target_semaphore(%run_scoped3A_111 : memref<!tpu.dma_semaphore, #tpu.memory_space<semaphore_mem>>)
        %dma_wait3A_124 = arith.constant 0 : i32
        %dma_wait3A_125 = arith.constant 0 : i32
        %dma_wait3A_126 = tpu.memref_slice %arg8[%run_scoped3A_75, %dma_wait3A_124, %dma_wait3A_125] : memref<3x100x128xf32, #tpu.memory_space<vmem>> -> memref<1x80x128xf32, #tpu.memory_space<vmem>>
        %dma_wait3A_127 = tpu.memref_squeeze %dma_wait3A_126 : memref<1x80x128xf32, #tpu.memory_space<vmem>> -> memref<80x128xf32, #tpu.memory_space<vmem>>
        %dma_wait3A_128 = arith.constant 0 : i32
        %dma_wait3A_129 = tpu.memref_slice %arg11[%add3A_74, %dma_wait3A_128] : memref<10000x128xf32, #tpu.memory_space<vmem_shared>> -> memref<80x128xf32, #tpu.memory_space<vmem_shared>>
        %dma_wait3A_130 = arith.constant 0 : i32
        %dma_wait3A_131 = tpu.memref_slice %arg11[%add3A_74, %dma_wait3A_130] : memref<10000x128xf32, #tpu.memory_space<vmem_shared>> -> memref<80x128xf32, #tpu.memory_space<vmem_shared>>
        %dma_wait3A_132 = arith.constant 0 : i32
        %dma_wait3A_133 = arith.constant 0 : i32
        %dma_wait3A_134 = tpu.memref_slice %arg8[%run_scoped3A_75, %dma_wait3A_132, %dma_wait3A_133] : memref<3x100x128xf32, #tpu.memory_space<vmem>> -> memref<1x80x128xf32, #tpu.memory_space<vmem>>
        %dma_wait3A_135 = tpu.memref_squeeze %dma_wait3A_134 : memref<1x80x128xf32, #tpu.memory_space<vmem>> -> memref<80x128xf32, #tpu.memory_space<vmem>>
        tpu.wait_dma2 semaphore(%run_scoped3A_111 : memref<!tpu.dma_semaphore, #tpu.memory_space<semaphore_mem>>) src(%dma_wait3A_135 : memref<80x128xf32, #tpu.memory_space<vmem>>) dst(%dma_wait3A_131 : memref<80x128xf32, #tpu.memory_space<vmem_shared>>)
        tpu.yield
      }) : () -> ()
      %mul3A_76 = arith.constant 624 : i32
      %mul3A_77 = arith.muli %arg1, %mul3A_76 : i32
      %add3A_78 = arith.constant 80 : i32
      %add3A_79 = arith.addi %mul3A_77, %add3A_78 : i32
      %run_scoped3A_80 = arith.constant 0 : i32
      "tpu.region"() ({
        %run_scoped3A_111 = tpu.sem_alloc : memref<!tpu.dma_semaphore, #tpu.memory_space<semaphore_mem>>
        %dma_start3A_112 = arith.constant 0 : i32
        %dma_start3A_113 = arith.constant 0 : i32
        %dma_start3A_114 = tpu.memref_slice %arg8[%run_scoped3A_80, %dma_start3A_112, %dma_start3A_113] : memref<3x100x128xf32, #tpu.memory_space<vmem>> -> memref<1x80x128xf32, #tpu.memory_space<vmem>>
        %dma_start3A_115 = tpu.memref_squeeze %dma_start3A_114 : memref<1x80x128xf32, #tpu.memory_space<vmem>> -> memref<80x128xf32, #tpu.memory_space<vmem>>
        %dma_start3A_116 = arith.constant 0 : i32
        %dma_start3A_117 = tpu.memref_slice %arg11[%add3A_79, %dma_start3A_116] : memref<10000x128xf32, #tpu.memory_space<vmem_shared>> -> memref<80x128xf32, #tpu.memory_space<vmem_shared>>
        %dma_start3A_118 = arith.constant 0 : i32
        %dma_start3A_119 = tpu.memref_slice %arg11[%add3A_79, %dma_start3A_118] : memref<10000x128xf32, #tpu.memory_space<vmem_shared>> -> memref<80x128xf32, #tpu.memory_space<vmem_shared>>
        %dma_start3A_120 = arith.constant 0 : i32
        %dma_start3A_121 = arith.constant 0 : i32
        %dma_start3A_122 = tpu.memref_slice %arg8[%run_scoped3A_80, %dma_start3A_120, %dma_start3A_121] : memref<3x100x128xf32, #tpu.memory_space<vmem>> -> memref<1x80x128xf32, #tpu.memory_space<vmem>>
        %dma_start3A_123 = tpu.memref_squeeze %dma_start3A_122 : memref<1x80x128xf32, #tpu.memory_space<vmem>> -> memref<80x128xf32, #tpu.memory_space<vmem>>
        tpu.enqueue_dma source(%dma_start3A_123 : memref<80x128xf32, #tpu.memory_space<vmem>>) target(%dma_start3A_119 : memref<80x128xf32, #tpu.memory_space<vmem_shared>>) target_semaphore(%run_scoped3A_111 : memref<!tpu.dma_semaphore, #tpu.memory_space<semaphore_mem>>)
        %dma_wait3A_124 = arith.constant 0 : i32
        %dma_wait3A_125 = arith.constant 0 : i32
        %dma_wait3A_126 = tpu.memref_slice %arg8[%run_scoped3A_80, %dma_wait3A_124, %dma_wait3A_125] : memref<3x100x128xf32, #tpu.memory_space<vmem>> -> memref<1x80x128xf32, #tpu.memory_space<vmem>>
        %dma_wait3A_127 = tpu.memref_squeeze %dma_wait3A_126 : memref<1x80x128xf32, #tpu.memory_space<vmem>> -> memref<80x128xf32, #tpu.memory_space<vmem>>
        %dma_wait3A_128 = arith.constant 0 : i32
        %dma_wait3A_129 = tpu.memref_slice %arg11[%add3A_79, %dma_wait3A_128] : memref<10000x128xf32, #tpu.memory_space<vmem_shared>> -> memref<80x128xf32, #tpu.memory_space<vmem_shared>>
        %dma_wait3A_130 = arith.constant 0 : i32
        %dma_wait3A_131 = tpu.memref_slice %arg11[%add3A_79, %dma_wait3A_130] : memref<10000x128xf32, #tpu.memory_space<vmem_shared>> -> memref<80x128xf32, #tpu.memory_space<vmem_shared>>
        %dma_wait3A_132 = arith.constant 0 : i32
        %dma_wait3A_133 = arith.constant 0 : i32
        %dma_wait3A_134 = tpu.memref_slice %arg8[%run_scoped3A_80, %dma_wait3A_132, %dma_wait3A_133] : memref<3x100x128xf32, #tpu.memory_space<vmem>> -> memref<1x80x128xf32, #tpu.memory_space<vmem>>
        %dma_wait3A_135 = tpu.memref_squeeze %dma_wait3A_134 : memref<1x80x128xf32, #tpu.memory_space<vmem>> -> memref<80x128xf32, #tpu.memory_space<vmem>>
        tpu.wait_dma2 semaphore(%run_scoped3A_111 : memref<!tpu.dma_semaphore, #tpu.memory_space<semaphore_mem>>) src(%dma_wait3A_135 : memref<80x128xf32, #tpu.memory_space<vmem>>) dst(%dma_wait3A_131 : memref<80x128xf32, #tpu.memory_space<vmem_shared>>)
        tpu.yield
      }) : () -> ()
      %mul3A_81 = arith.constant 624 : i32
      %mul3A_82 = arith.muli %arg1, %mul3A_81 : i32
      %add3A_83 = arith.constant 160 : i32
      %add3A_84 = arith.addi %mul3A_82, %add3A_83 : i32
      %run_scoped3A_85 = arith.constant 0 : i32
      "tpu.region"() ({
        %run_scoped3A_111 = tpu.sem_alloc : memref<!tpu.dma_semaphore, #tpu.memory_space<semaphore_mem>>
        %dma_start3A_112 = arith.constant 0 : i32
        %dma_start3A_113 = arith.constant 0 : i32
        %dma_start3A_114 = tpu.memref_slice %arg8[%run_scoped3A_85, %dma_start3A_112, %dma_start3A_113] : memref<3x100x128xf32, #tpu.memory_space<vmem>> -> memref<1x80x128xf32, #tpu.memory_space<vmem>>
        %dma_start3A_115 = tpu.memref_squeeze %dma_start3A_114 : memref<1x80x128xf32, #tpu.memory_space<vmem>> -> memref<80x128xf32, #tpu.memory_space<vmem>>
        %dma_start3A_116 = arith.constant 0 : i32
        %dma_start3A_117 = tpu.memref_slice %arg11[%add3A_84, %dma_start3A_116] : memref<10000x128xf32, #tpu.memory_space<vmem_shared>> -> memref<80x128xf32, #tpu.memory_space<vmem_shared>>
        %dma_start3A_118 = arith.constant 0 : i32
        %dma_start3A_119 = tpu.memref_slice %arg11[%add3A_84, %dma_start3A_118] : memref<10000x128xf32, #tpu.memory_space<vmem_shared>> -> memref<80x128xf32, #tpu.memory_space<vmem_shared>>
        %dma_start3A_120 = arith.constant 0 : i32
        %dma_start3A_121 = arith.constant 0 : i32
        %dma_start3A_122 = tpu.memref_slice %arg8[%run_scoped3A_85, %dma_start3A_120, %dma_start3A_121] : memref<3x100x128xf32, #tpu.memory_space<vmem>> -> memref<1x80x128xf32, #tpu.memory_space<vmem>>
        %dma_start3A_123 = tpu.memref_squeeze %dma_start3A_122 : memref<1x80x128xf32, #tpu.memory_space<vmem>> -> memref<80x128xf32, #tpu.memory_space<vmem>>
        tpu.enqueue_dma source(%dma_start3A_123 : memref<80x128xf32, #tpu.memory_space<vmem>>) target(%dma_start3A_119 : memref<80x128xf32, #tpu.memory_space<vmem_shared>>) target_semaphore(%run_scoped3A_111 : memref<!tpu.dma_semaphore, #tpu.memory_space<semaphore_mem>>)
        %dma_wait3A_124 = arith.constant 0 : i32
        %dma_wait3A_125 = arith.constant 0 : i32
        %dma_wait3A_126 = tpu.memref_slice %arg8[%run_scoped3A_85, %dma_wait3A_124, %dma_wait3A_125] : memref<3x100x128xf32, #tpu.memory_space<vmem>> -> memref<1x80x128xf32, #tpu.memory_space<vmem>>
        %dma_wait3A_127 = tpu.memref_squeeze %dma_wait3A_126 : memref<1x80x128xf32, #tpu.memory_space<vmem>> -> memref<80x128xf32, #tpu.memory_space<vmem>>
        %dma_wait3A_128 = arith.constant 0 : i32
        %dma_wait3A_129 = tpu.memref_slice %arg11[%add3A_84, %dma_wait3A_128] : memref<10000x128xf32, #tpu.memory_space<vmem_shared>> -> memref<80x128xf32, #tpu.memory_space<vmem_shared>>
        %dma_wait3A_130 = arith.constant 0 : i32
        %dma_wait3A_131 = tpu.memref_slice %arg11[%add3A_84, %dma_wait3A_130] : memref<10000x128xf32, #tpu.memory_space<vmem_shared>> -> memref<80x128xf32, #tpu.memory_space<vmem_shared>>
        %dma_wait3A_132 = arith.constant 0 : i32
        %dma_wait3A_133 = arith.constant 0 : i32
        %dma_wait3A_134 = tpu.memref_slice %arg8[%run_scoped3A_85, %dma_wait3A_132, %dma_wait3A_133] : memref<3x100x128xf32, #tpu.memory_space<vmem>> -> memref<1x80x128xf32, #tpu.memory_space<vmem>>
        %dma_wait3A_135 = tpu.memref_squeeze %dma_wait3A_134 : memref<1x80x128xf32, #tpu.memory_space<vmem>> -> memref<80x128xf32, #tpu.memory_space<vmem>>
        tpu.wait_dma2 semaphore(%run_scoped3A_111 : memref<!tpu.dma_semaphore, #tpu.memory_space<semaphore_mem>>) src(%dma_wait3A_135 : memref<80x128xf32, #tpu.memory_space<vmem>>) dst(%dma_wait3A_131 : memref<80x128xf32, #tpu.memory_space<vmem_shared>>)
        tpu.yield
      }) : () -> ()
      %mul3A_86 = arith.constant 624 : i32
      %mul3A_87 = arith.muli %arg1, %mul3A_86 : i32
      %add3A_88 = arith.constant 240 : i32
      %add3A_89 = arith.addi %mul3A_87, %add3A_88 : i32
      %run_scoped3A_90 = arith.constant 0 : i32
      "tpu.region"() ({
        %run_scoped3A_111 = tpu.sem_alloc : memref<!tpu.dma_semaphore, #tpu.memory_space<semaphore_mem>>
        %dma_start3A_112 = arith.constant 0 : i32
        %dma_start3A_113 = arith.constant 0 : i32
        %dma_start3A_114 = tpu.memref_slice %arg8[%run_scoped3A_90, %dma_start3A_112, %dma_start3A_113] : memref<3x100x128xf32, #tpu.memory_space<vmem>> -> memref<1x80x128xf32, #tpu.memory_space<vmem>>
        %dma_start3A_115 = tpu.memref_squeeze %dma_start3A_114 : memref<1x80x128xf32, #tpu.memory_space<vmem>> -> memref<80x128xf32, #tpu.memory_space<vmem>>
        %dma_start3A_116 = arith.constant 0 : i32
        %dma_start3A_117 = tpu.memref_slice %arg11[%add3A_89, %dma_start3A_116] : memref<10000x128xf32, #tpu.memory_space<vmem_shared>> -> memref<80x128xf32, #tpu.memory_space<vmem_shared>>
        %dma_start3A_118 = arith.constant 0 : i32
        %dma_start3A_119 = tpu.memref_slice %arg11[%add3A_89, %dma_start3A_118] : memref<10000x128xf32, #tpu.memory_space<vmem_shared>> -> memref<80x128xf32, #tpu.memory_space<vmem_shared>>
        %dma_start3A_120 = arith.constant 0 : i32
        %dma_start3A_121 = arith.constant 0 : i32
        %dma_start3A_122 = tpu.memref_slice %arg8[%run_scoped3A_90, %dma_start3A_120, %dma_start3A_121] : memref<3x100x128xf32, #tpu.memory_space<vmem>> -> memref<1x80x128xf32, #tpu.memory_space<vmem>>
        %dma_start3A_123 = tpu.memref_squeeze %dma_start3A_122 : memref<1x80x128xf32, #tpu.memory_space<vmem>> -> memref<80x128xf32, #tpu.memory_space<vmem>>
        tpu.enqueue_dma source(%dma_start3A_123 : memref<80x128xf32, #tpu.memory_space<vmem>>) target(%dma_start3A_119 : memref<80x128xf32, #tpu.memory_space<vmem_shared>>) target_semaphore(%run_scoped3A_111 : memref<!tpu.dma_semaphore, #tpu.memory_space<semaphore_mem>>)
        %dma_wait3A_124 = arith.constant 0 : i32
        %dma_wait3A_125 = arith.constant 0 : i32
        %dma_wait3A_126 = tpu.memref_slice %arg8[%run_scoped3A_90, %dma_wait3A_124, %dma_wait3A_125] : memref<3x100x128xf32, #tpu.memory_space<vmem>> -> memref<1x80x128xf32, #tpu.memory_space<vmem>>
        %dma_wait3A_127 = tpu.memref_squeeze %dma_wait3A_126 : memref<1x80x128xf32, #tpu.memory_space<vmem>> -> memref<80x128xf32, #tpu.memory_space<vmem>>
        %dma_wait3A_128 = arith.constant 0 : i32
        %dma_wait3A_129 = tpu.memref_slice %arg11[%add3A_89, %dma_wait3A_128] : memref<10000x128xf32, #tpu.memory_space<vmem_shared>> -> memref<80x128xf32, #tpu.memory_space<vmem_shared>>
        %dma_wait3A_130 = arith.constant 0 : i32
        %dma_wait3A_131 = tpu.memref_slice %arg11[%add3A_89, %dma_wait3A_130] : memref<10000x128xf32, #tpu.memory_space<vmem_shared>> -> memref<80x128xf32, #tpu.memory_space<vmem_shared>>
        %dma_wait3A_132 = arith.constant 0 : i32
        %dma_wait3A_133 = arith.constant 0 : i32
        %dma_wait3A_134 = tpu.memref_slice %arg8[%run_scoped3A_90, %dma_wait3A_132, %dma_wait3A_133] : memref<3x100x128xf32, #tpu.memory_space<vmem>> -> memref<1x80x128xf32, #tpu.memory_space<vmem>>
        %dma_wait3A_135 = tpu.memref_squeeze %dma_wait3A_134 : memref<1x80x128xf32, #tpu.memory_space<vmem>> -> memref<80x128xf32, #tpu.memory_space<vmem>>
        tpu.wait_dma2 semaphore(%run_scoped3A_111 : memref<!tpu.dma_semaphore, #tpu.memory_space<semaphore_mem>>) src(%dma_wait3A_135 : memref<80x128xf32, #tpu.memory_space<vmem>>) dst(%dma_wait3A_131 : memref<80x128xf32, #tpu.memory_space<vmem_shared>>)
        tpu.yield
      }) : () -> ()
      %mul3A_91 = arith.constant 624 : i32
      %mul3A_92 = arith.muli %arg1, %mul3A_91 : i32
      %add3A_93 = arith.constant 320 : i32
      %add3A_94 = arith.addi %mul3A_92, %add3A_93 : i32
      %run_scoped3A_95 = arith.constant 0 : i32
      "tpu.region"() ({
        %run_scoped3A_111 = tpu.sem_alloc : memref<!tpu.dma_semaphore, #tpu.memory_space<semaphore_mem>>
        %dma_start3A_112 = arith.constant 0 : i32
        %dma_start3A_113 = arith.constant 0 : i32
        %dma_start3A_114 = tpu.memref_slice %arg8[%run_scoped3A_95, %dma_start3A_112, %dma_start3A_113] : memref<3x100x128xf32, #tpu.memory_space<vmem>> -> memref<1x80x128xf32, #tpu.memory_space<vmem>>
        %dma_start3A_115 = tpu.memref_squeeze %dma_start3A_114 : memref<1x80x128xf32, #tpu.memory_space<vmem>> -> memref<80x128xf32, #tpu.memory_space<vmem>>
        %dma_start3A_116 = arith.constant 0 : i32
        %dma_start3A_117 = tpu.memref_slice %arg11[%add3A_94, %dma_start3A_116] : memref<10000x128xf32, #tpu.memory_space<vmem_shared>> -> memref<80x128xf32, #tpu.memory_space<vmem_shared>>
        %dma_start3A_118 = arith.constant 0 : i32
        %dma_start3A_119 = tpu.memref_slice %arg11[%add3A_94, %dma_start3A_118] : memref<10000x128xf32, #tpu.memory_space<vmem_shared>> -> memref<80x128xf32, #tpu.memory_space<vmem_shared>>
        %dma_start3A_120 = arith.constant 0 : i32
        %dma_start3A_121 = arith.constant 0 : i32
        %dma_start3A_122 = tpu.memref_slice %arg8[%run_scoped3A_95, %dma_start3A_120, %dma_start3A_121] : memref<3x100x128xf32, #tpu.memory_space<vmem>> -> memref<1x80x128xf32, #tpu.memory_space<vmem>>
        %dma_start3A_123 = tpu.memref_squeeze %dma_start3A_122 : memref<1x80x128xf32, #tpu.memory_space<vmem>> -> memref<80x128xf32, #tpu.memory_space<vmem>>
        tpu.enqueue_dma source(%dma_start3A_123 : memref<80x128xf32, #tpu.memory_space<vmem>>) target(%dma_start3A_119 : memref<80x128xf32, #tpu.memory_space<vmem_shared>>) target_semaphore(%run_scoped3A_111 : memref<!tpu.dma_semaphore, #tpu.memory_space<semaphore_mem>>)
        %dma_wait3A_124 = arith.constant 0 : i32
        %dma_wait3A_125 = arith.constant 0 : i32
        %dma_wait3A_126 = tpu.memref_slice %arg8[%run_scoped3A_95, %dma_wait3A_124, %dma_wait3A_125] : memref<3x100x128xf32, #tpu.memory_space<vmem>> -> memref<1x80x128xf32, #tpu.memory_space<vmem>>
        %dma_wait3A_127 = tpu.memref_squeeze %dma_wait3A_126 : memref<1x80x128xf32, #tpu.memory_space<vmem>> -> memref<80x128xf32, #tpu.memory_space<vmem>>
        %dma_wait3A_128 = arith.constant 0 : i32
        %dma_wait3A_129 = tpu.memref_slice %arg11[%add3A_94, %dma_wait3A_128] : memref<10000x128xf32, #tpu.memory_space<vmem_shared>> -> memref<80x128xf32, #tpu.memory_space<vmem_shared>>
        %dma_wait3A_130 = arith.constant 0 : i32
        %dma_wait3A_131 = tpu.memref_slice %arg11[%add3A_94, %dma_wait3A_130] : memref<10000x128xf32, #tpu.memory_space<vmem_shared>> -> memref<80x128xf32, #tpu.memory_space<vmem_shared>>
        %dma_wait3A_132 = arith.constant 0 : i32
        %dma_wait3A_133 = arith.constant 0 : i32
        %dma_wait3A_134 = tpu.memref_slice %arg8[%run_scoped3A_95, %dma_wait3A_132, %dma_wait3A_133] : memref<3x100x128xf32, #tpu.memory_space<vmem>> -> memref<1x80x128xf32, #tpu.memory_space<vmem>>
        %dma_wait3A_135 = tpu.memref_squeeze %dma_wait3A_134 : memref<1x80x128xf32, #tpu.memory_space<vmem>> -> memref<80x128xf32, #tpu.memory_space<vmem>>
        tpu.wait_dma2 semaphore(%run_scoped3A_111 : memref<!tpu.dma_semaphore, #tpu.memory_space<semaphore_mem>>) src(%dma_wait3A_135 : memref<80x128xf32, #tpu.memory_space<vmem>>) dst(%dma_wait3A_131 : memref<80x128xf32, #tpu.memory_space<vmem_shared>>)
        tpu.yield
      }) : () -> ()
      %mul3A_96 = arith.constant 624 : i32
      %mul3A_97 = arith.muli %arg1, %mul3A_96 : i32
      %add3A_98 = arith.constant 400 : i32
      %add3A_99 = arith.addi %mul3A_97, %add3A_98 : i32
      %run_scoped3A_100 = arith.constant 0 : i32
      "tpu.region"() ({
        %run_scoped3A_111 = tpu.sem_alloc : memref<!tpu.dma_semaphore, #tpu.memory_space<semaphore_mem>>
        %dma_start3A_112 = arith.constant 0 : i32
        %dma_start3A_113 = arith.constant 0 : i32
        %dma_start3A_114 = tpu.memref_slice %arg8[%run_scoped3A_100, %dma_start3A_112, %dma_start3A_113] : memref<3x100x128xf32, #tpu.memory_space<vmem>> -> memref<1x80x128xf32, #tpu.memory_space<vmem>>
        %dma_start3A_115 = tpu.memref_squeeze %dma_start3A_114 : memref<1x80x128xf32, #tpu.memory_space<vmem>> -> memref<80x128xf32, #tpu.memory_space<vmem>>
        %dma_start3A_116 = arith.constant 0 : i32
        %dma_start3A_117 = tpu.memref_slice %arg11[%add3A_99, %dma_start3A_116] : memref<10000x128xf32, #tpu.memory_space<vmem_shared>> -> memref<80x128xf32, #tpu.memory_space<vmem_shared>>
        %dma_start3A_118 = arith.constant 0 : i32
        %dma_start3A_119 = tpu.memref_slice %arg11[%add3A_99, %dma_start3A_118] : memref<10000x128xf32, #tpu.memory_space<vmem_shared>> -> memref<80x128xf32, #tpu.memory_space<vmem_shared>>
        %dma_start3A_120 = arith.constant 0 : i32
        %dma_start3A_121 = arith.constant 0 : i32
        %dma_start3A_122 = tpu.memref_slice %arg8[%run_scoped3A_100, %dma_start3A_120, %dma_start3A_121] : memref<3x100x128xf32, #tpu.memory_space<vmem>> -> memref<1x80x128xf32, #tpu.memory_space<vmem>>
        %dma_start3A_123 = tpu.memref_squeeze %dma_start3A_122 : memref<1x80x128xf32, #tpu.memory_space<vmem>> -> memref<80x128xf32, #tpu.memory_space<vmem>>
        tpu.enqueue_dma source(%dma_start3A_123 : memref<80x128xf32, #tpu.memory_space<vmem>>) target(%dma_start3A_119 : memref<80x128xf32, #tpu.memory_space<vmem_shared>>) target_semaphore(%run_scoped3A_111 : memref<!tpu.dma_semaphore, #tpu.memory_space<semaphore_mem>>)
        %dma_wait3A_124 = arith.constant 0 : i32
        %dma_wait3A_125 = arith.constant 0 : i32
        %dma_wait3A_126 = tpu.memref_slice %arg8[%run_scoped3A_100, %dma_wait3A_124, %dma_wait3A_125] : memref<3x100x128xf32, #tpu.memory_space<vmem>> -> memref<1x80x128xf32, #tpu.memory_space<vmem>>
        %dma_wait3A_127 = tpu.memref_squeeze %dma_wait3A_126 : memref<1x80x128xf32, #tpu.memory_space<vmem>> -> memref<80x128xf32, #tpu.memory_space<vmem>>
        %dma_wait3A_128 = arith.constant 0 : i32
        %dma_wait3A_129 = tpu.memref_slice %arg11[%add3A_99, %dma_wait3A_128] : memref<10000x128xf32, #tpu.memory_space<vmem_shared>> -> memref<80x128xf32, #tpu.memory_space<vmem_shared>>
        %dma_wait3A_130 = arith.constant 0 : i32
        %dma_wait3A_131 = tpu.memref_slice %arg11[%add3A_99, %dma_wait3A_130] : memref<10000x128xf32, #tpu.memory_space<vmem_shared>> -> memref<80x128xf32, #tpu.memory_space<vmem_shared>>
        %dma_wait3A_132 = arith.constant 0 : i32
        %dma_wait3A_133 = arith.constant 0 : i32
        %dma_wait3A_134 = tpu.memref_slice %arg8[%run_scoped3A_100, %dma_wait3A_132, %dma_wait3A_133] : memref<3x100x128xf32, #tpu.memory_space<vmem>> -> memref<1x80x128xf32, #tpu.memory_space<vmem>>
        %dma_wait3A_135 = tpu.memref_squeeze %dma_wait3A_134 : memref<1x80x128xf32, #tpu.memory_space<vmem>> -> memref<80x128xf32, #tpu.memory_space<vmem>>
        tpu.wait_dma2 semaphore(%run_scoped3A_111 : memref<!tpu.dma_semaphore, #tpu.memory_space<semaphore_mem>>) src(%dma_wait3A_135 : memref<80x128xf32, #tpu.memory_space<vmem>>) dst(%dma_wait3A_131 : memref<80x128xf32, #tpu.memory_space<vmem_shared>>)
        tpu.yield
      }) : () -> ()
      %mul3A_101 = arith.constant 624 : i32
      %mul3A_102 = arith.muli %arg1, %mul3A_101 : i32
      %add3A_103 = arith.constant 480 : i32
      %add3A_104 = arith.addi %mul3A_102, %add3A_103 : i32
      %run_scoped3A_105 = arith.constant 0 : i32
      "tpu.region"() ({
        %run_scoped3A_111 = tpu.sem_alloc : memref<!tpu.dma_semaphore, #tpu.memory_space<semaphore_mem>>
        %dma_start3A_112 = arith.constant 0 : i32
        %dma_start3A_113 = arith.constant 0 : i32
        %dma_start3A_114 = tpu.memref_slice %arg8[%run_scoped3A_105, %dma_start3A_112, %dma_start3A_113] : memref<3x100x128xf32, #tpu.memory_space<vmem>> -> memref<1x80x128xf32, #tpu.memory_space<vmem>>
        %dma_start3A_115 = tpu.memref_squeeze %dma_start3A_114 : memref<1x80x128xf32, #tpu.memory_space<vmem>> -> memref<80x128xf32, #tpu.memory_space<vmem>>
        %dma_start3A_116 = arith.constant 0 : i32
        %dma_start3A_117 = tpu.memref_slice %arg11[%add3A_104, %dma_start3A_116] : memref<10000x128xf32, #tpu.memory_space<vmem_shared>> -> memref<80x128xf32, #tpu.memory_space<vmem_shared>>
        %dma_start3A_118 = arith.constant 0 : i32
        %dma_start3A_119 = tpu.memref_slice %arg11[%add3A_104, %dma_start3A_118] : memref<10000x128xf32, #tpu.memory_space<vmem_shared>> -> memref<80x128xf32, #tpu.memory_space<vmem_shared>>
        %dma_start3A_120 = arith.constant 0 : i32
        %dma_start3A_121 = arith.constant 0 : i32
        %dma_start3A_122 = tpu.memref_slice %arg8[%run_scoped3A_105, %dma_start3A_120, %dma_start3A_121] : memref<3x100x128xf32, #tpu.memory_space<vmem>> -> memref<1x80x128xf32, #tpu.memory_space<vmem>>
        %dma_start3A_123 = tpu.memref_squeeze %dma_start3A_122 : memref<1x80x128xf32, #tpu.memory_space<vmem>> -> memref<80x128xf32, #tpu.memory_space<vmem>>
        tpu.enqueue_dma source(%dma_start3A_123 : memref<80x128xf32, #tpu.memory_space<vmem>>) target(%dma_start3A_119 : memref<80x128xf32, #tpu.memory_space<vmem_shared>>) target_semaphore(%run_scoped3A_111 : memref<!tpu.dma_semaphore, #tpu.memory_space<semaphore_mem>>)
        %dma_wait3A_124 = arith.constant 0 : i32
        %dma_wait3A_125 = arith.constant 0 : i32
        %dma_wait3A_126 = tpu.memref_slice %arg8[%run_scoped3A_105, %dma_wait3A_124, %dma_wait3A_125] : memref<3x100x128xf32, #tpu.memory_space<vmem>> -> memref<1x80x128xf32, #tpu.memory_space<vmem>>
        %dma_wait3A_127 = tpu.memref_squeeze %dma_wait3A_126 : memref<1x80x128xf32, #tpu.memory_space<vmem>> -> memref<80x128xf32, #tpu.memory_space<vmem>>
        %dma_wait3A_128 = arith.constant 0 : i32
        %dma_wait3A_129 = tpu.memref_slice %arg11[%add3A_104, %dma_wait3A_128] : memref<10000x128xf32, #tpu.memory_space<vmem_shared>> -> memref<80x128xf32, #tpu.memory_space<vmem_shared>>
        %dma_wait3A_130 = arith.constant 0 : i32
        %dma_wait3A_131 = tpu.memref_slice %arg11[%add3A_104, %dma_wait3A_130] : memref<10000x128xf32, #tpu.memory_space<vmem_shared>> -> memref<80x128xf32, #tpu.memory_space<vmem_shared>>
        %dma_wait3A_132 = arith.constant 0 : i32
        %dma_wait3A_133 = arith.constant 0 : i32
        %dma_wait3A_134 = tpu.memref_slice %arg8[%run_scoped3A_105, %dma_wait3A_132, %dma_wait3A_133] : memref<3x100x128xf32, #tpu.memory_space<vmem>> -> memref<1x80x128xf32, #tpu.memory_space<vmem>>
        %dma_wait3A_135 = tpu.memref_squeeze %dma_wait3A_134 : memref<1x80x128xf32, #tpu.memory_space<vmem>> -> memref<80x128xf32, #tpu.memory_space<vmem>>
        tpu.wait_dma2 semaphore(%run_scoped3A_111 : memref<!tpu.dma_semaphore, #tpu.memory_space<semaphore_mem>>) src(%dma_wait3A_135 : memref<80x128xf32, #tpu.memory_space<vmem>>) dst(%dma_wait3A_131 : memref<80x128xf32, #tpu.memory_space<vmem_shared>>)
        tpu.yield
      }) : () -> ()
      %mul3A_106 = arith.constant 624 : i32
      %mul3A_107 = arith.muli %arg1, %mul3A_106 : i32
      %add3A_108 = arith.constant 560 : i32
      %add3A_109 = arith.addi %mul3A_107, %add3A_108 : i32
      %run_scoped3A_110 = arith.constant 0 : i32
      "tpu.region"() ({
        %run_scoped3A_111 = tpu.sem_alloc : memref<!tpu.dma_semaphore, #tpu.memory_space<semaphore_mem>>
        %dma_start3A_112 = arith.constant 0 : i32
        %dma_start3A_113 = arith.constant 0 : i32
        %dma_start3A_114 = tpu.memref_slice %arg8[%run_scoped3A_110, %dma_start3A_112, %dma_start3A_113] : memref<3x100x128xf32, #tpu.memory_space<vmem>> -> memref<1x64x128xf32, #tpu.memory_space<vmem>>
        %dma_start3A_115 = tpu.memref_squeeze %dma_start3A_114 : memref<1x64x128xf32, #tpu.memory_space<vmem>> -> memref<64x128xf32, #tpu.memory_space<vmem>>
        %dma_start3A_116 = arith.constant 0 : i32
        %dma_start3A_117 = tpu.memref_slice %arg11[%add3A_109, %dma_start3A_116] : memref<10000x128xf32, #tpu.memory_space<vmem_shared>> -> memref<64x128xf32, #tpu.memory_space<vmem_shared>>
        %dma_start3A_118 = arith.constant 0 : i32
        %dma_start3A_119 = tpu.memref_slice %arg11[%add3A_109, %dma_start3A_118] : memref<10000x128xf32, #tpu.memory_space<vmem_shared>> -> memref<64x128xf32, #tpu.memory_space<vmem_shared>>
        %dma_start3A_120 = arith.constant 0 : i32
        %dma_start3A_121 = arith.constant 0 : i32
        %dma_start3A_122 = tpu.memref_slice %arg8[%run_scoped3A_110, %dma_start3A_120, %dma_start3A_121] : memref<3x100x128xf32, #tpu.memory_space<vmem>> -> memref<1x64x128xf32, #tpu.memory_space<vmem>>
        %dma_start3A_123 = tpu.memref_squeeze %dma_start3A_122 : memref<1x64x128xf32, #tpu.memory_space<vmem>> -> memref<64x128xf32, #tpu.memory_space<vmem>>
        tpu.enqueue_dma source(%dma_start3A_123 : memref<64x128xf32, #tpu.memory_space<vmem>>) target(%dma_start3A_119 : memref<64x128xf32, #tpu.memory_space<vmem_shared>>) target_semaphore(%run_scoped3A_111 : memref<!tpu.dma_semaphore, #tpu.memory_space<semaphore_mem>>)
        %dma_wait3A_124 = arith.constant 0 : i32
        %dma_wait3A_125 = arith.constant 0 : i32
        %dma_wait3A_126 = tpu.memref_slice %arg8[%run_scoped3A_110, %dma_wait3A_124, %dma_wait3A_125] : memref<3x100x128xf32, #tpu.memory_space<vmem>> -> memref<1x64x128xf32, #tpu.memory_space<vmem>>
        %dma_wait3A_127 = tpu.memref_squeeze %dma_wait3A_126 : memref<1x64x128xf32, #tpu.memory_space<vmem>> -> memref<64x128xf32, #tpu.memory_space<vmem>>
        %dma_wait3A_128 = arith.constant 0 : i32
        %dma_wait3A_129 = tpu.memref_slice %arg11[%add3A_109, %dma_wait3A_128] : memref<10000x128xf32, #tpu.memory_space<vmem_shared>> -> memref<64x128xf32, #tpu.memory_space<vmem_shared>>
        %dma_wait3A_130 = arith.constant 0 : i32
        %dma_wait3A_131 = tpu.memref_slice %arg11[%add3A_109, %dma_wait3A_130] : memref<10000x128xf32, #tpu.memory_space<vmem_shared>> -> memref<64x128xf32, #tpu.memory_space<vmem_shared>>
        %dma_wait3A_132 = arith.constant 0 : i32
        %dma_wait3A_133 = arith.constant 0 : i32
        %dma_wait3A_134 = tpu.memref_slice %arg8[%run_scoped3A_110, %dma_wait3A_132, %dma_wait3A_133] : memref<3x100x128xf32, #tpu.memory_space<vmem>> -> memref<1x64x128xf32, #tpu.memory_space<vmem>>
        %dma_wait3A_135 = tpu.memref_squeeze %dma_wait3A_134 : memref<1x64x128xf32, #tpu.memory_space<vmem>> -> memref<64x128xf32, #tpu.memory_space<vmem>>
        tpu.wait_dma2 semaphore(%run_scoped3A_111 : memref<!tpu.dma_semaphore, #tpu.memory_space<semaphore_mem>>) src(%dma_wait3A_135 : memref<64x128xf32, #tpu.memory_space<vmem>>) dst(%dma_wait3A_131 : memref<64x128xf32, #tpu.memory_space<vmem_shared>>)
        tpu.yield
      }) : () -> ()
    } else {
    }
    %eq3A = arith.constant 15 : i32
    %eq3A_10 = arith.cmpi eq, %arg1, %eq3A : i32
    %convert_element_type3A_11 = arith.extui %eq3A_10 : i1 to i32
    %cond3A_12 = arith.constant 0 : i32
    %cond3A_13 = arith.cmpi ne, %convert_element_type3A_11, %cond3A_12 : i32
    scf.if %cond3A_13 {
      %run_scoped3A_71 = arith.constant 0 : i32
      "tpu.region"() ({
        %run_scoped3A_79 = tpu.sem_alloc : memref<!tpu.dma_semaphore, #tpu.memory_space<semaphore_mem>>
        %dma_start3A_80 = arith.constant 0 : i32
        %dma_start3A_81 = arith.constant 0 : i32
        %dma_start3A_82 = tpu.memref_slice %arg8[%run_scoped3A_71, %dma_start3A_80, %dma_start3A_81] : memref<3x100x128xf32, #tpu.memory_space<vmem>> -> memref<1x80x128xf32, #tpu.memory_space<vmem>>
        %dma_start3A_83 = tpu.memref_squeeze %dma_start3A_82 : memref<1x80x128xf32, #tpu.memory_space<vmem>> -> memref<80x128xf32, #tpu.memory_space<vmem>>
        %dma_start3A_84 = arith.constant 9360 : i32
        %dma_start3A_85 = arith.constant 0 : i32
        %dma_start3A_86 = tpu.memref_slice %arg11[%dma_start3A_84, %dma_start3A_85] : memref<10000x128xf32, #tpu.memory_space<vmem_shared>> -> memref<80x128xf32, #tpu.memory_space<vmem_shared>>
        %dma_start3A_87 = arith.constant 9360 : i32
        %dma_start3A_88 = arith.constant 0 : i32
        %dma_start3A_89 = tpu.memref_slice %arg11[%dma_start3A_87, %dma_start3A_88] : memref<10000x128xf32, #tpu.memory_space<vmem_shared>> -> memref<80x128xf32, #tpu.memory_space<vmem_shared>>
        %dma_start3A_90 = arith.constant 0 : i32
        %dma_start3A_91 = arith.constant 0 : i32
        %dma_start3A_92 = tpu.memref_slice %arg8[%run_scoped3A_71, %dma_start3A_90, %dma_start3A_91] : memref<3x100x128xf32, #tpu.memory_space<vmem>> -> memref<1x80x128xf32, #tpu.memory_space<vmem>>
        %dma_start3A_93 = tpu.memref_squeeze %dma_start3A_92 : memref<1x80x128xf32, #tpu.memory_space<vmem>> -> memref<80x128xf32, #tpu.memory_space<vmem>>
        tpu.enqueue_dma source(%dma_start3A_93 : memref<80x128xf32, #tpu.memory_space<vmem>>) target(%dma_start3A_89 : memref<80x128xf32, #tpu.memory_space<vmem_shared>>) target_semaphore(%run_scoped3A_79 : memref<!tpu.dma_semaphore, #tpu.memory_space<semaphore_mem>>)
        %dma_wait3A_94 = arith.constant 0 : i32
        %dma_wait3A_95 = arith.constant 0 : i32
        %dma_wait3A_96 = tpu.memref_slice %arg8[%run_scoped3A_71, %dma_wait3A_94, %dma_wait3A_95] : memref<3x100x128xf32, #tpu.memory_space<vmem>> -> memref<1x80x128xf32, #tpu.memory_space<vmem>>
        %dma_wait3A_97 = tpu.memref_squeeze %dma_wait3A_96 : memref<1x80x128xf32, #tpu.memory_space<vmem>> -> memref<80x128xf32, #tpu.memory_space<vmem>>
        %dma_wait3A_98 = arith.constant 9360 : i32
        %dma_wait3A_99 = arith.constant 0 : i32
        %dma_wait3A_100 = tpu.memref_slice %arg11[%dma_wait3A_98, %dma_wait3A_99] : memref<10000x128xf32, #tpu.memory_space<vmem_shared>> -> memref<80x128xf32, #tpu.memory_space<vmem_shared>>
        %dma_wait3A_101 = arith.constant 9360 : i32
        %dma_wait3A_102 = arith.constant 0 : i32
        %dma_wait3A_103 = tpu.memref_slice %arg11[%dma_wait3A_101, %dma_wait3A_102] : memref<10000x128xf32, #tpu.memory_space<vmem_shared>> -> memref<80x128xf32, #tpu.memory_space<vmem_shared>>
        %dma_wait3A_104 = arith.constant 0 : i32
        %dma_wait3A_105 = arith.constant 0 : i32
        %dma_wait3A_106 = tpu.memref_slice %arg8[%run_scoped3A_71, %dma_wait3A_104, %dma_wait3A_105] : memref<3x100x128xf32, #tpu.memory_space<vmem>> -> memref<1x80x128xf32, #tpu.memory_space<vmem>>
        %dma_wait3A_107 = tpu.memref_squeeze %dma_wait3A_106 : memref<1x80x128xf32, #tpu.memory_space<vmem>> -> memref<80x128xf32, #tpu.memory_space<vmem>>
        tpu.wait_dma2 semaphore(%run_scoped3A_79 : memref<!tpu.dma_semaphore, #tpu.memory_space<semaphore_mem>>) src(%dma_wait3A_107 : memref<80x128xf32, #tpu.memory_space<vmem>>) dst(%dma_wait3A_103 : memref<80x128xf32, #tpu.memory_space<vmem_shared>>)
        tpu.yield
      }) : () -> ()
      %run_scoped3A_72 = arith.constant 0 : i32
      "tpu.region"() ({
        %run_scoped3A_79 = tpu.sem_alloc : memref<!tpu.dma_semaphore, #tpu.memory_space<semaphore_mem>>
        %dma_start3A_80 = arith.constant 0 : i32
        %dma_start3A_81 = arith.constant 0 : i32
        %dma_start3A_82 = tpu.memref_slice %arg8[%run_scoped3A_72, %dma_start3A_80, %dma_start3A_81] : memref<3x100x128xf32, #tpu.memory_space<vmem>> -> memref<1x80x128xf32, #tpu.memory_space<vmem>>
        %dma_start3A_83 = tpu.memref_squeeze %dma_start3A_82 : memref<1x80x128xf32, #tpu.memory_space<vmem>> -> memref<80x128xf32, #tpu.memory_space<vmem>>
        %dma_start3A_84 = arith.constant 9440 : i32
        %dma_start3A_85 = arith.constant 0 : i32
        %dma_start3A_86 = tpu.memref_slice %arg11[%dma_start3A_84, %dma_start3A_85] : memref<10000x128xf32, #tpu.memory_space<vmem_shared>> -> memref<80x128xf32, #tpu.memory_space<vmem_shared>>
        %dma_start3A_87 = arith.constant 9440 : i32
        %dma_start3A_88 = arith.constant 0 : i32
        %dma_start3A_89 = tpu.memref_slice %arg11[%dma_start3A_87, %dma_start3A_88] : memref<10000x128xf32, #tpu.memory_space<vmem_shared>> -> memref<80x128xf32, #tpu.memory_space<vmem_shared>>
        %dma_start3A_90 = arith.constant 0 : i32
        %dma_start3A_91 = arith.constant 0 : i32
        %dma_start3A_92 = tpu.memref_slice %arg8[%run_scoped3A_72, %dma_start3A_90, %dma_start3A_91] : memref<3x100x128xf32, #tpu.memory_space<vmem>> -> memref<1x80x128xf32, #tpu.memory_space<vmem>>
        %dma_start3A_93 = tpu.memref_squeeze %dma_start3A_92 : memref<1x80x128xf32, #tpu.memory_space<vmem>> -> memref<80x128xf32, #tpu.memory_space<vmem>>
        tpu.enqueue_dma source(%dma_start3A_93 : memref<80x128xf32, #tpu.memory_space<vmem>>) target(%dma_start3A_89 : memref<80x128xf32, #tpu.memory_space<vmem_shared>>) target_semaphore(%run_scoped3A_79 : memref<!tpu.dma_semaphore, #tpu.memory_space<semaphore_mem>>)
        %dma_wait3A_94 = arith.constant 0 : i32
        %dma_wait3A_95 = arith.constant 0 : i32
        %dma_wait3A_96 = tpu.memref_slice %arg8[%run_scoped3A_72, %dma_wait3A_94, %dma_wait3A_95] : memref<3x100x128xf32, #tpu.memory_space<vmem>> -> memref<1x80x128xf32, #tpu.memory_space<vmem>>
        %dma_wait3A_97 = tpu.memref_squeeze %dma_wait3A_96 : memref<1x80x128xf32, #tpu.memory_space<vmem>> -> memref<80x128xf32, #tpu.memory_space<vmem>>
        %dma_wait3A_98 = arith.constant 9440 : i32
        %dma_wait3A_99 = arith.constant 0 : i32
        %dma_wait3A_100 = tpu.memref_slice %arg11[%dma_wait3A_98, %dma_wait3A_99] : memref<10000x128xf32, #tpu.memory_space<vmem_shared>> -> memref<80x128xf32, #tpu.memory_space<vmem_shared>>
        %dma_wait3A_101 = arith.constant 9440 : i32
        %dma_wait3A_102 = arith.constant 0 : i32
        %dma_wait3A_103 = tpu.memref_slice %arg11[%dma_wait3A_101, %dma_wait3A_102] : memref<10000x128xf32, #tpu.memory_space<vmem_shared>> -> memref<80x128xf32, #tpu.memory_space<vmem_shared>>
        %dma_wait3A_104 = arith.constant 0 : i32
        %dma_wait3A_105 = arith.constant 0 : i32
        %dma_wait3A_106 = tpu.memref_slice %arg8[%run_scoped3A_72, %dma_wait3A_104, %dma_wait3A_105] : memref<3x100x128xf32, #tpu.memory_space<vmem>> -> memref<1x80x128xf32, #tpu.memory_space<vmem>>
        %dma_wait3A_107 = tpu.memref_squeeze %dma_wait3A_106 : memref<1x80x128xf32, #tpu.memory_space<vmem>> -> memref<80x128xf32, #tpu.memory_space<vmem>>
        tpu.wait_dma2 semaphore(%run_scoped3A_79 : memref<!tpu.dma_semaphore, #tpu.memory_space<semaphore_mem>>) src(%dma_wait3A_107 : memref<80x128xf32, #tpu.memory_space<vmem>>) dst(%dma_wait3A_103 : memref<80x128xf32, #tpu.memory_space<vmem_shared>>)
        tpu.yield
      }) : () -> ()
      %run_scoped3A_73 = arith.constant 0 : i32
      "tpu.region"() ({
        %run_scoped3A_79 = tpu.sem_alloc : memref<!tpu.dma_semaphore, #tpu.memory_space<semaphore_mem>>
        %dma_start3A_80 = arith.constant 0 : i32
        %dma_start3A_81 = arith.constant 0 : i32
        %dma_start3A_82 = tpu.memref_slice %arg8[%run_scoped3A_73, %dma_start3A_80, %dma_start3A_81] : memref<3x100x128xf32, #tpu.memory_space<vmem>> -> memref<1x80x128xf32, #tpu.memory_space<vmem>>
        %dma_start3A_83 = tpu.memref_squeeze %dma_start3A_82 : memref<1x80x128xf32, #tpu.memory_space<vmem>> -> memref<80x128xf32, #tpu.memory_space<vmem>>
        %dma_start3A_84 = arith.constant 9520 : i32
        %dma_start3A_85 = arith.constant 0 : i32
        %dma_start3A_86 = tpu.memref_slice %arg11[%dma_start3A_84, %dma_start3A_85] : memref<10000x128xf32, #tpu.memory_space<vmem_shared>> -> memref<80x128xf32, #tpu.memory_space<vmem_shared>>
        %dma_start3A_87 = arith.constant 9520 : i32
        %dma_start3A_88 = arith.constant 0 : i32
        %dma_start3A_89 = tpu.memref_slice %arg11[%dma_start3A_87, %dma_start3A_88] : memref<10000x128xf32, #tpu.memory_space<vmem_shared>> -> memref<80x128xf32, #tpu.memory_space<vmem_shared>>
        %dma_start3A_90 = arith.constant 0 : i32
        %dma_start3A_91 = arith.constant 0 : i32
        %dma_start3A_92 = tpu.memref_slice %arg8[%run_scoped3A_73, %dma_start3A_90, %dma_start3A_91] : memref<3x100x128xf32, #tpu.memory_space<vmem>> -> memref<1x80x128xf32, #tpu.memory_space<vmem>>
        %dma_start3A_93 = tpu.memref_squeeze %dma_start3A_92 : memref<1x80x128xf32, #tpu.memory_space<vmem>> -> memref<80x128xf32, #tpu.memory_space<vmem>>
        tpu.enqueue_dma source(%dma_start3A_93 : memref<80x128xf32, #tpu.memory_space<vmem>>) target(%dma_start3A_89 : memref<80x128xf32, #tpu.memory_space<vmem_shared>>) target_semaphore(%run_scoped3A_79 : memref<!tpu.dma_semaphore, #tpu.memory_space<semaphore_mem>>)
        %dma_wait3A_94 = arith.constant 0 : i32
        %dma_wait3A_95 = arith.constant 0 : i32
        %dma_wait3A_96 = tpu.memref_slice %arg8[%run_scoped3A_73, %dma_wait3A_94, %dma_wait3A_95] : memref<3x100x128xf32, #tpu.memory_space<vmem>> -> memref<1x80x128xf32, #tpu.memory_space<vmem>>
        %dma_wait3A_97 = tpu.memref_squeeze %dma_wait3A_96 : memref<1x80x128xf32, #tpu.memory_space<vmem>> -> memref<80x128xf32, #tpu.memory_space<vmem>>
        %dma_wait3A_98 = arith.constant 9520 : i32
        %dma_wait3A_99 = arith.constant 0 : i32
        %dma_wait3A_100 = tpu.memref_slice %arg11[%dma_wait3A_98, %dma_wait3A_99] : memref<10000x128xf32, #tpu.memory_space<vmem_shared>> -> memref<80x128xf32, #tpu.memory_space<vmem_shared>>
        %dma_wait3A_101 = arith.constant 9520 : i32
        %dma_wait3A_102 = arith.constant 0 : i32
        %dma_wait3A_103 = tpu.memref_slice %arg11[%dma_wait3A_101, %dma_wait3A_102] : memref<10000x128xf32, #tpu.memory_space<vmem_shared>> -> memref<80x128xf32, #tpu.memory_space<vmem_shared>>
        %dma_wait3A_104 = arith.constant 0 : i32
        %dma_wait3A_105 = arith.constant 0 : i32
        %dma_wait3A_106 = tpu.memref_slice %arg8[%run_scoped3A_73, %dma_wait3A_104, %dma_wait3A_105] : memref<3x100x128xf32, #tpu.memory_space<vmem>> -> memref<1x80x128xf32, #tpu.memory_space<vmem>>
        %dma_wait3A_107 = tpu.memref_squeeze %dma_wait3A_106 : memref<1x80x128xf32, #tpu.memory_space<vmem>> -> memref<80x128xf32, #tpu.memory_space<vmem>>
        tpu.wait_dma2 semaphore(%run_scoped3A_79 : memref<!tpu.dma_semaphore, #tpu.memory_space<semaphore_mem>>) src(%dma_wait3A_107 : memref<80x128xf32, #tpu.memory_space<vmem>>) dst(%dma_wait3A_103 : memref<80x128xf32, #tpu.memory_space<vmem_shared>>)
        tpu.yield
      }) : () -> ()
      %run_scoped3A_74 = arith.constant 0 : i32
      "tpu.region"() ({
        %run_scoped3A_79 = tpu.sem_alloc : memref<!tpu.dma_semaphore, #tpu.memory_space<semaphore_mem>>
        %dma_start3A_80 = arith.constant 0 : i32
        %dma_start3A_81 = arith.constant 0 : i32
        %dma_start3A_82 = tpu.memref_slice %arg8[%run_scoped3A_74, %dma_start3A_80, %dma_start3A_81] : memref<3x100x128xf32, #tpu.memory_space<vmem>> -> memref<1x80x128xf32, #tpu.memory_space<vmem>>
        %dma_start3A_83 = tpu.memref_squeeze %dma_start3A_82 : memref<1x80x128xf32, #tpu.memory_space<vmem>> -> memref<80x128xf32, #tpu.memory_space<vmem>>
        %dma_start3A_84 = arith.constant 9600 : i32
        %dma_start3A_85 = arith.constant 0 : i32
        %dma_start3A_86 = tpu.memref_slice %arg11[%dma_start3A_84, %dma_start3A_85] : memref<10000x128xf32, #tpu.memory_space<vmem_shared>> -> memref<80x128xf32, #tpu.memory_space<vmem_shared>>
        %dma_start3A_87 = arith.constant 9600 : i32
        %dma_start3A_88 = arith.constant 0 : i32
        %dma_start3A_89 = tpu.memref_slice %arg11[%dma_start3A_87, %dma_start3A_88] : memref<10000x128xf32, #tpu.memory_space<vmem_shared>> -> memref<80x128xf32, #tpu.memory_space<vmem_shared>>
        %dma_start3A_90 = arith.constant 0 : i32
        %dma_start3A_91 = arith.constant 0 : i32
        %dma_start3A_92 = tpu.memref_slice %arg8[%run_scoped3A_74, %dma_start3A_90, %dma_start3A_91] : memref<3x100x128xf32, #tpu.memory_space<vmem>> -> memref<1x80x128xf32, #tpu.memory_space<vmem>>
        %dma_start3A_93 = tpu.memref_squeeze %dma_start3A_92 : memref<1x80x128xf32, #tpu.memory_space<vmem>> -> memref<80x128xf32, #tpu.memory_space<vmem>>
        tpu.enqueue_dma source(%dma_start3A_93 : memref<80x128xf32, #tpu.memory_space<vmem>>) target(%dma_start3A_89 : memref<80x128xf32, #tpu.memory_space<vmem_shared>>) target_semaphore(%run_scoped3A_79 : memref<!tpu.dma_semaphore, #tpu.memory_space<semaphore_mem>>)
        %dma_wait3A_94 = arith.constant 0 : i32
        %dma_wait3A_95 = arith.constant 0 : i32
        %dma_wait3A_96 = tpu.memref_slice %arg8[%run_scoped3A_74, %dma_wait3A_94, %dma_wait3A_95] : memref<3x100x128xf32, #tpu.memory_space<vmem>> -> memref<1x80x128xf32, #tpu.memory_space<vmem>>
        %dma_wait3A_97 = tpu.memref_squeeze %dma_wait3A_96 : memref<1x80x128xf32, #tpu.memory_space<vmem>> -> memref<80x128xf32, #tpu.memory_space<vmem>>
        %dma_wait3A_98 = arith.constant 9600 : i32
        %dma_wait3A_99 = arith.constant 0 : i32
        %dma_wait3A_100 = tpu.memref_slice %arg11[%dma_wait3A_98, %dma_wait3A_99] : memref<10000x128xf32, #tpu.memory_space<vmem_shared>> -> memref<80x128xf32, #tpu.memory_space<vmem_shared>>
        %dma_wait3A_101 = arith.constant 9600 : i32
        %dma_wait3A_102 = arith.constant 0 : i32
        %dma_wait3A_103 = tpu.memref_slice %arg11[%dma_wait3A_101, %dma_wait3A_102] : memref<10000x128xf32, #tpu.memory_space<vmem_shared>> -> memref<80x128xf32, #tpu.memory_space<vmem_shared>>
        %dma_wait3A_104 = arith.constant 0 : i32
        %dma_wait3A_105 = arith.constant 0 : i32
        %dma_wait3A_106 = tpu.memref_slice %arg8[%run_scoped3A_74, %dma_wait3A_104, %dma_wait3A_105] : memref<3x100x128xf32, #tpu.memory_space<vmem>> -> memref<1x80x128xf32, #tpu.memory_space<vmem>>
        %dma_wait3A_107 = tpu.memref_squeeze %dma_wait3A_106 : memref<1x80x128xf32, #tpu.memory_space<vmem>> -> memref<80x128xf32, #tpu.memory_space<vmem>>
        tpu.wait_dma2 semaphore(%run_scoped3A_79 : memref<!tpu.dma_semaphore, #tpu.memory_space<semaphore_mem>>) src(%dma_wait3A_107 : memref<80x128xf32, #tpu.memory_space<vmem>>) dst(%dma_wait3A_103 : memref<80x128xf32, #tpu.memory_space<vmem_shared>>)
        tpu.yield
      }) : () -> ()
      %run_scoped3A_75 = arith.constant 0 : i32
      "tpu.region"() ({
        %run_scoped3A_79 = tpu.sem_alloc : memref<!tpu.dma_semaphore, #tpu.memory_space<semaphore_mem>>
        %dma_start3A_80 = arith.constant 0 : i32
        %dma_start3A_81 = arith.constant 0 : i32
        %dma_start3A_82 = tpu.memref_slice %arg8[%run_scoped3A_75, %dma_start3A_80, %dma_start3A_81] : memref<3x100x128xf32, #tpu.memory_space<vmem>> -> memref<1x80x128xf32, #tpu.memory_space<vmem>>
        %dma_start3A_83 = tpu.memref_squeeze %dma_start3A_82 : memref<1x80x128xf32, #tpu.memory_space<vmem>> -> memref<80x128xf32, #tpu.memory_space<vmem>>
        %dma_start3A_84 = arith.constant 9680 : i32
        %dma_start3A_85 = arith.constant 0 : i32
        %dma_start3A_86 = tpu.memref_slice %arg11[%dma_start3A_84, %dma_start3A_85] : memref<10000x128xf32, #tpu.memory_space<vmem_shared>> -> memref<80x128xf32, #tpu.memory_space<vmem_shared>>
        %dma_start3A_87 = arith.constant 9680 : i32
        %dma_start3A_88 = arith.constant 0 : i32
        %dma_start3A_89 = tpu.memref_slice %arg11[%dma_start3A_87, %dma_start3A_88] : memref<10000x128xf32, #tpu.memory_space<vmem_shared>> -> memref<80x128xf32, #tpu.memory_space<vmem_shared>>
        %dma_start3A_90 = arith.constant 0 : i32
        %dma_start3A_91 = arith.constant 0 : i32
        %dma_start3A_92 = tpu.memref_slice %arg8[%run_scoped3A_75, %dma_start3A_90, %dma_start3A_91] : memref<3x100x128xf32, #tpu.memory_space<vmem>> -> memref<1x80x128xf32, #tpu.memory_space<vmem>>
        %dma_start3A_93 = tpu.memref_squeeze %dma_start3A_92 : memref<1x80x128xf32, #tpu.memory_space<vmem>> -> memref<80x128xf32, #tpu.memory_space<vmem>>
        tpu.enqueue_dma source(%dma_start3A_93 : memref<80x128xf32, #tpu.memory_space<vmem>>) target(%dma_start3A_89 : memref<80x128xf32, #tpu.memory_space<vmem_shared>>) target_semaphore(%run_scoped3A_79 : memref<!tpu.dma_semaphore, #tpu.memory_space<semaphore_mem>>)
        %dma_wait3A_94 = arith.constant 0 : i32
        %dma_wait3A_95 = arith.constant 0 : i32
        %dma_wait3A_96 = tpu.memref_slice %arg8[%run_scoped3A_75, %dma_wait3A_94, %dma_wait3A_95] : memref<3x100x128xf32, #tpu.memory_space<vmem>> -> memref<1x80x128xf32, #tpu.memory_space<vmem>>
        %dma_wait3A_97 = tpu.memref_squeeze %dma_wait3A_96 : memref<1x80x128xf32, #tpu.memory_space<vmem>> -> memref<80x128xf32, #tpu.memory_space<vmem>>
        %dma_wait3A_98 = arith.constant 9680 : i32
        %dma_wait3A_99 = arith.constant 0 : i32
        %dma_wait3A_100 = tpu.memref_slice %arg11[%dma_wait3A_98, %dma_wait3A_99] : memref<10000x128xf32, #tpu.memory_space<vmem_shared>> -> memref<80x128xf32, #tpu.memory_space<vmem_shared>>
        %dma_wait3A_101 = arith.constant 9680 : i32
        %dma_wait3A_102 = arith.constant 0 : i32
        %dma_wait3A_103 = tpu.memref_slice %arg11[%dma_wait3A_101, %dma_wait3A_102] : memref<10000x128xf32, #tpu.memory_space<vmem_shared>> -> memref<80x128xf32, #tpu.memory_space<vmem_shared>>
        %dma_wait3A_104 = arith.constant 0 : i32
        %dma_wait3A_105 = arith.constant 0 : i32
        %dma_wait3A_106 = tpu.memref_slice %arg8[%run_scoped3A_75, %dma_wait3A_104, %dma_wait3A_105] : memref<3x100x128xf32, #tpu.memory_space<vmem>> -> memref<1x80x128xf32, #tpu.memory_space<vmem>>
        %dma_wait3A_107 = tpu.memref_squeeze %dma_wait3A_106 : memref<1x80x128xf32, #tpu.memory_space<vmem>> -> memref<80x128xf32, #tpu.memory_space<vmem>>
        tpu.wait_dma2 semaphore(%run_scoped3A_79 : memref<!tpu.dma_semaphore, #tpu.memory_space<semaphore_mem>>) src(%dma_wait3A_107 : memref<80x128xf32, #tpu.memory_space<vmem>>) dst(%dma_wait3A_103 : memref<80x128xf32, #tpu.memory_space<vmem_shared>>)
        tpu.yield
      }) : () -> ()
      %run_scoped3A_76 = arith.constant 0 : i32
      "tpu.region"() ({
        %run_scoped3A_79 = tpu.sem_alloc : memref<!tpu.dma_semaphore, #tpu.memory_space<semaphore_mem>>
        %dma_start3A_80 = arith.constant 0 : i32
        %dma_start3A_81 = arith.constant 0 : i32
        %dma_start3A_82 = tpu.memref_slice %arg8[%run_scoped3A_76, %dma_start3A_80, %dma_start3A_81] : memref<3x100x128xf32, #tpu.memory_space<vmem>> -> memref<1x80x128xf32, #tpu.memory_space<vmem>>
        %dma_start3A_83 = tpu.memref_squeeze %dma_start3A_82 : memref<1x80x128xf32, #tpu.memory_space<vmem>> -> memref<80x128xf32, #tpu.memory_space<vmem>>
        %dma_start3A_84 = arith.constant 9760 : i32
        %dma_start3A_85 = arith.constant 0 : i32
        %dma_start3A_86 = tpu.memref_slice %arg11[%dma_start3A_84, %dma_start3A_85] : memref<10000x128xf32, #tpu.memory_space<vmem_shared>> -> memref<80x128xf32, #tpu.memory_space<vmem_shared>>
        %dma_start3A_87 = arith.constant 9760 : i32
        %dma_start3A_88 = arith.constant 0 : i32
        %dma_start3A_89 = tpu.memref_slice %arg11[%dma_start3A_87, %dma_start3A_88] : memref<10000x128xf32, #tpu.memory_space<vmem_shared>> -> memref<80x128xf32, #tpu.memory_space<vmem_shared>>
        %dma_start3A_90 = arith.constant 0 : i32
        %dma_start3A_91 = arith.constant 0 : i32
        %dma_start3A_92 = tpu.memref_slice %arg8[%run_scoped3A_76, %dma_start3A_90, %dma_start3A_91] : memref<3x100x128xf32, #tpu.memory_space<vmem>> -> memref<1x80x128xf32, #tpu.memory_space<vmem>>
        %dma_start3A_93 = tpu.memref_squeeze %dma_start3A_92 : memref<1x80x128xf32, #tpu.memory_space<vmem>> -> memref<80x128xf32, #tpu.memory_space<vmem>>
        tpu.enqueue_dma source(%dma_start3A_93 : memref<80x128xf32, #tpu.memory_space<vmem>>) target(%dma_start3A_89 : memref<80x128xf32, #tpu.memory_space<vmem_shared>>) target_semaphore(%run_scoped3A_79 : memref<!tpu.dma_semaphore, #tpu.memory_space<semaphore_mem>>)
        %dma_wait3A_94 = arith.constant 0 : i32
        %dma_wait3A_95 = arith.constant 0 : i32
        %dma_wait3A_96 = tpu.memref_slice %arg8[%run_scoped3A_76, %dma_wait3A_94, %dma_wait3A_95] : memref<3x100x128xf32, #tpu.memory_space<vmem>> -> memref<1x80x128xf32, #tpu.memory_space<vmem>>
        %dma_wait3A_97 = tpu.memref_squeeze %dma_wait3A_96 : memref<1x80x128xf32, #tpu.memory_space<vmem>> -> memref<80x128xf32, #tpu.memory_space<vmem>>
        %dma_wait3A_98 = arith.constant 9760 : i32
        %dma_wait3A_99 = arith.constant 0 : i32
        %dma_wait3A_100 = tpu.memref_slice %arg11[%dma_wait3A_98, %dma_wait3A_99] : memref<10000x128xf32, #tpu.memory_space<vmem_shared>> -> memref<80x128xf32, #tpu.memory_space<vmem_shared>>
        %dma_wait3A_101 = arith.constant 9760 : i32
        %dma_wait3A_102 = arith.constant 0 : i32
        %dma_wait3A_103 = tpu.memref_slice %arg11[%dma_wait3A_101, %dma_wait3A_102] : memref<10000x128xf32, #tpu.memory_space<vmem_shared>> -> memref<80x128xf32, #tpu.memory_space<vmem_shared>>
        %dma_wait3A_104 = arith.constant 0 : i32
        %dma_wait3A_105 = arith.constant 0 : i32
        %dma_wait3A_106 = tpu.memref_slice %arg8[%run_scoped3A_76, %dma_wait3A_104, %dma_wait3A_105] : memref<3x100x128xf32, #tpu.memory_space<vmem>> -> memref<1x80x128xf32, #tpu.memory_space<vmem>>
        %dma_wait3A_107 = tpu.memref_squeeze %dma_wait3A_106 : memref<1x80x128xf32, #tpu.memory_space<vmem>> -> memref<80x128xf32, #tpu.memory_space<vmem>>
        tpu.wait_dma2 semaphore(%run_scoped3A_79 : memref<!tpu.dma_semaphore, #tpu.memory_space<semaphore_mem>>) src(%dma_wait3A_107 : memref<80x128xf32, #tpu.memory_space<vmem>>) dst(%dma_wait3A_103 : memref<80x128xf32, #tpu.memory_space<vmem_shared>>)
        tpu.yield
      }) : () -> ()
      %run_scoped3A_77 = arith.constant 0 : i32
      "tpu.region"() ({
        %run_scoped3A_79 = tpu.sem_alloc : memref<!tpu.dma_semaphore, #tpu.memory_space<semaphore_mem>>
        %dma_start3A_80 = arith.constant 0 : i32
        %dma_start3A_81 = arith.constant 0 : i32
        %dma_start3A_82 = tpu.memref_slice %arg8[%run_scoped3A_77, %dma_start3A_80, %dma_start3A_81] : memref<3x100x128xf32, #tpu.memory_space<vmem>> -> memref<1x80x128xf32, #tpu.memory_space<vmem>>
        %dma_start3A_83 = tpu.memref_squeeze %dma_start3A_82 : memref<1x80x128xf32, #tpu.memory_space<vmem>> -> memref<80x128xf32, #tpu.memory_space<vmem>>
        %dma_start3A_84 = arith.constant 9840 : i32
        %dma_start3A_85 = arith.constant 0 : i32
        %dma_start3A_86 = tpu.memref_slice %arg11[%dma_start3A_84, %dma_start3A_85] : memref<10000x128xf32, #tpu.memory_space<vmem_shared>> -> memref<80x128xf32, #tpu.memory_space<vmem_shared>>
        %dma_start3A_87 = arith.constant 9840 : i32
        %dma_start3A_88 = arith.constant 0 : i32
        %dma_start3A_89 = tpu.memref_slice %arg11[%dma_start3A_87, %dma_start3A_88] : memref<10000x128xf32, #tpu.memory_space<vmem_shared>> -> memref<80x128xf32, #tpu.memory_space<vmem_shared>>
        %dma_start3A_90 = arith.constant 0 : i32
        %dma_start3A_91 = arith.constant 0 : i32
        %dma_start3A_92 = tpu.memref_slice %arg8[%run_scoped3A_77, %dma_start3A_90, %dma_start3A_91] : memref<3x100x128xf32, #tpu.memory_space<vmem>> -> memref<1x80x128xf32, #tpu.memory_space<vmem>>
        %dma_start3A_93 = tpu.memref_squeeze %dma_start3A_92 : memref<1x80x128xf32, #tpu.memory_space<vmem>> -> memref<80x128xf32, #tpu.memory_space<vmem>>
        tpu.enqueue_dma source(%dma_start3A_93 : memref<80x128xf32, #tpu.memory_space<vmem>>) target(%dma_start3A_89 : memref<80x128xf32, #tpu.memory_space<vmem_shared>>) target_semaphore(%run_scoped3A_79 : memref<!tpu.dma_semaphore, #tpu.memory_space<semaphore_mem>>)
        %dma_wait3A_94 = arith.constant 0 : i32
        %dma_wait3A_95 = arith.constant 0 : i32
        %dma_wait3A_96 = tpu.memref_slice %arg8[%run_scoped3A_77, %dma_wait3A_94, %dma_wait3A_95] : memref<3x100x128xf32, #tpu.memory_space<vmem>> -> memref<1x80x128xf32, #tpu.memory_space<vmem>>
        %dma_wait3A_97 = tpu.memref_squeeze %dma_wait3A_96 : memref<1x80x128xf32, #tpu.memory_space<vmem>> -> memref<80x128xf32, #tpu.memory_space<vmem>>
        %dma_wait3A_98 = arith.constant 9840 : i32
        %dma_wait3A_99 = arith.constant 0 : i32
        %dma_wait3A_100 = tpu.memref_slice %arg11[%dma_wait3A_98, %dma_wait3A_99] : memref<10000x128xf32, #tpu.memory_space<vmem_shared>> -> memref<80x128xf32, #tpu.memory_space<vmem_shared>>
        %dma_wait3A_101 = arith.constant 9840 : i32
        %dma_wait3A_102 = arith.constant 0 : i32
        %dma_wait3A_103 = tpu.memref_slice %arg11[%dma_wait3A_101, %dma_wait3A_102] : memref<10000x128xf32, #tpu.memory_space<vmem_shared>> -> memref<80x128xf32, #tpu.memory_space<vmem_shared>>
        %dma_wait3A_104 = arith.constant 0 : i32
        %dma_wait3A_105 = arith.constant 0 : i32
        %dma_wait3A_106 = tpu.memref_slice %arg8[%run_scoped3A_77, %dma_wait3A_104, %dma_wait3A_105] : memref<3x100x128xf32, #tpu.memory_space<vmem>> -> memref<1x80x128xf32, #tpu.memory_space<vmem>>
        %dma_wait3A_107 = tpu.memref_squeeze %dma_wait3A_106 : memref<1x80x128xf32, #tpu.memory_space<vmem>> -> memref<80x128xf32, #tpu.memory_space<vmem>>
        tpu.wait_dma2 semaphore(%run_scoped3A_79 : memref<!tpu.dma_semaphore, #tpu.memory_space<semaphore_mem>>) src(%dma_wait3A_107 : memref<80x128xf32, #tpu.memory_space<vmem>>) dst(%dma_wait3A_103 : memref<80x128xf32, #tpu.memory_space<vmem_shared>>)
        tpu.yield
      }) : () -> ()
      %run_scoped3A_78 = arith.constant 0 : i32
      "tpu.region"() ({
        %run_scoped3A_79 = tpu.sem_alloc : memref<!tpu.dma_semaphore, #tpu.memory_space<semaphore_mem>>
        %dma_start3A_80 = arith.constant 0 : i32
        %dma_start3A_81 = arith.constant 0 : i32
        %dma_start3A_82 = tpu.memref_slice %arg8[%run_scoped3A_78, %dma_start3A_80, %dma_start3A_81] : memref<3x100x128xf32, #tpu.memory_space<vmem>> -> memref<1x80x128xf32, #tpu.memory_space<vmem>>
        %dma_start3A_83 = tpu.memref_squeeze %dma_start3A_82 : memref<1x80x128xf32, #tpu.memory_space<vmem>> -> memref<80x128xf32, #tpu.memory_space<vmem>>
        %dma_start3A_84 = arith.constant 9920 : i32
        %dma_start3A_85 = arith.constant 0 : i32
        %dma_start3A_86 = tpu.memref_slice %arg11[%dma_start3A_84, %dma_start3A_85] : memref<10000x128xf32, #tpu.memory_space<vmem_shared>> -> memref<80x128xf32, #tpu.memory_space<vmem_shared>>
        %dma_start3A_87 = arith.constant 9920 : i32
        %dma_start3A_88 = arith.constant 0 : i32
        %dma_start3A_89 = tpu.memref_slice %arg11[%dma_start3A_87, %dma_start3A_88] : memref<10000x128xf32, #tpu.memory_space<vmem_shared>> -> memref<80x128xf32, #tpu.memory_space<vmem_shared>>
        %dma_start3A_90 = arith.constant 0 : i32
        %dma_start3A_91 = arith.constant 0 : i32
        %dma_start3A_92 = tpu.memref_slice %arg8[%run_scoped3A_78, %dma_start3A_90, %dma_start3A_91] : memref<3x100x128xf32, #tpu.memory_space<vmem>> -> memref<1x80x128xf32, #tpu.memory_space<vmem>>
        %dma_start3A_93 = tpu.memref_squeeze %dma_start3A_92 : memref<1x80x128xf32, #tpu.memory_space<vmem>> -> memref<80x128xf32, #tpu.memory_space<vmem>>
        tpu.enqueue_dma source(%dma_start3A_93 : memref<80x128xf32, #tpu.memory_space<vmem>>) target(%dma_start3A_89 : memref<80x128xf32, #tpu.memory_space<vmem_shared>>) target_semaphore(%run_scoped3A_79 : memref<!tpu.dma_semaphore, #tpu.memory_space<semaphore_mem>>)
        %dma_wait3A_94 = arith.constant 0 : i32
        %dma_wait3A_95 = arith.constant 0 : i32
        %dma_wait3A_96 = tpu.memref_slice %arg8[%run_scoped3A_78, %dma_wait3A_94, %dma_wait3A_95] : memref<3x100x128xf32, #tpu.memory_space<vmem>> -> memref<1x80x128xf32, #tpu.memory_space<vmem>>
        %dma_wait3A_97 = tpu.memref_squeeze %dma_wait3A_96 : memref<1x80x128xf32, #tpu.memory_space<vmem>> -> memref<80x128xf32, #tpu.memory_space<vmem>>
        %dma_wait3A_98 = arith.constant 9920 : i32
        %dma_wait3A_99 = arith.constant 0 : i32
        %dma_wait3A_100 = tpu.memref_slice %arg11[%dma_wait3A_98, %dma_wait3A_99] : memref<10000x128xf32, #tpu.memory_space<vmem_shared>> -> memref<80x128xf32, #tpu.memory_space<vmem_shared>>
        %dma_wait3A_101 = arith.constant 9920 : i32
        %dma_wait3A_102 = arith.constant 0 : i32
        %dma_wait3A_103 = tpu.memref_slice %arg11[%dma_wait3A_101, %dma_wait3A_102] : memref<10000x128xf32, #tpu.memory_space<vmem_shared>> -> memref<80x128xf32, #tpu.memory_space<vmem_shared>>
        %dma_wait3A_104 = arith.constant 0 : i32
        %dma_wait3A_105 = arith.constant 0 : i32
        %dma_wait3A_106 = tpu.memref_slice %arg8[%run_scoped3A_78, %dma_wait3A_104, %dma_wait3A_105] : memref<3x100x128xf32, #tpu.memory_space<vmem>> -> memref<1x80x128xf32, #tpu.memory_space<vmem>>
        %dma_wait3A_107 = tpu.memref_squeeze %dma_wait3A_106 : memref<1x80x128xf32, #tpu.memory_space<vmem>> -> memref<80x128xf32, #tpu.memory_space<vmem>>
        tpu.wait_dma2 semaphore(%run_scoped3A_79 : memref<!tpu.dma_semaphore, #tpu.memory_space<semaphore_mem>>) src(%dma_wait3A_107 : memref<80x128xf32, #tpu.memory_space<vmem>>) dst(%dma_wait3A_103 : memref<80x128xf32, #tpu.memory_space<vmem_shared>>)
        tpu.yield
      }) : () -> ()
    } else {
    }
    %run_scoped3A = arith.constant 0 : i32
    %run_scoped3A_14 = arith.constant 0 : i32
    "tpu.region"() ({
      %run_scoped3A_71 = tpu.sem_alloc : memref<!tpu.dma_semaphore, #tpu.memory_space<semaphore_mem>>
      %dma_start3A_72 = arith.constant 0 : i32
      %dma_start3A_73 = arith.constant 0 : i32
      %dma_start3A_74 = tpu.memref_slice %arg6[%run_scoped3A_14, %dma_start3A_72, %dma_start3A_73] : memref<2x10x100xi32, #tpu.memory_space<vmem>> -> memref<1x10x100xi32, #tpu.memory_space<vmem>>
      %dma_start3A_75 = tpu.memref_squeeze %dma_start3A_74 : memref<1x10x100xi32, #tpu.memory_space<vmem>> -> memref<10x100xi32, #tpu.memory_space<vmem>>
      %dma_start3A_76 = arith.constant 0 : i32
      %dma_start3A_77 = arith.constant 0 : i32
      %dma_start3A_78 = tpu.memref_slice %arg3[%add3A, %run_scoped3A, %dma_start3A_76, %dma_start3A_77] : memref<32x10x10x100xi32, #tpu.memory_space<hbm>> -> memref<1x1x10x100xi32, #tpu.memory_space<hbm>>
      %dma_start3A_79 = tpu.memref_squeeze %dma_start3A_78 : memref<1x1x10x100xi32, #tpu.memory_space<hbm>> -> memref<10x100xi32, #tpu.memory_space<hbm>>
      %dma_start3A_80 = arith.constant 0 : i32
      %dma_start3A_81 = arith.constant 0 : i32
      %dma_start3A_82 = tpu.memref_slice %arg6[%run_scoped3A_14, %dma_start3A_80, %dma_start3A_81] : memref<2x10x100xi32, #tpu.memory_space<vmem>> -> memref<1x10x100xi32, #tpu.memory_space<vmem>>
      %dma_start3A_83 = tpu.memref_squeeze %dma_start3A_82 : memref<1x10x100xi32, #tpu.memory_space<vmem>> -> memref<10x100xi32, #tpu.memory_space<vmem>>
      %dma_start3A_84 = arith.constant 0 : i32
      %dma_start3A_85 = arith.constant 0 : i32
      %dma_start3A_86 = tpu.memref_slice %arg3[%add3A, %run_scoped3A, %dma_start3A_84, %dma_start3A_85] : memref<32x10x10x100xi32, #tpu.memory_space<hbm>> -> memref<1x1x10x100xi32, #tpu.memory_space<hbm>>
      %dma_start3A_87 = tpu.memref_squeeze %dma_start3A_86 : memref<1x1x10x100xi32, #tpu.memory_space<hbm>> -> memref<10x100xi32, #tpu.memory_space<hbm>>
      tpu.enqueue_dma source(%dma_start3A_87 : memref<10x100xi32, #tpu.memory_space<hbm>>) target(%dma_start3A_83 : memref<10x100xi32, #tpu.memory_space<vmem>>) target_semaphore(%run_scoped3A_71 : memref<!tpu.dma_semaphore, #tpu.memory_space<semaphore_mem>>)
      %dma_wait3A_88 = arith.constant 0 : i32
      %dma_wait3A_89 = arith.constant 0 : i32
      %dma_wait3A_90 = tpu.memref_slice %arg6[%run_scoped3A_14, %dma_wait3A_88, %dma_wait3A_89] : memref<2x10x100xi32, #tpu.memory_space<vmem>> -> memref<1x10x100xi32, #tpu.memory_space<vmem>>
      %dma_wait3A_91 = tpu.memref_squeeze %dma_wait3A_90 : memref<1x10x100xi32, #tpu.memory_space<vmem>> -> memref<10x100xi32, #tpu.memory_space<vmem>>
      %dma_wait3A_92 = arith.constant 0 : i32
      %dma_wait3A_93 = arith.constant 0 : i32
      %dma_wait3A_94 = tpu.memref_slice %arg3[%add3A, %run_scoped3A, %dma_wait3A_92, %dma_wait3A_93] : memref<32x10x10x100xi32, #tpu.memory_space<hbm>> -> memref<1x1x10x100xi32, #tpu.memory_space<hbm>>
      %dma_wait3A_95 = tpu.memref_squeeze %dma_wait3A_94 : memref<1x1x10x100xi32, #tpu.memory_space<hbm>> -> memref<10x100xi32, #tpu.memory_space<hbm>>
      %dma_wait3A_96 = arith.constant 0 : i32
      %dma_wait3A_97 = arith.constant 0 : i32
      %dma_wait3A_98 = tpu.memref_slice %arg6[%run_scoped3A_14, %dma_wait3A_96, %dma_wait3A_97] : memref<2x10x100xi32, #tpu.memory_space<vmem>> -> memref<1x10x100xi32, #tpu.memory_space<vmem>>
      %dma_wait3A_99 = tpu.memref_squeeze %dma_wait3A_98 : memref<1x10x100xi32, #tpu.memory_space<vmem>> -> memref<10x100xi32, #tpu.memory_space<vmem>>
      %dma_wait3A_100 = arith.constant 0 : i32
      %dma_wait3A_101 = arith.constant 0 : i32
      %dma_wait3A_102 = tpu.memref_slice %arg3[%add3A, %run_scoped3A, %dma_wait3A_100, %dma_wait3A_101] : memref<32x10x10x100xi32, #tpu.memory_space<hbm>> -> memref<1x1x10x100xi32, #tpu.memory_space<hbm>>
      %dma_wait3A_103 = tpu.memref_squeeze %dma_wait3A_102 : memref<1x1x10x100xi32, #tpu.memory_space<hbm>> -> memref<10x100xi32, #tpu.memory_space<hbm>>
      tpu.wait_dma2 semaphore(%run_scoped3A_71 : memref<!tpu.dma_semaphore, #tpu.memory_space<semaphore_mem>>) src(%dma_wait3A_103 : memref<10x100xi32, #tpu.memory_space<hbm>>) dst(%dma_wait3A_99 : memref<10x100xi32, #tpu.memory_space<vmem>>)
      tpu.yield
    }) : () -> ()
    %run_scoped3A_15 = arith.constant 0 : i32
    %run_scoped3A_16 = arith.constant 0 : i32
    "tpu.region"() ({
      %run_scoped3A_71 = tpu.sem_alloc : memref<!tpu.dma_semaphore, #tpu.memory_space<semaphore_mem>>
      %dma_start3A_72 = arith.constant 0 : i32
      %dma_start3A_73 = arith.constant 0 : i32
      %dma_start3A_74 = tpu.memref_slice %arg7[%run_scoped3A_16, %dma_start3A_72, %dma_start3A_73] : memref<2x10x100xi32, #tpu.memory_space<vmem>> -> memref<1x10x100xi32, #tpu.memory_space<vmem>>
      %dma_start3A_75 = tpu.memref_squeeze %dma_start3A_74 : memref<1x10x100xi32, #tpu.memory_space<vmem>> -> memref<10x100xi32, #tpu.memory_space<vmem>>
      %dma_start3A_76 = arith.constant 0 : i32
      %dma_start3A_77 = arith.constant 0 : i32
      %dma_start3A_78 = tpu.memref_slice %arg4[%add3A, %run_scoped3A_15, %dma_start3A_76, %dma_start3A_77] : memref<32x10x10x100xi32, #tpu.memory_space<hbm>> -> memref<1x1x10x100xi32, #tpu.memory_space<hbm>>
      %dma_start3A_79 = tpu.memref_squeeze %dma_start3A_78 : memref<1x1x10x100xi32, #tpu.memory_space<hbm>> -> memref<10x100xi32, #tpu.memory_space<hbm>>
      %dma_start3A_80 = arith.constant 0 : i32
      %dma_start3A_81 = arith.constant 0 : i32
      %dma_start3A_82 = tpu.memref_slice %arg7[%run_scoped3A_16, %dma_start3A_80, %dma_start3A_81] : memref<2x10x100xi32, #tpu.memory_space<vmem>> -> memref<1x10x100xi32, #tpu.memory_space<vmem>>
      %dma_start3A_83 = tpu.memref_squeeze %dma_start3A_82 : memref<1x10x100xi32, #tpu.memory_space<vmem>> -> memref<10x100xi32, #tpu.memory_space<vmem>>
      %dma_start3A_84 = arith.constant 0 : i32
      %dma_start3A_85 = arith.constant 0 : i32
      %dma_start3A_86 = tpu.memref_slice %arg4[%add3A, %run_scoped3A_15, %dma_start3A_84, %dma_start3A_85] : memref<32x10x10x100xi32, #tpu.memory_space<hbm>> -> memref<1x1x10x100xi32, #tpu.memory_space<hbm>>
      %dma_start3A_87 = tpu.memref_squeeze %dma_start3A_86 : memref<1x1x10x100xi32, #tpu.memory_space<hbm>> -> memref<10x100xi32, #tpu.memory_space<hbm>>
      tpu.enqueue_dma source(%dma_start3A_87 : memref<10x100xi32, #tpu.memory_space<hbm>>) target(%dma_start3A_83 : memref<10x100xi32, #tpu.memory_space<vmem>>) target_semaphore(%run_scoped3A_71 : memref<!tpu.dma_semaphore, #tpu.memory_space<semaphore_mem>>)
      %dma_wait3A_88 = arith.constant 0 : i32
      %dma_wait3A_89 = arith.constant 0 : i32
      %dma_wait3A_90 = tpu.memref_slice %arg7[%run_scoped3A_16, %dma_wait3A_88, %dma_wait3A_89] : memref<2x10x100xi32, #tpu.memory_space<vmem>> -> memref<1x10x100xi32, #tpu.memory_space<vmem>>
      %dma_wait3A_91 = tpu.memref_squeeze %dma_wait3A_90 : memref<1x10x100xi32, #tpu.memory_space<vmem>> -> memref<10x100xi32, #tpu.memory_space<vmem>>
      %dma_wait3A_92 = arith.constant 0 : i32
      %dma_wait3A_93 = arith.constant 0 : i32
      %dma_wait3A_94 = tpu.memref_slice %arg4[%add3A, %run_scoped3A_15, %dma_wait3A_92, %dma_wait3A_93] : memref<32x10x10x100xi32, #tpu.memory_space<hbm>> -> memref<1x1x10x100xi32, #tpu.memory_space<hbm>>
      %dma_wait3A_95 = tpu.memref_squeeze %dma_wait3A_94 : memref<1x1x10x100xi32, #tpu.memory_space<hbm>> -> memref<10x100xi32, #tpu.memory_space<hbm>>
      %dma_wait3A_96 = arith.constant 0 : i32
      %dma_wait3A_97 = arith.constant 0 : i32
      %dma_wait3A_98 = tpu.memref_slice %arg7[%run_scoped3A_16, %dma_wait3A_96, %dma_wait3A_97] : memref<2x10x100xi32, #tpu.memory_space<vmem>> -> memref<1x10x100xi32, #tpu.memory_space<vmem>>
      %dma_wait3A_99 = tpu.memref_squeeze %dma_wait3A_98 : memref<1x10x100xi32, #tpu.memory_space<vmem>> -> memref<10x100xi32, #tpu.memory_space<vmem>>
      %dma_wait3A_100 = arith.constant 0 : i32
      %dma_wait3A_101 = arith.constant 0 : i32
      %dma_wait3A_102 = tpu.memref_slice %arg4[%add3A, %run_scoped3A_15, %dma_wait3A_100, %dma_wait3A_101] : memref<32x10x10x100xi32, #tpu.memory_space<hbm>> -> memref<1x1x10x100xi32, #tpu.memory_space<hbm>>
      %dma_wait3A_103 = tpu.memref_squeeze %dma_wait3A_102 : memref<1x1x10x100xi32, #tpu.memory_space<hbm>> -> memref<10x100xi32, #tpu.memory_space<hbm>>
      tpu.wait_dma2 semaphore(%run_scoped3A_71 : memref<!tpu.dma_semaphore, #tpu.memory_space<semaphore_mem>>) src(%dma_wait3A_103 : memref<10x100xi32, #tpu.memory_space<hbm>>) dst(%dma_wait3A_99 : memref<10x100xi32, #tpu.memory_space<vmem>>)
      tpu.yield
    }) : () -> ()
    %barrier3A = arith.constant 0 : index
    tpu.barrier barrier_id(%barrier3A)
    %dma_start3A = arith.constant 0 : i32
    %dma_start3A_17 = arith.constant 0 : i32
    %dma_start3A_18 = arith.constant 0 : i32
    %dma_start3A_19 = arith.constant 0 : i32
    %dma_start3A_20 = arith.constant 0 : i32
    %dma_start3A_21 = tpu.memref_slice %arg8[%dma_start3A_18, %dma_start3A_19, %dma_start3A_20] : memref<3x100x128xf32, #tpu.memory_space<vmem>> -> memref<1x100x128xf32, #tpu.memory_space<vmem>>
    %dma_start3A_22 = tpu.memref_squeeze %dma_start3A_21 : memref<1x100x128xf32, #tpu.memory_space<vmem>> -> memref<100x128xf32, #tpu.memory_space<vmem>>
    %dma_start3A_23 = arith.constant 0 : i32
    %dma_start3A_24 = tpu.memref_slice %arg6[%dma_start3A, %dma_start3A_17, %dma_start3A_23] : memref<2x10x100xi32, #tpu.memory_space<vmem>> -> memref<1x1x100xi32, #tpu.memory_space<vmem>>
    %dma_start3A_25 = tpu.memref_squeeze %dma_start3A_24 : memref<1x1x100xi32, #tpu.memory_space<vmem>> -> memref<100xi32, #tpu.memory_space<vmem>>
    %dma_start3A_26 = arith.constant 0 : i32
    %dma_start3A_27 = arith.constant 0 : i32
    %dma_start3A_28 = tpu.memref_slice %arg2[%dma_start3A_26, %dma_start3A_27] : memref<10000x128xf32, #tpu.memory_space<hbm>> -> memref<10000x128xf32, #tpu.memory_space<hbm>>
    tpu.enqueue_indirect_dma source(%dma_start3A_28 : memref<10000x128xf32, #tpu.memory_space<hbm>>) target(%dma_start3A_22 : memref<100x128xf32, #tpu.memory_space<vmem>>) offsets(%dma_start3A_25 : memref<100xi32, #tpu.memory_space<vmem>>) semaphore(%arg9 : memref<!tpu.dma_semaphore, #tpu.memory_space<semaphore_mem>>)
    %dma_start3A_29 = arith.constant 0 : i32
    %dma_start3A_30 = arith.constant 1 : i32
    %dma_start3A_31 = arith.constant 1 : i32
    %dma_start3A_32 = arith.constant 0 : i32
    %dma_start3A_33 = arith.constant 0 : i32
    %dma_start3A_34 = tpu.memref_slice %arg8[%dma_start3A_31, %dma_start3A_32, %dma_start3A_33] : memref<3x100x128xf32, #tpu.memory_space<vmem>> -> memref<1x100x128xf32, #tpu.memory_space<vmem>>
    %dma_start3A_35 = tpu.memref_squeeze %dma_start3A_34 : memref<1x100x128xf32, #tpu.memory_space<vmem>> -> memref<100x128xf32, #tpu.memory_space<vmem>>
    %dma_start3A_36 = arith.constant 0 : i32
    %dma_start3A_37 = tpu.memref_slice %arg6[%dma_start3A_29, %dma_start3A_30, %dma_start3A_36] : memref<2x10x100xi32, #tpu.memory_space<vmem>> -> memref<1x1x100xi32, #tpu.memory_space<vmem>>
    %dma_start3A_38 = tpu.memref_squeeze %dma_start3A_37 : memref<1x1x100xi32, #tpu.memory_space<vmem>> -> memref<100xi32, #tpu.memory_space<vmem>>
    %dma_start3A_39 = arith.constant 0 : i32
    %dma_start3A_40 = arith.constant 0 : i32
    %dma_start3A_41 = tpu.memref_slice %arg2[%dma_start3A_39, %dma_start3A_40] : memref<10000x128xf32, #tpu.memory_space<hbm>> -> memref<10000x128xf32, #tpu.memory_space<hbm>>
    tpu.enqueue_indirect_dma source(%dma_start3A_41 : memref<10000x128xf32, #tpu.memory_space<hbm>>) target(%dma_start3A_35 : memref<100x128xf32, #tpu.memory_space<vmem>>) offsets(%dma_start3A_38 : memref<100xi32, #tpu.memory_space<vmem>>) semaphore(%arg9 : memref<!tpu.dma_semaphore, #tpu.memory_space<semaphore_mem>>)
    %scan3A_42 = arith.constant 0 : i32
    %scan3A_43 = arith.constant 0 : i32
    %scan3A_44 = arith.constant 100 : i32
    %scan3A_45 = arith.addi %scan3A_43, %scan3A_44 : i32
    %scan3A_46 = arith.constant 1 : i32
    scf.for %scan3A_71 = %scan3A_43 to %scan3A_45 step %scan3A_46  : i32 {
      %jit3A = arith.constant 3 : i32
      %eq3A_72 = arith.constant 0 : i32
      %eq3A_73 = arith.cmpi eq, %jit3A, %eq3A_72 : i32
      %jit3A_74 = arith.constant 1 : i32
      %select_n3A = arith.select %eq3A_73, %jit3A_74, %jit3A : i32
      %rem3A = arith.remsi %scan3A_71, %select_n3A : i32
      %ne3A = arith.constant 0 : i32
      %ne3A_75 = arith.cmpi ne, %rem3A, %ne3A : i32
      %lt3A_76 = arith.constant 0 : i32
      %lt3A_77 = arith.cmpi slt, %rem3A, %lt3A_76 : i32
      %lt3A_78 = arith.constant 0 : i32
      %lt3A_79 = arith.cmpi slt, %select_n3A, %lt3A_78 : i32
      %ne3A_80 = arith.xori %lt3A_77, %lt3A_79 : i1
      %and3A = arith.andi %ne3A_80, %ne3A_75 : i1
      %add3A_81 = arith.addi %rem3A, %select_n3A : i32
      %select_n3A_82 = arith.select %and3A, %add3A_81, %rem3A : i32
      %add3A_83 = arith.constant 2 : i32
      %add3A_84 = arith.addi %scan3A_71, %add3A_83 : i32
      %jit3A_85 = arith.constant 10 : i32
      %eq3A_86 = arith.constant 0 : i32
      %eq3A_87 = arith.cmpi eq, %jit3A_85, %eq3A_86 : i32
      %jit3A_88 = arith.constant 1 : i32
      %select_n3A_89 = arith.select %eq3A_87, %jit3A_88, %jit3A_85 : i32
      %rem3A_90 = arith.remsi %add3A_84, %select_n3A_89 : i32
      %ne3A_91 = arith.constant 0 : i32
      %ne3A_92 = arith.cmpi ne, %rem3A_90, %ne3A_91 : i32
      %lt3A_93 = arith.constant 0 : i32
      %lt3A_94 = arith.cmpi slt, %rem3A_90, %lt3A_93 : i32
      %lt3A_95 = arith.constant 0 : i32
      %lt3A_96 = arith.cmpi slt, %select_n3A_89, %lt3A_95 : i32
      %ne3A_97 = arith.xori %lt3A_94, %lt3A_96 : i1
      %and3A_98 = arith.andi %ne3A_97, %ne3A_92 : i1
      %add3A_99 = arith.addi %rem3A_90, %select_n3A_89 : i32
      %select_n3A_100 = arith.select %and3A_98, %add3A_99, %rem3A_90 : i32
      %eq3A_101 = arith.constant 0 : i32
      %eq3A_102 = arith.cmpi eq, %select_n3A_100, %eq3A_101 : i32
      %add3A_103 = arith.constant 2 : i32
      %add3A_104 = arith.addi %scan3A_71, %add3A_103 : i32
      %lt3A_105 = arith.constant 100 : i32
      %lt3A_106 = arith.cmpi slt, %add3A_104, %lt3A_105 : i32
      %and3A_107 = arith.andi %eq3A_102, %lt3A_106 : i1
      %convert_element_type3A_108 = arith.extui %and3A_107 : i1 to i32
      %cond3A_109 = arith.constant 0 : i32
      %cond3A_110 = arith.cmpi ne, %convert_element_type3A_108, %cond3A_109 : i32
      scf.if %cond3A_110 {
        %add3A_251 = arith.constant 2 : i32
        %add3A_252 = arith.addi %scan3A_71, %add3A_251 : i32
        %jit3A_253 = arith.constant 10 : i32
        %div3A_254 = arith.divsi %add3A_252, %jit3A_253 : i32
        %sign3A_255 = arith.constant 0 : i32
        %sign3A_256 = arith.cmpi sgt, %add3A_252, %sign3A_255 : i32
        %sign3A_257 = arith.extui %sign3A_256 : i1 to i32
        %sign3A_258 = arith.constant 0 : i32
        %sign3A_259 = arith.cmpi slt, %add3A_252, %sign3A_258 : i32
        %sign3A_260 = arith.extui %sign3A_259 : i1 to i32
        %sign3A_261 = arith.subi %sign3A_257, %sign3A_260 : i32
        %sign3A_262 = arith.constant 0 : i32
        %sign3A_263 = arith.cmpi sgt, %jit3A_253, %sign3A_262 : i32
        %sign3A_264 = arith.extui %sign3A_263 : i1 to i32
        %sign3A_265 = arith.constant 0 : i32
        %sign3A_266 = arith.cmpi slt, %jit3A_253, %sign3A_265 : i32
        %sign3A_267 = arith.extui %sign3A_266 : i1 to i32
        %sign3A_268 = arith.subi %sign3A_264, %sign3A_267 : i32
        %ne3A_269 = arith.cmpi ne, %sign3A_261, %sign3A_268 : i32
        %rem3A_270 = arith.remsi %add3A_252, %jit3A_253 : i32
        %ne3A_271 = arith.constant 0 : i32
        %ne3A_272 = arith.cmpi ne, %rem3A_270, %ne3A_271 : i32
        %and3A_273 = arith.andi %ne3A_269, %ne3A_272 : i1
        %sub3A_274 = arith.constant 1 : i32
        %sub3A_275 = arith.subi %div3A_254, %sub3A_274 : i32
        %select_n3A_276 = arith.select %and3A_273, %sub3A_275, %div3A_254 : i32
        %jit3A_277 = arith.constant 2 : i32
        %eq3A_278 = arith.constant 0 : i32
        %eq3A_279 = arith.cmpi eq, %jit3A_277, %eq3A_278 : i32
        %jit3A_280 = arith.constant 1 : i32
        %select_n3A_281 = arith.select %eq3A_279, %jit3A_280, %jit3A_277 : i32
        %rem3A_282 = arith.remsi %select_n3A_276, %select_n3A_281 : i32
        %ne3A_283 = arith.constant 0 : i32
        %ne3A_284 = arith.cmpi ne, %rem3A_282, %ne3A_283 : i32
        %lt3A_285 = arith.constant 0 : i32
        %lt3A_286 = arith.cmpi slt, %rem3A_282, %lt3A_285 : i32
        %lt3A_287 = arith.constant 0 : i32
        %lt3A_288 = arith.cmpi slt, %select_n3A_281, %lt3A_287 : i32
        %ne3A_289 = arith.xori %lt3A_286, %lt3A_288 : i1
        %and3A_290 = arith.andi %ne3A_289, %ne3A_284 : i1
        %add3A_291 = arith.addi %rem3A_282, %select_n3A_281 : i32
        %select_n3A_292 = arith.select %and3A_290, %add3A_291, %rem3A_282 : i32
        "tpu.region"() ({
          %run_scoped3A_309 = tpu.sem_alloc : memref<!tpu.dma_semaphore, #tpu.memory_space<semaphore_mem>>
          %dma_start3A_310 = arith.constant 0 : i32
          %dma_start3A_311 = arith.constant 0 : i32
          %dma_start3A_312 = tpu.memref_slice %arg6[%select_n3A_292, %dma_start3A_310, %dma_start3A_311] : memref<2x10x100xi32, #tpu.memory_space<vmem>> -> memref<1x10x100xi32, #tpu.memory_space<vmem>>
          %dma_start3A_313 = tpu.memref_squeeze %dma_start3A_312 : memref<1x10x100xi32, #tpu.memory_space<vmem>> -> memref<10x100xi32, #tpu.memory_space<vmem>>
          %dma_start3A_314 = arith.constant 0 : i32
          %dma_start3A_315 = arith.constant 0 : i32
          %dma_start3A_316 = tpu.memref_slice %arg3[%add3A, %select_n3A_276, %dma_start3A_314, %dma_start3A_315] : memref<32x10x10x100xi32, #tpu.memory_space<hbm>> -> memref<1x1x10x100xi32, #tpu.memory_space<hbm>>
          %dma_start3A_317 = tpu.memref_squeeze %dma_start3A_316 : memref<1x1x10x100xi32, #tpu.memory_space<hbm>> -> memref<10x100xi32, #tpu.memory_space<hbm>>
          %dma_start3A_318 = arith.constant 0 : i32
          %dma_start3A_319 = arith.constant 0 : i32
          %dma_start3A_320 = tpu.memref_slice %arg6[%select_n3A_292, %dma_start3A_318, %dma_start3A_319] : memref<2x10x100xi32, #tpu.memory_space<vmem>> -> memref<1x10x100xi32, #tpu.memory_space<vmem>>
          %dma_start3A_321 = tpu.memref_squeeze %dma_start3A_320 : memref<1x10x100xi32, #tpu.memory_space<vmem>> -> memref<10x100xi32, #tpu.memory_space<vmem>>
          %dma_start3A_322 = arith.constant 0 : i32
          %dma_start3A_323 = arith.constant 0 : i32
          %dma_start3A_324 = tpu.memref_slice %arg3[%add3A, %select_n3A_276, %dma_start3A_322, %dma_start3A_323] : memref<32x10x10x100xi32, #tpu.memory_space<hbm>> -> memref<1x1x10x100xi32, #tpu.memory_space<hbm>>
          %dma_start3A_325 = tpu.memref_squeeze %dma_start3A_324 : memref<1x1x10x100xi32, #tpu.memory_space<hbm>> -> memref<10x100xi32, #tpu.memory_space<hbm>>
          tpu.enqueue_dma source(%dma_start3A_325 : memref<10x100xi32, #tpu.memory_space<hbm>>) target(%dma_start3A_321 : memref<10x100xi32, #tpu.memory_space<vmem>>) target_semaphore(%run_scoped3A_309 : memref<!tpu.dma_semaphore, #tpu.memory_space<semaphore_mem>>)
          %dma_wait3A_326 = arith.constant 0 : i32
          %dma_wait3A_327 = arith.constant 0 : i32
          %dma_wait3A_328 = tpu.memref_slice %arg6[%select_n3A_292, %dma_wait3A_326, %dma_wait3A_327] : memref<2x10x100xi32, #tpu.memory_space<vmem>> -> memref<1x10x100xi32, #tpu.memory_space<vmem>>
          %dma_wait3A_329 = tpu.memref_squeeze %dma_wait3A_328 : memref<1x10x100xi32, #tpu.memory_space<vmem>> -> memref<10x100xi32, #tpu.memory_space<vmem>>
          %dma_wait3A_330 = arith.constant 0 : i32
          %dma_wait3A_331 = arith.constant 0 : i32
          %dma_wait3A_332 = tpu.memref_slice %arg3[%add3A, %select_n3A_276, %dma_wait3A_330, %dma_wait3A_331] : memref<32x10x10x100xi32, #tpu.memory_space<hbm>> -> memref<1x1x10x100xi32, #tpu.memory_space<hbm>>
          %dma_wait3A_333 = tpu.memref_squeeze %dma_wait3A_332 : memref<1x1x10x100xi32, #tpu.memory_space<hbm>> -> memref<10x100xi32, #tpu.memory_space<hbm>>
          %dma_wait3A_334 = arith.constant 0 : i32
          %dma_wait3A_335 = arith.constant 0 : i32
          %dma_wait3A_336 = tpu.memref_slice %arg6[%select_n3A_292, %dma_wait3A_334, %dma_wait3A_335] : memref<2x10x100xi32, #tpu.memory_space<vmem>> -> memref<1x10x100xi32, #tpu.memory_space<vmem>>
          %dma_wait3A_337 = tpu.memref_squeeze %dma_wait3A_336 : memref<1x10x100xi32, #tpu.memory_space<vmem>> -> memref<10x100xi32, #tpu.memory_space<vmem>>
          %dma_wait3A_338 = arith.constant 0 : i32
          %dma_wait3A_339 = arith.constant 0 : i32
          %dma_wait3A_340 = tpu.memref_slice %arg3[%add3A, %select_n3A_276, %dma_wait3A_338, %dma_wait3A_339] : memref<32x10x10x100xi32, #tpu.memory_space<hbm>> -> memref<1x1x10x100xi32, #tpu.memory_space<hbm>>
          %dma_wait3A_341 = tpu.memref_squeeze %dma_wait3A_340 : memref<1x1x10x100xi32, #tpu.memory_space<hbm>> -> memref<10x100xi32, #tpu.memory_space<hbm>>
          tpu.wait_dma2 semaphore(%run_scoped3A_309 : memref<!tpu.dma_semaphore, #tpu.memory_space<semaphore_mem>>) src(%dma_wait3A_341 : memref<10x100xi32, #tpu.memory_space<hbm>>) dst(%dma_wait3A_337 : memref<10x100xi32, #tpu.memory_space<vmem>>)
          tpu.yield
        }) : () -> ()
        %jit3A_293 = arith.constant 2 : i32
        %eq3A_294 = arith.constant 0 : i32
        %eq3A_295 = arith.cmpi eq, %jit3A_293, %eq3A_294 : i32
        %jit3A_296 = arith.constant 1 : i32
        %select_n3A_297 = arith.select %eq3A_295, %jit3A_296, %jit3A_293 : i32
        %rem3A_298 = arith.remsi %select_n3A_276, %select_n3A_297 : i32
        %ne3A_299 = arith.constant 0 : i32
        %ne3A_300 = arith.cmpi ne, %rem3A_298, %ne3A_299 : i32
        %lt3A_301 = arith.constant 0 : i32
        %lt3A_302 = arith.cmpi slt, %rem3A_298, %lt3A_301 : i32
        %lt3A_303 = arith.constant 0 : i32
        %lt3A_304 = arith.cmpi slt, %select_n3A_297, %lt3A_303 : i32
        %ne3A_305 = arith.xori %lt3A_302, %lt3A_304 : i1
        %and3A_306 = arith.andi %ne3A_305, %ne3A_300 : i1
        %add3A_307 = arith.addi %rem3A_298, %select_n3A_297 : i32
        %select_n3A_308 = arith.select %and3A_306, %add3A_307, %rem3A_298 : i32
        "tpu.region"() ({
          %run_scoped3A_309 = tpu.sem_alloc : memref<!tpu.dma_semaphore, #tpu.memory_space<semaphore_mem>>
          %dma_start3A_310 = arith.constant 0 : i32
          %dma_start3A_311 = arith.constant 0 : i32
          %dma_start3A_312 = tpu.memref_slice %arg7[%select_n3A_308, %dma_start3A_310, %dma_start3A_311] : memref<2x10x100xi32, #tpu.memory_space<vmem>> -> memref<1x10x100xi32, #tpu.memory_space<vmem>>
          %dma_start3A_313 = tpu.memref_squeeze %dma_start3A_312 : memref<1x10x100xi32, #tpu.memory_space<vmem>> -> memref<10x100xi32, #tpu.memory_space<vmem>>
          %dma_start3A_314 = arith.constant 0 : i32
          %dma_start3A_315 = arith.constant 0 : i32
          %dma_start3A_316 = tpu.memref_slice %arg4[%add3A, %select_n3A_276, %dma_start3A_314, %dma_start3A_315] : memref<32x10x10x100xi32, #tpu.memory_space<hbm>> -> memref<1x1x10x100xi32, #tpu.memory_space<hbm>>
          %dma_start3A_317 = tpu.memref_squeeze %dma_start3A_316 : memref<1x1x10x100xi32, #tpu.memory_space<hbm>> -> memref<10x100xi32, #tpu.memory_space<hbm>>
          %dma_start3A_318 = arith.constant 0 : i32
          %dma_start3A_319 = arith.constant 0 : i32
          %dma_start3A_320 = tpu.memref_slice %arg7[%select_n3A_308, %dma_start3A_318, %dma_start3A_319] : memref<2x10x100xi32, #tpu.memory_space<vmem>> -> memref<1x10x100xi32, #tpu.memory_space<vmem>>
          %dma_start3A_321 = tpu.memref_squeeze %dma_start3A_320 : memref<1x10x100xi32, #tpu.memory_space<vmem>> -> memref<10x100xi32, #tpu.memory_space<vmem>>
          %dma_start3A_322 = arith.constant 0 : i32
          %dma_start3A_323 = arith.constant 0 : i32
          %dma_start3A_324 = tpu.memref_slice %arg4[%add3A, %select_n3A_276, %dma_start3A_322, %dma_start3A_323] : memref<32x10x10x100xi32, #tpu.memory_space<hbm>> -> memref<1x1x10x100xi32, #tpu.memory_space<hbm>>
          %dma_start3A_325 = tpu.memref_squeeze %dma_start3A_324 : memref<1x1x10x100xi32, #tpu.memory_space<hbm>> -> memref<10x100xi32, #tpu.memory_space<hbm>>
          tpu.enqueue_dma source(%dma_start3A_325 : memref<10x100xi32, #tpu.memory_space<hbm>>) target(%dma_start3A_321 : memref<10x100xi32, #tpu.memory_space<vmem>>) target_semaphore(%run_scoped3A_309 : memref<!tpu.dma_semaphore, #tpu.memory_space<semaphore_mem>>)
          %dma_wait3A_326 = arith.constant 0 : i32
          %dma_wait3A_327 = arith.constant 0 : i32
          %dma_wait3A_328 = tpu.memref_slice %arg7[%select_n3A_308, %dma_wait3A_326, %dma_wait3A_327] : memref<2x10x100xi32, #tpu.memory_space<vmem>> -> memref<1x10x100xi32, #tpu.memory_space<vmem>>
          %dma_wait3A_329 = tpu.memref_squeeze %dma_wait3A_328 : memref<1x10x100xi32, #tpu.memory_space<vmem>> -> memref<10x100xi32, #tpu.memory_space<vmem>>
          %dma_wait3A_330 = arith.constant 0 : i32
          %dma_wait3A_331 = arith.constant 0 : i32
          %dma_wait3A_332 = tpu.memref_slice %arg4[%add3A, %select_n3A_276, %dma_wait3A_330, %dma_wait3A_331] : memref<32x10x10x100xi32, #tpu.memory_space<hbm>> -> memref<1x1x10x100xi32, #tpu.memory_space<hbm>>
          %dma_wait3A_333 = tpu.memref_squeeze %dma_wait3A_332 : memref<1x1x10x100xi32, #tpu.memory_space<hbm>> -> memref<10x100xi32, #tpu.memory_space<hbm>>
          %dma_wait3A_334 = arith.constant 0 : i32
          %dma_wait3A_335 = arith.constant 0 : i32
          %dma_wait3A_336 = tpu.memref_slice %arg7[%select_n3A_308, %dma_wait3A_334, %dma_wait3A_335] : memref<2x10x100xi32, #tpu.memory_space<vmem>> -> memref<1x10x100xi32, #tpu.memory_space<vmem>>
          %dma_wait3A_337 = tpu.memref_squeeze %dma_wait3A_336 : memref<1x10x100xi32, #tpu.memory_space<vmem>> -> memref<10x100xi32, #tpu.memory_space<vmem>>
          %dma_wait3A_338 = arith.constant 0 : i32
          %dma_wait3A_339 = arith.constant 0 : i32
          %dma_wait3A_340 = tpu.memref_slice %arg4[%add3A, %select_n3A_276, %dma_wait3A_338, %dma_wait3A_339] : memref<32x10x10x100xi32, #tpu.memory_space<hbm>> -> memref<1x1x10x100xi32, #tpu.memory_space<hbm>>
          %dma_wait3A_341 = tpu.memref_squeeze %dma_wait3A_340 : memref<1x1x10x100xi32, #tpu.memory_space<hbm>> -> memref<10x100xi32, #tpu.memory_space<hbm>>
          tpu.wait_dma2 semaphore(%run_scoped3A_309 : memref<!tpu.dma_semaphore, #tpu.memory_space<semaphore_mem>>) src(%dma_wait3A_341 : memref<10x100xi32, #tpu.memory_space<hbm>>) dst(%dma_wait3A_337 : memref<10x100xi32, #tpu.memory_space<vmem>>)
          tpu.yield
        }) : () -> ()
      } else {
      }
      %jit3A_111 = arith.constant 10 : i32
      %div3A = arith.divsi %scan3A_71, %jit3A_111 : i32
      %sign3A = arith.constant 0 : i32
      %sign3A_112 = arith.cmpi sgt, %scan3A_71, %sign3A : i32
      %sign3A_113 = arith.extui %sign3A_112 : i1 to i32
      %sign3A_114 = arith.constant 0 : i32
      %sign3A_115 = arith.cmpi slt, %scan3A_71, %sign3A_114 : i32
      %sign3A_116 = arith.extui %sign3A_115 : i1 to i32
      %sign3A_117 = arith.subi %sign3A_113, %sign3A_116 : i32
      %sign3A_118 = arith.constant 0 : i32
      %sign3A_119 = arith.cmpi sgt, %jit3A_111, %sign3A_118 : i32
      %sign3A_120 = arith.extui %sign3A_119 : i1 to i32
      %sign3A_121 = arith.constant 0 : i32
      %sign3A_122 = arith.cmpi slt, %jit3A_111, %sign3A_121 : i32
      %sign3A_123 = arith.extui %sign3A_122 : i1 to i32
      %sign3A_124 = arith.subi %sign3A_120, %sign3A_123 : i32
      %ne3A_125 = arith.cmpi ne, %sign3A_117, %sign3A_124 : i32
      %rem3A_126 = arith.remsi %scan3A_71, %jit3A_111 : i32
      %ne3A_127 = arith.constant 0 : i32
      %ne3A_128 = arith.cmpi ne, %rem3A_126, %ne3A_127 : i32
      %and3A_129 = arith.andi %ne3A_125, %ne3A_128 : i1
      %sub3A = arith.constant 1 : i32
      %sub3A_130 = arith.subi %div3A, %sub3A : i32
      %select_n3A_131 = arith.select %and3A_129, %sub3A_130, %div3A : i32
      %jit3A_132 = arith.constant 2 : i32
      %eq3A_133 = arith.constant 0 : i32
      %eq3A_134 = arith.cmpi eq, %jit3A_132, %eq3A_133 : i32
      %jit3A_135 = arith.constant 1 : i32
      %select_n3A_136 = arith.select %eq3A_134, %jit3A_135, %jit3A_132 : i32
      %rem3A_137 = arith.remsi %select_n3A_131, %select_n3A_136 : i32
      %ne3A_138 = arith.constant 0 : i32
      %ne3A_139 = arith.cmpi ne, %rem3A_137, %ne3A_138 : i32
      %lt3A_140 = arith.constant 0 : i32
      %lt3A_141 = arith.cmpi slt, %rem3A_137, %lt3A_140 : i32
      %lt3A_142 = arith.constant 0 : i32
      %lt3A_143 = arith.cmpi slt, %select_n3A_136, %lt3A_142 : i32
      %ne3A_144 = arith.xori %lt3A_141, %lt3A_143 : i1
      %and3A_145 = arith.andi %ne3A_144, %ne3A_139 : i1
      %add3A_146 = arith.addi %rem3A_137, %select_n3A_136 : i32
      %select_n3A_147 = arith.select %and3A_145, %add3A_146, %rem3A_137 : i32
      %jit3A_148 = arith.constant 10 : i32
      %eq3A_149 = arith.constant 0 : i32
      %eq3A_150 = arith.cmpi eq, %jit3A_148, %eq3A_149 : i32
      %jit3A_151 = arith.constant 1 : i32
      %select_n3A_152 = arith.select %eq3A_150, %jit3A_151, %jit3A_148 : i32
      %rem3A_153 = arith.remsi %scan3A_71, %select_n3A_152 : i32
      %ne3A_154 = arith.constant 0 : i32
      %ne3A_155 = arith.cmpi ne, %rem3A_153, %ne3A_154 : i32
      %lt3A_156 = arith.constant 0 : i32
      %lt3A_157 = arith.cmpi slt, %rem3A_153, %lt3A_156 : i32
      %lt3A_158 = arith.constant 0 : i32
      %lt3A_159 = arith.cmpi slt, %select_n3A_152, %lt3A_158 : i32
      %ne3A_160 = arith.xori %lt3A_157, %lt3A_159 : i1
      %and3A_161 = arith.andi %ne3A_160, %ne3A_155 : i1
      %add3A_162 = arith.addi %rem3A_153, %select_n3A_152 : i32
      %select_n3A_163 = arith.select %and3A_161, %add3A_162, %rem3A_153 : i32
      %dma_wait3A_164 = arith.constant 0 : i32
      %dma_wait3A_165 = arith.constant 0 : i32
      %dma_wait3A_166 = tpu.memref_slice %arg8[%select_n3A_82, %dma_wait3A_164, %dma_wait3A_165] : memref<3x100x128xf32, #tpu.memory_space<vmem>> -> memref<1x100x128xf32, #tpu.memory_space<vmem>>
      %dma_wait3A_167 = tpu.memref_squeeze %dma_wait3A_166 : memref<1x100x128xf32, #tpu.memory_space<vmem>> -> memref<100x128xf32, #tpu.memory_space<vmem>>
      %dma_wait3A_168 = arith.constant 0 : i32
      %dma_wait3A_169 = tpu.memref_slice %arg6[%select_n3A_147, %select_n3A_163, %dma_wait3A_168] : memref<2x10x100xi32, #tpu.memory_space<vmem>> -> memref<1x1x100xi32, #tpu.memory_space<vmem>>
      %dma_wait3A_170 = tpu.memref_squeeze %dma_wait3A_169 : memref<1x1x100xi32, #tpu.memory_space<vmem>> -> memref<100xi32, #tpu.memory_space<vmem>>
      %dma_wait3A_171 = arith.constant 0 : i32
      %dma_wait3A_172 = arith.constant 0 : i32
      %dma_wait3A_173 = tpu.memref_slice %arg2[%dma_wait3A_171, %dma_wait3A_172] : memref<10000x128xf32, #tpu.memory_space<hbm>> -> memref<10000x128xf32, #tpu.memory_space<hbm>>
      tpu.wait_indirect_dma semaphore(%arg9 : memref<!tpu.dma_semaphore, #tpu.memory_space<semaphore_mem>>) src(%dma_wait3A_173 : memref<10000x128xf32, #tpu.memory_space<hbm>>) dst(%dma_wait3A_167 : memref<100x128xf32, #tpu.memory_space<vmem>>)
      %jit3A_174 = arith.constant 10 : i32
      %div3A_175 = arith.divsi %scan3A_71, %jit3A_174 : i32
      %sign3A_176 = arith.constant 0 : i32
      %sign3A_177 = arith.cmpi sgt, %scan3A_71, %sign3A_176 : i32
      %sign3A_178 = arith.extui %sign3A_177 : i1 to i32
      %sign3A_179 = arith.constant 0 : i32
      %sign3A_180 = arith.cmpi slt, %scan3A_71, %sign3A_179 : i32
      %sign3A_181 = arith.extui %sign3A_180 : i1 to i32
      %sign3A_182 = arith.subi %sign3A_178, %sign3A_181 : i32
      %sign3A_183 = arith.constant 0 : i32
      %sign3A_184 = arith.cmpi sgt, %jit3A_174, %sign3A_183 : i32
      %sign3A_185 = arith.extui %sign3A_184 : i1 to i32
      %sign3A_186 = arith.constant 0 : i32
      %sign3A_187 = arith.cmpi slt, %jit3A_174, %sign3A_186 : i32
      %sign3A_188 = arith.extui %sign3A_187 : i1 to i32
      %sign3A_189 = arith.subi %sign3A_185, %sign3A_188 : i32
      %ne3A_190 = arith.cmpi ne, %sign3A_182, %sign3A_189 : i32
      %rem3A_191 = arith.remsi %scan3A_71, %jit3A_174 : i32
      %ne3A_192 = arith.constant 0 : i32
      %ne3A_193 = arith.cmpi ne, %rem3A_191, %ne3A_192 : i32
      %and3A_194 = arith.andi %ne3A_190, %ne3A_193 : i1
      %sub3A_195 = arith.constant 1 : i32
      %sub3A_196 = arith.subi %div3A_175, %sub3A_195 : i32
      %select_n3A_197 = arith.select %and3A_194, %sub3A_196, %div3A_175 : i32
      %jit3A_198 = arith.constant 2 : i32
      %eq3A_199 = arith.constant 0 : i32
      %eq3A_200 = arith.cmpi eq, %jit3A_198, %eq3A_199 : i32
      %jit3A_201 = arith.constant 1 : i32
      %select_n3A_202 = arith.select %eq3A_200, %jit3A_201, %jit3A_198 : i32
      %rem3A_203 = arith.remsi %select_n3A_197, %select_n3A_202 : i32
      %ne3A_204 = arith.constant 0 : i32
      %ne3A_205 = arith.cmpi ne, %rem3A_203, %ne3A_204 : i32
      %lt3A_206 = arith.constant 0 : i32
      %lt3A_207 = arith.cmpi slt, %rem3A_203, %lt3A_206 : i32
      %lt3A_208 = arith.constant 0 : i32
      %lt3A_209 = arith.cmpi slt, %select_n3A_202, %lt3A_208 : i32
      %ne3A_210 = arith.xori %lt3A_207, %lt3A_209 : i1
      %and3A_211 = arith.andi %ne3A_210, %ne3A_205 : i1
      %add3A_212 = arith.addi %rem3A_203, %select_n3A_202 : i32
      %select_n3A_213 = arith.select %and3A_211, %add3A_212, %rem3A_203 : i32
      %jit3A_214 = arith.constant 10 : i32
      %eq3A_215 = arith.constant 0 : i32
      %eq3A_216 = arith.cmpi eq, %jit3A_214, %eq3A_215 : i32
      %jit3A_217 = arith.constant 1 : i32
      %select_n3A_218 = arith.select %eq3A_216, %jit3A_217, %jit3A_214 : i32
      %rem3A_219 = arith.remsi %scan3A_71, %select_n3A_218 : i32
      %ne3A_220 = arith.constant 0 : i32
      %ne3A_221 = arith.cmpi ne, %rem3A_219, %ne3A_220 : i32
      %lt3A_222 = arith.constant 0 : i32
      %lt3A_223 = arith.cmpi slt, %rem3A_219, %lt3A_222 : i32
      %lt3A_224 = arith.constant 0 : i32
      %lt3A_225 = arith.cmpi slt, %select_n3A_218, %lt3A_224 : i32
      %ne3A_226 = arith.xori %lt3A_223, %lt3A_225 : i1
      %and3A_227 = arith.andi %ne3A_226, %ne3A_221 : i1
      %add3A_228 = arith.addi %rem3A_219, %select_n3A_218 : i32
      %select_n3A_229 = arith.select %and3A_227, %add3A_228, %rem3A_219 : i32
      %dma_start3A_230 = arith.constant 0 : i32
      %dma_start3A_231 = arith.constant 0 : i32
      %dma_start3A_232 = tpu.memref_slice %arg8[%select_n3A_82, %dma_start3A_230, %dma_start3A_231] : memref<3x100x128xf32, #tpu.memory_space<vmem>> -> memref<1x100x128xf32, #tpu.memory_space<vmem>>
      %dma_start3A_233 = tpu.memref_squeeze %dma_start3A_232 : memref<1x100x128xf32, #tpu.memory_space<vmem>> -> memref<100x128xf32, #tpu.memory_space<vmem>>
      %dma_start3A_234 = arith.constant 0 : i32
      %dma_start3A_235 = tpu.memref_slice %arg7[%select_n3A_213, %select_n3A_229, %dma_start3A_234] : memref<2x10x100xi32, #tpu.memory_space<vmem>> -> memref<1x1x100xi32, #tpu.memory_space<vmem>>
      %dma_start3A_236 = tpu.memref_squeeze %dma_start3A_235 : memref<1x1x100xi32, #tpu.memory_space<vmem>> -> memref<100xi32, #tpu.memory_space<vmem>>
      %dma_start3A_237 = arith.constant 0 : i32
      %dma_start3A_238 = arith.constant 0 : i32
      %dma_start3A_239 = tpu.memref_slice %arg11[%dma_start3A_237, %dma_start3A_238] : memref<10000x128xf32, #tpu.memory_space<vmem_shared>> -> memref<10000x128xf32, #tpu.memory_space<vmem_shared>>
      tpu.enqueue_indirect_dma source(%dma_start3A_233 : memref<100x128xf32, #tpu.memory_space<vmem>>) target(%dma_start3A_239 : memref<10000x128xf32, #tpu.memory_space<vmem_shared>>) offsets(%dma_start3A_236 : memref<100xi32, #tpu.memory_space<vmem>>) semaphore(%arg10 : memref<!tpu.dma_semaphore, #tpu.memory_space<semaphore_mem>>) {add = true}
      %gt3A = arith.constant 0 : i32
      %gt3A_240 = arith.cmpi sgt, %scan3A_71, %gt3A : i32
      %convert_element_type3A_241 = arith.extui %gt3A_240 : i1 to i32
      %cond3A_242 = arith.constant 0 : i32
      %cond3A_243 = arith.cmpi ne, %convert_element_type3A_241, %cond3A_242 : i32
      scf.if %cond3A_243 {
        %sub3A_251 = arith.constant 1 : i32
        %sub3A_252 = arith.subi %scan3A_71, %sub3A_251 : i32
        %jit3A_253 = arith.constant 3 : i32
        %eq3A_254 = arith.constant 0 : i32
        %eq3A_255 = arith.cmpi eq, %jit3A_253, %eq3A_254 : i32
        %jit3A_256 = arith.constant 1 : i32
        %select_n3A_257 = arith.select %eq3A_255, %jit3A_256, %jit3A_253 : i32
        %rem3A_258 = arith.remsi %sub3A_252, %select_n3A_257 : i32
        %ne3A_259 = arith.constant 0 : i32
        %ne3A_260 = arith.cmpi ne, %rem3A_258, %ne3A_259 : i32
        %lt3A_261 = arith.constant 0 : i32
        %lt3A_262 = arith.cmpi slt, %rem3A_258, %lt3A_261 : i32
        %lt3A_263 = arith.constant 0 : i32
        %lt3A_264 = arith.cmpi slt, %select_n3A_257, %lt3A_263 : i32
        %ne3A_265 = arith.xori %lt3A_262, %lt3A_264 : i1
        %and3A_266 = arith.andi %ne3A_265, %ne3A_260 : i1
        %add3A_267 = arith.addi %rem3A_258, %select_n3A_257 : i32
        %select_n3A_268 = arith.select %and3A_266, %add3A_267, %rem3A_258 : i32
        %sub3A_269 = arith.constant 1 : i32
        %sub3A_270 = arith.subi %scan3A_71, %sub3A_269 : i32
        %jit3A_271 = arith.constant 10 : i32
        %div3A_272 = arith.divsi %sub3A_270, %jit3A_271 : i32
        %sign3A_273 = arith.constant 0 : i32
        %sign3A_274 = arith.cmpi sgt, %sub3A_270, %sign3A_273 : i32
        %sign3A_275 = arith.extui %sign3A_274 : i1 to i32
        %sign3A_276 = arith.constant 0 : i32
        %sign3A_277 = arith.cmpi slt, %sub3A_270, %sign3A_276 : i32
        %sign3A_278 = arith.extui %sign3A_277 : i1 to i32
        %sign3A_279 = arith.subi %sign3A_275, %sign3A_278 : i32
        %sign3A_280 = arith.constant 0 : i32
        %sign3A_281 = arith.cmpi sgt, %jit3A_271, %sign3A_280 : i32
        %sign3A_282 = arith.extui %sign3A_281 : i1 to i32
        %sign3A_283 = arith.constant 0 : i32
        %sign3A_284 = arith.cmpi slt, %jit3A_271, %sign3A_283 : i32
        %sign3A_285 = arith.extui %sign3A_284 : i1 to i32
        %sign3A_286 = arith.subi %sign3A_282, %sign3A_285 : i32
        %ne3A_287 = arith.cmpi ne, %sign3A_279, %sign3A_286 : i32
        %rem3A_288 = arith.remsi %sub3A_270, %jit3A_271 : i32
        %ne3A_289 = arith.constant 0 : i32
        %ne3A_290 = arith.cmpi ne, %rem3A_288, %ne3A_289 : i32
        %and3A_291 = arith.andi %ne3A_287, %ne3A_290 : i1
        %sub3A_292 = arith.constant 1 : i32
        %sub3A_293 = arith.subi %div3A_272, %sub3A_292 : i32
        %select_n3A_294 = arith.select %and3A_291, %sub3A_293, %div3A_272 : i32
        %jit3A_295 = arith.constant 2 : i32
        %eq3A_296 = arith.constant 0 : i32
        %eq3A_297 = arith.cmpi eq, %jit3A_295, %eq3A_296 : i32
        %jit3A_298 = arith.constant 1 : i32
        %select_n3A_299 = arith.select %eq3A_297, %jit3A_298, %jit3A_295 : i32
        %rem3A_300 = arith.remsi %select_n3A_294, %select_n3A_299 : i32
        %ne3A_301 = arith.constant 0 : i32
        %ne3A_302 = arith.cmpi ne, %rem3A_300, %ne3A_301 : i32
        %lt3A_303 = arith.constant 0 : i32
        %lt3A_304 = arith.cmpi slt, %rem3A_300, %lt3A_303 : i32
        %lt3A_305 = arith.constant 0 : i32
        %lt3A_306 = arith.cmpi slt, %select_n3A_299, %lt3A_305 : i32
        %ne3A_307 = arith.xori %lt3A_304, %lt3A_306 : i1
        %and3A_308 = arith.andi %ne3A_307, %ne3A_302 : i1
        %add3A_309 = arith.addi %rem3A_300, %select_n3A_299 : i32
        %select_n3A_310 = arith.select %and3A_308, %add3A_309, %rem3A_300 : i32
        %jit3A_311 = arith.constant 10 : i32
        %eq3A_312 = arith.constant 0 : i32
        %eq3A_313 = arith.cmpi eq, %jit3A_311, %eq3A_312 : i32
        %jit3A_314 = arith.constant 1 : i32
        %select_n3A_315 = arith.select %eq3A_313, %jit3A_314, %jit3A_311 : i32
        %rem3A_316 = arith.remsi %sub3A_270, %select_n3A_315 : i32
        %ne3A_317 = arith.constant 0 : i32
        %ne3A_318 = arith.cmpi ne, %rem3A_316, %ne3A_317 : i32
        %lt3A_319 = arith.constant 0 : i32
        %lt3A_320 = arith.cmpi slt, %rem3A_316, %lt3A_319 : i32
        %lt3A_321 = arith.constant 0 : i32
        %lt3A_322 = arith.cmpi slt, %select_n3A_315, %lt3A_321 : i32
        %ne3A_323 = arith.xori %lt3A_320, %lt3A_322 : i1
        %and3A_324 = arith.andi %ne3A_323, %ne3A_318 : i1
        %add3A_325 = arith.addi %rem3A_316, %select_n3A_315 : i32
        %select_n3A_326 = arith.select %and3A_324, %add3A_325, %rem3A_316 : i32
        %dma_wait3A_327 = arith.constant 0 : i32
        %dma_wait3A_328 = arith.constant 0 : i32
        %dma_wait3A_329 = tpu.memref_slice %arg8[%select_n3A_268, %dma_wait3A_327, %dma_wait3A_328] : memref<3x100x128xf32, #tpu.memory_space<vmem>> -> memref<1x100x128xf32, #tpu.memory_space<vmem>>
        %dma_wait3A_330 = tpu.memref_squeeze %dma_wait3A_329 : memref<1x100x128xf32, #tpu.memory_space<vmem>> -> memref<100x128xf32, #tpu.memory_space<vmem>>
        %dma_wait3A_331 = arith.constant 0 : i32
        %dma_wait3A_332 = tpu.memref_slice %arg7[%select_n3A_310, %select_n3A_326, %dma_wait3A_331] : memref<2x10x100xi32, #tpu.memory_space<vmem>> -> memref<1x1x100xi32, #tpu.memory_space<vmem>>
        %dma_wait3A_333 = tpu.memref_squeeze %dma_wait3A_332 : memref<1x1x100xi32, #tpu.memory_space<vmem>> -> memref<100xi32, #tpu.memory_space<vmem>>
        %dma_wait3A_334 = arith.constant 0 : i32
        %dma_wait3A_335 = arith.constant 0 : i32
        %dma_wait3A_336 = tpu.memref_slice %arg11[%dma_wait3A_334, %dma_wait3A_335] : memref<10000x128xf32, #tpu.memory_space<vmem_shared>> -> memref<10000x128xf32, #tpu.memory_space<vmem_shared>>
        tpu.wait_indirect_dma semaphore(%arg10 : memref<!tpu.dma_semaphore, #tpu.memory_space<semaphore_mem>>) src(%dma_wait3A_330 : memref<100x128xf32, #tpu.memory_space<vmem>>) dst(%dma_wait3A_336 : memref<10000x128xf32, #tpu.memory_space<vmem_shared>>)
      } else {
      }
      %add3A_244 = arith.constant 2 : i32
      %add3A_245 = arith.addi %scan3A_71, %add3A_244 : i32
      %lt3A_246 = arith.constant 100 : i32
      %lt3A_247 = arith.cmpi slt, %add3A_245, %lt3A_246 : i32
      %convert_element_type3A_248 = arith.extui %lt3A_247 : i1 to i32
      %cond3A_249 = arith.constant 0 : i32
      %cond3A_250 = arith.cmpi ne, %convert_element_type3A_248, %cond3A_249 : i32
      scf.if %cond3A_250 {
        %add3A_251 = arith.constant 2 : i32
        %add3A_252 = arith.addi %scan3A_71, %add3A_251 : i32
        %jit3A_253 = arith.constant 10 : i32
        %div3A_254 = arith.divsi %add3A_252, %jit3A_253 : i32
        %sign3A_255 = arith.constant 0 : i32
        %sign3A_256 = arith.cmpi sgt, %add3A_252, %sign3A_255 : i32
        %sign3A_257 = arith.extui %sign3A_256 : i1 to i32
        %sign3A_258 = arith.constant 0 : i32
        %sign3A_259 = arith.cmpi slt, %add3A_252, %sign3A_258 : i32
        %sign3A_260 = arith.extui %sign3A_259 : i1 to i32
        %sign3A_261 = arith.subi %sign3A_257, %sign3A_260 : i32
        %sign3A_262 = arith.constant 0 : i32
        %sign3A_263 = arith.cmpi sgt, %jit3A_253, %sign3A_262 : i32
        %sign3A_264 = arith.extui %sign3A_263 : i1 to i32
        %sign3A_265 = arith.constant 0 : i32
        %sign3A_266 = arith.cmpi slt, %jit3A_253, %sign3A_265 : i32
        %sign3A_267 = arith.extui %sign3A_266 : i1 to i32
        %sign3A_268 = arith.subi %sign3A_264, %sign3A_267 : i32
        %ne3A_269 = arith.cmpi ne, %sign3A_261, %sign3A_268 : i32
        %rem3A_270 = arith.remsi %add3A_252, %jit3A_253 : i32
        %ne3A_271 = arith.constant 0 : i32
        %ne3A_272 = arith.cmpi ne, %rem3A_270, %ne3A_271 : i32
        %and3A_273 = arith.andi %ne3A_269, %ne3A_272 : i1
        %sub3A_274 = arith.constant 1 : i32
        %sub3A_275 = arith.subi %div3A_254, %sub3A_274 : i32
        %select_n3A_276 = arith.select %and3A_273, %sub3A_275, %div3A_254 : i32
        %jit3A_277 = arith.constant 2 : i32
        %eq3A_278 = arith.constant 0 : i32
        %eq3A_279 = arith.cmpi eq, %jit3A_277, %eq3A_278 : i32
        %jit3A_280 = arith.constant 1 : i32
        %select_n3A_281 = arith.select %eq3A_279, %jit3A_280, %jit3A_277 : i32
        %rem3A_282 = arith.remsi %select_n3A_276, %select_n3A_281 : i32
        %ne3A_283 = arith.constant 0 : i32
        %ne3A_284 = arith.cmpi ne, %rem3A_282, %ne3A_283 : i32
        %lt3A_285 = arith.constant 0 : i32
        %lt3A_286 = arith.cmpi slt, %rem3A_282, %lt3A_285 : i32
        %lt3A_287 = arith.constant 0 : i32
        %lt3A_288 = arith.cmpi slt, %select_n3A_281, %lt3A_287 : i32
        %ne3A_289 = arith.xori %lt3A_286, %lt3A_288 : i1
        %and3A_290 = arith.andi %ne3A_289, %ne3A_284 : i1
        %add3A_291 = arith.addi %rem3A_282, %select_n3A_281 : i32
        %select_n3A_292 = arith.select %and3A_290, %add3A_291, %rem3A_282 : i32
        %jit3A_293 = arith.constant 10 : i32
        %eq3A_294 = arith.constant 0 : i32
        %eq3A_295 = arith.cmpi eq, %jit3A_293, %eq3A_294 : i32
        %jit3A_296 = arith.constant 1 : i32
        %select_n3A_297 = arith.select %eq3A_295, %jit3A_296, %jit3A_293 : i32
        %rem3A_298 = arith.remsi %add3A_252, %select_n3A_297 : i32
        %ne3A_299 = arith.constant 0 : i32
        %ne3A_300 = arith.cmpi ne, %rem3A_298, %ne3A_299 : i32
        %lt3A_301 = arith.constant 0 : i32
        %lt3A_302 = arith.cmpi slt, %rem3A_298, %lt3A_301 : i32
        %lt3A_303 = arith.constant 0 : i32
        %lt3A_304 = arith.cmpi slt, %select_n3A_297, %lt3A_303 : i32
        %ne3A_305 = arith.xori %lt3A_302, %lt3A_304 : i1
        %and3A_306 = arith.andi %ne3A_305, %ne3A_300 : i1
        %add3A_307 = arith.addi %rem3A_298, %select_n3A_297 : i32
        %select_n3A_308 = arith.select %and3A_306, %add3A_307, %rem3A_298 : i32
        %add3A_309 = arith.constant 2 : i32
        %add3A_310 = arith.addi %scan3A_71, %add3A_309 : i32
        %jit3A_311 = arith.constant 3 : i32
        %eq3A_312 = arith.constant 0 : i32
        %eq3A_313 = arith.cmpi eq, %jit3A_311, %eq3A_312 : i32
        %jit3A_314 = arith.constant 1 : i32
        %select_n3A_315 = arith.select %eq3A_313, %jit3A_314, %jit3A_311 : i32
        %rem3A_316 = arith.remsi %add3A_310, %select_n3A_315 : i32
        %ne3A_317 = arith.constant 0 : i32
        %ne3A_318 = arith.cmpi ne, %rem3A_316, %ne3A_317 : i32
        %lt3A_319 = arith.constant 0 : i32
        %lt3A_320 = arith.cmpi slt, %rem3A_316, %lt3A_319 : i32
        %lt3A_321 = arith.constant 0 : i32
        %lt3A_322 = arith.cmpi slt, %select_n3A_315, %lt3A_321 : i32
        %ne3A_323 = arith.xori %lt3A_320, %lt3A_322 : i1
        %and3A_324 = arith.andi %ne3A_323, %ne3A_318 : i1
        %add3A_325 = arith.addi %rem3A_316, %select_n3A_315 : i32
        %select_n3A_326 = arith.select %and3A_324, %add3A_325, %rem3A_316 : i32
        %dma_start3A_327 = arith.constant 0 : i32
        %dma_start3A_328 = arith.constant 0 : i32
        %dma_start3A_329 = tpu.memref_slice %arg8[%select_n3A_326, %dma_start3A_327, %dma_start3A_328] : memref<3x100x128xf32, #tpu.memory_space<vmem>> -> memref<1x100x128xf32, #tpu.memory_space<vmem>>
        %dma_start3A_330 = tpu.memref_squeeze %dma_start3A_329 : memref<1x100x128xf32, #tpu.memory_space<vmem>> -> memref<100x128xf32, #tpu.memory_space<vmem>>
        %dma_start3A_331 = arith.constant 0 : i32
        %dma_start3A_332 = tpu.memref_slice %arg6[%select_n3A_292, %select_n3A_308, %dma_start3A_331] : memref<2x10x100xi32, #tpu.memory_space<vmem>> -> memref<1x1x100xi32, #tpu.memory_space<vmem>>
        %dma_start3A_333 = tpu.memref_squeeze %dma_start3A_332 : memref<1x1x100xi32, #tpu.memory_space<vmem>> -> memref<100xi32, #tpu.memory_space<vmem>>
        %dma_start3A_334 = arith.constant 0 : i32
        %dma_start3A_335 = arith.constant 0 : i32
        %dma_start3A_336 = tpu.memref_slice %arg2[%dma_start3A_334, %dma_start3A_335] : memref<10000x128xf32, #tpu.memory_space<hbm>> -> memref<10000x128xf32, #tpu.memory_space<hbm>>
        tpu.enqueue_indirect_dma source(%dma_start3A_336 : memref<10000x128xf32, #tpu.memory_space<hbm>>) target(%dma_start3A_330 : memref<100x128xf32, #tpu.memory_space<vmem>>) offsets(%dma_start3A_333 : memref<100xi32, #tpu.memory_space<vmem>>) semaphore(%arg9 : memref<!tpu.dma_semaphore, #tpu.memory_space<semaphore_mem>>)
      } else {
      }
    }
    %scan3A_47 = arith.constant 100 : i32
    %dma_wait3A = arith.constant 0 : i32
    %dma_wait3A_48 = arith.constant 1 : i32
    %dma_wait3A_49 = arith.constant 9 : i32
    %dma_wait3A_50 = arith.constant 0 : i32
    %dma_wait3A_51 = arith.constant 0 : i32
    %dma_wait3A_52 = tpu.memref_slice %arg8[%dma_wait3A, %dma_wait3A_50, %dma_wait3A_51] : memref<3x100x128xf32, #tpu.memory_space<vmem>> -> memref<1x100x128xf32, #tpu.memory_space<vmem>>
    %dma_wait3A_53 = tpu.memref_squeeze %dma_wait3A_52 : memref<1x100x128xf32, #tpu.memory_space<vmem>> -> memref<100x128xf32, #tpu.memory_space<vmem>>
    %dma_wait3A_54 = arith.constant 0 : i32
    %dma_wait3A_55 = tpu.memref_slice %arg7[%dma_wait3A_48, %dma_wait3A_49, %dma_wait3A_54] : memref<2x10x100xi32, #tpu.memory_space<vmem>> -> memref<1x1x100xi32, #tpu.memory_space<vmem>>
    %dma_wait3A_56 = tpu.memref_squeeze %dma_wait3A_55 : memref<1x1x100xi32, #tpu.memory_space<vmem>> -> memref<100xi32, #tpu.memory_space<vmem>>
    %dma_wait3A_57 = arith.constant 0 : i32
    %dma_wait3A_58 = arith.constant 0 : i32
    %dma_wait3A_59 = tpu.memref_slice %arg11[%dma_wait3A_57, %dma_wait3A_58] : memref<10000x128xf32, #tpu.memory_space<vmem_shared>> -> memref<10000x128xf32, #tpu.memory_space<vmem_shared>>
    tpu.wait_indirect_dma semaphore(%arg10 : memref<!tpu.dma_semaphore, #tpu.memory_space<semaphore_mem>>) src(%dma_wait3A_53 : memref<100x128xf32, #tpu.memory_space<vmem>>) dst(%dma_wait3A_59 : memref<10000x128xf32, #tpu.memory_space<vmem_shared>>)
    %barrier3A_60 = arith.constant 0 : index
    tpu.barrier barrier_id(%barrier3A_60)
    %lt3A_61 = arith.constant 15 : i32
    %lt3A_62 = arith.cmpi slt, %arg1, %lt3A_61 : i32
    %convert_element_type3A_63 = arith.extui %lt3A_62 : i1 to i32
    %cond3A_64 = arith.constant 0 : i32
    %cond3A_65 = arith.cmpi ne, %convert_element_type3A_63, %cond3A_64 : i32
    scf.if %cond3A_65 {
      %mul3A_71 = arith.constant 624 : i32
      %mul3A_72 = arith.muli %arg1, %mul3A_71 : i32
      %mul3A_73 = arith.constant 624 : i32
      %mul3A_74 = arith.muli %arg1, %mul3A_73 : i32
      "tpu.region"() ({
        %run_scoped3A_75 = tpu.sem_alloc : memref<!tpu.dma_semaphore, #tpu.memory_space<semaphore_mem>>
        %dma_start3A_76 = arith.constant 0 : i32
        %dma_start3A_77 = tpu.memref_slice %arg5[%arg0, %mul3A_74, %dma_start3A_76] : memref<2x10000x128xf32, #tpu.memory_space<hbm>> -> memref<1x624x128xf32, #tpu.memory_space<hbm>>
        %dma_start3A_78 = tpu.memref_squeeze %dma_start3A_77 : memref<1x624x128xf32, #tpu.memory_space<hbm>> -> memref<624x128xf32, #tpu.memory_space<hbm>>
        %dma_start3A_79 = arith.constant 0 : i32
        %dma_start3A_80 = tpu.memref_slice %arg11[%mul3A_72, %dma_start3A_79] : memref<10000x128xf32, #tpu.memory_space<vmem_shared>> -> memref<624x128xf32, #tpu.memory_space<vmem_shared>>
        tpu.enqueue_dma source(%dma_start3A_80 : memref<624x128xf32, #tpu.memory_space<vmem_shared>>) target(%dma_start3A_78 : memref<624x128xf32, #tpu.memory_space<hbm>>) target_semaphore(%run_scoped3A_75 : memref<!tpu.dma_semaphore, #tpu.memory_space<semaphore_mem>>)
        %dma_wait3A_81 = arith.constant 0 : i32
        %dma_wait3A_82 = tpu.memref_slice %arg5[%arg0, %mul3A_74, %dma_wait3A_81] : memref<2x10000x128xf32, #tpu.memory_space<hbm>> -> memref<1x624x128xf32, #tpu.memory_space<hbm>>
        %dma_wait3A_83 = tpu.memref_squeeze %dma_wait3A_82 : memref<1x624x128xf32, #tpu.memory_space<hbm>> -> memref<624x128xf32, #tpu.memory_space<hbm>>
        %dma_wait3A_84 = arith.constant 0 : i32
        %dma_wait3A_85 = tpu.memref_slice %arg11[%mul3A_72, %dma_wait3A_84] : memref<10000x128xf32, #tpu.memory_space<vmem_shared>> -> memref<624x128xf32, #tpu.memory_space<vmem_shared>>
        tpu.wait_dma2 semaphore(%run_scoped3A_75 : memref<!tpu.dma_semaphore, #tpu.memory_space<semaphore_mem>>) src(%dma_wait3A_85 : memref<624x128xf32, #tpu.memory_space<vmem_shared>>) dst(%dma_wait3A_83 : memref<624x128xf32, #tpu.memory_space<hbm>>)
        tpu.yield
      }) : () -> ()
    } else {
    }
    %eq3A_66 = arith.constant 15 : i32
    %eq3A_67 = arith.cmpi eq, %arg1, %eq3A_66 : i32
    %convert_element_type3A_68 = arith.extui %eq3A_67 : i1 to i32
    %cond3A_69 = arith.constant 0 : i32
    %cond3A_70 = arith.cmpi ne, %convert_element_type3A_68, %cond3A_69 : i32
    scf.if %cond3A_70 {
      "tpu.region"() ({
        %run_scoped3A_71 = tpu.sem_alloc : memref<!tpu.dma_semaphore, #tpu.memory_space<semaphore_mem>>
        %dma_start3A_72 = arith.constant 9360 : i32
        %dma_start3A_73 = arith.constant 0 : i32
        %dma_start3A_74 = tpu.memref_slice %arg5[%arg0, %dma_start3A_72, %dma_start3A_73] : memref<2x10000x128xf32, #tpu.memory_space<hbm>> -> memref<1x640x128xf32, #tpu.memory_space<hbm>>
        %dma_start3A_75 = tpu.memref_squeeze %dma_start3A_74 : memref<1x640x128xf32, #tpu.memory_space<hbm>> -> memref<640x128xf32, #tpu.memory_space<hbm>>
        %dma_start3A_76 = arith.constant 9360 : i32
        %dma_start3A_77 = arith.constant 0 : i32
        %dma_start3A_78 = tpu.memref_slice %arg11[%dma_start3A_76, %dma_start3A_77] : memref<10000x128xf32, #tpu.memory_space<vmem_shared>> -> memref<640x128xf32, #tpu.memory_space<vmem_shared>>
        tpu.enqueue_dma source(%dma_start3A_78 : memref<640x128xf32, #tpu.memory_space<vmem_shared>>) target(%dma_start3A_75 : memref<640x128xf32, #tpu.memory_space<hbm>>) target_semaphore(%run_scoped3A_71 : memref<!tpu.dma_semaphore, #tpu.memory_space<semaphore_mem>>)
        %dma_wait3A_79 = arith.constant 9360 : i32
        %dma_wait3A_80 = arith.constant 0 : i32
        %dma_wait3A_81 = tpu.memref_slice %arg5[%arg0, %dma_wait3A_79, %dma_wait3A_80] : memref<2x10000x128xf32, #tpu.memory_space<hbm>> -> memref<1x640x128xf32, #tpu.memory_space<hbm>>
        %dma_wait3A_82 = tpu.memref_squeeze %dma_wait3A_81 : memref<1x640x128xf32, #tpu.memory_space<hbm>> -> memref<640x128xf32, #tpu.memory_space<hbm>>
        %dma_wait3A_83 = arith.constant 9360 : i32
        %dma_wait3A_84 = arith.constant 0 : i32
        %dma_wait3A_85 = tpu.memref_slice %arg11[%dma_wait3A_83, %dma_wait3A_84] : memref<10000x128xf32, #tpu.memory_space<vmem_shared>> -> memref<640x128xf32, #tpu.memory_space<vmem_shared>>
        tpu.wait_dma2 semaphore(%run_scoped3A_71 : memref<!tpu.dma_semaphore, #tpu.memory_space<semaphore_mem>>) src(%dma_wait3A_85 : memref<640x128xf32, #tpu.memory_space<vmem_shared>>) dst(%dma_wait3A_82 : memref<640x128xf32, #tpu.memory_space<hbm>>)
        tpu.yield
      }) : () -> ()
    } else {
    }
    return
  }
}

module attributes {stable_mosaic.version = 14 : i64} {
  func.func @_pre_body(%arg0: memref<10000x128xf32, #tpu.memory_space<vmem>>, %arg1: memref<128x128xf32, #tpu.memory_space<vmem>>, %arg2: memref<2x10240xf32, #tpu.memory_space<vmem>>, %arg3: memref<10000x128xf32, #tpu.memory_space<vmem>>, %arg4: memref<10240xf32, #tpu.memory_space<vmem>>, %arg5: memref<10240xf32, #tpu.memory_space<vmem>>) attributes {dimension_semantics = [], scalar_prefetch = 0 : i64, scratch_operands = 0 : i64, tpu.core_type = #tpu.core_type<tc>} {
    %get3A = arith.constant 0 : index
    %get3A_0 = arith.constant 0 : index
    %get3A_1 = vector.load %arg2[%get3A, %get3A_0] : memref<2x10240xf32, #tpu.memory_space<vmem>>, vector<1x10240xf32>
    %get3A_2 = vector.shape_cast %get3A_1 : vector<1x10240xf32> to vector<10240xf32>
    %get3A_3 = arith.constant 1 : index
    %get3A_4 = arith.constant 0 : index
    %get3A_5 = vector.load %arg2[%get3A_3, %get3A_4] : memref<2x10240xf32, #tpu.memory_space<vmem>>, vector<1x10240xf32>
    %get3A_6 = vector.shape_cast %get3A_5 : vector<1x10240xf32> to vector<10240xf32>
    %add3A = arith.addf %get3A_2, %get3A_6 : vector<10240xf32>
    %add3A_7 = arith.constant 1.000000e+00 : f32
    %add3A_8 = vector.broadcast %add3A_7 : f32 to vector<10240xf32>
    %add3A_9 = arith.addf %add3A, %add3A_8 : vector<10240xf32>
    %rsqrt3A = math.rsqrt %add3A_9 : vector<10240xf32>
    %swap3A = arith.constant 0 : index
    %swap3A_10 = vector.load %arg4[%swap3A] : memref<10240xf32, #tpu.memory_space<vmem>>, vector<10240xf32>
    tpu.vector_store %arg4[%swap3A], %rsqrt3A {strides = array<i32>} : memref<10240xf32, #tpu.memory_space<vmem>>, vector<10240xf32>,
    %div3A = arith.constant 1.000000e+00 : f32
    %div3A_11 = vector.broadcast %div3A : f32 to vector<10240xf32>
    %div3A_12 = arith.divf %div3A_11, %add3A_9 : vector<10240xf32>
    %swap3A_13 = arith.constant 0 : index
    %swap3A_14 = vector.load %arg5[%swap3A_13] : memref<10240xf32, #tpu.memory_space<vmem>>, vector<10240xf32>
    tpu.vector_store %arg5[%swap3A_13], %div3A_12 {strides = array<i32>} : memref<10240xf32, #tpu.memory_space<vmem>>, vector<10240xf32>,
    %get3A_15 = arith.constant 0 : index
    %get3A_16 = arith.constant 0 : index
    %get3A_17 = vector.load %arg0[%get3A_15, %get3A_16] : memref<10000x128xf32, #tpu.memory_space<vmem>>, vector<10000x128xf32>
    %get3A_18 = arith.constant 0 : index
    %get3A_19 = arith.constant 0 : index
    %get3A_20 = vector.load %arg1[%get3A_18, %get3A_19] : memref<128x128xf32, #tpu.memory_space<vmem>>, vector<128x128xf32>
    %dot_general3A = arith.constant dense<0.000000e+00> : vector<10000x128xf32>
    %dot_general3A_21 = tpu.matmul %get3A_17, %get3A_20, %dot_general3A {dimension_numbers = #tpu.dot_dimension_numbers<[1], [1], [0], [0], [0, 0, 1, 0], [], []>, transpose_lhs_hint = false} : vector<10000x128xf32>, vector<128x128xf32>, vector<10000x128xf32> -> vector<10000x128xf32>
    %slice3A = vector.extract_strided_slice %rsqrt3A {offsets = [0], sizes = [10000], strides = [1]} : vector<10240xf32> to vector<10000xf32>
    %broadcast_in_dim3A = vector.shape_cast %slice3A : vector<10000xf32> to vector<10000x1xf32>
    %mul3A = vector.broadcast %broadcast_in_dim3A : vector<10000x1xf32> to vector<10000x128xf32>
    %mul3A_22 = arith.mulf %dot_general3A_21, %mul3A : vector<10000x128xf32>
    %swap3A_23 = arith.constant 0 : index
    %swap3A_24 = arith.constant 0 : index
    %swap3A_25 = vector.load %arg3[%swap3A_23, %swap3A_24] : memref<10000x128xf32, #tpu.memory_space<vmem>>, vector<10000x128xf32>
    tpu.vector_store %arg3[%swap3A_23, %swap3A_24], %mul3A_22 {strides = array<i32>} : memref<10000x128xf32, #tpu.memory_space<vmem>>, vector<10000x128xf32>,
    return
  }
}

module attributes {stable_mosaic.version = 14 : i64} {
  func.func @_merge_body(%arg0: memref<2x10000x128xf32, #tpu.memory_space<vmem>>, %arg1: memref<10000x128xf32, #tpu.memory_space<vmem>>, %arg2: memref<10240xf32, #tpu.memory_space<vmem>>, %arg3: memref<128xf32, #tpu.memory_space<vmem>>, %arg4: memref<10000x128xf32, #tpu.memory_space<vmem>>) attributes {dimension_semantics = [], scalar_prefetch = 0 : i64, scratch_operands = 0 : i64, tpu.core_type = #tpu.core_type<tc>} {
    %get3A = arith.constant 0 : index
    %get3A_0 = arith.constant 0 : index
    %get3A_1 = arith.constant 0 : index
    %get3A_2 = vector.load %arg0[%get3A, %get3A_0, %get3A_1] : memref<2x10000x128xf32, #tpu.memory_space<vmem>>, vector<1x10000x128xf32>
    %get3A_3 = vector.shape_cast %get3A_2 : vector<1x10000x128xf32> to vector<10000x128xf32>
    %get3A_4 = arith.constant 1 : index
    %get3A_5 = arith.constant 0 : index
    %get3A_6 = arith.constant 0 : index
    %get3A_7 = vector.load %arg0[%get3A_4, %get3A_5, %get3A_6] : memref<2x10000x128xf32, #tpu.memory_space<vmem>>, vector<1x10000x128xf32>
    %get3A_8 = vector.shape_cast %get3A_7 : vector<1x10000x128xf32> to vector<10000x128xf32>
    %add3A = arith.addf %get3A_3, %get3A_8 : vector<10000x128xf32>
    %get3A_9 = arith.constant 0 : index
    %get3A_10 = arith.constant 0 : index
    %get3A_11 = vector.load %arg1[%get3A_9, %get3A_10] : memref<10000x128xf32, #tpu.memory_space<vmem>>, vector<10000x128xf32>
    %add3A_12 = arith.addf %add3A, %get3A_11 : vector<10000x128xf32>
    %get3A_13 = arith.constant 0 : index
    %get3A_14 = vector.load %arg2[%get3A_13] : memref<10240xf32, #tpu.memory_space<vmem>>, vector<10000xf32>
    %broadcast_in_dim3A = vector.shape_cast %get3A_14 : vector<10000xf32> to vector<10000x1xf32>
    %mul3A = vector.broadcast %broadcast_in_dim3A : vector<10000x1xf32> to vector<10000x128xf32>
    %mul3A_15 = arith.mulf %add3A_12, %mul3A : vector<10000x128xf32>
    %swap3A = arith.constant 0 : index
    %swap3A_16 = arith.constant 0 : index
    %swap3A_17 = vector.load %arg4[%swap3A, %swap3A_16] : memref<10000x128xf32, #tpu.memory_space<vmem>>, vector<10000x128xf32>
    tpu.vector_store %arg4[%swap3A, %swap3A_16], %mul3A_15 {strides = array<i32>} : memref<10000x128xf32, #tpu.memory_space<vmem>>, vector<10000x128xf32>,
    return
  }
}

module attributes {stable_mosaic.version = 14 : i64} {
  func.func @_merge_body(%arg0: memref<2x10000x128xf32, #tpu.memory_space<vmem>>, %arg1: memref<10000x128xf32, #tpu.memory_space<vmem>>, %arg2: memref<10240xf32, #tpu.memory_space<vmem>>, %arg3: memref<128xf32, #tpu.memory_space<vmem>>, %arg4: memref<10000x128xf32, #tpu.memory_space<vmem>>) attributes {dimension_semantics = [], scalar_prefetch = 0 : i64, scratch_operands = 0 : i64, tpu.core_type = #tpu.core_type<tc>} {
    %get3A = arith.constant 0 : index
    %get3A_0 = arith.constant 0 : index
    %get3A_1 = arith.constant 0 : index
    %get3A_2 = vector.load %arg0[%get3A, %get3A_0, %get3A_1] : memref<2x10000x128xf32, #tpu.memory_space<vmem>>, vector<1x10000x128xf32>
    %get3A_3 = vector.shape_cast %get3A_2 : vector<1x10000x128xf32> to vector<10000x128xf32>
    %get3A_4 = arith.constant 1 : index
    %get3A_5 = arith.constant 0 : index
    %get3A_6 = arith.constant 0 : index
    %get3A_7 = vector.load %arg0[%get3A_4, %get3A_5, %get3A_6] : memref<2x10000x128xf32, #tpu.memory_space<vmem>>, vector<1x10000x128xf32>
    %get3A_8 = vector.shape_cast %get3A_7 : vector<1x10000x128xf32> to vector<10000x128xf32>
    %add3A = arith.addf %get3A_3, %get3A_8 : vector<10000x128xf32>
    %get3A_9 = arith.constant 0 : index
    %get3A_10 = arith.constant 0 : index
    %get3A_11 = vector.load %arg1[%get3A_9, %get3A_10] : memref<10000x128xf32, #tpu.memory_space<vmem>>, vector<10000x128xf32>
    %add3A_12 = arith.addf %add3A, %get3A_11 : vector<10000x128xf32>
    %get3A_13 = arith.constant 0 : index
    %get3A_14 = vector.load %arg2[%get3A_13] : memref<10240xf32, #tpu.memory_space<vmem>>, vector<10000xf32>
    %broadcast_in_dim3A = vector.shape_cast %get3A_14 : vector<10000xf32> to vector<10000x1xf32>
    %mul3A = vector.broadcast %broadcast_in_dim3A : vector<10000x1xf32> to vector<10000x128xf32>
    %mul3A_15 = arith.mulf %add3A_12, %mul3A : vector<10000x128xf32>
    %get3A_16 = arith.constant 0 : index
    %get3A_17 = vector.load %arg3[%get3A_16] : memref<128xf32, #tpu.memory_space<vmem>>, vector<128xf32>
    %broadcast_in_dim3A_18 = vector.shape_cast %get3A_17 : vector<128xf32> to vector<1x128xf32>
    %add3A_19 = vector.broadcast %broadcast_in_dim3A_18 : vector<1x128xf32> to vector<10000x128xf32>
    %add3A_20 = arith.addf %mul3A_15, %add3A_19 : vector<10000x128xf32>
    %swap3A = arith.constant 0 : index
    %swap3A_21 = arith.constant 0 : index
    %swap3A_22 = vector.load %arg4[%swap3A, %swap3A_21] : memref<10000x128xf32, #tpu.memory_space<vmem>>, vector<10000x128xf32>
    tpu.vector_store %arg4[%swap3A, %swap3A_21], %add3A_20 {strides = array<i32>} : memref<10000x128xf32, #tpu.memory_space<vmem>>, vector<10000x128xf32>,
    return
  }
}

</mosaic_0001>

<sc_bundles>
// kernel: kernel.10.cloned.1.call-start
scs
__scs_entry_jumppad:
0x0: {  	(pc) =	sbr.rel $0x88, $3  }
0x1: {  	(tag) =	ssettag $0x0;
	lr =	simm.s32 $0x1  }
0x2: {  	[smem:$0x3F9D] =	sst lr;
	_ =	strace $0xD0000000  }
0x3: {  	_ = 	snop  }
0x4: {  	_ = 	snop  }
0x5: {  	_ = 	snop  }
0x6: {  	_ = 	snop  }
0x7: {  	_ = 	snop  }
__scs_overlays_trampoline_lowered:
0x8: {  	[smem:$0x3FAC] =	sst s0  }
0x9: {  	[smem:$0x3FAD] =	sst s1  }
0xa: {  	[smem:$0x3FAE] =	sst s2  }
0xb: {  	[smem:$0x3FAF] =	sst s3  }
0xc: {  	[smem:$0x3FB0] =	sst s4  }
0xd: {  	[smem:$0x3FB1] =	sst s5  }
0xe: {  	[smem:$0x3FB2] =	sst s6  }
0xf: {  	[smem:$0x3FB3] =	sst s7  }
0x10: {  	[smem:$0x3FB4] =	sst s8  }
0x11: {  	[smem:$0x3FB5] =	sst s9;
	s0 =	simm.s32 @!p0 $0x0  }
0x12: {  	s1 =	sld [smem:$0x3F9B];
	s0 =	simm.s32 @p0 $0x1  }
0x13: {  	[smem:$0x3FB6] =	sst s0;
	s0 =	simm.s32 @!p1 $0x0  }
0x14: {  	s2 =	sld [smem:$0x3F9A];
	s0 =	simm.s32 @p1 $0x1  }
0x15: {  	[smem:$0x3FB7] =	sst s0;
	s0 =	simm.s32 @!p2 $0x0  }
0x16: {  	s3 =	sld [smem:$0x3FDB];
	s0 =	simm.s32 @p2 $0x1  }
0x17: {  	s4 =	simm.s32 $0x1BF5;
	[smem:$0x3FB9] =	sst s0  }
0x18: {  	s0 =	sld [smem:$0x3F9C];
	_ =	swait.ge [sflag:s4], $0x0  }
0x19: {  	s7 =	sld [smem:$0x3F9D]  }
0x1a: {  	s8 =	sadd.s32 $0xFFFFE003, lr  }
0x1b: {  	s9 =	sadd.s32 $0xFFFFFEF7, lr;
	s5 =	simm.s32 $0xFFFFFFFF;
	p2 =	slt.u32 s8, $0xFFFFF086  }
0x1c: {  	p1 =	slt.u32 s9, $0xF7A;
	s5 =	simm.s32 @!p2 $0x0  }
0x1d: {  	s5 =	simm.s32 @p1 $0x1;
	p0 =	seq.s32 s7, s2  }
0x1e: {  	s7 =	smul.u32 @!p0 $0xF7A, s2;
	p2 =	seq.s32 @!p0 s5, $0x0  }
0x1f: {  	s9 =	smul.u32 $0xF7A, s1;
	s8 =	simm.s32 @!p0 $0x1BF5;
	p2 =	por !p2, p0  }
0x20: {  	[sflag:s8] =	ssyncset.s32 @!p0 $0xFFFFF086;
	s6 =	sadd.s32 @!p0 s3, s7;
	s7 =	simm.s32 @!p0 $0x108  }
0x21: {  	s3 =	sadd.s32 s3, s9;
	s6 =	sadd.s32 @!p0 $0x88, s6;
	s7 =	simm.s32 @p2 $0x1082  }
0x22: {  	[simem:s7], [sflag:s8] =	dma.local @!p0 [hbm:s6], $0xF7A  }
0x23: {  	s9 =	sor.u32 $0xD0000000, s2;
	s6 =	simm.s32 $0x108;
	_ =	swait.ge @!p0 [sflag:s8], $0x0  }
0x24: {  	s3 =	sadd.s32 $0x88, s3;
	s6 =	simm.s32 @!p1 $0x1082;
	[sflag:s4] =	ssyncset.s32 $0xFFFFF086  }
0x25: {  	[simem:s6], [sflag:s4] =	dma.local [hbm:s3], $0xF7A  }
0x26: {  	[smem:$0x3F9D] =	sst s1;
	(tag) =	ssettag s2;
	_ =	strace s9  }
0x27: {  	s1 =	sld [smem:$0x3FAD]  }
0x28: {  	s2 =	sld [smem:$0x3FAE]  }
0x29: {  	s4 =	sld [smem:$0x3FB0]  }
0x2a: {  	p0 =	seq.s32 s5, $0x0;
	s5 =	sld [smem:$0x3FB1]  }
0x2b: {  	s6 =	sld [smem:$0x3FB2]  }
0x2c: {  	s7 =	sld [smem:$0x3FB3]  }
0x2d: {  	s3 =	simm.s32 $0x108;
	s8 =	sld [smem:$0x3FB4]  }
0x2e: {  	s3 =	simm.s32 @!p0 $0x1082;
	s9 =	sld [smem:$0x3FB5]  }
0x2f: {  	lr =	sadd.s32 s0, s3;
	s0 =	sld [smem:$0x3FAC]  }
0x30: {  	s3 =	sld [smem:$0x3FAF]  }
0x31: {  	[smem:$0x3FB8] =	sst s10  }
0x32: {  	s10 =	sld [smem:$0x3FB6];
	_ =	sdelay $0x3  }
0x33: {  	p0 =	seq.s32 s10, $0x1;
	s10 =	sld [smem:$0x3FB8];
	_ =	sdelay $0x3  }
0x34: {  	[smem:$0x3FB8] =	sst s10  }
0x35: {  	s10 =	sld [smem:$0x3FB7];
	_ =	sdelay $0x3  }
0x36: {  	p1 =	seq.s32 s10, $0x1;
	s10 =	sld [smem:$0x3FB8];
	_ =	sdelay $0x3  }
0x37: {  	[smem:$0x3FB8] =	sst s10  }
0x38: {  	s10 =	sld [smem:$0x3FB9]  }
0x39: {  	_ = 	snop;
	(pc) =	sbr.ind lr, $3  }
0x3a: {  	_ = 	snop  }
0x3b: {  	_ = 	snop  }
0x3c: {  	p2 =	seq.s32 s10, $0x1;
	s10 =	sld [smem:$0x3FB8]  }
0x3d: {  	_ =	shalt  }
0x3e: {  	_ =	shalt  }
0x3f: {  	_ =	shalt  }
0x40: {  	_ =	shalt  }
0x41: {  	_ =	shalt  }
0x42: {  	_ =	shalt  }
0x43: {  	_ =	shalt  }
0x44: {  	_ =	shalt  }
0x45: {  	_ =	shalt  }
0x46: {  	_ =	shalt  }
0x47: {  	_ =	shalt  }
0x48: {  	_ =	shalt  }
0x49: {  	_ =	shalt  }
0x4a: {  	_ =	shalt  }
0x4b: {  	_ =	shalt  }
0x4c: {  	_ =	shalt  }
0x4d: {  	_ =	shalt  }
0x4e: {  	_ =	shalt  }
0x4f: {  	_ =	shalt  }
0x50: {  	_ =	shalt  }
0x51: {  	_ =	shalt  }
0x52: {  	_ =	shalt  }
0x53: {  	_ =	shalt  }
0x54: {  	_ =	shalt  }
0x55: {  	_ =	shalt  }
0x56: {  	_ =	shalt  }
0x57: {  	_ =	shalt  }
0x58: {  	_ =	shalt  }
0x59: {  	_ =	shalt  }
0x5a: {  	_ =	shalt  }
0x5b: {  	_ =	shalt  }
0x5c: {  	_ =	shalt  }
0x5d: {  	_ =	shalt  }
0x5e: {  	_ =	shalt  }
0x5f: {  	_ =	shalt  }
0x60: {  	_ =	shalt  }
0x61: {  	_ =	shalt  }
0x62: {  	_ =	shalt  }
0x63: {  	_ =	shalt  }
0x64: {  	_ =	shalt  }
0x65: {  	_ =	shalt  }
0x66: {  	_ =	shalt  }
0x67: {  	_ =	shalt  }
0x68: {  	_ =	shalt  }
0x69: {  	_ =	shalt  }
0x6a: {  	_ =	shalt  }
0x6b: {  	_ =	shalt  }
0x6c: {  	_ =	shalt  }
0x6d: {  	_ =	shalt  }
0x6e: {  	_ =	shalt  }
0x6f: {  	_ =	shalt  }
0x70: {  	_ =	shalt  }
0x71: {  	_ =	shalt  }
0x72: {  	_ =	shalt  }
0x73: {  	_ =	shalt  }
0x74: {  	_ =	shalt  }
0x75: {  	_ =	shalt  }
0x76: {  	_ =	shalt  }
0x77: {  	_ =	shalt  }
0x78: {  	_ =	shalt  }
0x79: {  	_ =	shalt  }
0x7a: {  	_ =	shalt  }
0x7b: {  	_ =	shalt  }
0x7c: {  	_ =	shalt  }
0x7d: {  	_ =	shalt  }
0x7e: {  	_ =	shalt  }
0x7f: {  	_ =	shalt  }
0x80: {  	_ =	shalt  }
0x81: {  	_ =	shalt  }
0x82: {  	_ =	shalt  }
0x83: {  	_ =	shalt  }
0x84: {  	_ =	shalt  }
0x85: {  	_ =	shalt  }
0x86: {  	_ =	shalt  }
0x87: {  	_ =	shalt  }
.Lfunc_end0:
.L_simem_size_0:
called_computation_lowered:
.L_overlay_start_0:
0x88: {  	s2 =	sld [smem:$0x3FD9]  }
0x89: {  	s3 =	sld [smem:$0x3FFE];
	_ =	sdelay $0x1  }
0x8a: {  	s1 =	srdreg.scid  }
0x8b: {  	s0 =	sand.u32 $0x1, s1  }
0x8c: {  	s17 =	sshll.u32 s0, $0xA;
	s2 =	sadd.s32 s3, s2  }
0x8d: {  	s2 =	sadd.s32 s2, s17  }
0x8e: {  	[smem:$0x3FC4] =	sst s2  }
0x8f: {  	_ = 	snop  }
0x90: {  	s2 =	sld [smem:$0x3FD0];
	(tm) =	ssettm $0x1  }
0x91: {  	s18 =	sld [smem:$0x3FFB];
	_ =	sdelay $0x3  }
0x92: {  	_ =	strace s18  }
0x93: {  	s3 =	sld [smem:$0x3FFC];
	_ =	sdelay $0x3  }
0x94: {  	_ =	strace s3  }
0x95: {  	s3 =	sld [smem:$0x3FFD];
	_ =	sdelay $0x3  }
0x96: {  	_ =	strace s3  }
0x97: {  	_ =	strace $0x8FFFFFFF  }
0x98: {  	s19 =	sld [smem:$0x3FDB];
	_ =	sdelay $0x1  }
0x99: {  	s4 =	simm.s32 $_scs_section_size  }
0x9a: {  	s5 =	simm.s32 $_size__tile_overlayer_lowered;
	s6 =	simm.s32 $_tile_overlayer_lowered  }
0x9b: {  	s22 =	simm.s32 $0x1BFF;
	s21 =	sshll.u32 s6, $0x1;
	s3 =	sadd.s32 s4, s19  }
0x9c: {  	s7 =	simm.s32 $0x0;
	s20 =	sshll.u32 s5, $0x1;
	s5 =	sadd.s32 s21, s3  }
0x9d: {  	[timem:s7], [sflag:s22] =	dma.local [hbm:s5], s20  }
0x9e: {  	_ =	swait.ge [sflag:s22], s20  }
0x9f: {  	s4 =	ssub.s32 $0x0, s20;
	[sflag:s22] =	ssyncset.done $0x0  }
0xa0: {  	[sflag:s22] =	ssyncadd.s32 s4;
	_ =	sdelay $0x1  }
0xa1: {  	s23 =	simm.s32 $0x1B8B  }
0xa2: {  	_ =	swait.ge [sflag:s23], $0x1  }
0xa3: {  	[sflag:s23] =	ssyncset.done $0x0  }
0xa4: {  	s25 =	simm.s32 $0x1B8E;
	s24 =	sld [smem:$0x3FFE];
	[sflag:s23] =	ssyncadd.s32 $0xFFFFFFFF  }
0xa5: {  	s26 =	simm.s32 $execute0_lowered;
	[smem:$0x3FD2] =	sst s25  }
0xa6: {  	s5 =	sshll.u32 s26, $0x1;
	_ =	strace $0x80000046;
	[dreg:$0x1] =	wrdreg $0xFFFFFFFF  }
0xa7: {  	s28 =	simm.s32 $_size_execute0_lowered;
	s3 =	sadd.s32 s3, s5;
	[dreg:$0x0] =	wrdreg $0x0  }
0xa8: {  	s5 =	sshll.u32 s28, $0x1;
	[dreg:$0x2] =	wrdreg s3  }
0xa9: {  	[dreg:$0x3] =	wrdreg s5  }
0xaa: {  	[dreg:$0x4] =	wrdreg $0xC0  }
0xab: {  	_ =	task [dreg:s7], $0x5FFFF  }
0xac: {  	[dreg:$0x1] =	wrdreg $0xFFFFFFFF  }
0xad: {  	[dreg:$0x0] =	wrdreg $0x60  }
0xae: {  	[dreg:$0x2] =	wrdreg s2  }
0xaf: {  	[dreg:$0x3] =	wrdreg s24  }
0xb0: {  	[dreg:$0x4] =	wrdreg $0x37000  }
0xb1: {  	[dreg:$0x5] =	wrdreg $0x9  }
0xb2: {  	_ =	task.clear_ibuf [dreg:s7], $0x6FFFF;
	_ =	strace $0x90000046  }
0xb3: {  	s29 =	simm.s32 $0x9;
	_ =	strace $0x80000048  }
0xb4: {  	_ =	swait.ge [sflag:s29], $0x1  }
0xb5: {  	[sflag:s29] =	ssyncadd.s32 $0xFFFFFFFF  }
0xb6: {  	_ =	strace $0x90000048  }
0xb7: {  	_ =	sfence  }
0xb8: {  	s30 =	sld [smem:$0x0];
	_ =	sdelay $0x2  }
0xb9: {  	s31 =	sshll.u32 s1, $0xD;
	s1 =	sshrl.u32 s1, $0x2  }
0xba: {  	s3 =	sand.u32 $0x4000, s31;
	s1 =	sadd.s32 s1, s30  }
0xbb: {  	s0 =	sor.u32 s3, s0;
	s1 =	sshll.u32 s1, $0x11  }
0xbc: {  	s0 =	sor.u32 s1, s0  }
0xbd: {  	s0 =	sadd.s32 $0x8F2B, s0  }
0xbe: {  	[sflag:s0] =	ssyncadd.remote.s32 $0x1  }
0xbf: {  	_ =	sfence.sel $0xFFFF  }
0xc0: {  	[dreg:$0x0] =	wrdreg $0xFFFFFFFF;
	(pc) =	sbr.abs _section_cstart, $3  }
0xc1: {  	[dreg:$0x1] =	wrdreg $0xFFFFFFFF  }
0xc2: {  	_ =	task.clear_ibuf [dreg:s7], $0x2FFFF;
	_ =	strace $0x9FFFFFFF  }
0xc3: {  	(tm) =	ssettm $0x7FFFFFFF  }
tec
execute0_lowered:
.L_overlay_start_1:
0x0: {  	(tag) =	ssettag $0x1  }
0x1: {  	s5 =	rddreg [dreg:$0x0]  }
0x2: {  	s4 =	rddreg [dreg:$0x1];
	s1 =	srdreg.scid  }
0x3: {  	s0 =	stileid.u32;
	s2 =	rddreg [dreg:$0x2];
	s3 =	simm.s32 $0x0  }
0x4: {  	s11 =	simm.s32 $0x3400;
	s6 =	sand.u32 $0x1, s1;
	s1 =	rddreg [dreg:$0x3]  }
0x5: {  	s14 =	simm.s32 $0x0;
	s7 =	smul.u32 $0x280, s0;
	[smem:$0x7FF] =	sst s3  }
0x6: {  	s12 =	sshll.u32 s0, $0x6;
	s8 =	smul.u32 $0x2800, s6;
	s9 =	sshll.u32 s6, $0x4  }
0x7: {  	s6 =	ssub.s32 $0x2, s6;
	_ =	strace $0x80000047;
	s9 =	sor.u32 s0, s9  }
0x8: {  	s10 =	sshrl.u32 s6, $0x1;
	s8 =	sadd.s32 s7, s8;
	s9 =	smul.u32 $0x680, s9  }
0x9: {  	s12 =	sor.u32 $0x1C01, s12;
	s10 =	ssub.s32 s6, s10;
	s8 =	sshrl.u32 s8, $0x3  }
0xa: {  	s8 =	sadd.s32 s8, s4;
	s4 =	sadd.s32 s7, s2;
	s5 =	sadd.s32 s5, s9  }
0xb: {  	s7 =	smax.u32 s10, $0x1;
	s9 =	simm.s32 $0x1;
	s10 =	simm.s32 $0x64  }
0xc: {  	v0 =	vimm.f32 $0.0e+00;
	v1 =	vimm.f32 $1.000000000e+00;
	s6 =	sadd.s32 $0x2E00, s8;
	s8 =	simm.s32 $0x3480;
	s13 =	sshrl.u32 s4, $0x3  }
.LBB2_1:
0xd: {  	[tilespmem:$0x3480] =	vst v0  }
0xe: {  	[tilespmem:$0x3490] =	vst v0  }
0xf: {  	[tilespmem:$0x34A0] =	vst v0  }
0x10: {  	[tilespmem:$0x34B0] =	vst v0  }
0x11: {  	[tilespmem:$0x34C0] =	vst v0  }
0x12: {  	[tilespmem:$0x34D0] =	vst v0  }
0x13: {  	[tilespmem:$0x34E0] =	vst v0  }
0x14: {  	[tilespmem:$0x34F0] =	vst v0  }
0x15: {  	[tilespmem:$0x3500] =	vst v0  }
0x16: {  	[tilespmem:$0x3510] =	vst v0  }
0x17: {  	[tilespmem:$0x3520] =	vst v0  }
0x18: {  	[tilespmem:$0x3530] =	vst v0  }
0x19: {  	[tilespmem:$0x3540] =	vst v0  }
0x1a: {  	[tilespmem:$0x3550] =	vst v0  }
0x1b: {  	[tilespmem:$0x3560] =	vst v0  }
0x1c: {  	[tilespmem:$0x3570] =	vst v0  }
0x1d: {  	[tilespmem:$0x3580] =	vst v0  }
0x1e: {  	[tilespmem:$0x3590] =	vst v0  }
0x1f: {  	[tilespmem:$0x35A0] =	vst v0  }
0x20: {  	[tilespmem:$0x35B0] =	vst v0  }
0x21: {  	[tilespmem:$0x35C0] =	vst v0  }
0x22: {  	[tilespmem:$0x35D0] =	vst v0  }
0x23: {  	[tilespmem:$0x35E0] =	vst v0  }
0x24: {  	[tilespmem:$0x35F0] =	vst v0  }
0x25: {  	[tilespmem:$0x3600] =	vst v0  }
0x26: {  	[tilespmem:$0x3610] =	vst v0  }
0x27: {  	[tilespmem:$0x3620] =	vst v0  }
0x28: {  	[tilespmem:$0x3630] =	vst v0  }
0x29: {  	[tilespmem:$0x3640] =	vst v0  }
0x2a: {  	[tilespmem:$0x3650] =	vst v0  }
0x2b: {  	[tilespmem:$0x3660] =	vst v0  }
0x2c: {  	[tilespmem:$0x3670] =	vst v0  }
0x2d: {  	[tilespmem:$0x3680] =	vst v0  }
0x2e: {  	[tilespmem:$0x3690] =	vst v0  }
0x2f: {  	[tilespmem:$0x36A0] =	vst v0  }
0x30: {  	[tilespmem:$0x36B0] =	vst v0  }
0x31: {  	[tilespmem:$0x36C0] =	vst v0  }
0x32: {  	[tilespmem:$0x36D0] =	vst v0  }
0x33: {  	[tilespmem:$0x36E0] =	vst v0  }
0x34: {  	[tilespmem:$0x36F0] =	vst v0  }
0x35: {  	[spmem:s4] =	stream.linear.scatter [tilespmem:s8], [sflag:$0x1], $0x280, $0x38;
	[tilespmem:$0x3980] =	vst v63  }
0x36: {  	_ =	swait.ge [sflag:s9], $0x280  }
0x37: {  	[sflag:s9] =	ssyncset.done $0x0  }
0x38: {  	[sflag:s9] =	ssyncadd.s32 $0xFFFFFD80  }
0x39: {  	[tilespmem:$0x3400] =	vst v1  }
0x3a: {  	[tilespmem:$0x3410] =	vst v1  }
0x3b: {  	[tilespmem:$0x3420] =	vst v1  }
0x3c: {  	[tilespmem:$0x3430] =	vst v1  }
0x3d: {  	[tilespmem:$0x3440] =	vst v1  }
0x3e: {  	[tilespmem:$0x3450] =	vst v1  }
0x3f: {  	[tilespmem:$0x3460] =	vst v1  }
0x40: {  	[tilespmem:$0x3470] =	vst v1  }
0x41: {  	[tilespmem:s3], [sflag:$0x1] =	stream.linear.gather [hbm4b:s5+s3], $0x3200, $0x38;
	[tilespmem:$0x3980] =	vst v63  }
0x42: {  	_ =	swait.ge [sflag:s9], $0x3200  }
0x43: {  	[sflag:s9] =	ssyncset.done $0x0  }
0x44: {  	[sflag:s9] =	ssyncadd.s32 $0xFFFFCE00  }
0x45: {  	s15 =	simm.s32 $0x0;
	[bflag:$0x0] =	sbarrier.arrive $0xFFFF  }
0x46: {  	[spmem:s2] =	stream.indirect.scatter.add.f32 [tilespmem:s11], [sflag:$0x1], $0x1, s15, s10, $0xb8;
	[tilespmem:$0x3980] =	vst v63  }
0x47: {  	_ =	swait.ge [sflag:s9], $0x64  }
0x48: {  	s15 =	simm.s32 $0x200;
	[sflag:s9] =	ssyncset.done $0x0  }
.LBB2_2:
0x49: {  	s16 =	sshra.s32 s15, $0x2;
	[sflag:s9] =	ssyncadd.s32 $0xFFFFFF9C;
	p0 =	sne.s32 s15, $0xC600  }
0x4a: {  	[spmem:s2] =	stream.indirect.scatter.add.f32 [tilespmem:s11], [sflag:$0x1], $0x1, s16, s10, $0xb8;
	[tilespmem:$0x3980] =	vst v63  }
.Ltmp0:
0x4b: {  	_ = 	snop;
	(pc) =	sbr.rel @p0 .LBB2_2-.Ltmp0, $4  }
0x4c: {  	_ = 	snop  }
0x4d: {  	s15 =	sadd.s32 $0x200, s15  }
0x4e: {  	_ =	swait.ge [sflag:s9], $0x64  }
0x4f: {  	[sflag:s9] =	ssyncset.done $0x0  }
0x50: {  	s14 =	sadd.s32 $0x1, s14  }
0x51: {  	[sflag:s9] =	ssyncadd.s32 $0xFFFFFF9C;
	p0 =	sne.s32 s14, s7  }
.Ltmp1:
0x52: {  	[bflag:$0x0] =	sbarrier.arrive $0xFFFF;
	(pc) =	sbr.rel @p0 .LBB2_1-.Ltmp1, $4  }
0x53: {  	[hbm:s6], [sflag:s12] =	dma.local [spmem:s13], $0x50  }
0x54: {  	_ =	swait.ge [sflag:s9], $0x50  }
0x55: {  	[sflag:s9] =	ssyncset.done $0x0  }
0x56: {  	[sflag:s9] =	ssyncadd.s32 $0xFFFFFFB0  }
0x57: {  	_ =	sfence.sel $0x180000  }
0x58: {  	[bflag:$0x0] =	sbarrier.arrive $0xFFFF  }
0x59: {  	p0 =	sne.s32 s0, $0x0;
	_ =	strace $0x90000047  }
0x5a: {  	s0 =	sadd.s32 @!p0 $0x100000, s1;
	[bflag:$0x2] =	sbarrier.arrive $0xFFFF  }
0x5b: {  	[sflag:s0] =	ssyncadd.tile.s32 @!p0 $0x1;
	_ =	shalt  }
.Lfunc_end2:
_tile_overlayer_lowered:
.L_overlay_start_2:
0x5c: {  	(tag) =	ssettag $0x2  }
0x5d: {  	s0 =	rddreg [dreg:$0x0];
	s2 =	stileid.u32  }
0x5e: {  	s1 =	rddreg [dreg:$0x1];
	p0 =	sne.s32 s2, $0x0  }
0x5f: {  	s3 =	rddreg [dreg:$0x2];
	[bflag:$0x3] =	sbarrier.arrive $0xFFFF;
	s2 =	simm.s32 @!p0 $0x1C01  }
0x60: {  	[timem:s3], [sflag:s2] =	dma.local @!p0 [hbm:s0], s1  }
0x61: {  	s0 =	simm.s32 @!p0 $0x1  }
0x62: {  	_ =	swait.ge @!p0 [sflag:s0], s1  }
0x63: {  	s1 =	ssub.s32 @!p0 $0x0, s1;
	[sflag:s0] =	ssyncset.done @!p0 $0x0  }
0x64: {  	[sflag:s0] =	ssyncadd.s32 @!p0 s1  }
0x65: {  	[bflag:$0x3] =	sbarrier.arrive $0xFFFF  }
0x66: {  	_ =	shalt  }

// kernel: kernel.13.cloned.1.call-start
scs
__scs_entry_jumppad:
0x0: {  	(pc) =	sbr.rel $0x88, $3  }
0x1: {  	(tag) =	ssettag $0x0;
	lr =	simm.s32 $0x1  }
0x2: {  	[smem:$0x3F9D] =	sst lr;
	_ =	strace $0xD0000000  }
0x3: {  	_ = 	snop  }
0x4: {  	_ = 	snop  }
0x5: {  	_ = 	snop  }
0x6: {  	_ = 	snop  }
0x7: {  	_ = 	snop  }
__scs_overlays_trampoline_lowered:
0x8: {  	[smem:$0x3FAC] =	sst s0  }
0x9: {  	[smem:$0x3FAD] =	sst s1  }
0xa: {  	[smem:$0x3FAE] =	sst s2  }
0xb: {  	[smem:$0x3FAF] =	sst s3  }
0xc: {  	[smem:$0x3FB0] =	sst s4  }
0xd: {  	[smem:$0x3FB1] =	sst s5  }
0xe: {  	[smem:$0x3FB2] =	sst s6  }
0xf: {  	[smem:$0x3FB3] =	sst s7  }
0x10: {  	[smem:$0x3FB4] =	sst s8  }
0x11: {  	[smem:$0x3FB5] =	sst s9;
	s0 =	simm.s32 @!p0 $0x0  }
0x12: {  	s1 =	sld [smem:$0x3F9B];
	s0 =	simm.s32 @p0 $0x1  }
0x13: {  	[smem:$0x3FB6] =	sst s0;
	s0 =	simm.s32 @!p1 $0x0  }
0x14: {  	s2 =	sld [smem:$0x3F9A];
	s0 =	simm.s32 @p1 $0x1  }
0x15: {  	[smem:$0x3FB7] =	sst s0;
	s0 =	simm.s32 @!p2 $0x0  }
0x16: {  	s3 =	sld [smem:$0x3FDB];
	s0 =	simm.s32 @p2 $0x1  }
0x17: {  	s4 =	simm.s32 $0x1BF5;
	[smem:$0x3FB9] =	sst s0  }
0x18: {  	s0 =	sld [smem:$0x3F9C];
	_ =	swait.ge [sflag:s4], $0x0  }
0x19: {  	s7 =	sld [smem:$0x3F9D]  }
0x1a: {  	s8 =	sadd.s32 $0xFFFFE003, lr  }
0x1b: {  	s9 =	sadd.s32 $0xFFFFFEF7, lr;
	s5 =	simm.s32 $0xFFFFFFFF;
	p2 =	slt.u32 s8, $0xFFFFF086  }
0x1c: {  	p1 =	slt.u32 s9, $0xF7A;
	s5 =	simm.s32 @!p2 $0x0  }
0x1d: {  	s5 =	simm.s32 @p1 $0x1;
	p0 =	seq.s32 s7, s2  }
0x1e: {  	s7 =	smul.u32 @!p0 $0xF7A, s2;
	p2 =	seq.s32 @!p0 s5, $0x0  }
0x1f: {  	s9 =	smul.u32 $0xF7A, s1;
	s8 =	simm.s32 @!p0 $0x1BF5;
	p2 =	por !p2, p0  }
0x20: {  	[sflag:s8] =	ssyncset.s32 @!p0 $0xFFFFF086;
	s6 =	sadd.s32 @!p0 s3, s7;
	s7 =	simm.s32 @!p0 $0x108  }
0x21: {  	s3 =	sadd.s32 s3, s9;
	s6 =	sadd.s32 @!p0 $0x88, s6;
	s7 =	simm.s32 @p2 $0x1082  }
0x22: {  	[simem:s7], [sflag:s8] =	dma.local @!p0 [hbm:s6], $0xF7A  }
0x23: {  	s9 =	sor.u32 $0xD0000000, s2;
	s6 =	simm.s32 $0x108;
	_ =	swait.ge @!p0 [sflag:s8], $0x0  }
0x24: {  	s3 =	sadd.s32 $0x88, s3;
	s6 =	simm.s32 @!p1 $0x1082;
	[sflag:s4] =	ssyncset.s32 $0xFFFFF086  }
0x25: {  	[simem:s6], [sflag:s4] =	dma.local [hbm:s3], $0xF7A  }
0x26: {  	[smem:$0x3F9D] =	sst s1;
	(tag) =	ssettag s2;
	_ =	strace s9  }
0x27: {  	s1 =	sld [smem:$0x3FAD]  }
0x28: {  	s2 =	sld [smem:$0x3FAE]  }
0x29: {  	s4 =	sld [smem:$0x3FB0]  }
0x2a: {  	p0 =	seq.s32 s5, $0x0;
	s5 =	sld [smem:$0x3FB1]  }
0x2b: {  	s6 =	sld [smem:$0x3FB2]  }
0x2c: {  	s7 =	sld [smem:$0x3FB3]  }
0x2d: {  	s3 =	simm.s32 $0x108;
	s8 =	sld [smem:$0x3FB4]  }
0x2e: {  	s3 =	simm.s32 @!p0 $0x1082;
	s9 =	sld [smem:$0x3FB5]  }
0x2f: {  	lr =	sadd.s32 s0, s3;
	s0 =	sld [smem:$0x3FAC]  }
0x30: {  	s3 =	sld [smem:$0x3FAF]  }
0x31: {  	[smem:$0x3FB8] =	sst s10  }
0x32: {  	s10 =	sld [smem:$0x3FB6];
	_ =	sdelay $0x3  }
0x33: {  	p0 =	seq.s32 s10, $0x1;
	s10 =	sld [smem:$0x3FB8];
	_ =	sdelay $0x3  }
0x34: {  	[smem:$0x3FB8] =	sst s10  }
0x35: {  	s10 =	sld [smem:$0x3FB7];
	_ =	sdelay $0x3  }
0x36: {  	p1 =	seq.s32 s10, $0x1;
	s10 =	sld [smem:$0x3FB8];
	_ =	sdelay $0x3  }
0x37: {  	[smem:$0x3FB8] =	sst s10  }
0x38: {  	s10 =	sld [smem:$0x3FB9]  }
0x39: {  	_ = 	snop;
	(pc) =	sbr.ind lr, $3  }
0x3a: {  	_ = 	snop  }
0x3b: {  	_ = 	snop  }
0x3c: {  	p2 =	seq.s32 s10, $0x1;
	s10 =	sld [smem:$0x3FB8]  }
0x3d: {  	_ =	shalt  }
0x3e: {  	_ =	shalt  }
0x3f: {  	_ =	shalt  }
0x40: {  	_ =	shalt  }
0x41: {  	_ =	shalt  }
0x42: {  	_ =	shalt  }
0x43: {  	_ =	shalt  }
0x44: {  	_ =	shalt  }
0x45: {  	_ =	shalt  }
0x46: {  	_ =	shalt  }
0x47: {  	_ =	shalt  }
0x48: {  	_ =	shalt  }
0x49: {  	_ =	shalt  }
0x4a: {  	_ =	shalt  }
0x4b: {  	_ =	shalt  }
0x4c: {  	_ =	shalt  }
0x4d: {  	_ =	shalt  }
0x4e: {  	_ =	shalt  }
0x4f: {  	_ =	shalt  }
0x50: {  	_ =	shalt  }
0x51: {  	_ =	shalt  }
0x52: {  	_ =	shalt  }
0x53: {  	_ =	shalt  }
0x54: {  	_ =	shalt  }
0x55: {  	_ =	shalt  }
0x56: {  	_ =	shalt  }
0x57: {  	_ =	shalt  }
0x58: {  	_ =	shalt  }
0x59: {  	_ =	shalt  }
0x5a: {  	_ =	shalt  }
0x5b: {  	_ =	shalt  }
0x5c: {  	_ =	shalt  }
0x5d: {  	_ =	shalt  }
0x5e: {  	_ =	shalt  }
0x5f: {  	_ =	shalt  }
0x60: {  	_ =	shalt  }
0x61: {  	_ =	shalt  }
0x62: {  	_ =	shalt  }
0x63: {  	_ =	shalt  }
0x64: {  	_ =	shalt  }
0x65: {  	_ =	shalt  }
0x66: {  	_ =	shalt  }
0x67: {  	_ =	shalt  }
0x68: {  	_ =	shalt  }
0x69: {  	_ =	shalt  }
0x6a: {  	_ =	shalt  }
0x6b: {  	_ =	shalt  }
0x6c: {  	_ =	shalt  }
0x6d: {  	_ =	shalt  }
0x6e: {  	_ =	shalt  }
0x6f: {  	_ =	shalt  }
0x70: {  	_ =	shalt  }
0x71: {  	_ =	shalt  }
0x72: {  	_ =	shalt  }
0x73: {  	_ =	shalt  }
0x74: {  	_ =	shalt  }
0x75: {  	_ =	shalt  }
0x76: {  	_ =	shalt  }
0x77: {  	_ =	shalt  }
0x78: {  	_ =	shalt  }
0x79: {  	_ =	shalt  }
0x7a: {  	_ =	shalt  }
0x7b: {  	_ =	shalt  }
0x7c: {  	_ =	shalt  }
0x7d: {  	_ =	shalt  }
0x7e: {  	_ =	shalt  }
0x7f: {  	_ =	shalt  }
0x80: {  	_ =	shalt  }
0x81: {  	_ =	shalt  }
0x82: {  	_ =	shalt  }
0x83: {  	_ =	shalt  }
0x84: {  	_ =	shalt  }
0x85: {  	_ =	shalt  }
0x86: {  	_ =	shalt  }
0x87: {  	_ =	shalt  }
.Lfunc_end0:
.L_simem_size_0:
called_computation.1_lowered:
.L_overlay_start_0:
0x88: {  	s2 =	sld [smem:$0x3FD9]  }
0x89: {  	s3 =	sld [smem:$0x3FFE];
	_ =	sdelay $0x1  }
0x8a: {  	s1 =	srdreg.scid  }
0x8b: {  	s0 =	sand.u32 $0x1, s1  }
0x8c: {  	s17 =	sshll.u32 s0, $0xA;
	s2 =	sadd.s32 s3, s2  }
0x8d: {  	s2 =	sadd.s32 s2, s17  }
0x8e: {  	[smem:$0x3FC4] =	sst s2  }
0x8f: {  	_ = 	snop  }
0x90: {  	s2 =	sld [smem:$0x3FD0];
	(tm) =	ssettm $0x1  }
0x91: {  	s18 =	sld [smem:$0x3FFB];
	_ =	sdelay $0x3  }
0x92: {  	_ =	strace s18  }
0x93: {  	s3 =	sld [smem:$0x3FFC];
	_ =	sdelay $0x3  }
0x94: {  	_ =	strace s3  }
0x95: {  	s3 =	sld [smem:$0x3FFD];
	_ =	sdelay $0x3  }
0x96: {  	_ =	strace s3  }
0x97: {  	_ =	strace $0x8FFFFFFF  }
0x98: {  	s19 =	sld [smem:$0x3FDB];
	_ =	sdelay $0x1  }
0x99: {  	s4 =	simm.s32 $_scs_section_size  }
0x9a: {  	s5 =	simm.s32 $_size__tile_overlayer_lowered;
	s6 =	simm.s32 $_tile_overlayer_lowered  }
0x9b: {  	s22 =	simm.s32 $0x1BFF;
	s21 =	sshll.u32 s6, $0x1;
	s3 =	sadd.s32 s4, s19  }
0x9c: {  	s7 =	simm.s32 $0x0;
	s20 =	sshll.u32 s5, $0x1;
	s5 =	sadd.s32 s21, s3  }
0x9d: {  	[timem:s7], [sflag:s22] =	dma.local [hbm:s5], s20  }
0x9e: {  	_ =	swait.ge [sflag:s22], s20  }
0x9f: {  	s4 =	ssub.s32 $0x0, s20;
	[sflag:s22] =	ssyncset.done $0x0  }
0xa0: {  	[sflag:s22] =	ssyncadd.s32 s4;
	_ =	sdelay $0x1  }
0xa1: {  	s23 =	simm.s32 $0x1B8B  }
0xa2: {  	_ =	swait.ge [sflag:s23], $0x1  }
0xa3: {  	[sflag:s23] =	ssyncset.done $0x0  }
0xa4: {  	s25 =	simm.s32 $0x1B8E;
	s24 =	sld [smem:$0x3FFE];
	[sflag:s23] =	ssyncadd.s32 $0xFFFFFFFF  }
0xa5: {  	s26 =	simm.s32 $execute0_lowered;
	[smem:$0x3FD2] =	sst s25  }
0xa6: {  	s5 =	sshll.u32 s26, $0x1;
	_ =	strace $0x80000049;
	[dreg:$0x1] =	wrdreg $0xFFFFFFFF  }
0xa7: {  	s28 =	simm.s32 $_size_execute0_lowered;
	s3 =	sadd.s32 s3, s5;
	[dreg:$0x0] =	wrdreg $0x0  }
0xa8: {  	s5 =	sshll.u32 s28, $0x1;
	[dreg:$0x2] =	wrdreg s3  }
0xa9: {  	[dreg:$0x3] =	wrdreg s5  }
0xaa: {  	[dreg:$0x4] =	wrdreg $0xC0  }
0xab: {  	_ =	task [dreg:s7], $0x5FFFF  }
0xac: {  	[dreg:$0x1] =	wrdreg $0xFFFFFFFF  }
0xad: {  	[dreg:$0x0] =	wrdreg $0x60  }
0xae: {  	[dreg:$0x2] =	wrdreg s2  }
0xaf: {  	[dreg:$0x3] =	wrdreg s24  }
0xb0: {  	[dreg:$0x4] =	wrdreg $0xBC000  }
0xb1: {  	[dreg:$0x5] =	wrdreg $0x9  }
0xb2: {  	_ =	task.clear_ibuf [dreg:s7], $0x6FFFF;
	_ =	strace $0x90000049  }
0xb3: {  	s29 =	simm.s32 $0x9;
	_ =	strace $0x8000004B  }
0xb4: {  	_ =	swait.ge [sflag:s29], $0x1  }
0xb5: {  	[sflag:s29] =	ssyncadd.s32 $0xFFFFFFFF  }
0xb6: {  	_ =	strace $0x9000004B  }
0xb7: {  	_ =	sfence  }
0xb8: {  	s30 =	sld [smem:$0x0];
	_ =	sdelay $0x2  }
0xb9: {  	s31 =	sshll.u32 s1, $0xD;
	s1 =	sshrl.u32 s1, $0x2  }
0xba: {  	s3 =	sand.u32 $0x4000, s31;
	s1 =	sadd.s32 s1, s30  }
0xbb: {  	s0 =	sor.u32 s3, s0;
	s1 =	sshll.u32 s1, $0x11  }
0xbc: {  	s0 =	sor.u32 s1, s0  }
0xbd: {  	s0 =	sadd.s32 $0x8F2B, s0  }
0xbe: {  	[sflag:s0] =	ssyncadd.remote.s32 $0x1  }
0xbf: {  	_ =	sfence.sel $0xFFFF  }
0xc0: {  	[dreg:$0x0] =	wrdreg $0xFFFFFFFF;
	(pc) =	sbr.abs _section_cstart, $3  }
0xc1: {  	[dreg:$0x1] =	wrdreg $0xFFFFFFFF  }
0xc2: {  	_ =	task.clear_ibuf [dreg:s7], $0x2FFFF;
	_ =	strace $0x9FFFFFFF  }
0xc3: {  	(tm) =	ssettm $0x7FFFFFFF  }
tec
execute0_lowered:
.L_overlay_start_1:
0x0: {  	(tag) =	ssettag $0x1  }
0x1: {  	s1 =	rddreg [dreg:$0x0]  }
0x2: {  	s0 =	rddreg [dreg:$0x1]  }
0x3: {  	s3 =	rddreg [dreg:$0x2];
	s4 =	simm.s32 $0x0  }
0x4: {  	s11 =	stileid.u32;
	s2 =	srdreg.scid;
	s30 =	simm.s32 $0x3  }
0x5: {  	s31 =	simm.s32 $0x1;
	[smem:$0x7FF] =	sst s4;
	s7 =	smul.u32 $0x4E000, s11  }
0x6: {  	s5 =	sadd.s32 $0x17800, s0;
	s6 =	sadd.s32 $0x3800, s0;
	s2 =	sand.u32 $0x1, s2  }
0x7: {  	s0 =	sadd.s32 $0x2B800, s0;
	s21 =	smul.u32 $0x13800, s11;
	s22 =	sadd.s32 $0x129800, s3  }
0x8: {  	s12 =	sadd.s32 $0x127000, s3;
	s23 =	sadd.s32 $0x12C000, s3;
	s24 =	sadd.s32 $0x12E800, s3  }
0x9: {  	p0 =	seq.s32 s11, $0xF;
	s28 =	sadd.s32 $0x133800, s3;
	s29 =	sadd.s32 $0x136000, s3  }
0xa: {  	_ =	strace $0x8000004A;
	s8 =	ssub.s32 $0x2, s2;
	[dreg:$0xb] =	wrdreg s12  }
0xb: {  	s10 =	sshll.u32 s2, $0x4;
	[dreg:$0xc] =	wrdreg s22;
	s7 =	sshrl.u32 s7, $0x2  }
0xc: {  	s2 =	smul.u32 $0x138800, s2;
	[dreg:$0xd] =	wrdreg s23;
	s7 =	sadd.s32 s7, s3  }
0xd: {  	[dreg:$0xe] =	wrdreg s24;
	s9 =	sshrl.u32 s8, $0x1;
	s14 =	sadd.s32 $0x2800, s7  }
0xe: {  	s13 =	sor.u32 s11, s10;
	s15 =	sadd.s32 $0x5000, s7;
	[dreg:$0x4] =	wrdreg s14  }
0xf: {  	s8 =	ssub.s32 s8, s9;
	s16 =	sadd.s32 $0x7800, s7;
	[dreg:$0x5] =	wrdreg s15  }
0x10: {  	s25 =	sadd.s32 s21, s2;
	s17 =	sadd.s32 $0xA000, s7;
	[dreg:$0x6] =	wrdreg s16  }
0x11: {  	s2 =	sshrl.u32 s2, $0x3;
	s18 =	sadd.s32 $0xC800, s7;
	[dreg:$0x7] =	wrdreg s17  }
0x12: {  	s19 =	sadd.s32 $0xF000, s7;
	s20 =	sadd.s32 $0x11800, s7;
	[dreg:$0x8] =	wrdreg s18  }
0x13: {  	s9 =	sshrl.u32 s25, $0x3;
	s25 =	smax.u32 s8, $0x1;
	[dreg:$0x9] =	wrdreg s19  }
0x14: {  	[dreg:$0xa] =	wrdreg s20;
	s15 =	sadd.s32 $0x124800, s3;
	s18 =	smul.u32 $0x5000, s13  }
0x15: {  	s21 =	sadd.s32 s0, s9;
	s0 =	sadd.s32 s0, s2;
	s2 =	simm.s32 $0x2  }
0x16: {  	s24 =	sadd.s32 $0x24900, s0;
	s0 =	simm.s32 $0x64;
	s26 =	sshrl.u32 s18, $0x3  }
0x17: {  	v0 =	vimm.f32 $0.0e+00;
	s22 =	sadd.s32 s5, s26;
	s23 =	sadd.s32 s6, s26;
	s26 =	sadd.s32 $0x131000, s3  }
.LBB2_1:
0x18: {  	s8 =	simm.s32 $0x0;
	s9 =	simm.s32 $0x200  }
.LBB2_2:
0x19: {  	p1 =	sne.s32 s9, $0x9E00;
	[tilespmem:s8+$0x2070] =	vst v0  }
0x1a: {  	[tilespmem:s8+$0x2000] =	vst v0  }
0x1b: {  	[tilespmem:s8+$0x2010] =	vst v0  }
.Ltmp0:
0x1c: {  	[tilespmem:s8+$0x2020] =	vst v0;
	(pc) =	sbr.rel @p1 .LBB2_2-.Ltmp0, $4  }
0x1d: {  	[tilespmem:s8+$0x2030] =	vst v0  }
0x1e: {  	[tilespmem:s8+$0x2040] =	vst v0  }
0x1f: {  	[tilespmem:s8+$0x2050] =	vst v0  }
0x20: {  	[tilespmem:s8+$0x2060] =	vst v0;
	s8 =	sshra.s32 s9, $0x2;
	s9 =	sadd.s32 $0x200, s9  }
0x21: {  	[tilespmem:s8+$0x2070] =	vst v0  }
0x22: {  	[tilespmem:s8+$0x2000] =	vst v0  }
0x23: {  	[tilespmem:s8+$0x2010] =	vst v0  }
0x24: {  	[tilespmem:s8+$0x2020] =	vst v0  }
0x25: {  	[tilespmem:s8+$0x2030] =	vst v0  }
0x26: {  	[tilespmem:s8+$0x2040] =	vst v0  }
0x27: {  	[tilespmem:s8+$0x2050] =	vst v0  }
0x28: {  	[tilespmem:s8+$0x2060] =	vst v0;
	s8 =	simm.s32 @p0 $0x2000;
	s9 =	simm.s32 @p0 $0x3  }
0x29: {  	[spmem:s15] =	stream.linear.scatter @p0 [tilespmem:s8], [sflag:$0x3], $0x2800, $0x38;
	[tilespmem:$0x1F480] =	vst v63  }
0x2a: {  	_ =	swait.ge @p0 [sflag:s9], $0x2800  }
0x2b: {  	[sflag:s9] =	ssyncset.done @p0 $0x0  }
0x2c: {  	s10 =	rddreg [dreg:$0xb];
	[sflag:s9] =	ssyncadd.s32 @p0 $0xFFFFD800  }
0x2d: {  	[spmem:s10] =	stream.linear.scatter @p0 [tilespmem:s8], [sflag:$0x3], $0x2800, $0x38;
	[tilespmem:$0x1F480] =	vst v63  }
0x2e: {  	_ =	swait.ge @p0 [sflag:s9], $0x2800  }
0x2f: {  	[sflag:s9] =	ssyncset.done @p0 $0x0  }
0x30: {  	s10 =	rddreg [dreg:$0xc];
	[sflag:s9] =	ssyncadd.s32 @p0 $0xFFFFD800  }
0x31: {  	[spmem:s10] =	stream.linear.scatter @p0 [tilespmem:s8], [sflag:$0x3], $0x2800, $0x38;
	[tilespmem:$0x1F480] =	vst v63  }
0x32: {  	_ =	swait.ge @p0 [sflag:s9], $0x2800  }
0x33: {  	[sflag:s9] =	ssyncset.done @p0 $0x0  }
0x34: {  	s10 =	rddreg [dreg:$0xd];
	[sflag:s9] =	ssyncadd.s32 @p0 $0xFFFFD800  }
0x35: {  	[spmem:s10] =	stream.linear.scatter @p0 [tilespmem:s8], [sflag:$0x3], $0x2800, $0x38;
	[tilespmem:$0x1F480] =	vst v63  }
0x36: {  	_ =	swait.ge @p0 [sflag:s9], $0x2800  }
0x37: {  	[sflag:s9] =	ssyncset.done @p0 $0x0  }
0x38: {  	s10 =	rddreg [dreg:$0xe];
	[sflag:s9] =	ssyncadd.s32 @p0 $0xFFFFD800  }
0x39: {  	[spmem:s10] =	stream.linear.scatter @p0 [tilespmem:s8], [sflag:$0x3], $0x2800, $0x38;
	[tilespmem:$0x1F480] =	vst v63  }
0x3a: {  	_ =	swait.ge @p0 [sflag:s9], $0x2800  }
0x3b: {  	[sflag:s9] =	ssyncset.done @p0 $0x0  }
0x3c: {  	[sflag:s9] =	ssyncadd.s32 @p0 $0xFFFFD800  }
0x3d: {  	[spmem:s26] =	stream.linear.scatter @p0 [tilespmem:s8], [sflag:$0x3], $0x2800, $0x38;
	[tilespmem:$0x1F480] =	vst v63  }
0x3e: {  	_ =	swait.ge @p0 [sflag:s9], $0x2800  }
0x3f: {  	[sflag:s9] =	ssyncset.done @p0 $0x0  }
0x40: {  	[sflag:s9] =	ssyncadd.s32 @p0 $0xFFFFD800  }
0x41: {  	[spmem:s28] =	stream.linear.scatter @p0 [tilespmem:s8], [sflag:$0x3], $0x2800, $0x38;
	[tilespmem:$0x1F480] =	vst v63  }
0x42: {  	_ =	swait.ge @p0 [sflag:s9], $0x2800  }
0x43: {  	[sflag:s9] =	ssyncset.done @p0 $0x0  }
0x44: {  	[sflag:s9] =	ssyncadd.s32 @p0 $0xFFFFD800  }
0x45: {  	[spmem:s29] =	stream.linear.scatter @p0 [tilespmem:s8], [sflag:$0x3], $0x2800, $0x38;
	[tilespmem:$0x1F480] =	vst v63  }
0x46: {  	_ =	swait.ge @p0 [sflag:s9], $0x2800  }
0x47: {  	[sflag:s9] =	ssyncset.done @p0 $0x0  }
0x48: {  	s8 =	simm.s32 @!p0 $0x2000;
	[sflag:s9] =	ssyncadd.s32 @p0 $0xFFFFD800;
	s9 =	simm.s32 @!p0 $0x3  }
0x49: {  	[spmem:s7] =	stream.linear.scatter @!p0 [tilespmem:s8], [sflag:$0x3], $0x2800, $0x38;
	[tilespmem:$0x1F480] =	vst v63  }
0x4a: {  	_ =	swait.ge @!p0 [sflag:s9], $0x2800  }
0x4b: {  	[sflag:s9] =	ssyncset.done @!p0 $0x0  }
0x4c: {  	s10 =	rddreg [dreg:$0x4];
	[sflag:s9] =	ssyncadd.s32 @!p0 $0xFFFFD800  }
0x4d: {  	[spmem:s10] =	stream.linear.scatter @!p0 [tilespmem:s8], [sflag:$0x3], $0x2800, $0x38;
	[tilespmem:$0x1F480] =	vst v63  }
0x4e: {  	_ =	swait.ge @!p0 [sflag:s9], $0x2800  }
0x4f: {  	[sflag:s9] =	ssyncset.done @!p0 $0x0  }
0x50: {  	s10 =	rddreg [dreg:$0x5];
	[sflag:s9] =	ssyncadd.s32 @!p0 $0xFFFFD800  }
0x51: {  	[spmem:s10] =	stream.linear.scatter @!p0 [tilespmem:s8], [sflag:$0x3], $0x2800, $0x38;
	[tilespmem:$0x1F480] =	vst v63  }
0x52: {  	_ =	swait.ge @!p0 [sflag:s9], $0x2800  }
0x53: {  	[sflag:s9] =	ssyncset.done @!p0 $0x0  }
0x54: {  	s10 =	rddreg [dreg:$0x6];
	[sflag:s9] =	ssyncadd.s32 @!p0 $0xFFFFD800  }
0x55: {  	[spmem:s10] =	stream.linear.scatter @!p0 [tilespmem:s8], [sflag:$0x3], $0x2800, $0x38;
	[tilespmem:$0x1F480] =	vst v63  }
0x56: {  	_ =	swait.ge @!p0 [sflag:s9], $0x2800  }
0x57: {  	[sflag:s9] =	ssyncset.done @!p0 $0x0  }
0x58: {  	s10 =	rddreg [dreg:$0x7];
	[sflag:s9] =	ssyncadd.s32 @!p0 $0xFFFFD800  }
0x59: {  	[spmem:s10] =	stream.linear.scatter @!p0 [tilespmem:s8], [sflag:$0x3], $0x2800, $0x38;
	[tilespmem:$0x1F480] =	vst v63  }
0x5a: {  	_ =	swait.ge @!p0 [sflag:s9], $0x2800  }
0x5b: {  	[sflag:s9] =	ssyncset.done @!p0 $0x0  }
0x5c: {  	s10 =	rddreg [dreg:$0x8];
	[sflag:s9] =	ssyncadd.s32 @!p0 $0xFFFFD800  }
0x5d: {  	[spmem:s10] =	stream.linear.scatter @!p0 [tilespmem:s8], [sflag:$0x3], $0x2800, $0x38;
	[tilespmem:$0x1F480] =	vst v63  }
0x5e: {  	_ =	swait.ge @!p0 [sflag:s9], $0x2800  }
0x5f: {  	[sflag:s9] =	ssyncset.done @!p0 $0x0  }
0x60: {  	s10 =	rddreg [dreg:$0x9];
	[sflag:s9] =	ssyncadd.s32 @!p0 $0xFFFFD800  }
0x61: {  	[spmem:s10] =	stream.linear.scatter @!p0 [tilespmem:s8], [sflag:$0x3], $0x2800, $0x38;
	[tilespmem:$0x1F480] =	vst v63  }
0x62: {  	_ =	swait.ge @!p0 [sflag:s9], $0x2800  }
0x63: {  	[sflag:s9] =	ssyncset.done @!p0 $0x0  }
0x64: {  	s10 =	rddreg [dreg:$0xa];
	[sflag:s9] =	ssyncadd.s32 @!p0 $0xFFFFD800  }
0x65: {  	[spmem:s10] =	stream.linear.scatter @!p0 [tilespmem:s8], [sflag:$0x3], $0x2000, $0x38;
	[tilespmem:$0x1F480] =	vst v63  }
0x66: {  	_ =	swait.ge @!p0 [sflag:s9], $0x2000  }
0x67: {  	[sflag:s9] =	ssyncset.done @!p0 $0x0  }
0x68: {  	s8 =	simm.s32 $0x0;
	[sflag:s9] =	ssyncadd.s32 @!p0 $0xFFFFE000  }
0x69: {  	[tilespmem:s8], [sflag:$0x3] =	stream.linear.gather [hbm4b:s22+s8], $0x500, $0x38;
	[tilespmem:$0x1F480] =	vst v63  }
0x6a: {  	_ =	swait.ge [sflag:s30], $0x500  }
0x6b: {  	[sflag:s30] =	ssyncset.done $0x0  }
0x6c: {  	s16 =	simm.s32 $0x1000;
	[sflag:s30] =	ssyncadd.s32 $0xFFFFFB00  }
0x6d: {  	[tilespmem:s16], [sflag:$0x3] =	stream.linear.gather [hbm4b:s23+s8], $0x500, $0x38;
	[tilespmem:$0x1F480] =	vst v63  }
0x6e: {  	_ =	swait.ge [sflag:s30], $0x500  }
0x6f: {  	[sflag:s30] =	ssyncset.done $0x0  }
0x70: {  	[sflag:s30] =	ssyncadd.s32 $0xFFFFFB00  }
0x71: {  	s17 =	simm.s32 $0x2000;
	[bflag:$0x0] =	sbarrier.arrive $0xFFFF  }
0x72: {  	[tilespmem:s17], [sflag:$0x1] =	stream.indirect.gather [hbm4b:s1+s0], $0x80, s8, s0, $0xb8;
	[tilespmem:$0x1F480] =	vst v63  }
0x73: {  	s19 =	simm.s32 $0x80;
	s20 =	simm.s32 $0x5400  }
0x74: {  	[tilespmem:s20], [sflag:$0x1] =	stream.indirect.gather [hbm4b:s1+s0], $0x80, s19, s0, $0xb8;
	[tilespmem:$0x1F480] =	vst v63  }
.LBB2_4:
0x75: {  	s10 =	sadd.s32 $0x2, s8  }
0x76: {  	s12 =	sand.u32 $0xFF, s10  }
0x77: {  	s9 =	smul.u32 $0xCD, s12;
	_ =	sdelay $0x1  }
0x78: {  	s9 =	sshrl.u32 s9, $0xB  }
0x79: {  	s11 =	smul.u32 $0xA, s9;
	_ =	sdelay $0x1  }
0x7a: {  	p1 =	sgt.u32 s8, $0x61;
	s11 =	ssub.s32 s10, s11  }
0x7b: {  	s13 =	sand.u32 @!p1 $0xFF, s11  }
0x7c: {  	p2 =	sne.s32 @!p1 s13, $0x0  }
0x7d: {  	p1 =	por p2, p1  }
0x7e: {  	s13 =	sshll.u32 @!p1 s9, $0xB  }
0x7f: {  	s14 =	sadd.s32 @!p1 s18, s13  }
0x80: {  	s16 =	sand.u32 $0xFF, s8;
	s14 =	sshrl.u32 @!p1 s14, $0x3  }
0x81: {  	s19 =	simm.s32 @!p1 $0x0;
	s13 =	sand.u32 @!p1 $0x800, s13;
	s17 =	sadd.s32 @!p1 s5, s14  }
0x82: {  	[tilespmem:s13], [sflag:$0x3] =	stream.linear.gather @!p1 [hbm4b:s17+s19], $0x500, $0x38;
	[tilespmem:$0x1F480] =	vst v63  }
0x83: {  	s20 =	simm.s32 @!p1 $0x3;
	s17 =	smul.u32 $0xAB, s16  }
0x84: {  	s14 =	sadd.s32 @!p1 s6, s14;
	_ =	swait.ge @!p1 [sflag:s20], $0x500  }
0x85: {  	s16 =	smul.u32 $0xCD, s16;
	s17 =	sshrl.u32 s17, $0x9;
	[sflag:s20] =	ssyncset.done @!p1 $0x0  }
0x86: {  	s13 =	sor.u32 @!p1 $0x1000, s13;
	s17 =	smul.u32 $0x3, s17;
	[sflag:s20] =	ssyncadd.s32 @!p1 $0xFFFFFB00  }
0x87: {  	[tilespmem:s13], [sflag:$0x3] =	stream.linear.gather @!p1 [hbm4b:s14+s19], $0x500, $0x38;
	[tilespmem:$0x1F480] =	vst v63  }
0x88: {  	s19 =	sshrl.u32 s16, $0xB;
	s17 =	ssub.s32 s8, s17  }
0x89: {  	s14 =	smul.u32 $0xA, s19;
	_ =	swait.ge @!p1 [sflag:s20], $0x500;
	s13 =	sand.u32 $0xFF, s17  }
0x8a: {  	s16 =	sand.u32 $0x800, s16;
	[sflag:s20] =	ssyncset.done @!p1 $0x0;
	s13 =	smul.u32 $0xD000, s13  }
0x8b: {  	s14 =	ssub.s32 s8, s14;
	[sflag:s20] =	ssyncadd.s32 @!p1 $0xFFFFFB00;
	p1 =	seq.s32 s8, $0x0  }
0x8c: {  	s14 =	sand.u32 $0xDF, s14;
	_ =	swait.ge [sflag:s31], $0x3200;
	p2 =	sgt.u32 @!p1 s8, $0x61  }
0x8d: {  	s13 =	sshrl.u32 s13, $0x2;
	s14 =	sshll.u32 s14, $0x7;
	[sflag:s31] =	ssyncset.done $0x0  }
0x8e: {  	p2 =	por p1, !p2;
	s13 =	sadd.s32 $0x2000, s13;
	s14 =	sor.u32 s14, s16  }
0x8f: {  	[sflag:s31] =	ssyncadd.s32 $0xFFFFCE00;
	s12 =	smul.u32 @p2 $0xAB, s12;
	s14 =	sor.u32 $0x1000, s14  }
0x90: {  	[spmem:s3] =	stream.indirect.scatter.add.f32 [tilespmem:s13], [sflag:$0x2], $0x80, s14, s0, $0xb8;
	[tilespmem:$0x1F480] =	vst v63  }
0x91: {  	s12 =	sshrl.u32 @p2 s12, $0x9  }
0x92: {  	s12 =	smul.u32 @p2 $0x3, s12  }
0x93: {  	s13 =	simm.s32 @!p1 $0x2  }
0x94: {  	_ =	swait.ge @!p1 [sflag:s13], $0x3200;
	s10 =	ssub.s32 @p2 s10, s12  }
0x95: {  	s8 =	sadd.s32 $0x1, s8;
	[sflag:s13] =	ssyncset.done @!p1 $0x0;
	s10 =	sand.u32 @p2 $0xFF, s10  }
0x96: {  	[sflag:s13] =	ssyncadd.s32 @!p1 $0xFFFFCE00;
	p1 =	sne.s32 s8, $0x64;
	s10 =	smul.u32 @p2 $0xD000, s10  }
.Ltmp1:
0x97: {  	_ = 	snop;
	(pc) =	sbr.rel @p1 .LBB2_4-.Ltmp1, $4  }
0x98: {  	s11 =	sand.u32 @p2 $0xFF, s11;
	s9 =	sshll.u32 @p2 s9, $0xB  }
0x99: {  	s9 =	sand.u32 @p2 $0x800, s9;
	s11 =	sshll.u32 @p2 s11, $0x7;
	s10 =	sshrl.u32 @p2 s10, $0x2  }
0x9a: {  	s9 =	sadd.s32 @p2 s11, s9;
	s10 =	sadd.s32 @p2 $0x2000, s10  }
0x9b: {  	[tilespmem:s10], [sflag:$0x1] =	stream.indirect.gather @p2 [hbm4b:s1+s0], $0x80, s9, s0, $0xb8;
	[tilespmem:$0x1F480] =	vst v63  }
0x9c: {  	_ =	swait.ge [sflag:s2], $0x3200  }
0x9d: {  	[sflag:s2] =	ssyncset.done $0x0  }
0x9e: {  	[sflag:s2] =	ssyncadd.s32 $0xFFFFCE00  }
0x9f: {  	s8 =	sshrl.u32 @p0 s15, $0x3;
	s9 =	simm.s32 @p0 $0x1FC3;
	[bflag:$0x0] =	sbarrier.arrive $0xFFFF  }
0xa0: {  	[hbm:s24], [sflag:s9] =	dma.local @p0 [spmem:s8], $0x2800  }
0xa1: {  	s8 =	simm.s32 @p0 $0x3  }
0xa2: {  	s4 =	sadd.s32 $0x1, s4;
	s9 =	stileid.u32;
	_ =	swait.ge @p0 [sflag:s8], $0x2800  }
0xa3: {  	p1 =	sne.s32 s4, s25;
	s9 =	sshll.u32 @!p0 s9, $0x6;
	[sflag:s8] =	ssyncset.done @p0 $0x0  }
0xa4: {  	[sflag:s8] =	ssyncadd.s32 @p0 $0xFFFFD800;
	s8 =	sor.u32 @!p0 $0x1C03, s9;
	s9 =	sshrl.u32 @!p0 s7, $0x3  }
0xa5: {  	[hbm:s21], [sflag:s8] =	dma.local @!p0 [spmem:s9], $0x2700  }
.Ltmp2:
0xa6: {  	_ = 	snop;
	(pc) =	sbr.rel @p1 .LBB2_1-.Ltmp2, $4  }
0xa7: {  	s8 =	simm.s32 @!p0 $0x3  }
0xa8: {  	_ =	swait.ge @!p0 [sflag:s8], $0x2700  }
0xa9: {  	[sflag:s8] =	ssyncset.done @!p0 $0x0  }
0xaa: {  	[sflag:s8] =	ssyncadd.s32 @!p0 $0xFFFFD900  }
0xab: {  	_ =	sfence.sel $0x180000  }
0xac: {  	[bflag:$0x0] =	sbarrier.arrive $0xFFFF  }
0xad: {  	_ =	strace $0x9000004A  }
0xae: {  	s0 =	stileid.u32;
	[bflag:$0x2] =	sbarrier.arrive $0xFFFF  }
0xaf: {  	p0 =	sne.s32 s0, $0x0;
	s0 =	rddreg [dreg:$0x3]  }
0xb0: {  	s0 =	sadd.s32 @!p0 $0x100000, s0  }
0xb1: {  	[sflag:s0] =	ssyncadd.tile.s32 @!p0 $0x1;
	_ =	shalt  }
.Lfunc_end2:
_tile_overlayer_lowered:
.L_overlay_start_2:
0xb2: {  	(tag) =	ssettag $0x2  }
0xb3: {  	s0 =	rddreg [dreg:$0x0];
	s2 =	stileid.u32  }
0xb4: {  	s1 =	rddreg [dreg:$0x1];
	p0 =	sne.s32 s2, $0x0  }
0xb5: {  	s3 =	rddreg [dreg:$0x2];
	[bflag:$0x3] =	sbarrier.arrive $0xFFFF;
	s2 =	simm.s32 @!p0 $0x1C03  }
0xb6: {  	[timem:s3], [sflag:s2] =	dma.local @!p0 [hbm:s0], s1  }
0xb7: {  	s0 =	simm.s32 @!p0 $0x3  }
0xb8: {  	_ =	swait.ge @!p0 [sflag:s0], s1  }
0xb9: {  	s1 =	ssub.s32 @!p0 $0x0, s1;
	[sflag:s0] =	ssyncset.done @!p0 $0x0  }
0xba: {  	[sflag:s0] =	ssyncadd.s32 @!p0 s1  }
0xbb: {  	[bflag:$0x3] =	sbarrier.arrive $0xFFFF  }
0xbc: {  	_ =	shalt  }

// kernel: kernel.16.cloned.1.call-start
scs
__scs_entry_jumppad:
0x0: {  	(pc) =	sbr.rel $0x88, $3  }
0x1: {  	(tag) =	ssettag $0x0;
	lr =	simm.s32 $0x1  }
0x2: {  	[smem:$0x3F9D] =	sst lr;
	_ =	strace $0xD0000000  }
0x3: {  	_ = 	snop  }
0x4: {  	_ = 	snop  }
0x5: {  	_ = 	snop  }
0x6: {  	_ = 	snop  }
0x7: {  	_ = 	snop  }
__scs_overlays_trampoline_lowered:
0x8: {  	[smem:$0x3FAC] =	sst s0  }
0x9: {  	[smem:$0x3FAD] =	sst s1  }
0xa: {  	[smem:$0x3FAE] =	sst s2  }
0xb: {  	[smem:$0x3FAF] =	sst s3  }
0xc: {  	[smem:$0x3FB0] =	sst s4  }
0xd: {  	[smem:$0x3FB1] =	sst s5  }
0xe: {  	[smem:$0x3FB2] =	sst s6  }
0xf: {  	[smem:$0x3FB3] =	sst s7  }
0x10: {  	[smem:$0x3FB4] =	sst s8  }
0x11: {  	[smem:$0x3FB5] =	sst s9;
	s0 =	simm.s32 @!p0 $0x0  }
0x12: {  	s1 =	sld [smem:$0x3F9B];
	s0 =	simm.s32 @p0 $0x1  }
0x13: {  	[smem:$0x3FB6] =	sst s0;
	s0 =	simm.s32 @!p1 $0x0  }
0x14: {  	s2 =	sld [smem:$0x3F9A];
	s0 =	simm.s32 @p1 $0x1  }
0x15: {  	[smem:$0x3FB7] =	sst s0;
	s0 =	simm.s32 @!p2 $0x0  }
0x16: {  	s3 =	sld [smem:$0x3FDB];
	s0 =	simm.s32 @p2 $0x1  }
0x17: {  	s4 =	simm.s32 $0x1BF5;
	[smem:$0x3FB9] =	sst s0  }
0x18: {  	s0 =	sld [smem:$0x3F9C];
	_ =	swait.ge [sflag:s4], $0x0  }
0x19: {  	s7 =	sld [smem:$0x3F9D]  }
0x1a: {  	s8 =	sadd.s32 $0xFFFFE003, lr  }
0x1b: {  	s9 =	sadd.s32 $0xFFFFFEF7, lr;
	s5 =	simm.s32 $0xFFFFFFFF;
	p2 =	slt.u32 s8, $0xFFFFF086  }
0x1c: {  	p1 =	slt.u32 s9, $0xF7A;
	s5 =	simm.s32 @!p2 $0x0  }
0x1d: {  	s5 =	simm.s32 @p1 $0x1;
	p0 =	seq.s32 s7, s2  }
0x1e: {  	s7 =	smul.u32 @!p0 $0xF7A, s2;
	p2 =	seq.s32 @!p0 s5, $0x0  }
0x1f: {  	s9 =	smul.u32 $0xF7A, s1;
	s8 =	simm.s32 @!p0 $0x1BF5;
	p2 =	por !p2, p0  }
0x20: {  	[sflag:s8] =	ssyncset.s32 @!p0 $0xFFFFF086;
	s6 =	sadd.s32 @!p0 s3, s7;
	s7 =	simm.s32 @!p0 $0x108  }
0x21: {  	s3 =	sadd.s32 s3, s9;
	s6 =	sadd.s32 @!p0 $0x88, s6;
	s7 =	simm.s32 @p2 $0x1082  }
0x22: {  	[simem:s7], [sflag:s8] =	dma.local @!p0 [hbm:s6], $0xF7A  }
0x23: {  	s9 =	sor.u32 $0xD0000000, s2;
	s6 =	simm.s32 $0x108;
	_ =	swait.ge @!p0 [sflag:s8], $0x0  }
0x24: {  	s3 =	sadd.s32 $0x88, s3;
	s6 =	simm.s32 @!p1 $0x1082;
	[sflag:s4] =	ssyncset.s32 $0xFFFFF086  }
0x25: {  	[simem:s6], [sflag:s4] =	dma.local [hbm:s3], $0xF7A  }
0x26: {  	[smem:$0x3F9D] =	sst s1;
	(tag) =	ssettag s2;
	_ =	strace s9  }
0x27: {  	s1 =	sld [smem:$0x3FAD]  }
0x28: {  	s2 =	sld [smem:$0x3FAE]  }
0x29: {  	s4 =	sld [smem:$0x3FB0]  }
0x2a: {  	p0 =	seq.s32 s5, $0x0;
	s5 =	sld [smem:$0x3FB1]  }
0x2b: {  	s6 =	sld [smem:$0x3FB2]  }
0x2c: {  	s7 =	sld [smem:$0x3FB3]  }
0x2d: {  	s3 =	simm.s32 $0x108;
	s8 =	sld [smem:$0x3FB4]  }
0x2e: {  	s3 =	simm.s32 @!p0 $0x1082;
	s9 =	sld [smem:$0x3FB5]  }
0x2f: {  	lr =	sadd.s32 s0, s3;
	s0 =	sld [smem:$0x3FAC]  }
0x30: {  	s3 =	sld [smem:$0x3FAF]  }
0x31: {  	[smem:$0x3FB8] =	sst s10  }
0x32: {  	s10 =	sld [smem:$0x3FB6];
	_ =	sdelay $0x3  }
0x33: {  	p0 =	seq.s32 s10, $0x1;
	s10 =	sld [smem:$0x3FB8];
	_ =	sdelay $0x3  }
0x34: {  	[smem:$0x3FB8] =	sst s10  }
0x35: {  	s10 =	sld [smem:$0x3FB7];
	_ =	sdelay $0x3  }
0x36: {  	p1 =	seq.s32 s10, $0x1;
	s10 =	sld [smem:$0x3FB8];
	_ =	sdelay $0x3  }
0x37: {  	[smem:$0x3FB8] =	sst s10  }
0x38: {  	s10 =	sld [smem:$0x3FB9]  }
0x39: {  	_ = 	snop;
	(pc) =	sbr.ind lr, $3  }
0x3a: {  	_ = 	snop  }
0x3b: {  	_ = 	snop  }
0x3c: {  	p2 =	seq.s32 s10, $0x1;
	s10 =	sld [smem:$0x3FB8]  }
0x3d: {  	_ =	shalt  }
0x3e: {  	_ =	shalt  }
0x3f: {  	_ =	shalt  }
0x40: {  	_ =	shalt  }
0x41: {  	_ =	shalt  }
0x42: {  	_ =	shalt  }
0x43: {  	_ =	shalt  }
0x44: {  	_ =	shalt  }
0x45: {  	_ =	shalt  }
0x46: {  	_ =	shalt  }
0x47: {  	_ =	shalt  }
0x48: {  	_ =	shalt  }
0x49: {  	_ =	shalt  }
0x4a: {  	_ =	shalt  }
0x4b: {  	_ =	shalt  }
0x4c: {  	_ =	shalt  }
0x4d: {  	_ =	shalt  }
0x4e: {  	_ =	shalt  }
0x4f: {  	_ =	shalt  }
0x50: {  	_ =	shalt  }
0x51: {  	_ =	shalt  }
0x52: {  	_ =	shalt  }
0x53: {  	_ =	shalt  }
0x54: {  	_ =	shalt  }
0x55: {  	_ =	shalt  }
0x56: {  	_ =	shalt  }
0x57: {  	_ =	shalt  }
0x58: {  	_ =	shalt  }
0x59: {  	_ =	shalt  }
0x5a: {  	_ =	shalt  }
0x5b: {  	_ =	shalt  }
0x5c: {  	_ =	shalt  }
0x5d: {  	_ =	shalt  }
0x5e: {  	_ =	shalt  }
0x5f: {  	_ =	shalt  }
0x60: {  	_ =	shalt  }
0x61: {  	_ =	shalt  }
0x62: {  	_ =	shalt  }
0x63: {  	_ =	shalt  }
0x64: {  	_ =	shalt  }
0x65: {  	_ =	shalt  }
0x66: {  	_ =	shalt  }
0x67: {  	_ =	shalt  }
0x68: {  	_ =	shalt  }
0x69: {  	_ =	shalt  }
0x6a: {  	_ =	shalt  }
0x6b: {  	_ =	shalt  }
0x6c: {  	_ =	shalt  }
0x6d: {  	_ =	shalt  }
0x6e: {  	_ =	shalt  }
0x6f: {  	_ =	shalt  }
0x70: {  	_ =	shalt  }
0x71: {  	_ =	shalt  }
0x72: {  	_ =	shalt  }
0x73: {  	_ =	shalt  }
0x74: {  	_ =	shalt  }
0x75: {  	_ =	shalt  }
0x76: {  	_ =	shalt  }
0x77: {  	_ =	shalt  }
0x78: {  	_ =	shalt  }
0x79: {  	_ =	shalt  }
0x7a: {  	_ =	shalt  }
0x7b: {  	_ =	shalt  }
0x7c: {  	_ =	shalt  }
0x7d: {  	_ =	shalt  }
0x7e: {  	_ =	shalt  }
0x7f: {  	_ =	shalt  }
0x80: {  	_ =	shalt  }
0x81: {  	_ =	shalt  }
0x82: {  	_ =	shalt  }
0x83: {  	_ =	shalt  }
0x84: {  	_ =	shalt  }
0x85: {  	_ =	shalt  }
0x86: {  	_ =	shalt  }
0x87: {  	_ =	shalt  }
.Lfunc_end0:
.L_simem_size_0:
called_computation.2_lowered:
.L_overlay_start_0:
0x88: {  	s2 =	sld [smem:$0x3FD9]  }
0x89: {  	s3 =	sld [smem:$0x3FFE];
	_ =	sdelay $0x1  }
0x8a: {  	s1 =	srdreg.scid  }
0x8b: {  	s0 =	sand.u32 $0x1, s1  }
0x8c: {  	s17 =	sshll.u32 s0, $0xA;
	s2 =	sadd.s32 s3, s2  }
0x8d: {  	s2 =	sadd.s32 s2, s17  }
0x8e: {  	[smem:$0x3FC4] =	sst s2  }
0x8f: {  	_ = 	snop  }
0x90: {  	s2 =	sld [smem:$0x3FD0];
	(tm) =	ssettm $0x1  }
0x91: {  	s18 =	sld [smem:$0x3FFB];
	_ =	sdelay $0x3  }
0x92: {  	_ =	strace s18  }
0x93: {  	s3 =	sld [smem:$0x3FFC];
	_ =	sdelay $0x3  }
0x94: {  	_ =	strace s3  }
0x95: {  	s3 =	sld [smem:$0x3FFD];
	_ =	sdelay $0x3  }
0x96: {  	_ =	strace s3  }
0x97: {  	_ =	strace $0x8FFFFFFF  }
0x98: {  	s19 =	sld [smem:$0x3FDB];
	_ =	sdelay $0x1  }
0x99: {  	s4 =	simm.s32 $_scs_section_size  }
0x9a: {  	s5 =	simm.s32 $_size__tile_overlayer_lowered;
	s6 =	simm.s32 $_tile_overlayer_lowered  }
0x9b: {  	s22 =	simm.s32 $0x1BFF;
	s21 =	sshll.u32 s6, $0x1;
	s3 =	sadd.s32 s4, s19  }
0x9c: {  	s7 =	simm.s32 $0x0;
	s20 =	sshll.u32 s5, $0x1;
	s5 =	sadd.s32 s21, s3  }
0x9d: {  	[timem:s7], [sflag:s22] =	dma.local [hbm:s5], s20  }
0x9e: {  	_ =	swait.ge [sflag:s22], s20  }
0x9f: {  	s4 =	ssub.s32 $0x0, s20;
	[sflag:s22] =	ssyncset.done $0x0  }
0xa0: {  	[sflag:s22] =	ssyncadd.s32 s4;
	_ =	sdelay $0x1  }
0xa1: {  	s23 =	simm.s32 $0x1B8B  }
0xa2: {  	_ =	swait.ge [sflag:s23], $0x1  }
0xa3: {  	[sflag:s23] =	ssyncset.done $0x0  }
0xa4: {  	s25 =	simm.s32 $0x1B8E;
	s24 =	sld [smem:$0x3FFE];
	[sflag:s23] =	ssyncadd.s32 $0xFFFFFFFF  }
0xa5: {  	s26 =	simm.s32 $execute0_lowered;
	[smem:$0x3FD2] =	sst s25  }
0xa6: {  	s5 =	sshll.u32 s26, $0x1;
	_ =	strace $0x8000004C;
	[dreg:$0x1] =	wrdreg $0xFFFFFFFF  }
0xa7: {  	s28 =	simm.s32 $_size_execute0_lowered;
	s3 =	sadd.s32 s3, s5;
	[dreg:$0x0] =	wrdreg $0x0  }
0xa8: {  	s5 =	sshll.u32 s28, $0x1;
	[dreg:$0x2] =	wrdreg s3  }
0xa9: {  	[dreg:$0x3] =	wrdreg s5  }
0xaa: {  	[dreg:$0x4] =	wrdreg $0xC0  }
0xab: {  	_ =	task [dreg:s7], $0x5FFFF  }
0xac: {  	[dreg:$0x1] =	wrdreg $0xFFFFFFFF  }
0xad: {  	[dreg:$0x0] =	wrdreg $0x60  }
0xae: {  	[dreg:$0x2] =	wrdreg s2  }
0xaf: {  	[dreg:$0x3] =	wrdreg s24  }
0xb0: {  	[dreg:$0x4] =	wrdreg $0xBC000  }
0xb1: {  	[dreg:$0x5] =	wrdreg $0x9  }
0xb2: {  	_ =	task.clear_ibuf [dreg:s7], $0x6FFFF;
	_ =	strace $0x9000004C  }
0xb3: {  	s29 =	simm.s32 $0x9;
	_ =	strace $0x8000004E  }
0xb4: {  	_ =	swait.ge [sflag:s29], $0x1  }
0xb5: {  	[sflag:s29] =	ssyncadd.s32 $0xFFFFFFFF  }
0xb6: {  	_ =	strace $0x9000004E  }
0xb7: {  	_ =	sfence  }
0xb8: {  	s30 =	sld [smem:$0x0];
	_ =	sdelay $0x2  }
0xb9: {  	s31 =	sshll.u32 s1, $0xD;
	s1 =	sshrl.u32 s1, $0x2  }
0xba: {  	s3 =	sand.u32 $0x4000, s31;
	s1 =	sadd.s32 s1, s30  }
0xbb: {  	s0 =	sor.u32 s3, s0;
	s1 =	sshll.u32 s1, $0x11  }
0xbc: {  	s0 =	sor.u32 s1, s0  }
0xbd: {  	s0 =	sadd.s32 $0x8F2B, s0  }
0xbe: {  	[sflag:s0] =	ssyncadd.remote.s32 $0x1  }
0xbf: {  	_ =	sfence.sel $0xFFFF  }
0xc0: {  	[dreg:$0x0] =	wrdreg $0xFFFFFFFF;
	(pc) =	sbr.abs _section_cstart, $3  }
0xc1: {  	[dreg:$0x1] =	wrdreg $0xFFFFFFFF  }
0xc2: {  	_ =	task.clear_ibuf [dreg:s7], $0x2FFFF;
	_ =	strace $0x9FFFFFFF  }
0xc3: {  	(tm) =	ssettm $0x7FFFFFFF  }
tec
execute0_lowered:
.L_overlay_start_1:
0x0: {  	(tag) =	ssettag $0x1  }
0x1: {  	s1 =	rddreg [dreg:$0x0]  }
0x2: {  	s0 =	rddreg [dreg:$0x1]  }
0x3: {  	s3 =	rddreg [dreg:$0x2];
	s4 =	simm.s32 $0x0  }
0x4: {  	s11 =	stileid.u32;
	s2 =	srdreg.scid;
	s30 =	simm.s32 $0x3  }
0x5: {  	s31 =	simm.s32 $0x1;
	[smem:$0x7FF] =	sst s4;
	s7 =	smul.u32 $0x4E000, s11  }
0x6: {  	s5 =	sadd.s32 $0x17800, s0;
	s6 =	sadd.s32 $0x3800, s0;
	s2 =	sand.u32 $0x1, s2  }
0x7: {  	s0 =	sadd.s32 $0x2B800, s0;
	s21 =	smul.u32 $0x13800, s11;
	s22 =	sadd.s32 $0x129800, s3  }
0x8: {  	s12 =	sadd.s32 $0x127000, s3;
	s23 =	sadd.s32 $0x12C000, s3;
	s24 =	sadd.s32 $0x12E800, s3  }
0x9: {  	p0 =	seq.s32 s11, $0xF;
	s28 =	sadd.s32 $0x133800, s3;
	s29 =	sadd.s32 $0x136000, s3  }
0xa: {  	_ =	strace $0x8000004D;
	s8 =	ssub.s32 $0x2, s2;
	[dreg:$0xb] =	wrdreg s12  }
0xb: {  	s10 =	sshll.u32 s2, $0x4;
	[dreg:$0xc] =	wrdreg s22;
	s7 =	sshrl.u32 s7, $0x2  }
0xc: {  	s2 =	smul.u32 $0x138800, s2;
	[dreg:$0xd] =	wrdreg s23;
	s7 =	sadd.s32 s7, s3  }
0xd: {  	[dreg:$0xe] =	wrdreg s24;
	s9 =	sshrl.u32 s8, $0x1;
	s14 =	sadd.s32 $0x2800, s7  }
0xe: {  	s13 =	sor.u32 s11, s10;
	s15 =	sadd.s32 $0x5000, s7;
	[dreg:$0x4] =	wrdreg s14  }
0xf: {  	s8 =	ssub.s32 s8, s9;
	s16 =	sadd.s32 $0x7800, s7;
	[dreg:$0x5] =	wrdreg s15  }
0x10: {  	s25 =	sadd.s32 s21, s2;
	s17 =	sadd.s32 $0xA000, s7;
	[dreg:$0x6] =	wrdreg s16  }
0x11: {  	s2 =	sshrl.u32 s2, $0x3;
	s18 =	sadd.s32 $0xC800, s7;
	[dreg:$0x7] =	wrdreg s17  }
0x12: {  	s19 =	sadd.s32 $0xF000, s7;
	s20 =	sadd.s32 $0x11800, s7;
	[dreg:$0x8] =	wrdreg s18  }
0x13: {  	s9 =	sshrl.u32 s25, $0x3;
	s25 =	smax.u32 s8, $0x1;
	[dreg:$0x9] =	wrdreg s19  }
0x14: {  	[dreg:$0xa] =	wrdreg s20;
	s15 =	sadd.s32 $0x124800, s3;
	s18 =	smul.u32 $0x5000, s13  }
0x15: {  	s21 =	sadd.s32 s0, s9;
	s0 =	sadd.s32 s0, s2;
	s2 =	simm.s32 $0x2  }
0x16: {  	s24 =	sadd.s32 $0x24900, s0;
	s0 =	simm.s32 $0x64;
	s26 =	sshrl.u32 s18, $0x3  }
0x17: {  	v0 =	vimm.f32 $0.0e+00;
	s22 =	sadd.s32 s5, s26;
	s23 =	sadd.s32 s6, s26;
	s26 =	sadd.s32 $0x131000, s3  }
.LBB2_1:
0x18: {  	s8 =	simm.s32 $0x0;
	s9 =	simm.s32 $0x200  }
.LBB2_2:
0x19: {  	p1 =	sne.s32 s9, $0x9E00;
	[tilespmem:s8+$0x2070] =	vst v0  }
0x1a: {  	[tilespmem:s8+$0x2000] =	vst v0  }
0x1b: {  	[tilespmem:s8+$0x2010] =	vst v0  }
.Ltmp0:
0x1c: {  	[tilespmem:s8+$0x2020] =	vst v0;
	(pc) =	sbr.rel @p1 .LBB2_2-.Ltmp0, $4  }
0x1d: {  	[tilespmem:s8+$0x2030] =	vst v0  }
0x1e: {  	[tilespmem:s8+$0x2040] =	vst v0  }
0x1f: {  	[tilespmem:s8+$0x2050] =	vst v0  }
0x20: {  	[tilespmem:s8+$0x2060] =	vst v0;
	s8 =	sshra.s32 s9, $0x2;
	s9 =	sadd.s32 $0x200, s9  }
0x21: {  	[tilespmem:s8+$0x2070] =	vst v0  }
0x22: {  	[tilespmem:s8+$0x2000] =	vst v0  }
0x23: {  	[tilespmem:s8+$0x2010] =	vst v0  }
0x24: {  	[tilespmem:s8+$0x2020] =	vst v0  }
0x25: {  	[tilespmem:s8+$0x2030] =	vst v0  }
0x26: {  	[tilespmem:s8+$0x2040] =	vst v0  }
0x27: {  	[tilespmem:s8+$0x2050] =	vst v0  }
0x28: {  	[tilespmem:s8+$0x2060] =	vst v0;
	s8 =	simm.s32 @p0 $0x2000;
	s9 =	simm.s32 @p0 $0x3  }
0x29: {  	[spmem:s15] =	stream.linear.scatter @p0 [tilespmem:s8], [sflag:$0x3], $0x2800, $0x38;
	[tilespmem:$0x1F480] =	vst v63  }
0x2a: {  	_ =	swait.ge @p0 [sflag:s9], $0x2800  }
0x2b: {  	[sflag:s9] =	ssyncset.done @p0 $0x0  }
0x2c: {  	s10 =	rddreg [dreg:$0xb];
	[sflag:s9] =	ssyncadd.s32 @p0 $0xFFFFD800  }
0x2d: {  	[spmem:s10] =	stream.linear.scatter @p0 [tilespmem:s8], [sflag:$0x3], $0x2800, $0x38;
	[tilespmem:$0x1F480] =	vst v63  }
0x2e: {  	_ =	swait.ge @p0 [sflag:s9], $0x2800  }
0x2f: {  	[sflag:s9] =	ssyncset.done @p0 $0x0  }
0x30: {  	s10 =	rddreg [dreg:$0xc];
	[sflag:s9] =	ssyncadd.s32 @p0 $0xFFFFD800  }
0x31: {  	[spmem:s10] =	stream.linear.scatter @p0 [tilespmem:s8], [sflag:$0x3], $0x2800, $0x38;
	[tilespmem:$0x1F480] =	vst v63  }
0x32: {  	_ =	swait.ge @p0 [sflag:s9], $0x2800  }
0x33: {  	[sflag:s9] =	ssyncset.done @p0 $0x0  }
0x34: {  	s10 =	rddreg [dreg:$0xd];
	[sflag:s9] =	ssyncadd.s32 @p0 $0xFFFFD800  }
0x35: {  	[spmem:s10] =	stream.linear.scatter @p0 [tilespmem:s8], [sflag:$0x3], $0x2800, $0x38;
	[tilespmem:$0x1F480] =	vst v63  }
0x36: {  	_ =	swait.ge @p0 [sflag:s9], $0x2800  }
0x37: {  	[sflag:s9] =	ssyncset.done @p0 $0x0  }
0x38: {  	s10 =	rddreg [dreg:$0xe];
	[sflag:s9] =	ssyncadd.s32 @p0 $0xFFFFD800  }
0x39: {  	[spmem:s10] =	stream.linear.scatter @p0 [tilespmem:s8], [sflag:$0x3], $0x2800, $0x38;
	[tilespmem:$0x1F480] =	vst v63  }
0x3a: {  	_ =	swait.ge @p0 [sflag:s9], $0x2800  }
0x3b: {  	[sflag:s9] =	ssyncset.done @p0 $0x0  }
0x3c: {  	[sflag:s9] =	ssyncadd.s32 @p0 $0xFFFFD800  }
0x3d: {  	[spmem:s26] =	stream.linear.scatter @p0 [tilespmem:s8], [sflag:$0x3], $0x2800, $0x38;
	[tilespmem:$0x1F480] =	vst v63  }
0x3e: {  	_ =	swait.ge @p0 [sflag:s9], $0x2800  }
0x3f: {  	[sflag:s9] =	ssyncset.done @p0 $0x0  }
0x40: {  	[sflag:s9] =	ssyncadd.s32 @p0 $0xFFFFD800  }
0x41: {  	[spmem:s28] =	stream.linear.scatter @p0 [tilespmem:s8], [sflag:$0x3], $0x2800, $0x38;
	[tilespmem:$0x1F480] =	vst v63  }
0x42: {  	_ =	swait.ge @p0 [sflag:s9], $0x2800  }
0x43: {  	[sflag:s9] =	ssyncset.done @p0 $0x0  }
0x44: {  	[sflag:s9] =	ssyncadd.s32 @p0 $0xFFFFD800  }
0x45: {  	[spmem:s29] =	stream.linear.scatter @p0 [tilespmem:s8], [sflag:$0x3], $0x2800, $0x38;
	[tilespmem:$0x1F480] =	vst v63  }
0x46: {  	_ =	swait.ge @p0 [sflag:s9], $0x2800  }
0x47: {  	[sflag:s9] =	ssyncset.done @p0 $0x0  }
0x48: {  	s8 =	simm.s32 @!p0 $0x2000;
	[sflag:s9] =	ssyncadd.s32 @p0 $0xFFFFD800;
	s9 =	simm.s32 @!p0 $0x3  }
0x49: {  	[spmem:s7] =	stream.linear.scatter @!p0 [tilespmem:s8], [sflag:$0x3], $0x2800, $0x38;
	[tilespmem:$0x1F480] =	vst v63  }
0x4a: {  	_ =	swait.ge @!p0 [sflag:s9], $0x2800  }
0x4b: {  	[sflag:s9] =	ssyncset.done @!p0 $0x0  }
0x4c: {  	s10 =	rddreg [dreg:$0x4];
	[sflag:s9] =	ssyncadd.s32 @!p0 $0xFFFFD800  }
0x4d: {  	[spmem:s10] =	stream.linear.scatter @!p0 [tilespmem:s8], [sflag:$0x3], $0x2800, $0x38;
	[tilespmem:$0x1F480] =	vst v63  }
0x4e: {  	_ =	swait.ge @!p0 [sflag:s9], $0x2800  }
0x4f: {  	[sflag:s9] =	ssyncset.done @!p0 $0x0  }
0x50: {  	s10 =	rddreg [dreg:$0x5];
	[sflag:s9] =	ssyncadd.s32 @!p0 $0xFFFFD800  }
0x51: {  	[spmem:s10] =	stream.linear.scatter @!p0 [tilespmem:s8], [sflag:$0x3], $0x2800, $0x38;
	[tilespmem:$0x1F480] =	vst v63  }
0x52: {  	_ =	swait.ge @!p0 [sflag:s9], $0x2800  }
0x53: {  	[sflag:s9] =	ssyncset.done @!p0 $0x0  }
0x54: {  	s10 =	rddreg [dreg:$0x6];
	[sflag:s9] =	ssyncadd.s32 @!p0 $0xFFFFD800  }
0x55: {  	[spmem:s10] =	stream.linear.scatter @!p0 [tilespmem:s8], [sflag:$0x3], $0x2800, $0x38;
	[tilespmem:$0x1F480] =	vst v63  }
0x56: {  	_ =	swait.ge @!p0 [sflag:s9], $0x2800  }
0x57: {  	[sflag:s9] =	ssyncset.done @!p0 $0x0  }
0x58: {  	s10 =	rddreg [dreg:$0x7];
	[sflag:s9] =	ssyncadd.s32 @!p0 $0xFFFFD800  }
0x59: {  	[spmem:s10] =	stream.linear.scatter @!p0 [tilespmem:s8], [sflag:$0x3], $0x2800, $0x38;
	[tilespmem:$0x1F480] =	vst v63  }
0x5a: {  	_ =	swait.ge @!p0 [sflag:s9], $0x2800  }
0x5b: {  	[sflag:s9] =	ssyncset.done @!p0 $0x0  }
0x5c: {  	s10 =	rddreg [dreg:$0x8];
	[sflag:s9] =	ssyncadd.s32 @!p0 $0xFFFFD800  }
0x5d: {  	[spmem:s10] =	stream.linear.scatter @!p0 [tilespmem:s8], [sflag:$0x3], $0x2800, $0x38;
	[tilespmem:$0x1F480] =	vst v63  }
0x5e: {  	_ =	swait.ge @!p0 [sflag:s9], $0x2800  }
0x5f: {  	[sflag:s9] =	ssyncset.done @!p0 $0x0  }
0x60: {  	s10 =	rddreg [dreg:$0x9];
	[sflag:s9] =	ssyncadd.s32 @!p0 $0xFFFFD800  }
0x61: {  	[spmem:s10] =	stream.linear.scatter @!p0 [tilespmem:s8], [sflag:$0x3], $0x2800, $0x38;
	[tilespmem:$0x1F480] =	vst v63  }
0x62: {  	_ =	swait.ge @!p0 [sflag:s9], $0x2800  }
0x63: {  	[sflag:s9] =	ssyncset.done @!p0 $0x0  }
0x64: {  	s10 =	rddreg [dreg:$0xa];
	[sflag:s9] =	ssyncadd.s32 @!p0 $0xFFFFD800  }
0x65: {  	[spmem:s10] =	stream.linear.scatter @!p0 [tilespmem:s8], [sflag:$0x3], $0x2000, $0x38;
	[tilespmem:$0x1F480] =	vst v63  }
0x66: {  	_ =	swait.ge @!p0 [sflag:s9], $0x2000  }
0x67: {  	[sflag:s9] =	ssyncset.done @!p0 $0x0  }
0x68: {  	s8 =	simm.s32 $0x0;
	[sflag:s9] =	ssyncadd.s32 @!p0 $0xFFFFE000  }
0x69: {  	[tilespmem:s8], [sflag:$0x3] =	stream.linear.gather [hbm4b:s22+s8], $0x500, $0x38;
	[tilespmem:$0x1F480] =	vst v63  }
0x6a: {  	_ =	swait.ge [sflag:s30], $0x500  }
0x6b: {  	[sflag:s30] =	ssyncset.done $0x0  }
0x6c: {  	s16 =	simm.s32 $0x1000;
	[sflag:s30] =	ssyncadd.s32 $0xFFFFFB00  }
0x6d: {  	[tilespmem:s16], [sflag:$0x3] =	stream.linear.gather [hbm4b:s23+s8], $0x500, $0x38;
	[tilespmem:$0x1F480] =	vst v63  }
0x6e: {  	_ =	swait.ge [sflag:s30], $0x500  }
0x6f: {  	[sflag:s30] =	ssyncset.done $0x0  }
0x70: {  	[sflag:s30] =	ssyncadd.s32 $0xFFFFFB00  }
0x71: {  	s17 =	simm.s32 $0x2000;
	[bflag:$0x0] =	sbarrier.arrive $0xFFFF  }
0x72: {  	[tilespmem:s17], [sflag:$0x1] =	stream.indirect.gather [hbm4b:s1+s0], $0x80, s8, s0, $0xb8;
	[tilespmem:$0x1F480] =	vst v63  }
0x73: {  	s19 =	simm.s32 $0x80;
	s20 =	simm.s32 $0x5400  }
0x74: {  	[tilespmem:s20], [sflag:$0x1] =	stream.indirect.gather [hbm4b:s1+s0], $0x80, s19, s0, $0xb8;
	[tilespmem:$0x1F480] =	vst v63  }
.LBB2_4:
0x75: {  	s10 =	sadd.s32 $0x2, s8  }
0x76: {  	s12 =	sand.u32 $0xFF, s10  }
0x77: {  	s9 =	smul.u32 $0xCD, s12;
	_ =	sdelay $0x1  }
0x78: {  	s9 =	sshrl.u32 s9, $0xB  }
0x79: {  	s11 =	smul.u32 $0xA, s9;
	_ =	sdelay $0x1  }
0x7a: {  	p1 =	sgt.u32 s8, $0x61;
	s11 =	ssub.s32 s10, s11  }
0x7b: {  	s13 =	sand.u32 @!p1 $0xFF, s11  }
0x7c: {  	p2 =	sne.s32 @!p1 s13, $0x0  }
0x7d: {  	p1 =	por p2, p1  }
0x7e: {  	s13 =	sshll.u32 @!p1 s9, $0xB  }
0x7f: {  	s14 =	sadd.s32 @!p1 s18, s13  }
0x80: {  	s16 =	sand.u32 $0xFF, s8;
	s14 =	sshrl.u32 @!p1 s14, $0x3  }
0x81: {  	s19 =	simm.s32 @!p1 $0x0;
	s13 =	sand.u32 @!p1 $0x800, s13;
	s17 =	sadd.s32 @!p1 s5, s14  }
0x82: {  	[tilespmem:s13], [sflag:$0x3] =	stream.linear.gather @!p1 [hbm4b:s17+s19], $0x500, $0x38;
	[tilespmem:$0x1F480] =	vst v63  }
0x83: {  	s20 =	simm.s32 @!p1 $0x3;
	s17 =	smul.u32 $0xAB, s16  }
0x84: {  	s14 =	sadd.s32 @!p1 s6, s14;
	_ =	swait.ge @!p1 [sflag:s20], $0x500  }
0x85: {  	s16 =	smul.u32 $0xCD, s16;
	s17 =	sshrl.u32 s17, $0x9;
	[sflag:s20] =	ssyncset.done @!p1 $0x0  }
0x86: {  	s13 =	sor.u32 @!p1 $0x1000, s13;
	s17 =	smul.u32 $0x3, s17;
	[sflag:s20] =	ssyncadd.s32 @!p1 $0xFFFFFB00  }
0x87: {  	[tilespmem:s13], [sflag:$0x3] =	stream.linear.gather @!p1 [hbm4b:s14+s19], $0x500, $0x38;
	[tilespmem:$0x1F480] =	vst v63  }
0x88: {  	s19 =	sshrl.u32 s16, $0xB;
	s17 =	ssub.s32 s8, s17  }
0x89: {  	s14 =	smul.u32 $0xA, s19;
	_ =	swait.ge @!p1 [sflag:s20], $0x500;
	s13 =	sand.u32 $0xFF, s17  }
0x8a: {  	s16 =	sand.u32 $0x800, s16;
	[sflag:s20] =	ssyncset.done @!p1 $0x0;
	s13 =	smul.u32 $0xD000, s13  }
0x8b: {  	s14 =	ssub.s32 s8, s14;
	[sflag:s20] =	ssyncadd.s32 @!p1 $0xFFFFFB00;
	p1 =	seq.s32 s8, $0x0  }
0x8c: {  	s14 =	sand.u32 $0xDF, s14;
	_ =	swait.ge [sflag:s31], $0x3200;
	p2 =	sgt.u32 @!p1 s8, $0x61  }
0x8d: {  	s13 =	sshrl.u32 s13, $0x2;
	s14 =	sshll.u32 s14, $0x7;
	[sflag:s31] =	ssyncset.done $0x0  }
0x8e: {  	p2 =	por p1, !p2;
	s13 =	sadd.s32 $0x2000, s13;
	s14 =	sor.u32 s14, s16  }
0x8f: {  	[sflag:s31] =	ssyncadd.s32 $0xFFFFCE00;
	s12 =	smul.u32 @p2 $0xAB, s12;
	s14 =	sor.u32 $0x1000, s14  }
0x90: {  	[spmem:s3] =	stream.indirect.scatter.add.f32 [tilespmem:s13], [sflag:$0x2], $0x80, s14, s0, $0xb8;
	[tilespmem:$0x1F480] =	vst v63  }
0x91: {  	s12 =	sshrl.u32 @p2 s12, $0x9  }
0x92: {  	s12 =	smul.u32 @p2 $0x3, s12  }
0x93: {  	s13 =	simm.s32 @!p1 $0x2  }
0x94: {  	_ =	swait.ge @!p1 [sflag:s13], $0x3200;
	s10 =	ssub.s32 @p2 s10, s12  }
0x95: {  	s8 =	sadd.s32 $0x1, s8;
	[sflag:s13] =	ssyncset.done @!p1 $0x0;
	s10 =	sand.u32 @p2 $0xFF, s10  }
0x96: {  	[sflag:s13] =	ssyncadd.s32 @!p1 $0xFFFFCE00;
	p1 =	sne.s32 s8, $0x64;
	s10 =	smul.u32 @p2 $0xD000, s10  }
.Ltmp1:
0x97: {  	_ = 	snop;
	(pc) =	sbr.rel @p1 .LBB2_4-.Ltmp1, $4  }
0x98: {  	s11 =	sand.u32 @p2 $0xFF, s11;
	s9 =	sshll.u32 @p2 s9, $0xB  }
0x99: {  	s9 =	sand.u32 @p2 $0x800, s9;
	s11 =	sshll.u32 @p2 s11, $0x7;
	s10 =	sshrl.u32 @p2 s10, $0x2  }
0x9a: {  	s9 =	sadd.s32 @p2 s11, s9;
	s10 =	sadd.s32 @p2 $0x2000, s10  }
0x9b: {  	[tilespmem:s10], [sflag:$0x1] =	stream.indirect.gather @p2 [hbm4b:s1+s0], $0x80, s9, s0, $0xb8;
	[tilespmem:$0x1F480] =	vst v63  }
0x9c: {  	_ =	swait.ge [sflag:s2], $0x3200  }
0x9d: {  	[sflag:s2] =	ssyncset.done $0x0  }
0x9e: {  	[sflag:s2] =	ssyncadd.s32 $0xFFFFCE00  }
0x9f: {  	s8 =	sshrl.u32 @p0 s15, $0x3;
	s9 =	simm.s32 @p0 $0x1FC3;
	[bflag:$0x0] =	sbarrier.arrive $0xFFFF  }
0xa0: {  	[hbm:s24], [sflag:s9] =	dma.local @p0 [spmem:s8], $0x2800  }
0xa1: {  	s8 =	simm.s32 @p0 $0x3  }
0xa2: {  	s4 =	sadd.s32 $0x1, s4;
	s9 =	stileid.u32;
	_ =	swait.ge @p0 [sflag:s8], $0x2800  }
0xa3: {  	p1 =	sne.s32 s4, s25;
	s9 =	sshll.u32 @!p0 s9, $0x6;
	[sflag:s8] =	ssyncset.done @p0 $0x0  }
0xa4: {  	[sflag:s8] =	ssyncadd.s32 @p0 $0xFFFFD800;
	s8 =	sor.u32 @!p0 $0x1C03, s9;
	s9 =	sshrl.u32 @!p0 s7, $0x3  }
0xa5: {  	[hbm:s21], [sflag:s8] =	dma.local @!p0 [spmem:s9], $0x2700  }
.Ltmp2:
0xa6: {  	_ = 	snop;
	(pc) =	sbr.rel @p1 .LBB2_1-.Ltmp2, $4  }
0xa7: {  	s8 =	simm.s32 @!p0 $0x3  }
0xa8: {  	_ =	swait.ge @!p0 [sflag:s8], $0x2700  }
0xa9: {  	[sflag:s8] =	ssyncset.done @!p0 $0x0  }
0xaa: {  	[sflag:s8] =	ssyncadd.s32 @!p0 $0xFFFFD900  }
0xab: {  	_ =	sfence.sel $0x180000  }
0xac: {  	[bflag:$0x0] =	sbarrier.arrive $0xFFFF  }
0xad: {  	_ =	strace $0x9000004D  }
0xae: {  	s0 =	stileid.u32;
	[bflag:$0x2] =	sbarrier.arrive $0xFFFF  }
0xaf: {  	p0 =	sne.s32 s0, $0x0;
	s0 =	rddreg [dreg:$0x3]  }
0xb0: {  	s0 =	sadd.s32 @!p0 $0x100000, s0  }
0xb1: {  	[sflag:s0] =	ssyncadd.tile.s32 @!p0 $0x1;
	_ =	shalt  }
.Lfunc_end2:
_tile_overlayer_lowered:
.L_overlay_start_2:
0xb2: {  	(tag) =	ssettag $0x2  }
0xb3: {  	s0 =	rddreg [dreg:$0x0];
	s2 =	stileid.u32  }
0xb4: {  	s1 =	rddreg [dreg:$0x1];
	p0 =	sne.s32 s2, $0x0  }
0xb5: {  	s3 =	rddreg [dreg:$0x2];
	[bflag:$0x3] =	sbarrier.arrive $0xFFFF;
	s2 =	simm.s32 @!p0 $0x1C03  }
0xb6: {  	[timem:s3], [sflag:s2] =	dma.local @!p0 [hbm:s0], s1  }
0xb7: {  	s0 =	simm.s32 @!p0 $0x3  }
0xb8: {  	_ =	swait.ge @!p0 [sflag:s0], s1  }
0xb9: {  	s1 =	ssub.s32 @!p0 $0x0, s1;
	[sflag:s0] =	ssyncset.done @!p0 $0x0  }
0xba: {  	[sflag:s0] =	ssyncadd.s32 @!p0 s1  }
0xbb: {  	[bflag:$0x3] =	sbarrier.arrive $0xFFFF  }
0xbc: {  	_ =	shalt  }

// kernel: kernel.19.cloned.1.call-start
scs
__scs_entry_jumppad:
0x0: {  	(pc) =	sbr.rel $0x88, $3  }
0x1: {  	(tag) =	ssettag $0x0;
	lr =	simm.s32 $0x1  }
0x2: {  	[smem:$0x3F9D] =	sst lr;
	_ =	strace $0xD0000000  }
0x3: {  	_ = 	snop  }
0x4: {  	_ = 	snop  }
0x5: {  	_ = 	snop  }
0x6: {  	_ = 	snop  }
0x7: {  	_ = 	snop  }
__scs_overlays_trampoline_lowered:
0x8: {  	[smem:$0x3FAC] =	sst s0  }
0x9: {  	[smem:$0x3FAD] =	sst s1  }
0xa: {  	[smem:$0x3FAE] =	sst s2  }
0xb: {  	[smem:$0x3FAF] =	sst s3  }
0xc: {  	[smem:$0x3FB0] =	sst s4  }
0xd: {  	[smem:$0x3FB1] =	sst s5  }
0xe: {  	[smem:$0x3FB2] =	sst s6  }
0xf: {  	[smem:$0x3FB3] =	sst s7  }
0x10: {  	[smem:$0x3FB4] =	sst s8  }
0x11: {  	[smem:$0x3FB5] =	sst s9;
	s0 =	simm.s32 @!p0 $0x0  }
0x12: {  	s1 =	sld [smem:$0x3F9B];
	s0 =	simm.s32 @p0 $0x1  }
0x13: {  	[smem:$0x3FB6] =	sst s0;
	s0 =	simm.s32 @!p1 $0x0  }
0x14: {  	s2 =	sld [smem:$0x3F9A];
	s0 =	simm.s32 @p1 $0x1  }
0x15: {  	[smem:$0x3FB7] =	sst s0;
	s0 =	simm.s32 @!p2 $0x0  }
0x16: {  	s3 =	sld [smem:$0x3FDB];
	s0 =	simm.s32 @p2 $0x1  }
0x17: {  	s4 =	simm.s32 $0x1BF5;
	[smem:$0x3FB9] =	sst s0  }
0x18: {  	s0 =	sld [smem:$0x3F9C];
	_ =	swait.ge [sflag:s4], $0x0  }
0x19: {  	s7 =	sld [smem:$0x3F9D]  }
0x1a: {  	s8 =	sadd.s32 $0xFFFFE003, lr  }
0x1b: {  	s9 =	sadd.s32 $0xFFFFFEF7, lr;
	s5 =	simm.s32 $0xFFFFFFFF;
	p2 =	slt.u32 s8, $0xFFFFF086  }
0x1c: {  	p1 =	slt.u32 s9, $0xF7A;
	s5 =	simm.s32 @!p2 $0x0  }
0x1d: {  	s5 =	simm.s32 @p1 $0x1;
	p0 =	seq.s32 s7, s2  }
0x1e: {  	s7 =	smul.u32 @!p0 $0xF7A, s2;
	p2 =	seq.s32 @!p0 s5, $0x0  }
0x1f: {  	s9 =	smul.u32 $0xF7A, s1;
	s8 =	simm.s32 @!p0 $0x1BF5;
	p2 =	por !p2, p0  }
0x20: {  	[sflag:s8] =	ssyncset.s32 @!p0 $0xFFFFF086;
	s6 =	sadd.s32 @!p0 s3, s7;
	s7 =	simm.s32 @!p0 $0x108  }
0x21: {  	s3 =	sadd.s32 s3, s9;
	s6 =	sadd.s32 @!p0 $0x88, s6;
	s7 =	simm.s32 @p2 $0x1082  }
0x22: {  	[simem:s7], [sflag:s8] =	dma.local @!p0 [hbm:s6], $0xF7A  }
0x23: {  	s9 =	sor.u32 $0xD0000000, s2;
	s6 =	simm.s32 $0x108;
	_ =	swait.ge @!p0 [sflag:s8], $0x0  }
0x24: {  	s3 =	sadd.s32 $0x88, s3;
	s6 =	simm.s32 @!p1 $0x1082;
	[sflag:s4] =	ssyncset.s32 $0xFFFFF086  }
0x25: {  	[simem:s6], [sflag:s4] =	dma.local [hbm:s3], $0xF7A  }
0x26: {  	[smem:$0x3F9D] =	sst s1;
	(tag) =	ssettag s2;
	_ =	strace s9  }
0x27: {  	s1 =	sld [smem:$0x3FAD]  }
0x28: {  	s2 =	sld [smem:$0x3FAE]  }
0x29: {  	s4 =	sld [smem:$0x3FB0]  }
0x2a: {  	p0 =	seq.s32 s5, $0x0;
	s5 =	sld [smem:$0x3FB1]  }
0x2b: {  	s6 =	sld [smem:$0x3FB2]  }
0x2c: {  	s7 =	sld [smem:$0x3FB3]  }
0x2d: {  	s3 =	simm.s32 $0x108;
	s8 =	sld [smem:$0x3FB4]  }
0x2e: {  	s3 =	simm.s32 @!p0 $0x1082;
	s9 =	sld [smem:$0x3FB5]  }
0x2f: {  	lr =	sadd.s32 s0, s3;
	s0 =	sld [smem:$0x3FAC]  }
0x30: {  	s3 =	sld [smem:$0x3FAF]  }
0x31: {  	[smem:$0x3FB8] =	sst s10  }
0x32: {  	s10 =	sld [smem:$0x3FB6];
	_ =	sdelay $0x3  }
0x33: {  	p0 =	seq.s32 s10, $0x1;
	s10 =	sld [smem:$0x3FB8];
	_ =	sdelay $0x3  }
0x34: {  	[smem:$0x3FB8] =	sst s10  }
0x35: {  	s10 =	sld [smem:$0x3FB7];
	_ =	sdelay $0x3  }
0x36: {  	p1 =	seq.s32 s10, $0x1;
	s10 =	sld [smem:$0x3FB8];
	_ =	sdelay $0x3  }
0x37: {  	[smem:$0x3FB8] =	sst s10  }
0x38: {  	s10 =	sld [smem:$0x3FB9]  }
0x39: {  	_ = 	snop;
	(pc) =	sbr.ind lr, $3  }
0x3a: {  	_ = 	snop  }
0x3b: {  	_ = 	snop  }
0x3c: {  	p2 =	seq.s32 s10, $0x1;
	s10 =	sld [smem:$0x3FB8]  }
0x3d: {  	_ =	shalt  }
0x3e: {  	_ =	shalt  }
0x3f: {  	_ =	shalt  }
0x40: {  	_ =	shalt  }
0x41: {  	_ =	shalt  }
0x42: {  	_ =	shalt  }
0x43: {  	_ =	shalt  }
0x44: {  	_ =	shalt  }
0x45: {  	_ =	shalt  }
0x46: {  	_ =	shalt  }
0x47: {  	_ =	shalt  }
0x48: {  	_ =	shalt  }
0x49: {  	_ =	shalt  }
0x4a: {  	_ =	shalt  }
0x4b: {  	_ =	shalt  }
0x4c: {  	_ =	shalt  }
0x4d: {  	_ =	shalt  }
0x4e: {  	_ =	shalt  }
0x4f: {  	_ =	shalt  }
0x50: {  	_ =	shalt  }
0x51: {  	_ =	shalt  }
0x52: {  	_ =	shalt  }
0x53: {  	_ =	shalt  }
0x54: {  	_ =	shalt  }
0x55: {  	_ =	shalt  }
0x56: {  	_ =	shalt  }
0x57: {  	_ =	shalt  }
0x58: {  	_ =	shalt  }
0x59: {  	_ =	shalt  }
0x5a: {  	_ =	shalt  }
0x5b: {  	_ =	shalt  }
0x5c: {  	_ =	shalt  }
0x5d: {  	_ =	shalt  }
0x5e: {  	_ =	shalt  }
0x5f: {  	_ =	shalt  }
0x60: {  	_ =	shalt  }
0x61: {  	_ =	shalt  }
0x62: {  	_ =	shalt  }
0x63: {  	_ =	shalt  }
0x64: {  	_ =	shalt  }
0x65: {  	_ =	shalt  }
0x66: {  	_ =	shalt  }
0x67: {  	_ =	shalt  }
0x68: {  	_ =	shalt  }
0x69: {  	_ =	shalt  }
0x6a: {  	_ =	shalt  }
0x6b: {  	_ =	shalt  }
0x6c: {  	_ =	shalt  }
0x6d: {  	_ =	shalt  }
0x6e: {  	_ =	shalt  }
0x6f: {  	_ =	shalt  }
0x70: {  	_ =	shalt  }
0x71: {  	_ =	shalt  }
0x72: {  	_ =	shalt  }
0x73: {  	_ =	shalt  }
0x74: {  	_ =	shalt  }
0x75: {  	_ =	shalt  }
0x76: {  	_ =	shalt  }
0x77: {  	_ =	shalt  }
0x78: {  	_ =	shalt  }
0x79: {  	_ =	shalt  }
0x7a: {  	_ =	shalt  }
0x7b: {  	_ =	shalt  }
0x7c: {  	_ =	shalt  }
0x7d: {  	_ =	shalt  }
0x7e: {  	_ =	shalt  }
0x7f: {  	_ =	shalt  }
0x80: {  	_ =	shalt  }
0x81: {  	_ =	shalt  }
0x82: {  	_ =	shalt  }
0x83: {  	_ =	shalt  }
0x84: {  	_ =	shalt  }
0x85: {  	_ =	shalt  }
0x86: {  	_ =	shalt  }
0x87: {  	_ =	shalt  }
.Lfunc_end0:
.L_simem_size_0:
called_computation.3_lowered:
.L_overlay_start_0:
0x88: {  	s2 =	sld [smem:$0x3FD9]  }
0x89: {  	s3 =	sld [smem:$0x3FFE];
	_ =	sdelay $0x1  }
0x8a: {  	s1 =	srdreg.scid  }
0x8b: {  	s0 =	sand.u32 $0x1, s1  }
0x8c: {  	s17 =	sshll.u32 s0, $0xA;
	s2 =	sadd.s32 s3, s2  }
0x8d: {  	s2 =	sadd.s32 s2, s17  }
0x8e: {  	[smem:$0x3FC4] =	sst s2  }
0x8f: {  	_ = 	snop  }
0x90: {  	s2 =	sld [smem:$0x3FD0];
	(tm) =	ssettm $0x1  }
0x91: {  	s18 =	sld [smem:$0x3FFB];
	_ =	sdelay $0x3  }
0x92: {  	_ =	strace s18  }
0x93: {  	s3 =	sld [smem:$0x3FFC];
	_ =	sdelay $0x3  }
0x94: {  	_ =	strace s3  }
0x95: {  	s3 =	sld [smem:$0x3FFD];
	_ =	sdelay $0x3  }
0x96: {  	_ =	strace s3  }
0x97: {  	_ =	strace $0x8FFFFFFF  }
0x98: {  	s19 =	sld [smem:$0x3FDB];
	_ =	sdelay $0x1  }
0x99: {  	s4 =	simm.s32 $_scs_section_size  }
0x9a: {  	s5 =	simm.s32 $_size__tile_overlayer_lowered;
	s6 =	simm.s32 $_tile_overlayer_lowered  }
0x9b: {  	s22 =	simm.s32 $0x1BFF;
	s21 =	sshll.u32 s6, $0x1;
	s3 =	sadd.s32 s4, s19  }
0x9c: {  	s7 =	simm.s32 $0x0;
	s20 =	sshll.u32 s5, $0x1;
	s5 =	sadd.s32 s21, s3  }
0x9d: {  	[timem:s7], [sflag:s22] =	dma.local [hbm:s5], s20  }
0x9e: {  	_ =	swait.ge [sflag:s22], s20  }
0x9f: {  	s4 =	ssub.s32 $0x0, s20;
	[sflag:s22] =	ssyncset.done $0x0  }
0xa0: {  	[sflag:s22] =	ssyncadd.s32 s4;
	_ =	sdelay $0x1  }
0xa1: {  	s23 =	simm.s32 $0x1B8B  }
0xa2: {  	_ =	swait.ge [sflag:s23], $0x1  }
0xa3: {  	[sflag:s23] =	ssyncset.done $0x0  }
0xa4: {  	s25 =	simm.s32 $0x1B8E;
	s24 =	sld [smem:$0x3FFE];
	[sflag:s23] =	ssyncadd.s32 $0xFFFFFFFF  }
0xa5: {  	s26 =	simm.s32 $execute0_lowered;
	[smem:$0x3FD2] =	sst s25  }
0xa6: {  	s5 =	sshll.u32 s26, $0x1;
	_ =	strace $0x8000004F;
	[dreg:$0x1] =	wrdreg $0xFFFFFFFF  }
0xa7: {  	s28 =	simm.s32 $_size_execute0_lowered;
	s3 =	sadd.s32 s3, s5;
	[dreg:$0x0] =	wrdreg $0x0  }
0xa8: {  	s5 =	sshll.u32 s28, $0x1;
	[dreg:$0x2] =	wrdreg s3  }
0xa9: {  	[dreg:$0x3] =	wrdreg s5  }
0xaa: {  	[dreg:$0x4] =	wrdreg $0xC0  }
0xab: {  	_ =	task [dreg:s7], $0x5FFFF  }
0xac: {  	[dreg:$0x1] =	wrdreg $0xFFFFFFFF  }
0xad: {  	[dreg:$0x0] =	wrdreg $0x60  }
0xae: {  	[dreg:$0x2] =	wrdreg s2  }
0xaf: {  	[dreg:$0x3] =	wrdreg s24  }
0xb0: {  	[dreg:$0x4] =	wrdreg $0xBC000  }
0xb1: {  	[dreg:$0x5] =	wrdreg $0x9  }
0xb2: {  	_ =	task.clear_ibuf [dreg:s7], $0x6FFFF;
	_ =	strace $0x9000004F  }
0xb3: {  	s29 =	simm.s32 $0x9;
	_ =	strace $0x80000051  }
0xb4: {  	_ =	swait.ge [sflag:s29], $0x1  }
0xb5: {  	[sflag:s29] =	ssyncadd.s32 $0xFFFFFFFF  }
0xb6: {  	_ =	strace $0x90000051  }
0xb7: {  	_ =	sfence  }
0xb8: {  	s30 =	sld [smem:$0x0];
	_ =	sdelay $0x2  }
0xb9: {  	s31 =	sshll.u32 s1, $0xD;
	s1 =	sshrl.u32 s1, $0x2  }
0xba: {  	s3 =	sand.u32 $0x4000, s31;
	s1 =	sadd.s32 s1, s30  }
0xbb: {  	s0 =	sor.u32 s3, s0;
	s1 =	sshll.u32 s1, $0x11  }
0xbc: {  	s0 =	sor.u32 s1, s0  }
0xbd: {  	s0 =	sadd.s32 $0x8F2B, s0  }
0xbe: {  	[sflag:s0] =	ssyncadd.remote.s32 $0x1  }
0xbf: {  	_ =	sfence.sel $0xFFFF  }
0xc0: {  	[dreg:$0x0] =	wrdreg $0xFFFFFFFF;
	(pc) =	sbr.abs _section_cstart, $3  }
0xc1: {  	[dreg:$0x1] =	wrdreg $0xFFFFFFFF  }
0xc2: {  	_ =	task.clear_ibuf [dreg:s7], $0x2FFFF;
	_ =	strace $0x9FFFFFFF  }
0xc3: {  	(tm) =	ssettm $0x7FFFFFFF  }
tec
execute0_lowered:
.L_overlay_start_1:
0x0: {  	(tag) =	ssettag $0x1  }
0x1: {  	s1 =	rddreg [dreg:$0x0]  }
0x2: {  	s0 =	rddreg [dreg:$0x1]  }
0x3: {  	s3 =	rddreg [dreg:$0x2];
	s4 =	simm.s32 $0x0  }
0x4: {  	s11 =	stileid.u32;
	s2 =	srdreg.scid;
	s30 =	simm.s32 $0x3  }
0x5: {  	s31 =	simm.s32 $0x1;
	[smem:$0x7FF] =	sst s4;
	s7 =	smul.u32 $0x4E000, s11  }
0x6: {  	s5 =	sadd.s32 $0x17800, s0;
	s6 =	sadd.s32 $0x3800, s0;
	s2 =	sand.u32 $0x1, s2  }
0x7: {  	s0 =	sadd.s32 $0x2B800, s0;
	s21 =	smul.u32 $0x13800, s11;
	s22 =	sadd.s32 $0x129800, s3  }
0x8: {  	s12 =	sadd.s32 $0x127000, s3;
	s23 =	sadd.s32 $0x12C000, s3;
	s24 =	sadd.s32 $0x12E800, s3  }
0x9: {  	p0 =	seq.s32 s11, $0xF;
	s28 =	sadd.s32 $0x133800, s3;
	s29 =	sadd.s32 $0x136000, s3  }
0xa: {  	_ =	strace $0x80000050;
	s8 =	ssub.s32 $0x2, s2;
	[dreg:$0xb] =	wrdreg s12  }
0xb: {  	s10 =	sshll.u32 s2, $0x4;
	[dreg:$0xc] =	wrdreg s22;
	s7 =	sshrl.u32 s7, $0x2  }
0xc: {  	s2 =	smul.u32 $0x138800, s2;
	[dreg:$0xd] =	wrdreg s23;
	s7 =	sadd.s32 s7, s3  }
0xd: {  	[dreg:$0xe] =	wrdreg s24;
	s9 =	sshrl.u32 s8, $0x1;
	s14 =	sadd.s32 $0x2800, s7  }
0xe: {  	s13 =	sor.u32 s11, s10;
	s15 =	sadd.s32 $0x5000, s7;
	[dreg:$0x4] =	wrdreg s14  }
0xf: {  	s8 =	ssub.s32 s8, s9;
	s16 =	sadd.s32 $0x7800, s7;
	[dreg:$0x5] =	wrdreg s15  }
0x10: {  	s25 =	sadd.s32 s21, s2;
	s17 =	sadd.s32 $0xA000, s7;
	[dreg:$0x6] =	wrdreg s16  }
0x11: {  	s2 =	sshrl.u32 s2, $0x3;
	s18 =	sadd.s32 $0xC800, s7;
	[dreg:$0x7] =	wrdreg s17  }
0x12: {  	s19 =	sadd.s32 $0xF000, s7;
	s20 =	sadd.s32 $0x11800, s7;
	[dreg:$0x8] =	wrdreg s18  }
0x13: {  	s9 =	sshrl.u32 s25, $0x3;
	s25 =	smax.u32 s8, $0x1;
	[dreg:$0x9] =	wrdreg s19  }
0x14: {  	[dreg:$0xa] =	wrdreg s20;
	s15 =	sadd.s32 $0x124800, s3;
	s18 =	smul.u32 $0x5000, s13  }
0x15: {  	s21 =	sadd.s32 s0, s9;
	s0 =	sadd.s32 s0, s2;
	s2 =	simm.s32 $0x2  }
0x16: {  	s24 =	sadd.s32 $0x24900, s0;
	s0 =	simm.s32 $0x64;
	s26 =	sshrl.u32 s18, $0x3  }
0x17: {  	v0 =	vimm.f32 $0.0e+00;
	s22 =	sadd.s32 s5, s26;
	s23 =	sadd.s32 s6, s26;
	s26 =	sadd.s32 $0x131000, s3  }
.LBB2_1:
0x18: {  	s8 =	simm.s32 $0x0;
	s9 =	simm.s32 $0x200  }
.LBB2_2:
0x19: {  	p1 =	sne.s32 s9, $0x9E00;
	[tilespmem:s8+$0x2070] =	vst v0  }
0x1a: {  	[tilespmem:s8+$0x2000] =	vst v0  }
0x1b: {  	[tilespmem:s8+$0x2010] =	vst v0  }
.Ltmp0:
0x1c: {  	[tilespmem:s8+$0x2020] =	vst v0;
	(pc) =	sbr.rel @p1 .LBB2_2-.Ltmp0, $4  }
0x1d: {  	[tilespmem:s8+$0x2030] =	vst v0  }
0x1e: {  	[tilespmem:s8+$0x2040] =	vst v0  }
0x1f: {  	[tilespmem:s8+$0x2050] =	vst v0  }
0x20: {  	[tilespmem:s8+$0x2060] =	vst v0;
	s8 =	sshra.s32 s9, $0x2;
	s9 =	sadd.s32 $0x200, s9  }
0x21: {  	[tilespmem:s8+$0x2070] =	vst v0  }
0x22: {  	[tilespmem:s8+$0x2000] =	vst v0  }
0x23: {  	[tilespmem:s8+$0x2010] =	vst v0  }
0x24: {  	[tilespmem:s8+$0x2020] =	vst v0  }
0x25: {  	[tilespmem:s8+$0x2030] =	vst v0  }
0x26: {  	[tilespmem:s8+$0x2040] =	vst v0  }
0x27: {  	[tilespmem:s8+$0x2050] =	vst v0  }
0x28: {  	[tilespmem:s8+$0x2060] =	vst v0;
	s8 =	simm.s32 @p0 $0x2000;
	s9 =	simm.s32 @p0 $0x3  }
0x29: {  	[spmem:s15] =	stream.linear.scatter @p0 [tilespmem:s8], [sflag:$0x3], $0x2800, $0x38;
	[tilespmem:$0x1F480] =	vst v63  }
0x2a: {  	_ =	swait.ge @p0 [sflag:s9], $0x2800  }
0x2b: {  	[sflag:s9] =	ssyncset.done @p0 $0x0  }
0x2c: {  	s10 =	rddreg [dreg:$0xb];
	[sflag:s9] =	ssyncadd.s32 @p0 $0xFFFFD800  }
0x2d: {  	[spmem:s10] =	stream.linear.scatter @p0 [tilespmem:s8], [sflag:$0x3], $0x2800, $0x38;
	[tilespmem:$0x1F480] =	vst v63  }
0x2e: {  	_ =	swait.ge @p0 [sflag:s9], $0x2800  }
0x2f: {  	[sflag:s9] =	ssyncset.done @p0 $0x0  }
0x30: {  	s10 =	rddreg [dreg:$0xc];
	[sflag:s9] =	ssyncadd.s32 @p0 $0xFFFFD800  }
0x31: {  	[spmem:s10] =	stream.linear.scatter @p0 [tilespmem:s8], [sflag:$0x3], $0x2800, $0x38;
	[tilespmem:$0x1F480] =	vst v63  }
0x32: {  	_ =	swait.ge @p0 [sflag:s9], $0x2800  }
0x33: {  	[sflag:s9] =	ssyncset.done @p0 $0x0  }
0x34: {  	s10 =	rddreg [dreg:$0xd];
	[sflag:s9] =	ssyncadd.s32 @p0 $0xFFFFD800  }
0x35: {  	[spmem:s10] =	stream.linear.scatter @p0 [tilespmem:s8], [sflag:$0x3], $0x2800, $0x38;
	[tilespmem:$0x1F480] =	vst v63  }
0x36: {  	_ =	swait.ge @p0 [sflag:s9], $0x2800  }
0x37: {  	[sflag:s9] =	ssyncset.done @p0 $0x0  }
0x38: {  	s10 =	rddreg [dreg:$0xe];
	[sflag:s9] =	ssyncadd.s32 @p0 $0xFFFFD800  }
0x39: {  	[spmem:s10] =	stream.linear.scatter @p0 [tilespmem:s8], [sflag:$0x3], $0x2800, $0x38;
	[tilespmem:$0x1F480] =	vst v63  }
0x3a: {  	_ =	swait.ge @p0 [sflag:s9], $0x2800  }
0x3b: {  	[sflag:s9] =	ssyncset.done @p0 $0x0  }
0x3c: {  	[sflag:s9] =	ssyncadd.s32 @p0 $0xFFFFD800  }
0x3d: {  	[spmem:s26] =	stream.linear.scatter @p0 [tilespmem:s8], [sflag:$0x3], $0x2800, $0x38;
	[tilespmem:$0x1F480] =	vst v63  }
0x3e: {  	_ =	swait.ge @p0 [sflag:s9], $0x2800  }
0x3f: {  	[sflag:s9] =	ssyncset.done @p0 $0x0  }
0x40: {  	[sflag:s9] =	ssyncadd.s32 @p0 $0xFFFFD800  }
0x41: {  	[spmem:s28] =	stream.linear.scatter @p0 [tilespmem:s8], [sflag:$0x3], $0x2800, $0x38;
	[tilespmem:$0x1F480] =	vst v63  }
0x42: {  	_ =	swait.ge @p0 [sflag:s9], $0x2800  }
0x43: {  	[sflag:s9] =	ssyncset.done @p0 $0x0  }
0x44: {  	[sflag:s9] =	ssyncadd.s32 @p0 $0xFFFFD800  }
0x45: {  	[spmem:s29] =	stream.linear.scatter @p0 [tilespmem:s8], [sflag:$0x3], $0x2800, $0x38;
	[tilespmem:$0x1F480] =	vst v63  }
0x46: {  	_ =	swait.ge @p0 [sflag:s9], $0x2800  }
0x47: {  	[sflag:s9] =	ssyncset.done @p0 $0x0  }
0x48: {  	s8 =	simm.s32 @!p0 $0x2000;
	[sflag:s9] =	ssyncadd.s32 @p0 $0xFFFFD800;
	s9 =	simm.s32 @!p0 $0x3  }
0x49: {  	[spmem:s7] =	stream.linear.scatter @!p0 [tilespmem:s8], [sflag:$0x3], $0x2800, $0x38;
	[tilespmem:$0x1F480] =	vst v63  }
0x4a: {  	_ =	swait.ge @!p0 [sflag:s9], $0x2800  }
0x4b: {  	[sflag:s9] =	ssyncset.done @!p0 $0x0  }
0x4c: {  	s10 =	rddreg [dreg:$0x4];
	[sflag:s9] =	ssyncadd.s32 @!p0 $0xFFFFD800  }
0x4d: {  	[spmem:s10] =	stream.linear.scatter @!p0 [tilespmem:s8], [sflag:$0x3], $0x2800, $0x38;
	[tilespmem:$0x1F480] =	vst v63  }
0x4e: {  	_ =	swait.ge @!p0 [sflag:s9], $0x2800  }
0x4f: {  	[sflag:s9] =	ssyncset.done @!p0 $0x0  }
0x50: {  	s10 =	rddreg [dreg:$0x5];
	[sflag:s9] =	ssyncadd.s32 @!p0 $0xFFFFD800  }
0x51: {  	[spmem:s10] =	stream.linear.scatter @!p0 [tilespmem:s8], [sflag:$0x3], $0x2800, $0x38;
	[tilespmem:$0x1F480] =	vst v63  }
0x52: {  	_ =	swait.ge @!p0 [sflag:s9], $0x2800  }
0x53: {  	[sflag:s9] =	ssyncset.done @!p0 $0x0  }
0x54: {  	s10 =	rddreg [dreg:$0x6];
	[sflag:s9] =	ssyncadd.s32 @!p0 $0xFFFFD800  }
0x55: {  	[spmem:s10] =	stream.linear.scatter @!p0 [tilespmem:s8], [sflag:$0x3], $0x2800, $0x38;
	[tilespmem:$0x1F480] =	vst v63  }
0x56: {  	_ =	swait.ge @!p0 [sflag:s9], $0x2800  }
0x57: {  	[sflag:s9] =	ssyncset.done @!p0 $0x0  }
0x58: {  	s10 =	rddreg [dreg:$0x7];
	[sflag:s9] =	ssyncadd.s32 @!p0 $0xFFFFD800  }
0x59: {  	[spmem:s10] =	stream.linear.scatter @!p0 [tilespmem:s8], [sflag:$0x3], $0x2800, $0x38;
	[tilespmem:$0x1F480] =	vst v63  }
0x5a: {  	_ =	swait.ge @!p0 [sflag:s9], $0x2800  }
0x5b: {  	[sflag:s9] =	ssyncset.done @!p0 $0x0  }
0x5c: {  	s10 =	rddreg [dreg:$0x8];
	[sflag:s9] =	ssyncadd.s32 @!p0 $0xFFFFD800  }
0x5d: {  	[spmem:s10] =	stream.linear.scatter @!p0 [tilespmem:s8], [sflag:$0x3], $0x2800, $0x38;
	[tilespmem:$0x1F480] =	vst v63  }
0x5e: {  	_ =	swait.ge @!p0 [sflag:s9], $0x2800  }
0x5f: {  	[sflag:s9] =	ssyncset.done @!p0 $0x0  }
0x60: {  	s10 =	rddreg [dreg:$0x9];
	[sflag:s9] =	ssyncadd.s32 @!p0 $0xFFFFD800  }
0x61: {  	[spmem:s10] =	stream.linear.scatter @!p0 [tilespmem:s8], [sflag:$0x3], $0x2800, $0x38;
	[tilespmem:$0x1F480] =	vst v63  }
0x62: {  	_ =	swait.ge @!p0 [sflag:s9], $0x2800  }
0x63: {  	[sflag:s9] =	ssyncset.done @!p0 $0x0  }
0x64: {  	s10 =	rddreg [dreg:$0xa];
	[sflag:s9] =	ssyncadd.s32 @!p0 $0xFFFFD800  }
0x65: {  	[spmem:s10] =	stream.linear.scatter @!p0 [tilespmem:s8], [sflag:$0x3], $0x2000, $0x38;
	[tilespmem:$0x1F480] =	vst v63  }
0x66: {  	_ =	swait.ge @!p0 [sflag:s9], $0x2000  }
0x67: {  	[sflag:s9] =	ssyncset.done @!p0 $0x0  }
0x68: {  	s8 =	simm.s32 $0x0;
	[sflag:s9] =	ssyncadd.s32 @!p0 $0xFFFFE000  }
0x69: {  	[tilespmem:s8], [sflag:$0x3] =	stream.linear.gather [hbm4b:s22+s8], $0x500, $0x38;
	[tilespmem:$0x1F480] =	vst v63  }
0x6a: {  	_ =	swait.ge [sflag:s30], $0x500  }
0x6b: {  	[sflag:s30] =	ssyncset.done $0x0  }
0x6c: {  	s16 =	simm.s32 $0x1000;
	[sflag:s30] =	ssyncadd.s32 $0xFFFFFB00  }
0x6d: {  	[tilespmem:s16], [sflag:$0x3] =	stream.linear.gather [hbm4b:s23+s8], $0x500, $0x38;
	[tilespmem:$0x1F480] =	vst v63  }
0x6e: {  	_ =	swait.ge [sflag:s30], $0x500  }
0x6f: {  	[sflag:s30] =	ssyncset.done $0x0  }
0x70: {  	[sflag:s30] =	ssyncadd.s32 $0xFFFFFB00  }
0x71: {  	s17 =	simm.s32 $0x2000;
	[bflag:$0x0] =	sbarrier.arrive $0xFFFF  }
0x72: {  	[tilespmem:s17], [sflag:$0x1] =	stream.indirect.gather [hbm4b:s1+s0], $0x80, s8, s0, $0xb8;
	[tilespmem:$0x1F480] =	vst v63  }
0x73: {  	s19 =	simm.s32 $0x80;
	s20 =	simm.s32 $0x5400  }
0x74: {  	[tilespmem:s20], [sflag:$0x1] =	stream.indirect.gather [hbm4b:s1+s0], $0x80, s19, s0, $0xb8;
	[tilespmem:$0x1F480] =	vst v63  }
.LBB2_4:
0x75: {  	s10 =	sadd.s32 $0x2, s8  }
0x76: {  	s12 =	sand.u32 $0xFF, s10  }
0x77: {  	s9 =	smul.u32 $0xCD, s12;
	_ =	sdelay $0x1  }
0x78: {  	s9 =	sshrl.u32 s9, $0xB  }
0x79: {  	s11 =	smul.u32 $0xA, s9;
	_ =	sdelay $0x1  }
0x7a: {  	p1 =	sgt.u32 s8, $0x61;
	s11 =	ssub.s32 s10, s11  }
0x7b: {  	s13 =	sand.u32 @!p1 $0xFF, s11  }
0x7c: {  	p2 =	sne.s32 @!p1 s13, $0x0  }
0x7d: {  	p1 =	por p2, p1  }
0x7e: {  	s13 =	sshll.u32 @!p1 s9, $0xB  }
0x7f: {  	s14 =	sadd.s32 @!p1 s18, s13  }
0x80: {  	s16 =	sand.u32 $0xFF, s8;
	s14 =	sshrl.u32 @!p1 s14, $0x3  }
0x81: {  	s19 =	simm.s32 @!p1 $0x0;
	s13 =	sand.u32 @!p1 $0x800, s13;
	s17 =	sadd.s32 @!p1 s5, s14  }
0x82: {  	[tilespmem:s13], [sflag:$0x3] =	stream.linear.gather @!p1 [hbm4b:s17+s19], $0x500, $0x38;
	[tilespmem:$0x1F480] =	vst v63  }
0x83: {  	s20 =	simm.s32 @!p1 $0x3;
	s17 =	smul.u32 $0xAB, s16  }
0x84: {  	s14 =	sadd.s32 @!p1 s6, s14;
	_ =	swait.ge @!p1 [sflag:s20], $0x500  }
0x85: {  	s16 =	smul.u32 $0xCD, s16;
	s17 =	sshrl.u32 s17, $0x9;
	[sflag:s20] =	ssyncset.done @!p1 $0x0  }
0x86: {  	s13 =	sor.u32 @!p1 $0x1000, s13;
	s17 =	smul.u32 $0x3, s17;
	[sflag:s20] =	ssyncadd.s32 @!p1 $0xFFFFFB00  }
0x87: {  	[tilespmem:s13], [sflag:$0x3] =	stream.linear.gather @!p1 [hbm4b:s14+s19], $0x500, $0x38;
	[tilespmem:$0x1F480] =	vst v63  }
0x88: {  	s19 =	sshrl.u32 s16, $0xB;
	s17 =	ssub.s32 s8, s17  }
0x89: {  	s14 =	smul.u32 $0xA, s19;
	_ =	swait.ge @!p1 [sflag:s20], $0x500;
	s13 =	sand.u32 $0xFF, s17  }
0x8a: {  	s16 =	sand.u32 $0x800, s16;
	[sflag:s20] =	ssyncset.done @!p1 $0x0;
	s13 =	smul.u32 $0xD000, s13  }
0x8b: {  	s14 =	ssub.s32 s8, s14;
	[sflag:s20] =	ssyncadd.s32 @!p1 $0xFFFFFB00;
	p1 =	seq.s32 s8, $0x0  }
0x8c: {  	s14 =	sand.u32 $0xDF, s14;
	_ =	swait.ge [sflag:s31], $0x3200;
	p2 =	sgt.u32 @!p1 s8, $0x61  }
0x8d: {  	s13 =	sshrl.u32 s13, $0x2;
	s14 =	sshll.u32 s14, $0x7;
	[sflag:s31] =	ssyncset.done $0x0  }
0x8e: {  	p2 =	por p1, !p2;
	s13 =	sadd.s32 $0x2000, s13;
	s14 =	sor.u32 s14, s16  }
0x8f: {  	[sflag:s31] =	ssyncadd.s32 $0xFFFFCE00;
	s12 =	smul.u32 @p2 $0xAB, s12;
	s14 =	sor.u32 $0x1000, s14  }
0x90: {  	[spmem:s3] =	stream.indirect.scatter.add.f32 [tilespmem:s13], [sflag:$0x2], $0x80, s14, s0, $0xb8;
	[tilespmem:$0x1F480] =	vst v63  }
0x91: {  	s12 =	sshrl.u32 @p2 s12, $0x9  }
0x92: {  	s12 =	smul.u32 @p2 $0x3, s12  }
0x93: {  	s13 =	simm.s32 @!p1 $0x2  }
0x94: {  	_ =	swait.ge @!p1 [sflag:s13], $0x3200;
	s10 =	ssub.s32 @p2 s10, s12  }
0x95: {  	s8 =	sadd.s32 $0x1, s8;
	[sflag:s13] =	ssyncset.done @!p1 $0x0;
	s10 =	sand.u32 @p2 $0xFF, s10  }
0x96: {  	[sflag:s13] =	ssyncadd.s32 @!p1 $0xFFFFCE00;
	p1 =	sne.s32 s8, $0x64;
	s10 =	smul.u32 @p2 $0xD000, s10  }
.Ltmp1:
0x97: {  	_ = 	snop;
	(pc) =	sbr.rel @p1 .LBB2_4-.Ltmp1, $4  }
0x98: {  	s11 =	sand.u32 @p2 $0xFF, s11;
	s9 =	sshll.u32 @p2 s9, $0xB  }
0x99: {  	s9 =	sand.u32 @p2 $0x800, s9;
	s11 =	sshll.u32 @p2 s11, $0x7;
	s10 =	sshrl.u32 @p2 s10, $0x2  }
0x9a: {  	s9 =	sadd.s32 @p2 s11, s9;
	s10 =	sadd.s32 @p2 $0x2000, s10  }
0x9b: {  	[tilespmem:s10], [sflag:$0x1] =	stream.indirect.gather @p2 [hbm4b:s1+s0], $0x80, s9, s0, $0xb8;
	[tilespmem:$0x1F480] =	vst v63  }
0x9c: {  	_ =	swait.ge [sflag:s2], $0x3200  }
0x9d: {  	[sflag:s2] =	ssyncset.done $0x0  }
0x9e: {  	[sflag:s2] =	ssyncadd.s32 $0xFFFFCE00  }
0x9f: {  	s8 =	sshrl.u32 @p0 s15, $0x3;
	s9 =	simm.s32 @p0 $0x1FC3;
	[bflag:$0x0] =	sbarrier.arrive $0xFFFF  }
0xa0: {  	[hbm:s24], [sflag:s9] =	dma.local @p0 [spmem:s8], $0x2800  }
0xa1: {  	s8 =	simm.s32 @p0 $0x3  }
0xa2: {  	s4 =	sadd.s32 $0x1, s4;
	s9 =	stileid.u32;
	_ =	swait.ge @p0 [sflag:s8], $0x2800  }
0xa3: {  	p1 =	sne.s32 s4, s25;
	s9 =	sshll.u32 @!p0 s9, $0x6;
	[sflag:s8] =	ssyncset.done @p0 $0x0  }
0xa4: {  	[sflag:s8] =	ssyncadd.s32 @p0 $0xFFFFD800;
	s8 =	sor.u32 @!p0 $0x1C03, s9;
	s9 =	sshrl.u32 @!p0 s7, $0x3  }
0xa5: {  	[hbm:s21], [sflag:s8] =	dma.local @!p0 [spmem:s9], $0x2700  }
.Ltmp2:
0xa6: {  	_ = 	snop;
	(pc) =	sbr.rel @p1 .LBB2_1-.Ltmp2, $4  }
0xa7: {  	s8 =	simm.s32 @!p0 $0x3  }
0xa8: {  	_ =	swait.ge @!p0 [sflag:s8], $0x2700  }
0xa9: {  	[sflag:s8] =	ssyncset.done @!p0 $0x0  }
0xaa: {  	[sflag:s8] =	ssyncadd.s32 @!p0 $0xFFFFD900  }
0xab: {  	_ =	sfence.sel $0x180000  }
0xac: {  	[bflag:$0x0] =	sbarrier.arrive $0xFFFF  }
0xad: {  	_ =	strace $0x90000050  }
0xae: {  	s0 =	stileid.u32;
	[bflag:$0x2] =	sbarrier.arrive $0xFFFF  }
0xaf: {  	p0 =	sne.s32 s0, $0x0;
	s0 =	rddreg [dreg:$0x3]  }
0xb0: {  	s0 =	sadd.s32 @!p0 $0x100000, s0  }
0xb1: {  	[sflag:s0] =	ssyncadd.tile.s32 @!p0 $0x1;
	_ =	shalt  }
.Lfunc_end2:
_tile_overlayer_lowered:
.L_overlay_start_2:
0xb2: {  	(tag) =	ssettag $0x2  }
0xb3: {  	s0 =	rddreg [dreg:$0x0];
	s2 =	stileid.u32  }
0xb4: {  	s1 =	rddreg [dreg:$0x1];
	p0 =	sne.s32 s2, $0x0  }
0xb5: {  	s3 =	rddreg [dreg:$0x2];
	[bflag:$0x3] =	sbarrier.arrive $0xFFFF;
	s2 =	simm.s32 @!p0 $0x1C03  }
0xb6: {  	[timem:s3], [sflag:s2] =	dma.local @!p0 [hbm:s0], s1  }
0xb7: {  	s0 =	simm.s32 @!p0 $0x3  }
0xb8: {  	_ =	swait.ge @!p0 [sflag:s0], s1  }
0xb9: {  	s1 =	ssub.s32 @!p0 $0x0, s1;
	[sflag:s0] =	ssyncset.done @!p0 $0x0  }
0xba: {  	[sflag:s0] =	ssyncadd.s32 @!p0 s1  }
0xbb: {  	[bflag:$0x3] =	sbarrier.arrive $0xFFFF  }
0xbc: {  	_ =	shalt  }

</sc_bundles>
